<compile_context>
chip_gen: v7x
topology: tpu7x:2x2x1
jax: 0.10.2.dev20260603
libtpu: 0.0.44.dev20260713+nightly
codegen_flags: <defaults>
</compile_context>

<pallas_src>
import functools

import jax
import jax.numpy as jnp
from jax import lax
from jax.experimental import pallas as pl
from jax.experimental.pallas import tpu as pltpu
from jax.experimental.pallas import tpu_sc as plsc

D_VOCAB = 100000
N_VARS = 4
D_VAR = 16
D_MODEL = N_VARS * D_VAR

BATCH = 16384
HIST = 50

NC, NS = 2, 16
NW = NC * NS
VB = 4096
CHUNK = 256
N_BUF = 2

TB = 16384


def _softmax_t_block(w_ref, out_ref):
    X = w_ref[...]
    ys = []
    for g in range(N_VARS):
        sub = X[g * D_VAR:(g + 1) * D_VAR, :]
        m = jnp.max(sub, axis=0, keepdims=True)
        e = jnp.exp(sub - m)
        s = jnp.sum(e, axis=0, keepdims=True)
        ys.append(e / s)
    top = jnp.concatenate(ys[:2], axis=0)
    bot = jnp.concatenate(ys[2:], axis=0)
    lo = lax.bitcast_convert_type(
        top.astype(jnp.bfloat16), jnp.uint16).astype(jnp.uint32)
    hi = lax.bitcast_convert_type(
        bot.astype(jnp.bfloat16), jnp.uint16).astype(jnp.uint32)
    w = (lo | (hi << 16)).T
    w4 = w.reshape(VB // 4, 4, D_MODEL // 2)
    out_ref[...] = jnp.concatenate([w4[:, j, :] for j in range(4)], axis=1)


def _softmax_table(W_E):
    return pl.pallas_call(
        _softmax_t_block,
        grid=(pl.cdiv(D_VOCAB, VB),),
        in_specs=[pl.BlockSpec((D_MODEL, VB), lambda i: (0, i))],
        out_specs=pl.BlockSpec((VB // 4, 2 * D_MODEL), lambda i: (i, 0)),
        out_shape=jax.ShapeDtypeStruct((D_VOCAB // 4, 2 * D_MODEL),
                                       jnp.uint32),
    )(W_E)


@functools.lru_cache(maxsize=None)
def _make_gather(n_rows):
    b_per_w = n_rows // NW
    n_chunks = b_per_w // CHUNK
    n_pairs = n_chunks // N_BUF
    assert n_chunks % N_BUF == 0 and n_chunks * CHUNK == b_per_w
    mesh = plsc.VectorSubcoreMesh(core_axis_name="c", subcore_axis_name="s")

    @functools.partial(
        pl.kernel, mesh=mesh,
        compiler_params=pltpu.CompilerParams(use_tc_tiling_on_sc=False),
        out_type=jax.ShapeDtypeStruct((n_rows // 4, 2 * D_MODEL),
                                      jnp.uint32),
        scratch_types=[
            pltpu.VMEM((n_chunks, CHUNK), jnp.int32),
            pltpu.VMEM((N_BUF, CHUNK, D_MODEL // 2), jnp.uint32),
            pltpu.SemaphoreType.DMA,
            pltpu.SemaphoreType.DMA,
            pltpu.SemaphoreType.DMA,
            pltpu.SemaphoreType.DMA,
        ],
    )
    def gather(table_hbm, idx_hbm, out_hbm, idx_v, rows_v, g0, g1, o0, o1):
        wid = lax.axis_index("s") * NC + lax.axis_index("c")
        base = wid * b_per_w
        gsems = (g0, g1)
        osems = (o0, o1)

        pltpu.sync_copy(idx_hbm.at[wid], idx_v)

        def start_gather(c, b):
            pltpu.async_copy(table_hbm.at[idx_v.at[c]], rows_v.at[b], gsems[b])

        def out_copy(c, b):
            off = pl.multiple_of(base, CHUNK) + c * CHUNK
            h = off // BATCH
            r = off % BATCH
            q = r // (BATCH // 4)
            dstrow = h * (BATCH // 4) + r - q * (BATCH // 4)
            return pltpu.make_async_copy(
                rows_v.at[b],
                out_hbm.at[pl.ds(dstrow, CHUNK),
                           pl.ds(q * (D_MODEL // 2), D_MODEL // 2)],
                osems[b])

        for b in range(N_BUF):
            start_gather(b, b)

        def pair(p, carry):
            for b in range(N_BUF):
                c = p * N_BUF + b
                pltpu.make_async_copy(table_hbm.at[idx_v.at[c]],
                                      rows_v.at[b], gsems[b]).wait()
                out_copy(c, b).start()
                nxt = c + N_BUF

                @pl.when(nxt < n_chunks)
                def _():
                    out_copy(c, b).wait()
                    start_gather(nxt, b)

            return carry

        lax.fori_loop(0, n_pairs, pair, 0)
        for b in range(N_BUF):
            out_copy(n_chunks - N_BUF + b, b).wait()

    return gather


def _transpose_block(o_ref, out_ref):
    t = o_ref[...].T
    outs = []
    for q in range(4):
        Q = t[q * (D_MODEL // 2):(q + 1) * (D_MODEL // 2)]
        lo = lax.bitcast_convert_type(
            (Q & 0xFFFF).astype(jnp.uint16), jnp.bfloat16
        ).astype(jnp.float32)
        hi = lax.bitcast_convert_type(
            (Q >> 16).astype(jnp.uint16), jnp.bfloat16
        ).astype(jnp.float32)
        outs.append(jnp.concatenate([lo, hi], axis=0))
    out_ref[...] = jnp.concatenate(outs, axis=1)[None]


def _transpose_block_acc(o_ref, acc_ref, out_ref):
    del acc_ref
    _transpose_block(o_ref, out_ref)


N_SEG = 5


def _transpose_seg(O, seg, prev):
    h_seg = HIST // N_SEG
    h0 = seg * h_seg
    out_shape = jax.ShapeDtypeStruct((HIST, D_MODEL, BATCH), jnp.float32)
    in_spec = pl.BlockSpec((BATCH // 4, 2 * D_MODEL), lambda h: (h, 0))
    out_spec = pl.BlockSpec((1, D_MODEL, BATCH), lambda h: (h + h0, 0, 0))
    if prev is None:
        return pl.pallas_call(
            _transpose_block,
            grid=(h_seg,),
            in_specs=[in_spec],
            out_specs=out_spec,
            out_shape=out_shape,
        )(O)
    return pl.pallas_call(
        _transpose_block_acc,
        grid=(h_seg,),
        in_specs=[in_spec, pl.BlockSpec(memory_space=pl.ANY)],
        out_specs=out_spec,
        out_shape=out_shape,
        input_output_aliases={1: 0},
    )(O, prev)


def kernel(x, W_E):
    n = BATCH * HIST
    n_seg = n // N_SEG
    idx = x.T.reshape(N_SEG, NW, n_seg // NW // CHUNK, CHUNK).astype(
        jnp.int32)
    table = _softmax_table(W_E).reshape(D_VOCAB, D_MODEL // 2)
    gather = _make_gather(n_seg)
    Pt = None
    for seg in range(N_SEG):
        O = gather(table, idx[seg])
        Pt = _transpose_seg(O, seg, Pt)
    return Pt.transpose(2, 0, 1)

# --- scband reference (transcript-rebuilt; emitter-appended) ---
"""Pipeline reference for scband-cat-embed-16329465660060 (READ-ONLY COPY).

The authoritative reference and input builder live on the scoring server;
editing this copy changes nothing except your own understanding.
"""

import jax, jax.numpy as jnp
import numpy as np

D_VOCAB = 100000
N_VARS = 4
D_VAR = 16
D_MODEL = N_VARS * D_VAR
TEMP = 1.0
BATCH = 16384
HIST = 50


def subsoftmax_dim0(X, k, tau):
    # softmax over groups of size k along dim 0 (matches torch subsoftmax(X, 0, k))
    d_model, d_vocab = X.shape
    Xg = X.reshape(d_model // k, k, d_vocab)
    Sg = jax.nn.softmax(Xg / tau, axis=1)
    return Sg.reshape(d_model, d_vocab)


def setup_inputs(seed: int = 0) -> dict:
    key = jax.random.key(seed)
    k1, k2 = jax.random.split(key)
    x = jax.random.randint(k1, (BATCH, HIST), 0, D_VOCAB)
    W_E = jax.random.normal(k2, (D_MODEL, D_VOCAB), dtype=jnp.float32) / np.sqrt(D_MODEL)
    return {"x": x, "W_E": W_E}


def reference(x, W_E):
    # W = subsoftmax(W_E, dim=0, k=d_var, tau=temp); out = embedding(x, W.T)
    W = subsoftmax_dim0(W_E, D_VAR, TEMP)
    table = W.T  # [d_vocab, d_model]
    return jnp.take(table, x, axis=0)  # [BATCH, HIST, d_model]

if __name__ == "__main__":
    import jax
    _d = setup_inputs()
    print(jax.jit(kernel)(*tuple(_d.values())))

</pallas_src>

<mosaic_0001>
#map = affine_map<(d0, d1) -> (0, 0)>
#map1 = affine_map<(d0, d1) -> (0, 0, 0)>
module attributes {stable_mosaic.version = 14 : i64} {
  func.func @gather(%arg0: i32, %arg1: i32, %arg2: memref<100000x32xi32, #tpu.memory_space<hbm>>, %arg3: memref<32x20x256xi32, #tpu.memory_space<hbm>>, %arg4: memref<40960x128xi32, #tpu.memory_space<hbm>>, %arg5: memref<20x256xi32, #tpu.memory_space<vmem>>, %arg6: memref<2x256x32xi32, #tpu.memory_space<vmem>>, %arg7: memref<!tpu.dma_semaphore, #tpu.memory_space<semaphore_mem>>, %arg8: memref<!tpu.dma_semaphore, #tpu.memory_space<semaphore_mem>>, %arg9: memref<!tpu.dma_semaphore, #tpu.memory_space<semaphore_mem>>, %arg10: memref<!tpu.dma_semaphore, #tpu.memory_space<semaphore_mem>>) attributes {dimension_semantics = [#tpu.dimension_semantics<core_parallel>, #tpu.dimension_semantics<subcore_parallel>], iteration_bounds = array<i64: 2, 16>, scalar_prefetch = 0 : i64, scratch_operands = 6 : i64, tpu.core_type = #tpu.core_type<sc_vector_subcore>, window_params = [{transform_indices = #map}, {transform_indices = #map1}, {transform_indices = #map}]} {
    %mul3A = arith.constant 2 : i32
    %mul3A_0 = arith.muli %arg1, %mul3A : i32
    %add3A = arith.addi %mul3A_0, %arg0 : i32
    %mul3A_1 = arith.constant 5120 : i32
    %mul3A_2 = arith.muli %add3A, %mul3A_1 : i32
    "tpu.region"() ({
      %run_scoped3A = tpu.sem_alloc : memref<!tpu.dma_semaphore, #tpu.memory_space<semaphore_mem>>
      %dma_start3A_191 = arith.constant 0 : i32
      %dma_start3A_192 = arith.constant 0 : i32
      %dma_start3A_193 = tpu.memref_slice %arg3[%add3A, %dma_start3A_191, %dma_start3A_192] : memref<32x20x256xi32, #tpu.memory_space<hbm>> -> memref<1x20x256xi32, #tpu.memory_space<hbm>>
      %dma_start3A_194 = tpu.memref_squeeze %dma_start3A_193 : memref<1x20x256xi32, #tpu.memory_space<hbm>> -> memref<20x256xi32, #tpu.memory_space<hbm>>
      %dma_start3A_195 = arith.constant 0 : i32
      %dma_start3A_196 = arith.constant 0 : i32
      %dma_start3A_197 = tpu.memref_slice %arg3[%add3A, %dma_start3A_195, %dma_start3A_196] : memref<32x20x256xi32, #tpu.memory_space<hbm>> -> memref<1x20x256xi32, #tpu.memory_space<hbm>>
      %dma_start3A_198 = tpu.memref_squeeze %dma_start3A_197 : memref<1x20x256xi32, #tpu.memory_space<hbm>> -> memref<20x256xi32, #tpu.memory_space<hbm>>
      tpu.enqueue_dma source(%dma_start3A_198 : memref<20x256xi32, #tpu.memory_space<hbm>>) target(%arg5 : memref<20x256xi32, #tpu.memory_space<vmem>>) target_semaphore(%run_scoped3A : memref<!tpu.dma_semaphore, #tpu.memory_space<semaphore_mem>>)
      %dma_wait3A_199 = arith.constant 0 : i32
      %dma_wait3A_200 = arith.constant 0 : i32
      %dma_wait3A_201 = tpu.memref_slice %arg3[%add3A, %dma_wait3A_199, %dma_wait3A_200] : memref<32x20x256xi32, #tpu.memory_space<hbm>> -> memref<1x20x256xi32, #tpu.memory_space<hbm>>
      %dma_wait3A_202 = tpu.memref_squeeze %dma_wait3A_201 : memref<1x20x256xi32, #tpu.memory_space<hbm>> -> memref<20x256xi32, #tpu.memory_space<hbm>>
      %dma_wait3A_203 = arith.constant 0 : i32
      %dma_wait3A_204 = arith.constant 0 : i32
      %dma_wait3A_205 = tpu.memref_slice %arg3[%add3A, %dma_wait3A_203, %dma_wait3A_204] : memref<32x20x256xi32, #tpu.memory_space<hbm>> -> memref<1x20x256xi32, #tpu.memory_space<hbm>>
      %dma_wait3A_206 = tpu.memref_squeeze %dma_wait3A_205 : memref<1x20x256xi32, #tpu.memory_space<hbm>> -> memref<20x256xi32, #tpu.memory_space<hbm>>
      tpu.wait_dma2 semaphore(%run_scoped3A : memref<!tpu.dma_semaphore, #tpu.memory_space<semaphore_mem>>) src(%dma_wait3A_206 : memref<20x256xi32, #tpu.memory_space<hbm>>) dst(%arg5 : memref<20x256xi32, #tpu.memory_space<vmem>>)
      tpu.yield
    }) : () -> ()
    %dma_start3A = arith.constant 0 : i32
    %dma_start3A_3 = arith.constant 0 : i32
    %dma_start3A_4 = arith.constant 0 : i32
    %dma_start3A_5 = arith.constant 0 : i32
    %dma_start3A_6 = tpu.memref_slice %arg6[%dma_start3A_3, %dma_start3A_4, %dma_start3A_5] : memref<2x256x32xi32, #tpu.memory_space<vmem>> -> memref<1x256x32xi32, #tpu.memory_space<vmem>>
    %dma_start3A_7 = tpu.memref_squeeze %dma_start3A_6 : memref<1x256x32xi32, #tpu.memory_space<vmem>> -> memref<256x32xi32, #tpu.memory_space<vmem>>
    %dma_start3A_8 = arith.constant 0 : i32
    %dma_start3A_9 = tpu.memref_slice %arg5[%dma_start3A, %dma_start3A_8] : memref<20x256xi32, #tpu.memory_space<vmem>> -> memref<1x256xi32, #tpu.memory_space<vmem>>
    %dma_start3A_10 = tpu.memref_squeeze %dma_start3A_9 : memref<1x256xi32, #tpu.memory_space<vmem>> -> memref<256xi32, #tpu.memory_space<vmem>>
    %dma_start3A_11 = arith.constant 0 : i32
    %dma_start3A_12 = arith.constant 0 : i32
    %dma_start3A_13 = tpu.memref_slice %arg2[%dma_start3A_11, %dma_start3A_12] : memref<100000x32xi32, #tpu.memory_space<hbm>> -> memref<100000x32xi32, #tpu.memory_space<hbm>>
    tpu.enqueue_indirect_dma source(%dma_start3A_13 : memref<100000x32xi32, #tpu.memory_space<hbm>>) target(%dma_start3A_7 : memref<256x32xi32, #tpu.memory_space<vmem>>) offsets(%dma_start3A_10 : memref<256xi32, #tpu.memory_space<vmem>>) semaphore(%arg7 : memref<!tpu.dma_semaphore, #tpu.memory_space<semaphore_mem>>)
    %dma_start3A_14 = arith.constant 1 : i32
    %dma_start3A_15 = arith.constant 1 : i32
    %dma_start3A_16 = arith.constant 0 : i32
    %dma_start3A_17 = arith.constant 0 : i32
    %dma_start3A_18 = tpu.memref_slice %arg6[%dma_start3A_15, %dma_start3A_16, %dma_start3A_17] : memref<2x256x32xi32, #tpu.memory_space<vmem>> -> memref<1x256x32xi32, #tpu.memory_space<vmem>>
    %dma_start3A_19 = tpu.memref_squeeze %dma_start3A_18 : memref<1x256x32xi32, #tpu.memory_space<vmem>> -> memref<256x32xi32, #tpu.memory_space<vmem>>
    %dma_start3A_20 = arith.constant 0 : i32
    %dma_start3A_21 = tpu.memref_slice %arg5[%dma_start3A_14, %dma_start3A_20] : memref<20x256xi32, #tpu.memory_space<vmem>> -> memref<1x256xi32, #tpu.memory_space<vmem>>
    %dma_start3A_22 = tpu.memref_squeeze %dma_start3A_21 : memref<1x256xi32, #tpu.memory_space<vmem>> -> memref<256xi32, #tpu.memory_space<vmem>>
    %dma_start3A_23 = arith.constant 0 : i32
    %dma_start3A_24 = arith.constant 0 : i32
    %dma_start3A_25 = tpu.memref_slice %arg2[%dma_start3A_23, %dma_start3A_24] : memref<100000x32xi32, #tpu.memory_space<hbm>> -> memref<100000x32xi32, #tpu.memory_space<hbm>>
    tpu.enqueue_indirect_dma source(%dma_start3A_25 : memref<100000x32xi32, #tpu.memory_space<hbm>>) target(%dma_start3A_19 : memref<256x32xi32, #tpu.memory_space<vmem>>) offsets(%dma_start3A_22 : memref<256xi32, #tpu.memory_space<vmem>>) semaphore(%arg8 : memref<!tpu.dma_semaphore, #tpu.memory_space<semaphore_mem>>)
    %scan3A = arith.constant 0 : i32
    %scan3A_26 = arith.constant 0 : i32
    %scan3A_27 = arith.constant 10 : i32
    %scan3A_28 = arith.addi %scan3A_26, %scan3A_27 : i32
    %scan3A_29 = arith.constant 1 : i32
    scf.for %scan3A_191 = %scan3A_26 to %scan3A_28 step %scan3A_29  : i32 {
      %mul3A_192 = arith.constant 2 : i32
      %mul3A_193 = arith.muli %scan3A_191, %mul3A_192 : i32
      %add3A_194 = arith.constant 0 : i32
      %add3A_195 = arith.addi %mul3A_193, %add3A_194 : i32
      %dma_wait3A_196 = arith.constant 0 : i32
      %dma_wait3A_197 = arith.constant 0 : i32
      %dma_wait3A_198 = arith.constant 0 : i32
      %dma_wait3A_199 = tpu.memref_slice %arg6[%dma_wait3A_196, %dma_wait3A_197, %dma_wait3A_198] : memref<2x256x32xi32, #tpu.memory_space<vmem>> -> memref<1x256x32xi32, #tpu.memory_space<vmem>>
      %dma_wait3A_200 = tpu.memref_squeeze %dma_wait3A_199 : memref<1x256x32xi32, #tpu.memory_space<vmem>> -> memref<256x32xi32, #tpu.memory_space<vmem>>
      %dma_wait3A_201 = arith.constant 0 : i32
      %dma_wait3A_202 = tpu.memref_slice %arg5[%add3A_195, %dma_wait3A_201] : memref<20x256xi32, #tpu.memory_space<vmem>> -> memref<1x256xi32, #tpu.memory_space<vmem>>
      %dma_wait3A_203 = tpu.memref_squeeze %dma_wait3A_202 : memref<1x256xi32, #tpu.memory_space<vmem>> -> memref<256xi32, #tpu.memory_space<vmem>>
      %dma_wait3A_204 = arith.constant 0 : i32
      %dma_wait3A_205 = arith.constant 0 : i32
      %dma_wait3A_206 = tpu.memref_slice %arg2[%dma_wait3A_204, %dma_wait3A_205] : memref<100000x32xi32, #tpu.memory_space<hbm>> -> memref<100000x32xi32, #tpu.memory_space<hbm>>
      tpu.wait_indirect_dma semaphore(%arg7 : memref<!tpu.dma_semaphore, #tpu.memory_space<semaphore_mem>>) src(%dma_wait3A_206 : memref<100000x32xi32, #tpu.memory_space<hbm>>) dst(%dma_wait3A_200 : memref<256x32xi32, #tpu.memory_space<vmem>>)
      %multiple_of3A_207 = tpu.assume_multiple %mul3A_2, 256 : i32
      %mul3A_208 = arith.constant 256 : i32
      %mul3A_209 = arith.muli %add3A_195, %mul3A_208 : i32
      %add3A_210 = arith.addi %multiple_of3A_207, %mul3A_209 : i32
      %jit3A_211 = arith.constant 16384 : i32
      %div3A_212 = arith.divsi %add3A_210, %jit3A_211 : i32
      %sign3A_213 = arith.constant 0 : i32
      %sign3A_214 = arith.cmpi sgt, %add3A_210, %sign3A_213 : i32
      %sign3A_215 = arith.extui %sign3A_214 : i1 to i32
      %sign3A_216 = arith.constant 0 : i32
      %sign3A_217 = arith.cmpi slt, %add3A_210, %sign3A_216 : i32
      %sign3A_218 = arith.extui %sign3A_217 : i1 to i32
      %sign3A_219 = arith.subi %sign3A_215, %sign3A_218 : i32
      %sign3A_220 = arith.constant 0 : i32
      %sign3A_221 = arith.cmpi sgt, %jit3A_211, %sign3A_220 : i32
      %sign3A_222 = arith.extui %sign3A_221 : i1 to i32
      %sign3A_223 = arith.constant 0 : i32
      %sign3A_224 = arith.cmpi slt, %jit3A_211, %sign3A_223 : i32
      %sign3A_225 = arith.extui %sign3A_224 : i1 to i32
      %sign3A_226 = arith.subi %sign3A_222, %sign3A_225 : i32
      %ne3A_227 = arith.cmpi ne, %sign3A_219, %sign3A_226 : i32
      %rem3A_228 = arith.remsi %add3A_210, %jit3A_211 : i32
      %ne3A_229 = arith.constant 0 : i32
      %ne3A_230 = arith.cmpi ne, %rem3A_228, %ne3A_229 : i32
      %and3A_231 = arith.andi %ne3A_227, %ne3A_230 : i1
      %sub3A_232 = arith.constant 1 : i32
      %sub3A_233 = arith.subi %div3A_212, %sub3A_232 : i32
      %select_n3A_234 = arith.select %and3A_231, %sub3A_233, %div3A_212 : i32
      %jit3A_235 = arith.constant 16384 : i32
      %eq3A_236 = arith.constant 0 : i32
      %eq3A_237 = arith.cmpi eq, %jit3A_235, %eq3A_236 : i32
      %jit3A_238 = arith.constant 1 : i32
      %select_n3A_239 = arith.select %eq3A_237, %jit3A_238, %jit3A_235 : i32
      %rem3A_240 = arith.remsi %add3A_210, %select_n3A_239 : i32
      %ne3A_241 = arith.constant 0 : i32
      %ne3A_242 = arith.cmpi ne, %rem3A_240, %ne3A_241 : i32
      %lt3A_243 = arith.constant 0 : i32
      %lt3A_244 = arith.cmpi slt, %rem3A_240, %lt3A_243 : i32
      %lt3A_245 = arith.constant 0 : i32
      %lt3A_246 = arith.cmpi slt, %select_n3A_239, %lt3A_245 : i32
      %ne3A_247 = arith.xori %lt3A_244, %lt3A_246 : i1
      %and3A_248 = arith.andi %ne3A_247, %ne3A_242 : i1
      %add3A_249 = arith.addi %rem3A_240, %select_n3A_239 : i32
      %select_n3A_250 = arith.select %and3A_248, %add3A_249, %rem3A_240 : i32
      %jit3A_251 = arith.constant 4096 : i32
      %div3A_252 = arith.divsi %select_n3A_250, %jit3A_251 : i32
      %sign3A_253 = arith.constant 0 : i32
      %sign3A_254 = arith.cmpi sgt, %select_n3A_250, %sign3A_253 : i32
      %sign3A_255 = arith.extui %sign3A_254 : i1 to i32
      %sign3A_256 = arith.constant 0 : i32
      %sign3A_257 = arith.cmpi slt, %select_n3A_250, %sign3A_256 : i32
      %sign3A_258 = arith.extui %sign3A_257 : i1 to i32
      %sign3A_259 = arith.subi %sign3A_255, %sign3A_258 : i32
      %sign3A_260 = arith.constant 0 : i32
      %sign3A_261 = arith.cmpi sgt, %jit3A_251, %sign3A_260 : i32
      %sign3A_262 = arith.extui %sign3A_261 : i1 to i32
      %sign3A_263 = arith.constant 0 : i32
      %sign3A_264 = arith.cmpi slt, %jit3A_251, %sign3A_263 : i32
      %sign3A_265 = arith.extui %sign3A_264 : i1 to i32
      %sign3A_266 = arith.subi %sign3A_262, %sign3A_265 : i32
      %ne3A_267 = arith.cmpi ne, %sign3A_259, %sign3A_266 : i32
      %rem3A_268 = arith.remsi %select_n3A_250, %jit3A_251 : i32
      %ne3A_269 = arith.constant 0 : i32
      %ne3A_270 = arith.cmpi ne, %rem3A_268, %ne3A_269 : i32
      %and3A_271 = arith.andi %ne3A_267, %ne3A_270 : i1
      %sub3A_272 = arith.constant 1 : i32
      %sub3A_273 = arith.subi %div3A_252, %sub3A_272 : i32
      %select_n3A_274 = arith.select %and3A_271, %sub3A_273, %div3A_252 : i32
      %mul3A_275 = arith.constant 4096 : i32
      %mul3A_276 = arith.muli %select_n3A_234, %mul3A_275 : i32
      %add3A_277 = arith.addi %mul3A_276, %select_n3A_250 : i32
      %mul3A_278 = arith.constant 4096 : i32
      %mul3A_279 = arith.muli %select_n3A_274, %mul3A_278 : i32
      %sub3A_280 = arith.subi %add3A_277, %mul3A_279 : i32
      %mul3A_281 = arith.constant 32 : i32
      %mul3A_282 = arith.muli %select_n3A_274, %mul3A_281 : i32
      %dma_start3A_283 = arith.constant 0 : i32
      %dma_start3A_284 = arith.constant 0 : i32
      %dma_start3A_285 = arith.constant 0 : i32
      %dma_start3A_286 = tpu.memref_slice %arg6[%dma_start3A_283, %dma_start3A_284, %dma_start3A_285] : memref<2x256x32xi32, #tpu.memory_space<vmem>> -> memref<1x256x32xi32, #tpu.memory_space<vmem>>
      %dma_start3A_287 = tpu.memref_squeeze %dma_start3A_286 : memref<1x256x32xi32, #tpu.memory_space<vmem>> -> memref<256x32xi32, #tpu.memory_space<vmem>>
      %dma_start3A_288 = tpu.memref_slice %arg4[%sub3A_280, %mul3A_282] : memref<40960x128xi32, #tpu.memory_space<hbm>> -> memref<256x32xi32, #tpu.memory_space<hbm>>
      %dma_start3A_289 = tpu.memref_slice %arg4[%sub3A_280, %mul3A_282] : memref<40960x128xi32, #tpu.memory_space<hbm>> -> memref<256x32xi32, #tpu.memory_space<hbm>>
      %dma_start3A_290 = arith.constant 0 : i32
      %dma_start3A_291 = arith.constant 0 : i32
      %dma_start3A_292 = tpu.memref_slice %arg6[%dma_start3A_283, %dma_start3A_290, %dma_start3A_291] : memref<2x256x32xi32, #tpu.memory_space<vmem>> -> memref<1x256x32xi32, #tpu.memory_space<vmem>>
      %dma_start3A_293 = tpu.memref_squeeze %dma_start3A_292 : memref<1x256x32xi32, #tpu.memory_space<vmem>> -> memref<256x32xi32, #tpu.memory_space<vmem>>
      tpu.enqueue_dma source(%dma_start3A_293 : memref<256x32xi32, #tpu.memory_space<vmem>>) target(%dma_start3A_289 : memref<256x32xi32, #tpu.memory_space<hbm>>) target_semaphore(%arg9 : memref<!tpu.dma_semaphore, #tpu.memory_space<semaphore_mem>>)
      %add3A_294 = arith.constant 2 : i32
      %add3A_295 = arith.addi %add3A_195, %add3A_294 : i32
      %lt3A_296 = arith.constant 20 : i32
      %lt3A_297 = arith.cmpi slt, %add3A_295, %lt3A_296 : i32
      %convert_element_type3A = arith.extui %lt3A_297 : i1 to i32
      %cond3A = arith.constant 0 : i32
      %cond3A_298 = arith.cmpi ne, %convert_element_type3A, %cond3A : i32
      scf.if %cond3A_298 {
        %multiple_of3A_408 = tpu.assume_multiple %mul3A_2, 256 : i32
        %mul3A_409 = arith.constant 256 : i32
        %mul3A_410 = arith.muli %add3A_195, %mul3A_409 : i32
        %add3A_411 = arith.addi %multiple_of3A_408, %mul3A_410 : i32
        %jit3A_412 = arith.constant 16384 : i32
        %div3A_413 = arith.divsi %add3A_411, %jit3A_412 : i32
        %sign3A_414 = arith.constant 0 : i32
        %sign3A_415 = arith.cmpi sgt, %add3A_411, %sign3A_414 : i32
        %sign3A_416 = arith.extui %sign3A_415 : i1 to i32
        %sign3A_417 = arith.constant 0 : i32
        %sign3A_418 = arith.cmpi slt, %add3A_411, %sign3A_417 : i32
        %sign3A_419 = arith.extui %sign3A_418 : i1 to i32
        %sign3A_420 = arith.subi %sign3A_416, %sign3A_419 : i32
        %sign3A_421 = arith.constant 0 : i32
        %sign3A_422 = arith.cmpi sgt, %jit3A_412, %sign3A_421 : i32
        %sign3A_423 = arith.extui %sign3A_422 : i1 to i32
        %sign3A_424 = arith.constant 0 : i32
        %sign3A_425 = arith.cmpi slt, %jit3A_412, %sign3A_424 : i32
        %sign3A_426 = arith.extui %sign3A_425 : i1 to i32
        %sign3A_427 = arith.subi %sign3A_423, %sign3A_426 : i32
        %ne3A_428 = arith.cmpi ne, %sign3A_420, %sign3A_427 : i32
        %rem3A_429 = arith.remsi %add3A_411, %jit3A_412 : i32
        %ne3A_430 = arith.constant 0 : i32
        %ne3A_431 = arith.cmpi ne, %rem3A_429, %ne3A_430 : i32
        %and3A_432 = arith.andi %ne3A_428, %ne3A_431 : i1
        %sub3A_433 = arith.constant 1 : i32
        %sub3A_434 = arith.subi %div3A_413, %sub3A_433 : i32
        %select_n3A_435 = arith.select %and3A_432, %sub3A_434, %div3A_413 : i32
        %jit3A_436 = arith.constant 16384 : i32
        %eq3A_437 = arith.constant 0 : i32
        %eq3A_438 = arith.cmpi eq, %jit3A_436, %eq3A_437 : i32
        %jit3A_439 = arith.constant 1 : i32
        %select_n3A_440 = arith.select %eq3A_438, %jit3A_439, %jit3A_436 : i32
        %rem3A_441 = arith.remsi %add3A_411, %select_n3A_440 : i32
        %ne3A_442 = arith.constant 0 : i32
        %ne3A_443 = arith.cmpi ne, %rem3A_441, %ne3A_442 : i32
        %lt3A_444 = arith.constant 0 : i32
        %lt3A_445 = arith.cmpi slt, %rem3A_441, %lt3A_444 : i32
        %lt3A_446 = arith.constant 0 : i32
        %lt3A_447 = arith.cmpi slt, %select_n3A_440, %lt3A_446 : i32
        %ne3A_448 = arith.xori %lt3A_445, %lt3A_447 : i1
        %and3A_449 = arith.andi %ne3A_448, %ne3A_443 : i1
        %add3A_450 = arith.addi %rem3A_441, %select_n3A_440 : i32
        %select_n3A_451 = arith.select %and3A_449, %add3A_450, %rem3A_441 : i32
        %jit3A_452 = arith.constant 4096 : i32
        %div3A_453 = arith.divsi %select_n3A_451, %jit3A_452 : i32
        %sign3A_454 = arith.constant 0 : i32
        %sign3A_455 = arith.cmpi sgt, %select_n3A_451, %sign3A_454 : i32
        %sign3A_456 = arith.extui %sign3A_455 : i1 to i32
        %sign3A_457 = arith.constant 0 : i32
        %sign3A_458 = arith.cmpi slt, %select_n3A_451, %sign3A_457 : i32
        %sign3A_459 = arith.extui %sign3A_458 : i1 to i32
        %sign3A_460 = arith.subi %sign3A_456, %sign3A_459 : i32
        %sign3A_461 = arith.constant 0 : i32
        %sign3A_462 = arith.cmpi sgt, %jit3A_452, %sign3A_461 : i32
        %sign3A_463 = arith.extui %sign3A_462 : i1 to i32
        %sign3A_464 = arith.constant 0 : i32
        %sign3A_465 = arith.cmpi slt, %jit3A_452, %sign3A_464 : i32
        %sign3A_466 = arith.extui %sign3A_465 : i1 to i32
        %sign3A_467 = arith.subi %sign3A_463, %sign3A_466 : i32
        %ne3A_468 = arith.cmpi ne, %sign3A_460, %sign3A_467 : i32
        %rem3A_469 = arith.remsi %select_n3A_451, %jit3A_452 : i32
        %ne3A_470 = arith.constant 0 : i32
        %ne3A_471 = arith.cmpi ne, %rem3A_469, %ne3A_470 : i32
        %and3A_472 = arith.andi %ne3A_468, %ne3A_471 : i1
        %sub3A_473 = arith.constant 1 : i32
        %sub3A_474 = arith.subi %div3A_453, %sub3A_473 : i32
        %select_n3A_475 = arith.select %and3A_472, %sub3A_474, %div3A_453 : i32
        %mul3A_476 = arith.constant 4096 : i32
        %mul3A_477 = arith.muli %select_n3A_435, %mul3A_476 : i32
        %add3A_478 = arith.addi %mul3A_477, %select_n3A_451 : i32
        %mul3A_479 = arith.constant 4096 : i32
        %mul3A_480 = arith.muli %select_n3A_475, %mul3A_479 : i32
        %sub3A_481 = arith.subi %add3A_478, %mul3A_480 : i32
        %mul3A_482 = arith.constant 32 : i32
        %mul3A_483 = arith.muli %select_n3A_475, %mul3A_482 : i32
        %dma_wait3A_484 = arith.constant 0 : i32
        %dma_wait3A_485 = arith.constant 0 : i32
        %dma_wait3A_486 = arith.constant 0 : i32
        %dma_wait3A_487 = tpu.memref_slice %arg6[%dma_wait3A_484, %dma_wait3A_485, %dma_wait3A_486] : memref<2x256x32xi32, #tpu.memory_space<vmem>> -> memref<1x256x32xi32, #tpu.memory_space<vmem>>
        %dma_wait3A_488 = tpu.memref_squeeze %dma_wait3A_487 : memref<1x256x32xi32, #tpu.memory_space<vmem>> -> memref<256x32xi32, #tpu.memory_space<vmem>>
        %dma_wait3A_489 = tpu.memref_slice %arg4[%sub3A_481, %mul3A_483] : memref<40960x128xi32, #tpu.memory_space<hbm>> -> memref<256x32xi32, #tpu.memory_space<hbm>>
        %dma_wait3A_490 = tpu.memref_slice %arg4[%sub3A_481, %mul3A_483] : memref<40960x128xi32, #tpu.memory_space<hbm>> -> memref<256x32xi32, #tpu.memory_space<hbm>>
        %dma_wait3A_491 = arith.constant 0 : i32
        %dma_wait3A_492 = arith.constant 0 : i32
        %dma_wait3A_493 = tpu.memref_slice %arg6[%dma_wait3A_484, %dma_wait3A_491, %dma_wait3A_492] : memref<2x256x32xi32, #tpu.memory_space<vmem>> -> memref<1x256x32xi32, #tpu.memory_space<vmem>>
        %dma_wait3A_494 = tpu.memref_squeeze %dma_wait3A_493 : memref<1x256x32xi32, #tpu.memory_space<vmem>> -> memref<256x32xi32, #tpu.memory_space<vmem>>
        tpu.wait_dma2 semaphore(%arg9 : memref<!tpu.dma_semaphore, #tpu.memory_space<semaphore_mem>>) src(%dma_wait3A_494 : memref<256x32xi32, #tpu.memory_space<vmem>>) dst(%dma_wait3A_490 : memref<256x32xi32, #tpu.memory_space<hbm>>)
        %dma_start3A_495 = arith.constant 0 : i32
        %dma_start3A_496 = arith.constant 0 : i32
        %dma_start3A_497 = arith.constant 0 : i32
        %dma_start3A_498 = tpu.memref_slice %arg6[%dma_start3A_495, %dma_start3A_496, %dma_start3A_497] : memref<2x256x32xi32, #tpu.memory_space<vmem>> -> memref<1x256x32xi32, #tpu.memory_space<vmem>>
        %dma_start3A_499 = tpu.memref_squeeze %dma_start3A_498 : memref<1x256x32xi32, #tpu.memory_space<vmem>> -> memref<256x32xi32, #tpu.memory_space<vmem>>
        %dma_start3A_500 = arith.constant 0 : i32
        %dma_start3A_501 = tpu.memref_slice %arg5[%add3A_295, %dma_start3A_500] : memref<20x256xi32, #tpu.memory_space<vmem>> -> memref<1x256xi32, #tpu.memory_space<vmem>>
        %dma_start3A_502 = tpu.memref_squeeze %dma_start3A_501 : memref<1x256xi32, #tpu.memory_space<vmem>> -> memref<256xi32, #tpu.memory_space<vmem>>
        %dma_start3A_503 = arith.constant 0 : i32
        %dma_start3A_504 = arith.constant 0 : i32
        %dma_start3A_505 = tpu.memref_slice %arg2[%dma_start3A_503, %dma_start3A_504] : memref<100000x32xi32, #tpu.memory_space<hbm>> -> memref<100000x32xi32, #tpu.memory_space<hbm>>
        tpu.enqueue_indirect_dma source(%dma_start3A_505 : memref<100000x32xi32, #tpu.memory_space<hbm>>) target(%dma_start3A_499 : memref<256x32xi32, #tpu.memory_space<vmem>>) offsets(%dma_start3A_502 : memref<256xi32, #tpu.memory_space<vmem>>) semaphore(%arg7 : memref<!tpu.dma_semaphore, #tpu.memory_space<semaphore_mem>>)
      } else {
      }
      %mul3A_299 = arith.constant 2 : i32
      %mul3A_300 = arith.muli %scan3A_191, %mul3A_299 : i32
      %add3A_301 = arith.constant 1 : i32
      %add3A_302 = arith.addi %mul3A_300, %add3A_301 : i32
      %dma_wait3A_303 = arith.constant 1 : i32
      %dma_wait3A_304 = arith.constant 0 : i32
      %dma_wait3A_305 = arith.constant 0 : i32
      %dma_wait3A_306 = tpu.memref_slice %arg6[%dma_wait3A_303, %dma_wait3A_304, %dma_wait3A_305] : memref<2x256x32xi32, #tpu.memory_space<vmem>> -> memref<1x256x32xi32, #tpu.memory_space<vmem>>
      %dma_wait3A_307 = tpu.memref_squeeze %dma_wait3A_306 : memref<1x256x32xi32, #tpu.memory_space<vmem>> -> memref<256x32xi32, #tpu.memory_space<vmem>>
      %dma_wait3A_308 = arith.constant 0 : i32
      %dma_wait3A_309 = tpu.memref_slice %arg5[%add3A_302, %dma_wait3A_308] : memref<20x256xi32, #tpu.memory_space<vmem>> -> memref<1x256xi32, #tpu.memory_space<vmem>>
      %dma_wait3A_310 = tpu.memref_squeeze %dma_wait3A_309 : memref<1x256xi32, #tpu.memory_space<vmem>> -> memref<256xi32, #tpu.memory_space<vmem>>
      %dma_wait3A_311 = arith.constant 0 : i32
      %dma_wait3A_312 = arith.constant 0 : i32
      %dma_wait3A_313 = tpu.memref_slice %arg2[%dma_wait3A_311, %dma_wait3A_312] : memref<100000x32xi32, #tpu.memory_space<hbm>> -> memref<100000x32xi32, #tpu.memory_space<hbm>>
      tpu.wait_indirect_dma semaphore(%arg8 : memref<!tpu.dma_semaphore, #tpu.memory_space<semaphore_mem>>) src(%dma_wait3A_313 : memref<100000x32xi32, #tpu.memory_space<hbm>>) dst(%dma_wait3A_307 : memref<256x32xi32, #tpu.memory_space<vmem>>)
      %multiple_of3A_314 = tpu.assume_multiple %mul3A_2, 256 : i32
      %mul3A_315 = arith.constant 256 : i32
      %mul3A_316 = arith.muli %add3A_302, %mul3A_315 : i32
      %add3A_317 = arith.addi %multiple_of3A_314, %mul3A_316 : i32
      %jit3A_318 = arith.constant 16384 : i32
      %div3A_319 = arith.divsi %add3A_317, %jit3A_318 : i32
      %sign3A_320 = arith.constant 0 : i32
      %sign3A_321 = arith.cmpi sgt, %add3A_317, %sign3A_320 : i32
      %sign3A_322 = arith.extui %sign3A_321 : i1 to i32
      %sign3A_323 = arith.constant 0 : i32
      %sign3A_324 = arith.cmpi slt, %add3A_317, %sign3A_323 : i32
      %sign3A_325 = arith.extui %sign3A_324 : i1 to i32
      %sign3A_326 = arith.subi %sign3A_322, %sign3A_325 : i32
      %sign3A_327 = arith.constant 0 : i32
      %sign3A_328 = arith.cmpi sgt, %jit3A_318, %sign3A_327 : i32
      %sign3A_329 = arith.extui %sign3A_328 : i1 to i32
      %sign3A_330 = arith.constant 0 : i32
      %sign3A_331 = arith.cmpi slt, %jit3A_318, %sign3A_330 : i32
      %sign3A_332 = arith.extui %sign3A_331 : i1 to i32
      %sign3A_333 = arith.subi %sign3A_329, %sign3A_332 : i32
      %ne3A_334 = arith.cmpi ne, %sign3A_326, %sign3A_333 : i32
      %rem3A_335 = arith.remsi %add3A_317, %jit3A_318 : i32
      %ne3A_336 = arith.constant 0 : i32
      %ne3A_337 = arith.cmpi ne, %rem3A_335, %ne3A_336 : i32
      %and3A_338 = arith.andi %ne3A_334, %ne3A_337 : i1
      %sub3A_339 = arith.constant 1 : i32
      %sub3A_340 = arith.subi %div3A_319, %sub3A_339 : i32
      %select_n3A_341 = arith.select %and3A_338, %sub3A_340, %div3A_319 : i32
      %jit3A_342 = arith.constant 16384 : i32
      %eq3A_343 = arith.constant 0 : i32
      %eq3A_344 = arith.cmpi eq, %jit3A_342, %eq3A_343 : i32
      %jit3A_345 = arith.constant 1 : i32
      %select_n3A_346 = arith.select %eq3A_344, %jit3A_345, %jit3A_342 : i32
      %rem3A_347 = arith.remsi %add3A_317, %select_n3A_346 : i32
      %ne3A_348 = arith.constant 0 : i32
      %ne3A_349 = arith.cmpi ne, %rem3A_347, %ne3A_348 : i32
      %lt3A_350 = arith.constant 0 : i32
      %lt3A_351 = arith.cmpi slt, %rem3A_347, %lt3A_350 : i32
      %lt3A_352 = arith.constant 0 : i32
      %lt3A_353 = arith.cmpi slt, %select_n3A_346, %lt3A_352 : i32
      %ne3A_354 = arith.xori %lt3A_351, %lt3A_353 : i1
      %and3A_355 = arith.andi %ne3A_354, %ne3A_349 : i1
      %add3A_356 = arith.addi %rem3A_347, %select_n3A_346 : i32
      %select_n3A_357 = arith.select %and3A_355, %add3A_356, %rem3A_347 : i32
      %jit3A_358 = arith.constant 4096 : i32
      %div3A_359 = arith.divsi %select_n3A_357, %jit3A_358 : i32
      %sign3A_360 = arith.constant 0 : i32
      %sign3A_361 = arith.cmpi sgt, %select_n3A_357, %sign3A_360 : i32
      %sign3A_362 = arith.extui %sign3A_361 : i1 to i32
      %sign3A_363 = arith.constant 0 : i32
      %sign3A_364 = arith.cmpi slt, %select_n3A_357, %sign3A_363 : i32
      %sign3A_365 = arith.extui %sign3A_364 : i1 to i32
      %sign3A_366 = arith.subi %sign3A_362, %sign3A_365 : i32
      %sign3A_367 = arith.constant 0 : i32
      %sign3A_368 = arith.cmpi sgt, %jit3A_358, %sign3A_367 : i32
      %sign3A_369 = arith.extui %sign3A_368 : i1 to i32
      %sign3A_370 = arith.constant 0 : i32
      %sign3A_371 = arith.cmpi slt, %jit3A_358, %sign3A_370 : i32
      %sign3A_372 = arith.extui %sign3A_371 : i1 to i32
      %sign3A_373 = arith.subi %sign3A_369, %sign3A_372 : i32
      %ne3A_374 = arith.cmpi ne, %sign3A_366, %sign3A_373 : i32
      %rem3A_375 = arith.remsi %select_n3A_357, %jit3A_358 : i32
      %ne3A_376 = arith.constant 0 : i32
      %ne3A_377 = arith.cmpi ne, %rem3A_375, %ne3A_376 : i32
      %and3A_378 = arith.andi %ne3A_374, %ne3A_377 : i1
      %sub3A_379 = arith.constant 1 : i32
      %sub3A_380 = arith.subi %div3A_359, %sub3A_379 : i32
      %select_n3A_381 = arith.select %and3A_378, %sub3A_380, %div3A_359 : i32
      %mul3A_382 = arith.constant 4096 : i32
      %mul3A_383 = arith.muli %select_n3A_341, %mul3A_382 : i32
      %add3A_384 = arith.addi %mul3A_383, %select_n3A_357 : i32
      %mul3A_385 = arith.constant 4096 : i32
      %mul3A_386 = arith.muli %select_n3A_381, %mul3A_385 : i32
      %sub3A_387 = arith.subi %add3A_384, %mul3A_386 : i32
      %mul3A_388 = arith.constant 32 : i32
      %mul3A_389 = arith.muli %select_n3A_381, %mul3A_388 : i32
      %dma_start3A_390 = arith.constant 1 : i32
      %dma_start3A_391 = arith.constant 0 : i32
      %dma_start3A_392 = arith.constant 0 : i32
      %dma_start3A_393 = tpu.memref_slice %arg6[%dma_start3A_390, %dma_start3A_391, %dma_start3A_392] : memref<2x256x32xi32, #tpu.memory_space<vmem>> -> memref<1x256x32xi32, #tpu.memory_space<vmem>>
      %dma_start3A_394 = tpu.memref_squeeze %dma_start3A_393 : memref<1x256x32xi32, #tpu.memory_space<vmem>> -> memref<256x32xi32, #tpu.memory_space<vmem>>
      %dma_start3A_395 = tpu.memref_slice %arg4[%sub3A_387, %mul3A_389] : memref<40960x128xi32, #tpu.memory_space<hbm>> -> memref<256x32xi32, #tpu.memory_space<hbm>>
      %dma_start3A_396 = tpu.memref_slice %arg4[%sub3A_387, %mul3A_389] : memref<40960x128xi32, #tpu.memory_space<hbm>> -> memref<256x32xi32, #tpu.memory_space<hbm>>
      %dma_start3A_397 = arith.constant 0 : i32
      %dma_start3A_398 = arith.constant 0 : i32
      %dma_start3A_399 = tpu.memref_slice %arg6[%dma_start3A_390, %dma_start3A_397, %dma_start3A_398] : memref<2x256x32xi32, #tpu.memory_space<vmem>> -> memref<1x256x32xi32, #tpu.memory_space<vmem>>
      %dma_start3A_400 = tpu.memref_squeeze %dma_start3A_399 : memref<1x256x32xi32, #tpu.memory_space<vmem>> -> memref<256x32xi32, #tpu.memory_space<vmem>>
      tpu.enqueue_dma source(%dma_start3A_400 : memref<256x32xi32, #tpu.memory_space<vmem>>) target(%dma_start3A_396 : memref<256x32xi32, #tpu.memory_space<hbm>>) target_semaphore(%arg10 : memref<!tpu.dma_semaphore, #tpu.memory_space<semaphore_mem>>)
      %add3A_401 = arith.constant 2 : i32
      %add3A_402 = arith.addi %add3A_302, %add3A_401 : i32
      %lt3A_403 = arith.constant 20 : i32
      %lt3A_404 = arith.cmpi slt, %add3A_402, %lt3A_403 : i32
      %convert_element_type3A_405 = arith.extui %lt3A_404 : i1 to i32
      %cond3A_406 = arith.constant 0 : i32
      %cond3A_407 = arith.cmpi ne, %convert_element_type3A_405, %cond3A_406 : i32
      scf.if %cond3A_407 {
        %multiple_of3A_408 = tpu.assume_multiple %mul3A_2, 256 : i32
        %mul3A_409 = arith.constant 256 : i32
        %mul3A_410 = arith.muli %add3A_302, %mul3A_409 : i32
        %add3A_411 = arith.addi %multiple_of3A_408, %mul3A_410 : i32
        %jit3A_412 = arith.constant 16384 : i32
        %div3A_413 = arith.divsi %add3A_411, %jit3A_412 : i32
        %sign3A_414 = arith.constant 0 : i32
        %sign3A_415 = arith.cmpi sgt, %add3A_411, %sign3A_414 : i32
        %sign3A_416 = arith.extui %sign3A_415 : i1 to i32
        %sign3A_417 = arith.constant 0 : i32
        %sign3A_418 = arith.cmpi slt, %add3A_411, %sign3A_417 : i32
        %sign3A_419 = arith.extui %sign3A_418 : i1 to i32
        %sign3A_420 = arith.subi %sign3A_416, %sign3A_419 : i32
        %sign3A_421 = arith.constant 0 : i32
        %sign3A_422 = arith.cmpi sgt, %jit3A_412, %sign3A_421 : i32
        %sign3A_423 = arith.extui %sign3A_422 : i1 to i32
        %sign3A_424 = arith.constant 0 : i32
        %sign3A_425 = arith.cmpi slt, %jit3A_412, %sign3A_424 : i32
        %sign3A_426 = arith.extui %sign3A_425 : i1 to i32
        %sign3A_427 = arith.subi %sign3A_423, %sign3A_426 : i32
        %ne3A_428 = arith.cmpi ne, %sign3A_420, %sign3A_427 : i32
        %rem3A_429 = arith.remsi %add3A_411, %jit3A_412 : i32
        %ne3A_430 = arith.constant 0 : i32
        %ne3A_431 = arith.cmpi ne, %rem3A_429, %ne3A_430 : i32
        %and3A_432 = arith.andi %ne3A_428, %ne3A_431 : i1
        %sub3A_433 = arith.constant 1 : i32
        %sub3A_434 = arith.subi %div3A_413, %sub3A_433 : i32
        %select_n3A_435 = arith.select %and3A_432, %sub3A_434, %div3A_413 : i32
        %jit3A_436 = arith.constant 16384 : i32
        %eq3A_437 = arith.constant 0 : i32
        %eq3A_438 = arith.cmpi eq, %jit3A_436, %eq3A_437 : i32
        %jit3A_439 = arith.constant 1 : i32
        %select_n3A_440 = arith.select %eq3A_438, %jit3A_439, %jit3A_436 : i32
        %rem3A_441 = arith.remsi %add3A_411, %select_n3A_440 : i32
        %ne3A_442 = arith.constant 0 : i32
        %ne3A_443 = arith.cmpi ne, %rem3A_441, %ne3A_442 : i32
        %lt3A_444 = arith.constant 0 : i32
        %lt3A_445 = arith.cmpi slt, %rem3A_441, %lt3A_444 : i32
        %lt3A_446 = arith.constant 0 : i32
        %lt3A_447 = arith.cmpi slt, %select_n3A_440, %lt3A_446 : i32
        %ne3A_448 = arith.xori %lt3A_445, %lt3A_447 : i1
        %and3A_449 = arith.andi %ne3A_448, %ne3A_443 : i1
        %add3A_450 = arith.addi %rem3A_441, %select_n3A_440 : i32
        %select_n3A_451 = arith.select %and3A_449, %add3A_450, %rem3A_441 : i32
        %jit3A_452 = arith.constant 4096 : i32
        %div3A_453 = arith.divsi %select_n3A_451, %jit3A_452 : i32
        %sign3A_454 = arith.constant 0 : i32
        %sign3A_455 = arith.cmpi sgt, %select_n3A_451, %sign3A_454 : i32
        %sign3A_456 = arith.extui %sign3A_455 : i1 to i32
        %sign3A_457 = arith.constant 0 : i32
        %sign3A_458 = arith.cmpi slt, %select_n3A_451, %sign3A_457 : i32
        %sign3A_459 = arith.extui %sign3A_458 : i1 to i32
        %sign3A_460 = arith.subi %sign3A_456, %sign3A_459 : i32
        %sign3A_461 = arith.constant 0 : i32
        %sign3A_462 = arith.cmpi sgt, %jit3A_452, %sign3A_461 : i32
        %sign3A_463 = arith.extui %sign3A_462 : i1 to i32
        %sign3A_464 = arith.constant 0 : i32
        %sign3A_465 = arith.cmpi slt, %jit3A_452, %sign3A_464 : i32
        %sign3A_466 = arith.extui %sign3A_465 : i1 to i32
        %sign3A_467 = arith.subi %sign3A_463, %sign3A_466 : i32
        %ne3A_468 = arith.cmpi ne, %sign3A_460, %sign3A_467 : i32
        %rem3A_469 = arith.remsi %select_n3A_451, %jit3A_452 : i32
        %ne3A_470 = arith.constant 0 : i32
        %ne3A_471 = arith.cmpi ne, %rem3A_469, %ne3A_470 : i32
        %and3A_472 = arith.andi %ne3A_468, %ne3A_471 : i1
        %sub3A_473 = arith.constant 1 : i32
        %sub3A_474 = arith.subi %div3A_453, %sub3A_473 : i32
        %select_n3A_475 = arith.select %and3A_472, %sub3A_474, %div3A_453 : i32
        %mul3A_476 = arith.constant 4096 : i32
        %mul3A_477 = arith.muli %select_n3A_435, %mul3A_476 : i32
        %add3A_478 = arith.addi %mul3A_477, %select_n3A_451 : i32
        %mul3A_479 = arith.constant 4096 : i32
        %mul3A_480 = arith.muli %select_n3A_475, %mul3A_479 : i32
        %sub3A_481 = arith.subi %add3A_478, %mul3A_480 : i32
        %mul3A_482 = arith.constant 32 : i32
        %mul3A_483 = arith.muli %select_n3A_475, %mul3A_482 : i32
        %dma_wait3A_484 = arith.constant 1 : i32
        %dma_wait3A_485 = arith.constant 0 : i32
        %dma_wait3A_486 = arith.constant 0 : i32
        %dma_wait3A_487 = tpu.memref_slice %arg6[%dma_wait3A_484, %dma_wait3A_485, %dma_wait3A_486] : memref<2x256x32xi32, #tpu.memory_space<vmem>> -> memref<1x256x32xi32, #tpu.memory_space<vmem>>
        %dma_wait3A_488 = tpu.memref_squeeze %dma_wait3A_487 : memref<1x256x32xi32, #tpu.memory_space<vmem>> -> memref<256x32xi32, #tpu.memory_space<vmem>>
        %dma_wait3A_489 = tpu.memref_slice %arg4[%sub3A_481, %mul3A_483] : memref<40960x128xi32, #tpu.memory_space<hbm>> -> memref<256x32xi32, #tpu.memory_space<hbm>>
        %dma_wait3A_490 = tpu.memref_slice %arg4[%sub3A_481, %mul3A_483] : memref<40960x128xi32, #tpu.memory_space<hbm>> -> memref<256x32xi32, #tpu.memory_space<hbm>>
        %dma_wait3A_491 = arith.constant 0 : i32
        %dma_wait3A_492 = arith.constant 0 : i32
        %dma_wait3A_493 = tpu.memref_slice %arg6[%dma_wait3A_484, %dma_wait3A_491, %dma_wait3A_492] : memref<2x256x32xi32, #tpu.memory_space<vmem>> -> memref<1x256x32xi32, #tpu.memory_space<vmem>>
        %dma_wait3A_494 = tpu.memref_squeeze %dma_wait3A_493 : memref<1x256x32xi32, #tpu.memory_space<vmem>> -> memref<256x32xi32, #tpu.memory_space<vmem>>
        tpu.wait_dma2 semaphore(%arg10 : memref<!tpu.dma_semaphore, #tpu.memory_space<semaphore_mem>>) src(%dma_wait3A_494 : memref<256x32xi32, #tpu.memory_space<vmem>>) dst(%dma_wait3A_490 : memref<256x32xi32, #tpu.memory_space<hbm>>)
        %dma_start3A_495 = arith.constant 1 : i32
        %dma_start3A_496 = arith.constant 0 : i32
        %dma_start3A_497 = arith.constant 0 : i32
        %dma_start3A_498 = tpu.memref_slice %arg6[%dma_start3A_495, %dma_start3A_496, %dma_start3A_497] : memref<2x256x32xi32, #tpu.memory_space<vmem>> -> memref<1x256x32xi32, #tpu.memory_space<vmem>>
        %dma_start3A_499 = tpu.memref_squeeze %dma_start3A_498 : memref<1x256x32xi32, #tpu.memory_space<vmem>> -> memref<256x32xi32, #tpu.memory_space<vmem>>
        %dma_start3A_500 = arith.constant 0 : i32
        %dma_start3A_501 = tpu.memref_slice %arg5[%add3A_402, %dma_start3A_500] : memref<20x256xi32, #tpu.memory_space<vmem>> -> memref<1x256xi32, #tpu.memory_space<vmem>>
        %dma_start3A_502 = tpu.memref_squeeze %dma_start3A_501 : memref<1x256xi32, #tpu.memory_space<vmem>> -> memref<256xi32, #tpu.memory_space<vmem>>
        %dma_start3A_503 = arith.constant 0 : i32
        %dma_start3A_504 = arith.constant 0 : i32
        %dma_start3A_505 = tpu.memref_slice %arg2[%dma_start3A_503, %dma_start3A_504] : memref<100000x32xi32, #tpu.memory_space<hbm>> -> memref<100000x32xi32, #tpu.memory_space<hbm>>
        tpu.enqueue_indirect_dma source(%dma_start3A_505 : memref<100000x32xi32, #tpu.memory_space<hbm>>) target(%dma_start3A_499 : memref<256x32xi32, #tpu.memory_space<vmem>>) offsets(%dma_start3A_502 : memref<256xi32, #tpu.memory_space<vmem>>) semaphore(%arg8 : memref<!tpu.dma_semaphore, #tpu.memory_space<semaphore_mem>>)
      } else {
      }
    }
    %scan3A_30 = arith.constant 10 : i32
    %multiple_of3A = tpu.assume_multiple %mul3A_2, 256 : i32
    %add3A_31 = arith.constant 4608 : i32
    %add3A_32 = arith.addi %multiple_of3A, %add3A_31 : i32
    %jit3A = arith.constant 16384 : i32
    %div3A = arith.divsi %add3A_32, %jit3A : i32
    %sign3A = arith.constant 0 : i32
    %sign3A_33 = arith.cmpi sgt, %add3A_32, %sign3A : i32
    %sign3A_34 = arith.extui %sign3A_33 : i1 to i32
    %sign3A_35 = arith.constant 0 : i32
    %sign3A_36 = arith.cmpi slt, %add3A_32, %sign3A_35 : i32
    %sign3A_37 = arith.extui %sign3A_36 : i1 to i32
    %sign3A_38 = arith.subi %sign3A_34, %sign3A_37 : i32
    %sign3A_39 = arith.constant 0 : i32
    %sign3A_40 = arith.cmpi sgt, %jit3A, %sign3A_39 : i32
    %sign3A_41 = arith.extui %sign3A_40 : i1 to i32
    %sign3A_42 = arith.constant 0 : i32
    %sign3A_43 = arith.cmpi slt, %jit3A, %sign3A_42 : i32
    %sign3A_44 = arith.extui %sign3A_43 : i1 to i32
    %sign3A_45 = arith.subi %sign3A_41, %sign3A_44 : i32
    %ne3A = arith.cmpi ne, %sign3A_38, %sign3A_45 : i32
    %rem3A = arith.remsi %add3A_32, %jit3A : i32
    %ne3A_46 = arith.constant 0 : i32
    %ne3A_47 = arith.cmpi ne, %rem3A, %ne3A_46 : i32
    %and3A = arith.andi %ne3A, %ne3A_47 : i1
    %sub3A = arith.constant 1 : i32
    %sub3A_48 = arith.subi %div3A, %sub3A : i32
    %select_n3A = arith.select %and3A, %sub3A_48, %div3A : i32
    %jit3A_49 = arith.constant 16384 : i32
    %eq3A = arith.constant 0 : i32
    %eq3A_50 = arith.cmpi eq, %jit3A_49, %eq3A : i32
    %jit3A_51 = arith.constant 1 : i32
    %select_n3A_52 = arith.select %eq3A_50, %jit3A_51, %jit3A_49 : i32
    %rem3A_53 = arith.remsi %add3A_32, %select_n3A_52 : i32
    %ne3A_54 = arith.constant 0 : i32
    %ne3A_55 = arith.cmpi ne, %rem3A_53, %ne3A_54 : i32
    %lt3A = arith.constant 0 : i32
    %lt3A_56 = arith.cmpi slt, %rem3A_53, %lt3A : i32
    %lt3A_57 = arith.constant 0 : i32
    %lt3A_58 = arith.cmpi slt, %select_n3A_52, %lt3A_57 : i32
    %ne3A_59 = arith.xori %lt3A_56, %lt3A_58 : i1
    %and3A_60 = arith.andi %ne3A_59, %ne3A_55 : i1
    %add3A_61 = arith.addi %rem3A_53, %select_n3A_52 : i32
    %select_n3A_62 = arith.select %and3A_60, %add3A_61, %rem3A_53 : i32
    %jit3A_63 = arith.constant 4096 : i32
    %div3A_64 = arith.divsi %select_n3A_62, %jit3A_63 : i32
    %sign3A_65 = arith.constant 0 : i32
    %sign3A_66 = arith.cmpi sgt, %select_n3A_62, %sign3A_65 : i32
    %sign3A_67 = arith.extui %sign3A_66 : i1 to i32
    %sign3A_68 = arith.constant 0 : i32
    %sign3A_69 = arith.cmpi slt, %select_n3A_62, %sign3A_68 : i32
    %sign3A_70 = arith.extui %sign3A_69 : i1 to i32
    %sign3A_71 = arith.subi %sign3A_67, %sign3A_70 : i32
    %sign3A_72 = arith.constant 0 : i32
    %sign3A_73 = arith.cmpi sgt, %jit3A_63, %sign3A_72 : i32
    %sign3A_74 = arith.extui %sign3A_73 : i1 to i32
    %sign3A_75 = arith.constant 0 : i32
    %sign3A_76 = arith.cmpi slt, %jit3A_63, %sign3A_75 : i32
    %sign3A_77 = arith.extui %sign3A_76 : i1 to i32
    %sign3A_78 = arith.subi %sign3A_74, %sign3A_77 : i32
    %ne3A_79 = arith.cmpi ne, %sign3A_71, %sign3A_78 : i32
    %rem3A_80 = arith.remsi %select_n3A_62, %jit3A_63 : i32
    %ne3A_81 = arith.constant 0 : i32
    %ne3A_82 = arith.cmpi ne, %rem3A_80, %ne3A_81 : i32
    %and3A_83 = arith.andi %ne3A_79, %ne3A_82 : i1
    %sub3A_84 = arith.constant 1 : i32
    %sub3A_85 = arith.subi %div3A_64, %sub3A_84 : i32
    %select_n3A_86 = arith.select %and3A_83, %sub3A_85, %div3A_64 : i32
    %mul3A_87 = arith.constant 4096 : i32
    %mul3A_88 = arith.muli %select_n3A, %mul3A_87 : i32
    %add3A_89 = arith.addi %mul3A_88, %select_n3A_62 : i32
    %mul3A_90 = arith.constant 4096 : i32
    %mul3A_91 = arith.muli %select_n3A_86, %mul3A_90 : i32
    %sub3A_92 = arith.subi %add3A_89, %mul3A_91 : i32
    %mul3A_93 = arith.constant 32 : i32
    %mul3A_94 = arith.muli %select_n3A_86, %mul3A_93 : i32
    %dma_wait3A = arith.constant 0 : i32
    %dma_wait3A_95 = arith.constant 0 : i32
    %dma_wait3A_96 = arith.constant 0 : i32
    %dma_wait3A_97 = tpu.memref_slice %arg6[%dma_wait3A, %dma_wait3A_95, %dma_wait3A_96] : memref<2x256x32xi32, #tpu.memory_space<vmem>> -> memref<1x256x32xi32, #tpu.memory_space<vmem>>
    %dma_wait3A_98 = tpu.memref_squeeze %dma_wait3A_97 : memref<1x256x32xi32, #tpu.memory_space<vmem>> -> memref<256x32xi32, #tpu.memory_space<vmem>>
    %dma_wait3A_99 = tpu.memref_slice %arg4[%sub3A_92, %mul3A_94] : memref<40960x128xi32, #tpu.memory_space<hbm>> -> memref<256x32xi32, #tpu.memory_space<hbm>>
    %dma_wait3A_100 = tpu.memref_slice %arg4[%sub3A_92, %mul3A_94] : memref<40960x128xi32, #tpu.memory_space<hbm>> -> memref<256x32xi32, #tpu.memory_space<hbm>>
    %dma_wait3A_101 = arith.constant 0 : i32
    %dma_wait3A_102 = arith.constant 0 : i32
    %dma_wait3A_103 = tpu.memref_slice %arg6[%dma_wait3A, %dma_wait3A_101, %dma_wait3A_102] : memref<2x256x32xi32, #tpu.memory_space<vmem>> -> memref<1x256x32xi32, #tpu.memory_space<vmem>>
    %dma_wait3A_104 = tpu.memref_squeeze %dma_wait3A_103 : memref<1x256x32xi32, #tpu.memory_space<vmem>> -> memref<256x32xi32, #tpu.memory_space<vmem>>
    tpu.wait_dma2 semaphore(%arg9 : memref<!tpu.dma_semaphore, #tpu.memory_space<semaphore_mem>>) src(%dma_wait3A_104 : memref<256x32xi32, #tpu.memory_space<vmem>>) dst(%dma_wait3A_100 : memref<256x32xi32, #tpu.memory_space<hbm>>)
    %multiple_of3A_105 = tpu.assume_multiple %mul3A_2, 256 : i32
    %add3A_106 = arith.constant 4864 : i32
    %add3A_107 = arith.addi %multiple_of3A_105, %add3A_106 : i32
    %jit3A_108 = arith.constant 16384 : i32
    %div3A_109 = arith.divsi %add3A_107, %jit3A_108 : i32
    %sign3A_110 = arith.constant 0 : i32
    %sign3A_111 = arith.cmpi sgt, %add3A_107, %sign3A_110 : i32
    %sign3A_112 = arith.extui %sign3A_111 : i1 to i32
    %sign3A_113 = arith.constant 0 : i32
    %sign3A_114 = arith.cmpi slt, %add3A_107, %sign3A_113 : i32
    %sign3A_115 = arith.extui %sign3A_114 : i1 to i32
    %sign3A_116 = arith.subi %sign3A_112, %sign3A_115 : i32
    %sign3A_117 = arith.constant 0 : i32
    %sign3A_118 = arith.cmpi sgt, %jit3A_108, %sign3A_117 : i32
    %sign3A_119 = arith.extui %sign3A_118 : i1 to i32
    %sign3A_120 = arith.constant 0 : i32
    %sign3A_121 = arith.cmpi slt, %jit3A_108, %sign3A_120 : i32
    %sign3A_122 = arith.extui %sign3A_121 : i1 to i32
    %sign3A_123 = arith.subi %sign3A_119, %sign3A_122 : i32
    %ne3A_124 = arith.cmpi ne, %sign3A_116, %sign3A_123 : i32
    %rem3A_125 = arith.remsi %add3A_107, %jit3A_108 : i32
    %ne3A_126 = arith.constant 0 : i32
    %ne3A_127 = arith.cmpi ne, %rem3A_125, %ne3A_126 : i32
    %and3A_128 = arith.andi %ne3A_124, %ne3A_127 : i1
    %sub3A_129 = arith.constant 1 : i32
    %sub3A_130 = arith.subi %div3A_109, %sub3A_129 : i32
    %select_n3A_131 = arith.select %and3A_128, %sub3A_130, %div3A_109 : i32
    %jit3A_132 = arith.constant 16384 : i32
    %eq3A_133 = arith.constant 0 : i32
    %eq3A_134 = arith.cmpi eq, %jit3A_132, %eq3A_133 : i32
    %jit3A_135 = arith.constant 1 : i32
    %select_n3A_136 = arith.select %eq3A_134, %jit3A_135, %jit3A_132 : i32
    %rem3A_137 = arith.remsi %add3A_107, %select_n3A_136 : i32
    %ne3A_138 = arith.constant 0 : i32
    %ne3A_139 = arith.cmpi ne, %rem3A_137, %ne3A_138 : i32
    %lt3A_140 = arith.constant 0 : i32
    %lt3A_141 = arith.cmpi slt, %rem3A_137, %lt3A_140 : i32
    %lt3A_142 = arith.constant 0 : i32
    %lt3A_143 = arith.cmpi slt, %select_n3A_136, %lt3A_142 : i32
    %ne3A_144 = arith.xori %lt3A_141, %lt3A_143 : i1
    %and3A_145 = arith.andi %ne3A_144, %ne3A_139 : i1
    %add3A_146 = arith.addi %rem3A_137, %select_n3A_136 : i32
    %select_n3A_147 = arith.select %and3A_145, %add3A_146, %rem3A_137 : i32
    %jit3A_148 = arith.constant 4096 : i32
    %div3A_149 = arith.divsi %select_n3A_147, %jit3A_148 : i32
    %sign3A_150 = arith.constant 0 : i32
    %sign3A_151 = arith.cmpi sgt, %select_n3A_147, %sign3A_150 : i32
    %sign3A_152 = arith.extui %sign3A_151 : i1 to i32
    %sign3A_153 = arith.constant 0 : i32
    %sign3A_154 = arith.cmpi slt, %select_n3A_147, %sign3A_153 : i32
    %sign3A_155 = arith.extui %sign3A_154 : i1 to i32
    %sign3A_156 = arith.subi %sign3A_152, %sign3A_155 : i32
    %sign3A_157 = arith.constant 0 : i32
    %sign3A_158 = arith.cmpi sgt, %jit3A_148, %sign3A_157 : i32
    %sign3A_159 = arith.extui %sign3A_158 : i1 to i32
    %sign3A_160 = arith.constant 0 : i32
    %sign3A_161 = arith.cmpi slt, %jit3A_148, %sign3A_160 : i32
    %sign3A_162 = arith.extui %sign3A_161 : i1 to i32
    %sign3A_163 = arith.subi %sign3A_159, %sign3A_162 : i32
    %ne3A_164 = arith.cmpi ne, %sign3A_156, %sign3A_163 : i32
    %rem3A_165 = arith.remsi %select_n3A_147, %jit3A_148 : i32
    %ne3A_166 = arith.constant 0 : i32
    %ne3A_167 = arith.cmpi ne, %rem3A_165, %ne3A_166 : i32
    %and3A_168 = arith.andi %ne3A_164, %ne3A_167 : i1
    %sub3A_169 = arith.constant 1 : i32
    %sub3A_170 = arith.subi %div3A_149, %sub3A_169 : i32
    %select_n3A_171 = arith.select %and3A_168, %sub3A_170, %div3A_149 : i32
    %mul3A_172 = arith.constant 4096 : i32
    %mul3A_173 = arith.muli %select_n3A_131, %mul3A_172 : i32
    %add3A_174 = arith.addi %mul3A_173, %select_n3A_147 : i32
    %mul3A_175 = arith.constant 4096 : i32
    %mul3A_176 = arith.muli %select_n3A_171, %mul3A_175 : i32
    %sub3A_177 = arith.subi %add3A_174, %mul3A_176 : i32
    %mul3A_178 = arith.constant 32 : i32
    %mul3A_179 = arith.muli %select_n3A_171, %mul3A_178 : i32
    %dma_wait3A_180 = arith.constant 1 : i32
    %dma_wait3A_181 = arith.constant 0 : i32
    %dma_wait3A_182 = arith.constant 0 : i32
    %dma_wait3A_183 = tpu.memref_slice %arg6[%dma_wait3A_180, %dma_wait3A_181, %dma_wait3A_182] : memref<2x256x32xi32, #tpu.memory_space<vmem>> -> memref<1x256x32xi32, #tpu.memory_space<vmem>>
    %dma_wait3A_184 = tpu.memref_squeeze %dma_wait3A_183 : memref<1x256x32xi32, #tpu.memory_space<vmem>> -> memref<256x32xi32, #tpu.memory_space<vmem>>
    %dma_wait3A_185 = tpu.memref_slice %arg4[%sub3A_177, %mul3A_179] : memref<40960x128xi32, #tpu.memory_space<hbm>> -> memref<256x32xi32, #tpu.memory_space<hbm>>
    %dma_wait3A_186 = tpu.memref_slice %arg4[%sub3A_177, %mul3A_179] : memref<40960x128xi32, #tpu.memory_space<hbm>> -> memref<256x32xi32, #tpu.memory_space<hbm>>
    %dma_wait3A_187 = arith.constant 0 : i32
    %dma_wait3A_188 = arith.constant 0 : i32
    %dma_wait3A_189 = tpu.memref_slice %arg6[%dma_wait3A_180, %dma_wait3A_187, %dma_wait3A_188] : memref<2x256x32xi32, #tpu.memory_space<vmem>> -> memref<1x256x32xi32, #tpu.memory_space<vmem>>
    %dma_wait3A_190 = tpu.memref_squeeze %dma_wait3A_189 : memref<1x256x32xi32, #tpu.memory_space<vmem>> -> memref<256x32xi32, #tpu.memory_space<vmem>>
    tpu.wait_dma2 semaphore(%arg10 : memref<!tpu.dma_semaphore, #tpu.memory_space<semaphore_mem>>) src(%dma_wait3A_190 : memref<256x32xi32, #tpu.memory_space<vmem>>) dst(%dma_wait3A_186 : memref<256x32xi32, #tpu.memory_space<hbm>>)
    return
  }
}

#map = affine_map<(d0, d1) -> (0, 0)>
#map1 = affine_map<(d0, d1) -> (0, 0, 0)>
module attributes {stable_mosaic.version = 14 : i64} {
  func.func @gather(%arg0: i32, %arg1: i32, %arg2: memref<100000x32xi32, #tpu.memory_space<hbm>>, %arg3: memref<32x20x256xi32, #tpu.memory_space<hbm>>, %arg4: memref<40960x128xi32, #tpu.memory_space<hbm>>, %arg5: memref<20x256xi32, #tpu.memory_space<vmem>>, %arg6: memref<2x256x32xi32, #tpu.memory_space<vmem>>, %arg7: memref<!tpu.dma_semaphore, #tpu.memory_space<semaphore_mem>>, %arg8: memref<!tpu.dma_semaphore, #tpu.memory_space<semaphore_mem>>, %arg9: memref<!tpu.dma_semaphore, #tpu.memory_space<semaphore_mem>>, %arg10: memref<!tpu.dma_semaphore, #tpu.memory_space<semaphore_mem>>) attributes {dimension_semantics = [#tpu.dimension_semantics<core_parallel>, #tpu.dimension_semantics<subcore_parallel>], iteration_bounds = array<i64: 2, 16>, scalar_prefetch = 0 : i64, scratch_operands = 6 : i64, tpu.core_type = #tpu.core_type<sc_vector_subcore>, window_params = [{transform_indices = #map}, {transform_indices = #map1}, {transform_indices = #map}]} {
    %mul3A = arith.constant 2 : i32
    %mul3A_0 = arith.muli %arg1, %mul3A : i32
    %add3A = arith.addi %mul3A_0, %arg0 : i32
    %mul3A_1 = arith.constant 5120 : i32
    %mul3A_2 = arith.muli %add3A, %mul3A_1 : i32
    "tpu.region"() ({
      %run_scoped3A = tpu.sem_alloc : memref<!tpu.dma_semaphore, #tpu.memory_space<semaphore_mem>>
      %dma_start3A_191 = arith.constant 0 : i32
      %dma_start3A_192 = arith.constant 0 : i32
      %dma_start3A_193 = tpu.memref_slice %arg3[%add3A, %dma_start3A_191, %dma_start3A_192] : memref<32x20x256xi32, #tpu.memory_space<hbm>> -> memref<1x20x256xi32, #tpu.memory_space<hbm>>
      %dma_start3A_194 = tpu.memref_squeeze %dma_start3A_193 : memref<1x20x256xi32, #tpu.memory_space<hbm>> -> memref<20x256xi32, #tpu.memory_space<hbm>>
      %dma_start3A_195 = arith.constant 0 : i32
      %dma_start3A_196 = arith.constant 0 : i32
      %dma_start3A_197 = tpu.memref_slice %arg3[%add3A, %dma_start3A_195, %dma_start3A_196] : memref<32x20x256xi32, #tpu.memory_space<hbm>> -> memref<1x20x256xi32, #tpu.memory_space<hbm>>
      %dma_start3A_198 = tpu.memref_squeeze %dma_start3A_197 : memref<1x20x256xi32, #tpu.memory_space<hbm>> -> memref<20x256xi32, #tpu.memory_space<hbm>>
      tpu.enqueue_dma source(%dma_start3A_198 : memref<20x256xi32, #tpu.memory_space<hbm>>) target(%arg5 : memref<20x256xi32, #tpu.memory_space<vmem>>) target_semaphore(%run_scoped3A : memref<!tpu.dma_semaphore, #tpu.memory_space<semaphore_mem>>)
      %dma_wait3A_199 = arith.constant 0 : i32
      %dma_wait3A_200 = arith.constant 0 : i32
      %dma_wait3A_201 = tpu.memref_slice %arg3[%add3A, %dma_wait3A_199, %dma_wait3A_200] : memref<32x20x256xi32, #tpu.memory_space<hbm>> -> memref<1x20x256xi32, #tpu.memory_space<hbm>>
      %dma_wait3A_202 = tpu.memref_squeeze %dma_wait3A_201 : memref<1x20x256xi32, #tpu.memory_space<hbm>> -> memref<20x256xi32, #tpu.memory_space<hbm>>
      %dma_wait3A_203 = arith.constant 0 : i32
      %dma_wait3A_204 = arith.constant 0 : i32
      %dma_wait3A_205 = tpu.memref_slice %arg3[%add3A, %dma_wait3A_203, %dma_wait3A_204] : memref<32x20x256xi32, #tpu.memory_space<hbm>> -> memref<1x20x256xi32, #tpu.memory_space<hbm>>
      %dma_wait3A_206 = tpu.memref_squeeze %dma_wait3A_205 : memref<1x20x256xi32, #tpu.memory_space<hbm>> -> memref<20x256xi32, #tpu.memory_space<hbm>>
      tpu.wait_dma2 semaphore(%run_scoped3A : memref<!tpu.dma_semaphore, #tpu.memory_space<semaphore_mem>>) src(%dma_wait3A_206 : memref<20x256xi32, #tpu.memory_space<hbm>>) dst(%arg5 : memref<20x256xi32, #tpu.memory_space<vmem>>)
      tpu.yield
    }) : () -> ()
    %dma_start3A = arith.constant 0 : i32
    %dma_start3A_3 = arith.constant 0 : i32
    %dma_start3A_4 = arith.constant 0 : i32
    %dma_start3A_5 = arith.constant 0 : i32
    %dma_start3A_6 = tpu.memref_slice %arg6[%dma_start3A_3, %dma_start3A_4, %dma_start3A_5] : memref<2x256x32xi32, #tpu.memory_space<vmem>> -> memref<1x256x32xi32, #tpu.memory_space<vmem>>
    %dma_start3A_7 = tpu.memref_squeeze %dma_start3A_6 : memref<1x256x32xi32, #tpu.memory_space<vmem>> -> memref<256x32xi32, #tpu.memory_space<vmem>>
    %dma_start3A_8 = arith.constant 0 : i32
    %dma_start3A_9 = tpu.memref_slice %arg5[%dma_start3A, %dma_start3A_8] : memref<20x256xi32, #tpu.memory_space<vmem>> -> memref<1x256xi32, #tpu.memory_space<vmem>>
    %dma_start3A_10 = tpu.memref_squeeze %dma_start3A_9 : memref<1x256xi32, #tpu.memory_space<vmem>> -> memref<256xi32, #tpu.memory_space<vmem>>
    %dma_start3A_11 = arith.constant 0 : i32
    %dma_start3A_12 = arith.constant 0 : i32
    %dma_start3A_13 = tpu.memref_slice %arg2[%dma_start3A_11, %dma_start3A_12] : memref<100000x32xi32, #tpu.memory_space<hbm>> -> memref<100000x32xi32, #tpu.memory_space<hbm>>
    tpu.enqueue_indirect_dma source(%dma_start3A_13 : memref<100000x32xi32, #tpu.memory_space<hbm>>) target(%dma_start3A_7 : memref<256x32xi32, #tpu.memory_space<vmem>>) offsets(%dma_start3A_10 : memref<256xi32, #tpu.memory_space<vmem>>) semaphore(%arg7 : memref<!tpu.dma_semaphore, #tpu.memory_space<semaphore_mem>>)
    %dma_start3A_14 = arith.constant 1 : i32
    %dma_start3A_15 = arith.constant 1 : i32
    %dma_start3A_16 = arith.constant 0 : i32
    %dma_start3A_17 = arith.constant 0 : i32
    %dma_start3A_18 = tpu.memref_slice %arg6[%dma_start3A_15, %dma_start3A_16, %dma_start3A_17] : memref<2x256x32xi32, #tpu.memory_space<vmem>> -> memref<1x256x32xi32, #tpu.memory_space<vmem>>
    %dma_start3A_19 = tpu.memref_squeeze %dma_start3A_18 : memref<1x256x32xi32, #tpu.memory_space<vmem>> -> memref<256x32xi32, #tpu.memory_space<vmem>>
    %dma_start3A_20 = arith.constant 0 : i32
    %dma_start3A_21 = tpu.memref_slice %arg5[%dma_start3A_14, %dma_start3A_20] : memref<20x256xi32, #tpu.memory_space<vmem>> -> memref<1x256xi32, #tpu.memory_space<vmem>>
    %dma_start3A_22 = tpu.memref_squeeze %dma_start3A_21 : memref<1x256xi32, #tpu.memory_space<vmem>> -> memref<256xi32, #tpu.memory_space<vmem>>
    %dma_start3A_23 = arith.constant 0 : i32
    %dma_start3A_24 = arith.constant 0 : i32
    %dma_start3A_25 = tpu.memref_slice %arg2[%dma_start3A_23, %dma_start3A_24] : memref<100000x32xi32, #tpu.memory_space<hbm>> -> memref<100000x32xi32, #tpu.memory_space<hbm>>
    tpu.enqueue_indirect_dma source(%dma_start3A_25 : memref<100000x32xi32, #tpu.memory_space<hbm>>) target(%dma_start3A_19 : memref<256x32xi32, #tpu.memory_space<vmem>>) offsets(%dma_start3A_22 : memref<256xi32, #tpu.memory_space<vmem>>) semaphore(%arg8 : memref<!tpu.dma_semaphore, #tpu.memory_space<semaphore_mem>>)
    %scan3A = arith.constant 0 : i32
    %scan3A_26 = arith.constant 0 : i32
    %scan3A_27 = arith.constant 10 : i32
    %scan3A_28 = arith.addi %scan3A_26, %scan3A_27 : i32
    %scan3A_29 = arith.constant 1 : i32
    scf.for %scan3A_191 = %scan3A_26 to %scan3A_28 step %scan3A_29  : i32 {
      %mul3A_192 = arith.constant 2 : i32
      %mul3A_193 = arith.muli %scan3A_191, %mul3A_192 : i32
      %add3A_194 = arith.constant 0 : i32
      %add3A_195 = arith.addi %mul3A_193, %add3A_194 : i32
      %dma_wait3A_196 = arith.constant 0 : i32
      %dma_wait3A_197 = arith.constant 0 : i32
      %dma_wait3A_198 = arith.constant 0 : i32
      %dma_wait3A_199 = tpu.memref_slice %arg6[%dma_wait3A_196, %dma_wait3A_197, %dma_wait3A_198] : memref<2x256x32xi32, #tpu.memory_space<vmem>> -> memref<1x256x32xi32, #tpu.memory_space<vmem>>
      %dma_wait3A_200 = tpu.memref_squeeze %dma_wait3A_199 : memref<1x256x32xi32, #tpu.memory_space<vmem>> -> memref<256x32xi32, #tpu.memory_space<vmem>>
      %dma_wait3A_201 = arith.constant 0 : i32
      %dma_wait3A_202 = tpu.memref_slice %arg5[%add3A_195, %dma_wait3A_201] : memref<20x256xi32, #tpu.memory_space<vmem>> -> memref<1x256xi32, #tpu.memory_space<vmem>>
      %dma_wait3A_203 = tpu.memref_squeeze %dma_wait3A_202 : memref<1x256xi32, #tpu.memory_space<vmem>> -> memref<256xi32, #tpu.memory_space<vmem>>
      %dma_wait3A_204 = arith.constant 0 : i32
      %dma_wait3A_205 = arith.constant 0 : i32
      %dma_wait3A_206 = tpu.memref_slice %arg2[%dma_wait3A_204, %dma_wait3A_205] : memref<100000x32xi32, #tpu.memory_space<hbm>> -> memref<100000x32xi32, #tpu.memory_space<hbm>>
      tpu.wait_indirect_dma semaphore(%arg7 : memref<!tpu.dma_semaphore, #tpu.memory_space<semaphore_mem>>) src(%dma_wait3A_206 : memref<100000x32xi32, #tpu.memory_space<hbm>>) dst(%dma_wait3A_200 : memref<256x32xi32, #tpu.memory_space<vmem>>)
      %multiple_of3A_207 = tpu.assume_multiple %mul3A_2, 256 : i32
      %mul3A_208 = arith.constant 256 : i32
      %mul3A_209 = arith.muli %add3A_195, %mul3A_208 : i32
      %add3A_210 = arith.addi %multiple_of3A_207, %mul3A_209 : i32
      %jit3A_211 = arith.constant 16384 : i32
      %div3A_212 = arith.divsi %add3A_210, %jit3A_211 : i32
      %sign3A_213 = arith.constant 0 : i32
      %sign3A_214 = arith.cmpi sgt, %add3A_210, %sign3A_213 : i32
      %sign3A_215 = arith.extui %sign3A_214 : i1 to i32
      %sign3A_216 = arith.constant 0 : i32
      %sign3A_217 = arith.cmpi slt, %add3A_210, %sign3A_216 : i32
      %sign3A_218 = arith.extui %sign3A_217 : i1 to i32
      %sign3A_219 = arith.subi %sign3A_215, %sign3A_218 : i32
      %sign3A_220 = arith.constant 0 : i32
      %sign3A_221 = arith.cmpi sgt, %jit3A_211, %sign3A_220 : i32
      %sign3A_222 = arith.extui %sign3A_221 : i1 to i32
      %sign3A_223 = arith.constant 0 : i32
      %sign3A_224 = arith.cmpi slt, %jit3A_211, %sign3A_223 : i32
      %sign3A_225 = arith.extui %sign3A_224 : i1 to i32
      %sign3A_226 = arith.subi %sign3A_222, %sign3A_225 : i32
      %ne3A_227 = arith.cmpi ne, %sign3A_219, %sign3A_226 : i32
      %rem3A_228 = arith.remsi %add3A_210, %jit3A_211 : i32
      %ne3A_229 = arith.constant 0 : i32
      %ne3A_230 = arith.cmpi ne, %rem3A_228, %ne3A_229 : i32
      %and3A_231 = arith.andi %ne3A_227, %ne3A_230 : i1
      %sub3A_232 = arith.constant 1 : i32
      %sub3A_233 = arith.subi %div3A_212, %sub3A_232 : i32
      %select_n3A_234 = arith.select %and3A_231, %sub3A_233, %div3A_212 : i32
      %jit3A_235 = arith.constant 16384 : i32
      %eq3A_236 = arith.constant 0 : i32
      %eq3A_237 = arith.cmpi eq, %jit3A_235, %eq3A_236 : i32
      %jit3A_238 = arith.constant 1 : i32
      %select_n3A_239 = arith.select %eq3A_237, %jit3A_238, %jit3A_235 : i32
      %rem3A_240 = arith.remsi %add3A_210, %select_n3A_239 : i32
      %ne3A_241 = arith.constant 0 : i32
      %ne3A_242 = arith.cmpi ne, %rem3A_240, %ne3A_241 : i32
      %lt3A_243 = arith.constant 0 : i32
      %lt3A_244 = arith.cmpi slt, %rem3A_240, %lt3A_243 : i32
      %lt3A_245 = arith.constant 0 : i32
      %lt3A_246 = arith.cmpi slt, %select_n3A_239, %lt3A_245 : i32
      %ne3A_247 = arith.xori %lt3A_244, %lt3A_246 : i1
      %and3A_248 = arith.andi %ne3A_247, %ne3A_242 : i1
      %add3A_249 = arith.addi %rem3A_240, %select_n3A_239 : i32
      %select_n3A_250 = arith.select %and3A_248, %add3A_249, %rem3A_240 : i32
      %jit3A_251 = arith.constant 4096 : i32
      %div3A_252 = arith.divsi %select_n3A_250, %jit3A_251 : i32
      %sign3A_253 = arith.constant 0 : i32
      %sign3A_254 = arith.cmpi sgt, %select_n3A_250, %sign3A_253 : i32
      %sign3A_255 = arith.extui %sign3A_254 : i1 to i32
      %sign3A_256 = arith.constant 0 : i32
      %sign3A_257 = arith.cmpi slt, %select_n3A_250, %sign3A_256 : i32
      %sign3A_258 = arith.extui %sign3A_257 : i1 to i32
      %sign3A_259 = arith.subi %sign3A_255, %sign3A_258 : i32
      %sign3A_260 = arith.constant 0 : i32
      %sign3A_261 = arith.cmpi sgt, %jit3A_251, %sign3A_260 : i32
      %sign3A_262 = arith.extui %sign3A_261 : i1 to i32
      %sign3A_263 = arith.constant 0 : i32
      %sign3A_264 = arith.cmpi slt, %jit3A_251, %sign3A_263 : i32
      %sign3A_265 = arith.extui %sign3A_264 : i1 to i32
      %sign3A_266 = arith.subi %sign3A_262, %sign3A_265 : i32
      %ne3A_267 = arith.cmpi ne, %sign3A_259, %sign3A_266 : i32
      %rem3A_268 = arith.remsi %select_n3A_250, %jit3A_251 : i32
      %ne3A_269 = arith.constant 0 : i32
      %ne3A_270 = arith.cmpi ne, %rem3A_268, %ne3A_269 : i32
      %and3A_271 = arith.andi %ne3A_267, %ne3A_270 : i1
      %sub3A_272 = arith.constant 1 : i32
      %sub3A_273 = arith.subi %div3A_252, %sub3A_272 : i32
      %select_n3A_274 = arith.select %and3A_271, %sub3A_273, %div3A_252 : i32
      %mul3A_275 = arith.constant 4096 : i32
      %mul3A_276 = arith.muli %select_n3A_234, %mul3A_275 : i32
      %add3A_277 = arith.addi %mul3A_276, %select_n3A_250 : i32
      %mul3A_278 = arith.constant 4096 : i32
      %mul3A_279 = arith.muli %select_n3A_274, %mul3A_278 : i32
      %sub3A_280 = arith.subi %add3A_277, %mul3A_279 : i32
      %mul3A_281 = arith.constant 32 : i32
      %mul3A_282 = arith.muli %select_n3A_274, %mul3A_281 : i32
      %dma_start3A_283 = arith.constant 0 : i32
      %dma_start3A_284 = arith.constant 0 : i32
      %dma_start3A_285 = arith.constant 0 : i32
      %dma_start3A_286 = tpu.memref_slice %arg6[%dma_start3A_283, %dma_start3A_284, %dma_start3A_285] : memref<2x256x32xi32, #tpu.memory_space<vmem>> -> memref<1x256x32xi32, #tpu.memory_space<vmem>>
      %dma_start3A_287 = tpu.memref_squeeze %dma_start3A_286 : memref<1x256x32xi32, #tpu.memory_space<vmem>> -> memref<256x32xi32, #tpu.memory_space<vmem>>
      %dma_start3A_288 = tpu.memref_slice %arg4[%sub3A_280, %mul3A_282] : memref<40960x128xi32, #tpu.memory_space<hbm>> -> memref<256x32xi32, #tpu.memory_space<hbm>>
      %dma_start3A_289 = tpu.memref_slice %arg4[%sub3A_280, %mul3A_282] : memref<40960x128xi32, #tpu.memory_space<hbm>> -> memref<256x32xi32, #tpu.memory_space<hbm>>
      %dma_start3A_290 = arith.constant 0 : i32
      %dma_start3A_291 = arith.constant 0 : i32
      %dma_start3A_292 = tpu.memref_slice %arg6[%dma_start3A_283, %dma_start3A_290, %dma_start3A_291] : memref<2x256x32xi32, #tpu.memory_space<vmem>> -> memref<1x256x32xi32, #tpu.memory_space<vmem>>
      %dma_start3A_293 = tpu.memref_squeeze %dma_start3A_292 : memref<1x256x32xi32, #tpu.memory_space<vmem>> -> memref<256x32xi32, #tpu.memory_space<vmem>>
      tpu.enqueue_dma source(%dma_start3A_293 : memref<256x32xi32, #tpu.memory_space<vmem>>) target(%dma_start3A_289 : memref<256x32xi32, #tpu.memory_space<hbm>>) target_semaphore(%arg9 : memref<!tpu.dma_semaphore, #tpu.memory_space<semaphore_mem>>)
      %add3A_294 = arith.constant 2 : i32
      %add3A_295 = arith.addi %add3A_195, %add3A_294 : i32
      %lt3A_296 = arith.constant 20 : i32
      %lt3A_297 = arith.cmpi slt, %add3A_295, %lt3A_296 : i32
      %convert_element_type3A = arith.extui %lt3A_297 : i1 to i32
      %cond3A = arith.constant 0 : i32
      %cond3A_298 = arith.cmpi ne, %convert_element_type3A, %cond3A : i32
      scf.if %cond3A_298 {
        %multiple_of3A_408 = tpu.assume_multiple %mul3A_2, 256 : i32
        %mul3A_409 = arith.constant 256 : i32
        %mul3A_410 = arith.muli %add3A_195, %mul3A_409 : i32
        %add3A_411 = arith.addi %multiple_of3A_408, %mul3A_410 : i32
        %jit3A_412 = arith.constant 16384 : i32
        %div3A_413 = arith.divsi %add3A_411, %jit3A_412 : i32
        %sign3A_414 = arith.constant 0 : i32
        %sign3A_415 = arith.cmpi sgt, %add3A_411, %sign3A_414 : i32
        %sign3A_416 = arith.extui %sign3A_415 : i1 to i32
        %sign3A_417 = arith.constant 0 : i32
        %sign3A_418 = arith.cmpi slt, %add3A_411, %sign3A_417 : i32
        %sign3A_419 = arith.extui %sign3A_418 : i1 to i32
        %sign3A_420 = arith.subi %sign3A_416, %sign3A_419 : i32
        %sign3A_421 = arith.constant 0 : i32
        %sign3A_422 = arith.cmpi sgt, %jit3A_412, %sign3A_421 : i32
        %sign3A_423 = arith.extui %sign3A_422 : i1 to i32
        %sign3A_424 = arith.constant 0 : i32
        %sign3A_425 = arith.cmpi slt, %jit3A_412, %sign3A_424 : i32
        %sign3A_426 = arith.extui %sign3A_425 : i1 to i32
        %sign3A_427 = arith.subi %sign3A_423, %sign3A_426 : i32
        %ne3A_428 = arith.cmpi ne, %sign3A_420, %sign3A_427 : i32
        %rem3A_429 = arith.remsi %add3A_411, %jit3A_412 : i32
        %ne3A_430 = arith.constant 0 : i32
        %ne3A_431 = arith.cmpi ne, %rem3A_429, %ne3A_430 : i32
        %and3A_432 = arith.andi %ne3A_428, %ne3A_431 : i1
        %sub3A_433 = arith.constant 1 : i32
        %sub3A_434 = arith.subi %div3A_413, %sub3A_433 : i32
        %select_n3A_435 = arith.select %and3A_432, %sub3A_434, %div3A_413 : i32
        %jit3A_436 = arith.constant 16384 : i32
        %eq3A_437 = arith.constant 0 : i32
        %eq3A_438 = arith.cmpi eq, %jit3A_436, %eq3A_437 : i32
        %jit3A_439 = arith.constant 1 : i32
        %select_n3A_440 = arith.select %eq3A_438, %jit3A_439, %jit3A_436 : i32
        %rem3A_441 = arith.remsi %add3A_411, %select_n3A_440 : i32
        %ne3A_442 = arith.constant 0 : i32
        %ne3A_443 = arith.cmpi ne, %rem3A_441, %ne3A_442 : i32
        %lt3A_444 = arith.constant 0 : i32
        %lt3A_445 = arith.cmpi slt, %rem3A_441, %lt3A_444 : i32
        %lt3A_446 = arith.constant 0 : i32
        %lt3A_447 = arith.cmpi slt, %select_n3A_440, %lt3A_446 : i32
        %ne3A_448 = arith.xori %lt3A_445, %lt3A_447 : i1
        %and3A_449 = arith.andi %ne3A_448, %ne3A_443 : i1
        %add3A_450 = arith.addi %rem3A_441, %select_n3A_440 : i32
        %select_n3A_451 = arith.select %and3A_449, %add3A_450, %rem3A_441 : i32
        %jit3A_452 = arith.constant 4096 : i32
        %div3A_453 = arith.divsi %select_n3A_451, %jit3A_452 : i32
        %sign3A_454 = arith.constant 0 : i32
        %sign3A_455 = arith.cmpi sgt, %select_n3A_451, %sign3A_454 : i32
        %sign3A_456 = arith.extui %sign3A_455 : i1 to i32
        %sign3A_457 = arith.constant 0 : i32
        %sign3A_458 = arith.cmpi slt, %select_n3A_451, %sign3A_457 : i32
        %sign3A_459 = arith.extui %sign3A_458 : i1 to i32
        %sign3A_460 = arith.subi %sign3A_456, %sign3A_459 : i32
        %sign3A_461 = arith.constant 0 : i32
        %sign3A_462 = arith.cmpi sgt, %jit3A_452, %sign3A_461 : i32
        %sign3A_463 = arith.extui %sign3A_462 : i1 to i32
        %sign3A_464 = arith.constant 0 : i32
        %sign3A_465 = arith.cmpi slt, %jit3A_452, %sign3A_464 : i32
        %sign3A_466 = arith.extui %sign3A_465 : i1 to i32
        %sign3A_467 = arith.subi %sign3A_463, %sign3A_466 : i32
        %ne3A_468 = arith.cmpi ne, %sign3A_460, %sign3A_467 : i32
        %rem3A_469 = arith.remsi %select_n3A_451, %jit3A_452 : i32
        %ne3A_470 = arith.constant 0 : i32
        %ne3A_471 = arith.cmpi ne, %rem3A_469, %ne3A_470 : i32
        %and3A_472 = arith.andi %ne3A_468, %ne3A_471 : i1
        %sub3A_473 = arith.constant 1 : i32
        %sub3A_474 = arith.subi %div3A_453, %sub3A_473 : i32
        %select_n3A_475 = arith.select %and3A_472, %sub3A_474, %div3A_453 : i32
        %mul3A_476 = arith.constant 4096 : i32
        %mul3A_477 = arith.muli %select_n3A_435, %mul3A_476 : i32
        %add3A_478 = arith.addi %mul3A_477, %select_n3A_451 : i32
        %mul3A_479 = arith.constant 4096 : i32
        %mul3A_480 = arith.muli %select_n3A_475, %mul3A_479 : i32
        %sub3A_481 = arith.subi %add3A_478, %mul3A_480 : i32
        %mul3A_482 = arith.constant 32 : i32
        %mul3A_483 = arith.muli %select_n3A_475, %mul3A_482 : i32
        %dma_wait3A_484 = arith.constant 0 : i32
        %dma_wait3A_485 = arith.constant 0 : i32
        %dma_wait3A_486 = arith.constant 0 : i32
        %dma_wait3A_487 = tpu.memref_slice %arg6[%dma_wait3A_484, %dma_wait3A_485, %dma_wait3A_486] : memref<2x256x32xi32, #tpu.memory_space<vmem>> -> memref<1x256x32xi32, #tpu.memory_space<vmem>>
        %dma_wait3A_488 = tpu.memref_squeeze %dma_wait3A_487 : memref<1x256x32xi32, #tpu.memory_space<vmem>> -> memref<256x32xi32, #tpu.memory_space<vmem>>
        %dma_wait3A_489 = tpu.memref_slice %arg4[%sub3A_481, %mul3A_483] : memref<40960x128xi32, #tpu.memory_space<hbm>> -> memref<256x32xi32, #tpu.memory_space<hbm>>
        %dma_wait3A_490 = tpu.memref_slice %arg4[%sub3A_481, %mul3A_483] : memref<40960x128xi32, #tpu.memory_space<hbm>> -> memref<256x32xi32, #tpu.memory_space<hbm>>
        %dma_wait3A_491 = arith.constant 0 : i32
        %dma_wait3A_492 = arith.constant 0 : i32
        %dma_wait3A_493 = tpu.memref_slice %arg6[%dma_wait3A_484, %dma_wait3A_491, %dma_wait3A_492] : memref<2x256x32xi32, #tpu.memory_space<vmem>> -> memref<1x256x32xi32, #tpu.memory_space<vmem>>
        %dma_wait3A_494 = tpu.memref_squeeze %dma_wait3A_493 : memref<1x256x32xi32, #tpu.memory_space<vmem>> -> memref<256x32xi32, #tpu.memory_space<vmem>>
        tpu.wait_dma2 semaphore(%arg9 : memref<!tpu.dma_semaphore, #tpu.memory_space<semaphore_mem>>) src(%dma_wait3A_494 : memref<256x32xi32, #tpu.memory_space<vmem>>) dst(%dma_wait3A_490 : memref<256x32xi32, #tpu.memory_space<hbm>>)
        %dma_start3A_495 = arith.constant 0 : i32
        %dma_start3A_496 = arith.constant 0 : i32
        %dma_start3A_497 = arith.constant 0 : i32
        %dma_start3A_498 = tpu.memref_slice %arg6[%dma_start3A_495, %dma_start3A_496, %dma_start3A_497] : memref<2x256x32xi32, #tpu.memory_space<vmem>> -> memref<1x256x32xi32, #tpu.memory_space<vmem>>
        %dma_start3A_499 = tpu.memref_squeeze %dma_start3A_498 : memref<1x256x32xi32, #tpu.memory_space<vmem>> -> memref<256x32xi32, #tpu.memory_space<vmem>>
        %dma_start3A_500 = arith.constant 0 : i32
        %dma_start3A_501 = tpu.memref_slice %arg5[%add3A_295, %dma_start3A_500] : memref<20x256xi32, #tpu.memory_space<vmem>> -> memref<1x256xi32, #tpu.memory_space<vmem>>
        %dma_start3A_502 = tpu.memref_squeeze %dma_start3A_501 : memref<1x256xi32, #tpu.memory_space<vmem>> -> memref<256xi32, #tpu.memory_space<vmem>>
        %dma_start3A_503 = arith.constant 0 : i32
        %dma_start3A_504 = arith.constant 0 : i32
        %dma_start3A_505 = tpu.memref_slice %arg2[%dma_start3A_503, %dma_start3A_504] : memref<100000x32xi32, #tpu.memory_space<hbm>> -> memref<100000x32xi32, #tpu.memory_space<hbm>>
        tpu.enqueue_indirect_dma source(%dma_start3A_505 : memref<100000x32xi32, #tpu.memory_space<hbm>>) target(%dma_start3A_499 : memref<256x32xi32, #tpu.memory_space<vmem>>) offsets(%dma_start3A_502 : memref<256xi32, #tpu.memory_space<vmem>>) semaphore(%arg7 : memref<!tpu.dma_semaphore, #tpu.memory_space<semaphore_mem>>)
      } else {
      }
      %mul3A_299 = arith.constant 2 : i32
      %mul3A_300 = arith.muli %scan3A_191, %mul3A_299 : i32
      %add3A_301 = arith.constant 1 : i32
      %add3A_302 = arith.addi %mul3A_300, %add3A_301 : i32
      %dma_wait3A_303 = arith.constant 1 : i32
      %dma_wait3A_304 = arith.constant 0 : i32
      %dma_wait3A_305 = arith.constant 0 : i32
      %dma_wait3A_306 = tpu.memref_slice %arg6[%dma_wait3A_303, %dma_wait3A_304, %dma_wait3A_305] : memref<2x256x32xi32, #tpu.memory_space<vmem>> -> memref<1x256x32xi32, #tpu.memory_space<vmem>>
      %dma_wait3A_307 = tpu.memref_squeeze %dma_wait3A_306 : memref<1x256x32xi32, #tpu.memory_space<vmem>> -> memref<256x32xi32, #tpu.memory_space<vmem>>
      %dma_wait3A_308 = arith.constant 0 : i32
      %dma_wait3A_309 = tpu.memref_slice %arg5[%add3A_302, %dma_wait3A_308] : memref<20x256xi32, #tpu.memory_space<vmem>> -> memref<1x256xi32, #tpu.memory_space<vmem>>
      %dma_wait3A_310 = tpu.memref_squeeze %dma_wait3A_309 : memref<1x256xi32, #tpu.memory_space<vmem>> -> memref<256xi32, #tpu.memory_space<vmem>>
      %dma_wait3A_311 = arith.constant 0 : i32
      %dma_wait3A_312 = arith.constant 0 : i32
      %dma_wait3A_313 = tpu.memref_slice %arg2[%dma_wait3A_311, %dma_wait3A_312] : memref<100000x32xi32, #tpu.memory_space<hbm>> -> memref<100000x32xi32, #tpu.memory_space<hbm>>
      tpu.wait_indirect_dma semaphore(%arg8 : memref<!tpu.dma_semaphore, #tpu.memory_space<semaphore_mem>>) src(%dma_wait3A_313 : memref<100000x32xi32, #tpu.memory_space<hbm>>) dst(%dma_wait3A_307 : memref<256x32xi32, #tpu.memory_space<vmem>>)
      %multiple_of3A_314 = tpu.assume_multiple %mul3A_2, 256 : i32
      %mul3A_315 = arith.constant 256 : i32
      %mul3A_316 = arith.muli %add3A_302, %mul3A_315 : i32
      %add3A_317 = arith.addi %multiple_of3A_314, %mul3A_316 : i32
      %jit3A_318 = arith.constant 16384 : i32
      %div3A_319 = arith.divsi %add3A_317, %jit3A_318 : i32
      %sign3A_320 = arith.constant 0 : i32
      %sign3A_321 = arith.cmpi sgt, %add3A_317, %sign3A_320 : i32
      %sign3A_322 = arith.extui %sign3A_321 : i1 to i32
      %sign3A_323 = arith.constant 0 : i32
      %sign3A_324 = arith.cmpi slt, %add3A_317, %sign3A_323 : i32
      %sign3A_325 = arith.extui %sign3A_324 : i1 to i32
      %sign3A_326 = arith.subi %sign3A_322, %sign3A_325 : i32
      %sign3A_327 = arith.constant 0 : i32
      %sign3A_328 = arith.cmpi sgt, %jit3A_318, %sign3A_327 : i32
      %sign3A_329 = arith.extui %sign3A_328 : i1 to i32
      %sign3A_330 = arith.constant 0 : i32
      %sign3A_331 = arith.cmpi slt, %jit3A_318, %sign3A_330 : i32
      %sign3A_332 = arith.extui %sign3A_331 : i1 to i32
      %sign3A_333 = arith.subi %sign3A_329, %sign3A_332 : i32
      %ne3A_334 = arith.cmpi ne, %sign3A_326, %sign3A_333 : i32
      %rem3A_335 = arith.remsi %add3A_317, %jit3A_318 : i32
      %ne3A_336 = arith.constant 0 : i32
      %ne3A_337 = arith.cmpi ne, %rem3A_335, %ne3A_336 : i32
      %and3A_338 = arith.andi %ne3A_334, %ne3A_337 : i1
      %sub3A_339 = arith.constant 1 : i32
      %sub3A_340 = arith.subi %div3A_319, %sub3A_339 : i32
      %select_n3A_341 = arith.select %and3A_338, %sub3A_340, %div3A_319 : i32
      %jit3A_342 = arith.constant 16384 : i32
      %eq3A_343 = arith.constant 0 : i32
      %eq3A_344 = arith.cmpi eq, %jit3A_342, %eq3A_343 : i32
      %jit3A_345 = arith.constant 1 : i32
      %select_n3A_346 = arith.select %eq3A_344, %jit3A_345, %jit3A_342 : i32
      %rem3A_347 = arith.remsi %add3A_317, %select_n3A_346 : i32
      %ne3A_348 = arith.constant 0 : i32
      %ne3A_349 = arith.cmpi ne, %rem3A_347, %ne3A_348 : i32
      %lt3A_350 = arith.constant 0 : i32
      %lt3A_351 = arith.cmpi slt, %rem3A_347, %lt3A_350 : i32
      %lt3A_352 = arith.constant 0 : i32
      %lt3A_353 = arith.cmpi slt, %select_n3A_346, %lt3A_352 : i32
      %ne3A_354 = arith.xori %lt3A_351, %lt3A_353 : i1
      %and3A_355 = arith.andi %ne3A_354, %ne3A_349 : i1
      %add3A_356 = arith.addi %rem3A_347, %select_n3A_346 : i32
      %select_n3A_357 = arith.select %and3A_355, %add3A_356, %rem3A_347 : i32
      %jit3A_358 = arith.constant 4096 : i32
      %div3A_359 = arith.divsi %select_n3A_357, %jit3A_358 : i32
      %sign3A_360 = arith.constant 0 : i32
      %sign3A_361 = arith.cmpi sgt, %select_n3A_357, %sign3A_360 : i32
      %sign3A_362 = arith.extui %sign3A_361 : i1 to i32
      %sign3A_363 = arith.constant 0 : i32
      %sign3A_364 = arith.cmpi slt, %select_n3A_357, %sign3A_363 : i32
      %sign3A_365 = arith.extui %sign3A_364 : i1 to i32
      %sign3A_366 = arith.subi %sign3A_362, %sign3A_365 : i32
      %sign3A_367 = arith.constant 0 : i32
      %sign3A_368 = arith.cmpi sgt, %jit3A_358, %sign3A_367 : i32
      %sign3A_369 = arith.extui %sign3A_368 : i1 to i32
      %sign3A_370 = arith.constant 0 : i32
      %sign3A_371 = arith.cmpi slt, %jit3A_358, %sign3A_370 : i32
      %sign3A_372 = arith.extui %sign3A_371 : i1 to i32
      %sign3A_373 = arith.subi %sign3A_369, %sign3A_372 : i32
      %ne3A_374 = arith.cmpi ne, %sign3A_366, %sign3A_373 : i32
      %rem3A_375 = arith.remsi %select_n3A_357, %jit3A_358 : i32
      %ne3A_376 = arith.constant 0 : i32
      %ne3A_377 = arith.cmpi ne, %rem3A_375, %ne3A_376 : i32
      %and3A_378 = arith.andi %ne3A_374, %ne3A_377 : i1
      %sub3A_379 = arith.constant 1 : i32
      %sub3A_380 = arith.subi %div3A_359, %sub3A_379 : i32
      %select_n3A_381 = arith.select %and3A_378, %sub3A_380, %div3A_359 : i32
      %mul3A_382 = arith.constant 4096 : i32
      %mul3A_383 = arith.muli %select_n3A_341, %mul3A_382 : i32
      %add3A_384 = arith.addi %mul3A_383, %select_n3A_357 : i32
      %mul3A_385 = arith.constant 4096 : i32
      %mul3A_386 = arith.muli %select_n3A_381, %mul3A_385 : i32
      %sub3A_387 = arith.subi %add3A_384, %mul3A_386 : i32
      %mul3A_388 = arith.constant 32 : i32
      %mul3A_389 = arith.muli %select_n3A_381, %mul3A_388 : i32
      %dma_start3A_390 = arith.constant 1 : i32
      %dma_start3A_391 = arith.constant 0 : i32
      %dma_start3A_392 = arith.constant 0 : i32
      %dma_start3A_393 = tpu.memref_slice %arg6[%dma_start3A_390, %dma_start3A_391, %dma_start3A_392] : memref<2x256x32xi32, #tpu.memory_space<vmem>> -> memref<1x256x32xi32, #tpu.memory_space<vmem>>
      %dma_start3A_394 = tpu.memref_squeeze %dma_start3A_393 : memref<1x256x32xi32, #tpu.memory_space<vmem>> -> memref<256x32xi32, #tpu.memory_space<vmem>>
      %dma_start3A_395 = tpu.memref_slice %arg4[%sub3A_387, %mul3A_389] : memref<40960x128xi32, #tpu.memory_space<hbm>> -> memref<256x32xi32, #tpu.memory_space<hbm>>
      %dma_start3A_396 = tpu.memref_slice %arg4[%sub3A_387, %mul3A_389] : memref<40960x128xi32, #tpu.memory_space<hbm>> -> memref<256x32xi32, #tpu.memory_space<hbm>>
      %dma_start3A_397 = arith.constant 0 : i32
      %dma_start3A_398 = arith.constant 0 : i32
      %dma_start3A_399 = tpu.memref_slice %arg6[%dma_start3A_390, %dma_start3A_397, %dma_start3A_398] : memref<2x256x32xi32, #tpu.memory_space<vmem>> -> memref<1x256x32xi32, #tpu.memory_space<vmem>>
      %dma_start3A_400 = tpu.memref_squeeze %dma_start3A_399 : memref<1x256x32xi32, #tpu.memory_space<vmem>> -> memref<256x32xi32, #tpu.memory_space<vmem>>
      tpu.enqueue_dma source(%dma_start3A_400 : memref<256x32xi32, #tpu.memory_space<vmem>>) target(%dma_start3A_396 : memref<256x32xi32, #tpu.memory_space<hbm>>) target_semaphore(%arg10 : memref<!tpu.dma_semaphore, #tpu.memory_space<semaphore_mem>>)
      %add3A_401 = arith.constant 2 : i32
      %add3A_402 = arith.addi %add3A_302, %add3A_401 : i32
      %lt3A_403 = arith.constant 20 : i32
      %lt3A_404 = arith.cmpi slt, %add3A_402, %lt3A_403 : i32
      %convert_element_type3A_405 = arith.extui %lt3A_404 : i1 to i32
      %cond3A_406 = arith.constant 0 : i32
      %cond3A_407 = arith.cmpi ne, %convert_element_type3A_405, %cond3A_406 : i32
      scf.if %cond3A_407 {
        %multiple_of3A_408 = tpu.assume_multiple %mul3A_2, 256 : i32
        %mul3A_409 = arith.constant 256 : i32
        %mul3A_410 = arith.muli %add3A_302, %mul3A_409 : i32
        %add3A_411 = arith.addi %multiple_of3A_408, %mul3A_410 : i32
        %jit3A_412 = arith.constant 16384 : i32
        %div3A_413 = arith.divsi %add3A_411, %jit3A_412 : i32
        %sign3A_414 = arith.constant 0 : i32
        %sign3A_415 = arith.cmpi sgt, %add3A_411, %sign3A_414 : i32
        %sign3A_416 = arith.extui %sign3A_415 : i1 to i32
        %sign3A_417 = arith.constant 0 : i32
        %sign3A_418 = arith.cmpi slt, %add3A_411, %sign3A_417 : i32
        %sign3A_419 = arith.extui %sign3A_418 : i1 to i32
        %sign3A_420 = arith.subi %sign3A_416, %sign3A_419 : i32
        %sign3A_421 = arith.constant 0 : i32
        %sign3A_422 = arith.cmpi sgt, %jit3A_412, %sign3A_421 : i32
        %sign3A_423 = arith.extui %sign3A_422 : i1 to i32
        %sign3A_424 = arith.constant 0 : i32
        %sign3A_425 = arith.cmpi slt, %jit3A_412, %sign3A_424 : i32
        %sign3A_426 = arith.extui %sign3A_425 : i1 to i32
        %sign3A_427 = arith.subi %sign3A_423, %sign3A_426 : i32
        %ne3A_428 = arith.cmpi ne, %sign3A_420, %sign3A_427 : i32
        %rem3A_429 = arith.remsi %add3A_411, %jit3A_412 : i32
        %ne3A_430 = arith.constant 0 : i32
        %ne3A_431 = arith.cmpi ne, %rem3A_429, %ne3A_430 : i32
        %and3A_432 = arith.andi %ne3A_428, %ne3A_431 : i1
        %sub3A_433 = arith.constant 1 : i32
        %sub3A_434 = arith.subi %div3A_413, %sub3A_433 : i32
        %select_n3A_435 = arith.select %and3A_432, %sub3A_434, %div3A_413 : i32
        %jit3A_436 = arith.constant 16384 : i32
        %eq3A_437 = arith.constant 0 : i32
        %eq3A_438 = arith.cmpi eq, %jit3A_436, %eq3A_437 : i32
        %jit3A_439 = arith.constant 1 : i32
        %select_n3A_440 = arith.select %eq3A_438, %jit3A_439, %jit3A_436 : i32
        %rem3A_441 = arith.remsi %add3A_411, %select_n3A_440 : i32
        %ne3A_442 = arith.constant 0 : i32
        %ne3A_443 = arith.cmpi ne, %rem3A_441, %ne3A_442 : i32
        %lt3A_444 = arith.constant 0 : i32
        %lt3A_445 = arith.cmpi slt, %rem3A_441, %lt3A_444 : i32
        %lt3A_446 = arith.constant 0 : i32
        %lt3A_447 = arith.cmpi slt, %select_n3A_440, %lt3A_446 : i32
        %ne3A_448 = arith.xori %lt3A_445, %lt3A_447 : i1
        %and3A_449 = arith.andi %ne3A_448, %ne3A_443 : i1
        %add3A_450 = arith.addi %rem3A_441, %select_n3A_440 : i32
        %select_n3A_451 = arith.select %and3A_449, %add3A_450, %rem3A_441 : i32
        %jit3A_452 = arith.constant 4096 : i32
        %div3A_453 = arith.divsi %select_n3A_451, %jit3A_452 : i32
        %sign3A_454 = arith.constant 0 : i32
        %sign3A_455 = arith.cmpi sgt, %select_n3A_451, %sign3A_454 : i32
        %sign3A_456 = arith.extui %sign3A_455 : i1 to i32
        %sign3A_457 = arith.constant 0 : i32
        %sign3A_458 = arith.cmpi slt, %select_n3A_451, %sign3A_457 : i32
        %sign3A_459 = arith.extui %sign3A_458 : i1 to i32
        %sign3A_460 = arith.subi %sign3A_456, %sign3A_459 : i32
        %sign3A_461 = arith.constant 0 : i32
        %sign3A_462 = arith.cmpi sgt, %jit3A_452, %sign3A_461 : i32
        %sign3A_463 = arith.extui %sign3A_462 : i1 to i32
        %sign3A_464 = arith.constant 0 : i32
        %sign3A_465 = arith.cmpi slt, %jit3A_452, %sign3A_464 : i32
        %sign3A_466 = arith.extui %sign3A_465 : i1 to i32
        %sign3A_467 = arith.subi %sign3A_463, %sign3A_466 : i32
        %ne3A_468 = arith.cmpi ne, %sign3A_460, %sign3A_467 : i32
        %rem3A_469 = arith.remsi %select_n3A_451, %jit3A_452 : i32
        %ne3A_470 = arith.constant 0 : i32
        %ne3A_471 = arith.cmpi ne, %rem3A_469, %ne3A_470 : i32
        %and3A_472 = arith.andi %ne3A_468, %ne3A_471 : i1
        %sub3A_473 = arith.constant 1 : i32
        %sub3A_474 = arith.subi %div3A_453, %sub3A_473 : i32
        %select_n3A_475 = arith.select %and3A_472, %sub3A_474, %div3A_453 : i32
        %mul3A_476 = arith.constant 4096 : i32
        %mul3A_477 = arith.muli %select_n3A_435, %mul3A_476 : i32
        %add3A_478 = arith.addi %mul3A_477, %select_n3A_451 : i32
        %mul3A_479 = arith.constant 4096 : i32
        %mul3A_480 = arith.muli %select_n3A_475, %mul3A_479 : i32
        %sub3A_481 = arith.subi %add3A_478, %mul3A_480 : i32
        %mul3A_482 = arith.constant 32 : i32
        %mul3A_483 = arith.muli %select_n3A_475, %mul3A_482 : i32
        %dma_wait3A_484 = arith.constant 1 : i32
        %dma_wait3A_485 = arith.constant 0 : i32
        %dma_wait3A_486 = arith.constant 0 : i32
        %dma_wait3A_487 = tpu.memref_slice %arg6[%dma_wait3A_484, %dma_wait3A_485, %dma_wait3A_486] : memref<2x256x32xi32, #tpu.memory_space<vmem>> -> memref<1x256x32xi32, #tpu.memory_space<vmem>>
        %dma_wait3A_488 = tpu.memref_squeeze %dma_wait3A_487 : memref<1x256x32xi32, #tpu.memory_space<vmem>> -> memref<256x32xi32, #tpu.memory_space<vmem>>
        %dma_wait3A_489 = tpu.memref_slice %arg4[%sub3A_481, %mul3A_483] : memref<40960x128xi32, #tpu.memory_space<hbm>> -> memref<256x32xi32, #tpu.memory_space<hbm>>
        %dma_wait3A_490 = tpu.memref_slice %arg4[%sub3A_481, %mul3A_483] : memref<40960x128xi32, #tpu.memory_space<hbm>> -> memref<256x32xi32, #tpu.memory_space<hbm>>
        %dma_wait3A_491 = arith.constant 0 : i32
        %dma_wait3A_492 = arith.constant 0 : i32
        %dma_wait3A_493 = tpu.memref_slice %arg6[%dma_wait3A_484, %dma_wait3A_491, %dma_wait3A_492] : memref<2x256x32xi32, #tpu.memory_space<vmem>> -> memref<1x256x32xi32, #tpu.memory_space<vmem>>
        %dma_wait3A_494 = tpu.memref_squeeze %dma_wait3A_493 : memref<1x256x32xi32, #tpu.memory_space<vmem>> -> memref<256x32xi32, #tpu.memory_space<vmem>>
        tpu.wait_dma2 semaphore(%arg10 : memref<!tpu.dma_semaphore, #tpu.memory_space<semaphore_mem>>) src(%dma_wait3A_494 : memref<256x32xi32, #tpu.memory_space<vmem>>) dst(%dma_wait3A_490 : memref<256x32xi32, #tpu.memory_space<hbm>>)
        %dma_start3A_495 = arith.constant 1 : i32
        %dma_start3A_496 = arith.constant 0 : i32
        %dma_start3A_497 = arith.constant 0 : i32
        %dma_start3A_498 = tpu.memref_slice %arg6[%dma_start3A_495, %dma_start3A_496, %dma_start3A_497] : memref<2x256x32xi32, #tpu.memory_space<vmem>> -> memref<1x256x32xi32, #tpu.memory_space<vmem>>
        %dma_start3A_499 = tpu.memref_squeeze %dma_start3A_498 : memref<1x256x32xi32, #tpu.memory_space<vmem>> -> memref<256x32xi32, #tpu.memory_space<vmem>>
        %dma_start3A_500 = arith.constant 0 : i32
        %dma_start3A_501 = tpu.memref_slice %arg5[%add3A_402, %dma_start3A_500] : memref<20x256xi32, #tpu.memory_space<vmem>> -> memref<1x256xi32, #tpu.memory_space<vmem>>
        %dma_start3A_502 = tpu.memref_squeeze %dma_start3A_501 : memref<1x256xi32, #tpu.memory_space<vmem>> -> memref<256xi32, #tpu.memory_space<vmem>>
        %dma_start3A_503 = arith.constant 0 : i32
        %dma_start3A_504 = arith.constant 0 : i32
        %dma_start3A_505 = tpu.memref_slice %arg2[%dma_start3A_503, %dma_start3A_504] : memref<100000x32xi32, #tpu.memory_space<hbm>> -> memref<100000x32xi32, #tpu.memory_space<hbm>>
        tpu.enqueue_indirect_dma source(%dma_start3A_505 : memref<100000x32xi32, #tpu.memory_space<hbm>>) target(%dma_start3A_499 : memref<256x32xi32, #tpu.memory_space<vmem>>) offsets(%dma_start3A_502 : memref<256xi32, #tpu.memory_space<vmem>>) semaphore(%arg8 : memref<!tpu.dma_semaphore, #tpu.memory_space<semaphore_mem>>)
      } else {
      }
    }
    %scan3A_30 = arith.constant 10 : i32
    %multiple_of3A = tpu.assume_multiple %mul3A_2, 256 : i32
    %add3A_31 = arith.constant 4608 : i32
    %add3A_32 = arith.addi %multiple_of3A, %add3A_31 : i32
    %jit3A = arith.constant 16384 : i32
    %div3A = arith.divsi %add3A_32, %jit3A : i32
    %sign3A = arith.constant 0 : i32
    %sign3A_33 = arith.cmpi sgt, %add3A_32, %sign3A : i32
    %sign3A_34 = arith.extui %sign3A_33 : i1 to i32
    %sign3A_35 = arith.constant 0 : i32
    %sign3A_36 = arith.cmpi slt, %add3A_32, %sign3A_35 : i32
    %sign3A_37 = arith.extui %sign3A_36 : i1 to i32
    %sign3A_38 = arith.subi %sign3A_34, %sign3A_37 : i32
    %sign3A_39 = arith.constant 0 : i32
    %sign3A_40 = arith.cmpi sgt, %jit3A, %sign3A_39 : i32
    %sign3A_41 = arith.extui %sign3A_40 : i1 to i32
    %sign3A_42 = arith.constant 0 : i32
    %sign3A_43 = arith.cmpi slt, %jit3A, %sign3A_42 : i32
    %sign3A_44 = arith.extui %sign3A_43 : i1 to i32
    %sign3A_45 = arith.subi %sign3A_41, %sign3A_44 : i32
    %ne3A = arith.cmpi ne, %sign3A_38, %sign3A_45 : i32
    %rem3A = arith.remsi %add3A_32, %jit3A : i32
    %ne3A_46 = arith.constant 0 : i32
    %ne3A_47 = arith.cmpi ne, %rem3A, %ne3A_46 : i32
    %and3A = arith.andi %ne3A, %ne3A_47 : i1
    %sub3A = arith.constant 1 : i32
    %sub3A_48 = arith.subi %div3A, %sub3A : i32
    %select_n3A = arith.select %and3A, %sub3A_48, %div3A : i32
    %jit3A_49 = arith.constant 16384 : i32
    %eq3A = arith.constant 0 : i32
    %eq3A_50 = arith.cmpi eq, %jit3A_49, %eq3A : i32
    %jit3A_51 = arith.constant 1 : i32
    %select_n3A_52 = arith.select %eq3A_50, %jit3A_51, %jit3A_49 : i32
    %rem3A_53 = arith.remsi %add3A_32, %select_n3A_52 : i32
    %ne3A_54 = arith.constant 0 : i32
    %ne3A_55 = arith.cmpi ne, %rem3A_53, %ne3A_54 : i32
    %lt3A = arith.constant 0 : i32
    %lt3A_56 = arith.cmpi slt, %rem3A_53, %lt3A : i32
    %lt3A_57 = arith.constant 0 : i32
    %lt3A_58 = arith.cmpi slt, %select_n3A_52, %lt3A_57 : i32
    %ne3A_59 = arith.xori %lt3A_56, %lt3A_58 : i1
    %and3A_60 = arith.andi %ne3A_59, %ne3A_55 : i1
    %add3A_61 = arith.addi %rem3A_53, %select_n3A_52 : i32
    %select_n3A_62 = arith.select %and3A_60, %add3A_61, %rem3A_53 : i32
    %jit3A_63 = arith.constant 4096 : i32
    %div3A_64 = arith.divsi %select_n3A_62, %jit3A_63 : i32
    %sign3A_65 = arith.constant 0 : i32
    %sign3A_66 = arith.cmpi sgt, %select_n3A_62, %sign3A_65 : i32
    %sign3A_67 = arith.extui %sign3A_66 : i1 to i32
    %sign3A_68 = arith.constant 0 : i32
    %sign3A_69 = arith.cmpi slt, %select_n3A_62, %sign3A_68 : i32
    %sign3A_70 = arith.extui %sign3A_69 : i1 to i32
    %sign3A_71 = arith.subi %sign3A_67, %sign3A_70 : i32
    %sign3A_72 = arith.constant 0 : i32
    %sign3A_73 = arith.cmpi sgt, %jit3A_63, %sign3A_72 : i32
    %sign3A_74 = arith.extui %sign3A_73 : i1 to i32
    %sign3A_75 = arith.constant 0 : i32
    %sign3A_76 = arith.cmpi slt, %jit3A_63, %sign3A_75 : i32
    %sign3A_77 = arith.extui %sign3A_76 : i1 to i32
    %sign3A_78 = arith.subi %sign3A_74, %sign3A_77 : i32
    %ne3A_79 = arith.cmpi ne, %sign3A_71, %sign3A_78 : i32
    %rem3A_80 = arith.remsi %select_n3A_62, %jit3A_63 : i32
    %ne3A_81 = arith.constant 0 : i32
    %ne3A_82 = arith.cmpi ne, %rem3A_80, %ne3A_81 : i32
    %and3A_83 = arith.andi %ne3A_79, %ne3A_82 : i1
    %sub3A_84 = arith.constant 1 : i32
    %sub3A_85 = arith.subi %div3A_64, %sub3A_84 : i32
    %select_n3A_86 = arith.select %and3A_83, %sub3A_85, %div3A_64 : i32
    %mul3A_87 = arith.constant 4096 : i32
    %mul3A_88 = arith.muli %select_n3A, %mul3A_87 : i32
    %add3A_89 = arith.addi %mul3A_88, %select_n3A_62 : i32
    %mul3A_90 = arith.constant 4096 : i32
    %mul3A_91 = arith.muli %select_n3A_86, %mul3A_90 : i32
    %sub3A_92 = arith.subi %add3A_89, %mul3A_91 : i32
    %mul3A_93 = arith.constant 32 : i32
    %mul3A_94 = arith.muli %select_n3A_86, %mul3A_93 : i32
    %dma_wait3A = arith.constant 0 : i32
    %dma_wait3A_95 = arith.constant 0 : i32
    %dma_wait3A_96 = arith.constant 0 : i32
    %dma_wait3A_97 = tpu.memref_slice %arg6[%dma_wait3A, %dma_wait3A_95, %dma_wait3A_96] : memref<2x256x32xi32, #tpu.memory_space<vmem>> -> memref<1x256x32xi32, #tpu.memory_space<vmem>>
    %dma_wait3A_98 = tpu.memref_squeeze %dma_wait3A_97 : memref<1x256x32xi32, #tpu.memory_space<vmem>> -> memref<256x32xi32, #tpu.memory_space<vmem>>
    %dma_wait3A_99 = tpu.memref_slice %arg4[%sub3A_92, %mul3A_94] : memref<40960x128xi32, #tpu.memory_space<hbm>> -> memref<256x32xi32, #tpu.memory_space<hbm>>
    %dma_wait3A_100 = tpu.memref_slice %arg4[%sub3A_92, %mul3A_94] : memref<40960x128xi32, #tpu.memory_space<hbm>> -> memref<256x32xi32, #tpu.memory_space<hbm>>
    %dma_wait3A_101 = arith.constant 0 : i32
    %dma_wait3A_102 = arith.constant 0 : i32
    %dma_wait3A_103 = tpu.memref_slice %arg6[%dma_wait3A, %dma_wait3A_101, %dma_wait3A_102] : memref<2x256x32xi32, #tpu.memory_space<vmem>> -> memref<1x256x32xi32, #tpu.memory_space<vmem>>
    %dma_wait3A_104 = tpu.memref_squeeze %dma_wait3A_103 : memref<1x256x32xi32, #tpu.memory_space<vmem>> -> memref<256x32xi32, #tpu.memory_space<vmem>>
    tpu.wait_dma2 semaphore(%arg9 : memref<!tpu.dma_semaphore, #tpu.memory_space<semaphore_mem>>) src(%dma_wait3A_104 : memref<256x32xi32, #tpu.memory_space<vmem>>) dst(%dma_wait3A_100 : memref<256x32xi32, #tpu.memory_space<hbm>>)
    %multiple_of3A_105 = tpu.assume_multiple %mul3A_2, 256 : i32
    %add3A_106 = arith.constant 4864 : i32
    %add3A_107 = arith.addi %multiple_of3A_105, %add3A_106 : i32
    %jit3A_108 = arith.constant 16384 : i32
    %div3A_109 = arith.divsi %add3A_107, %jit3A_108 : i32
    %sign3A_110 = arith.constant 0 : i32
    %sign3A_111 = arith.cmpi sgt, %add3A_107, %sign3A_110 : i32
    %sign3A_112 = arith.extui %sign3A_111 : i1 to i32
    %sign3A_113 = arith.constant 0 : i32
    %sign3A_114 = arith.cmpi slt, %add3A_107, %sign3A_113 : i32
    %sign3A_115 = arith.extui %sign3A_114 : i1 to i32
    %sign3A_116 = arith.subi %sign3A_112, %sign3A_115 : i32
    %sign3A_117 = arith.constant 0 : i32
    %sign3A_118 = arith.cmpi sgt, %jit3A_108, %sign3A_117 : i32
    %sign3A_119 = arith.extui %sign3A_118 : i1 to i32
    %sign3A_120 = arith.constant 0 : i32
    %sign3A_121 = arith.cmpi slt, %jit3A_108, %sign3A_120 : i32
    %sign3A_122 = arith.extui %sign3A_121 : i1 to i32
    %sign3A_123 = arith.subi %sign3A_119, %sign3A_122 : i32
    %ne3A_124 = arith.cmpi ne, %sign3A_116, %sign3A_123 : i32
    %rem3A_125 = arith.remsi %add3A_107, %jit3A_108 : i32
    %ne3A_126 = arith.constant 0 : i32
    %ne3A_127 = arith.cmpi ne, %rem3A_125, %ne3A_126 : i32
    %and3A_128 = arith.andi %ne3A_124, %ne3A_127 : i1
    %sub3A_129 = arith.constant 1 : i32
    %sub3A_130 = arith.subi %div3A_109, %sub3A_129 : i32
    %select_n3A_131 = arith.select %and3A_128, %sub3A_130, %div3A_109 : i32
    %jit3A_132 = arith.constant 16384 : i32
    %eq3A_133 = arith.constant 0 : i32
    %eq3A_134 = arith.cmpi eq, %jit3A_132, %eq3A_133 : i32
    %jit3A_135 = arith.constant 1 : i32
    %select_n3A_136 = arith.select %eq3A_134, %jit3A_135, %jit3A_132 : i32
    %rem3A_137 = arith.remsi %add3A_107, %select_n3A_136 : i32
    %ne3A_138 = arith.constant 0 : i32
    %ne3A_139 = arith.cmpi ne, %rem3A_137, %ne3A_138 : i32
    %lt3A_140 = arith.constant 0 : i32
    %lt3A_141 = arith.cmpi slt, %rem3A_137, %lt3A_140 : i32
    %lt3A_142 = arith.constant 0 : i32
    %lt3A_143 = arith.cmpi slt, %select_n3A_136, %lt3A_142 : i32
    %ne3A_144 = arith.xori %lt3A_141, %lt3A_143 : i1
    %and3A_145 = arith.andi %ne3A_144, %ne3A_139 : i1
    %add3A_146 = arith.addi %rem3A_137, %select_n3A_136 : i32
    %select_n3A_147 = arith.select %and3A_145, %add3A_146, %rem3A_137 : i32
    %jit3A_148 = arith.constant 4096 : i32
    %div3A_149 = arith.divsi %select_n3A_147, %jit3A_148 : i32
    %sign3A_150 = arith.constant 0 : i32
    %sign3A_151 = arith.cmpi sgt, %select_n3A_147, %sign3A_150 : i32
    %sign3A_152 = arith.extui %sign3A_151 : i1 to i32
    %sign3A_153 = arith.constant 0 : i32
    %sign3A_154 = arith.cmpi slt, %select_n3A_147, %sign3A_153 : i32
    %sign3A_155 = arith.extui %sign3A_154 : i1 to i32
    %sign3A_156 = arith.subi %sign3A_152, %sign3A_155 : i32
    %sign3A_157 = arith.constant 0 : i32
    %sign3A_158 = arith.cmpi sgt, %jit3A_148, %sign3A_157 : i32
    %sign3A_159 = arith.extui %sign3A_158 : i1 to i32
    %sign3A_160 = arith.constant 0 : i32
    %sign3A_161 = arith.cmpi slt, %jit3A_148, %sign3A_160 : i32
    %sign3A_162 = arith.extui %sign3A_161 : i1 to i32
    %sign3A_163 = arith.subi %sign3A_159, %sign3A_162 : i32
    %ne3A_164 = arith.cmpi ne, %sign3A_156, %sign3A_163 : i32
    %rem3A_165 = arith.remsi %select_n3A_147, %jit3A_148 : i32
    %ne3A_166 = arith.constant 0 : i32
    %ne3A_167 = arith.cmpi ne, %rem3A_165, %ne3A_166 : i32
    %and3A_168 = arith.andi %ne3A_164, %ne3A_167 : i1
    %sub3A_169 = arith.constant 1 : i32
    %sub3A_170 = arith.subi %div3A_149, %sub3A_169 : i32
    %select_n3A_171 = arith.select %and3A_168, %sub3A_170, %div3A_149 : i32
    %mul3A_172 = arith.constant 4096 : i32
    %mul3A_173 = arith.muli %select_n3A_131, %mul3A_172 : i32
    %add3A_174 = arith.addi %mul3A_173, %select_n3A_147 : i32
    %mul3A_175 = arith.constant 4096 : i32
    %mul3A_176 = arith.muli %select_n3A_171, %mul3A_175 : i32
    %sub3A_177 = arith.subi %add3A_174, %mul3A_176 : i32
    %mul3A_178 = arith.constant 32 : i32
    %mul3A_179 = arith.muli %select_n3A_171, %mul3A_178 : i32
    %dma_wait3A_180 = arith.constant 1 : i32
    %dma_wait3A_181 = arith.constant 0 : i32
    %dma_wait3A_182 = arith.constant 0 : i32
    %dma_wait3A_183 = tpu.memref_slice %arg6[%dma_wait3A_180, %dma_wait3A_181, %dma_wait3A_182] : memref<2x256x32xi32, #tpu.memory_space<vmem>> -> memref<1x256x32xi32, #tpu.memory_space<vmem>>
    %dma_wait3A_184 = tpu.memref_squeeze %dma_wait3A_183 : memref<1x256x32xi32, #tpu.memory_space<vmem>> -> memref<256x32xi32, #tpu.memory_space<vmem>>
    %dma_wait3A_185 = tpu.memref_slice %arg4[%sub3A_177, %mul3A_179] : memref<40960x128xi32, #tpu.memory_space<hbm>> -> memref<256x32xi32, #tpu.memory_space<hbm>>
    %dma_wait3A_186 = tpu.memref_slice %arg4[%sub3A_177, %mul3A_179] : memref<40960x128xi32, #tpu.memory_space<hbm>> -> memref<256x32xi32, #tpu.memory_space<hbm>>
    %dma_wait3A_187 = arith.constant 0 : i32
    %dma_wait3A_188 = arith.constant 0 : i32
    %dma_wait3A_189 = tpu.memref_slice %arg6[%dma_wait3A_180, %dma_wait3A_187, %dma_wait3A_188] : memref<2x256x32xi32, #tpu.memory_space<vmem>> -> memref<1x256x32xi32, #tpu.memory_space<vmem>>
    %dma_wait3A_190 = tpu.memref_squeeze %dma_wait3A_189 : memref<1x256x32xi32, #tpu.memory_space<vmem>> -> memref<256x32xi32, #tpu.memory_space<vmem>>
    tpu.wait_dma2 semaphore(%arg10 : memref<!tpu.dma_semaphore, #tpu.memory_space<semaphore_mem>>) src(%dma_wait3A_190 : memref<256x32xi32, #tpu.memory_space<vmem>>) dst(%dma_wait3A_186 : memref<256x32xi32, #tpu.memory_space<hbm>>)
    return
  }
}

#map = affine_map<(d0, d1) -> (0, 0)>
#map1 = affine_map<(d0, d1) -> (0, 0, 0)>
module attributes {stable_mosaic.version = 14 : i64} {
  func.func @gather(%arg0: i32, %arg1: i32, %arg2: memref<100000x32xi32, #tpu.memory_space<hbm>>, %arg3: memref<32x20x256xi32, #tpu.memory_space<hbm>>, %arg4: memref<40960x128xi32, #tpu.memory_space<hbm>>, %arg5: memref<20x256xi32, #tpu.memory_space<vmem>>, %arg6: memref<2x256x32xi32, #tpu.memory_space<vmem>>, %arg7: memref<!tpu.dma_semaphore, #tpu.memory_space<semaphore_mem>>, %arg8: memref<!tpu.dma_semaphore, #tpu.memory_space<semaphore_mem>>, %arg9: memref<!tpu.dma_semaphore, #tpu.memory_space<semaphore_mem>>, %arg10: memref<!tpu.dma_semaphore, #tpu.memory_space<semaphore_mem>>) attributes {dimension_semantics = [#tpu.dimension_semantics<core_parallel>, #tpu.dimension_semantics<subcore_parallel>], iteration_bounds = array<i64: 2, 16>, scalar_prefetch = 0 : i64, scratch_operands = 6 : i64, tpu.core_type = #tpu.core_type<sc_vector_subcore>, window_params = [{transform_indices = #map}, {transform_indices = #map1}, {transform_indices = #map}]} {
    %mul3A = arith.constant 2 : i32
    %mul3A_0 = arith.muli %arg1, %mul3A : i32
    %add3A = arith.addi %mul3A_0, %arg0 : i32
    %mul3A_1 = arith.constant 5120 : i32
    %mul3A_2 = arith.muli %add3A, %mul3A_1 : i32
    "tpu.region"() ({
      %run_scoped3A = tpu.sem_alloc : memref<!tpu.dma_semaphore, #tpu.memory_space<semaphore_mem>>
      %dma_start3A_191 = arith.constant 0 : i32
      %dma_start3A_192 = arith.constant 0 : i32
      %dma_start3A_193 = tpu.memref_slice %arg3[%add3A, %dma_start3A_191, %dma_start3A_192] : memref<32x20x256xi32, #tpu.memory_space<hbm>> -> memref<1x20x256xi32, #tpu.memory_space<hbm>>
      %dma_start3A_194 = tpu.memref_squeeze %dma_start3A_193 : memref<1x20x256xi32, #tpu.memory_space<hbm>> -> memref<20x256xi32, #tpu.memory_space<hbm>>
      %dma_start3A_195 = arith.constant 0 : i32
      %dma_start3A_196 = arith.constant 0 : i32
      %dma_start3A_197 = tpu.memref_slice %arg3[%add3A, %dma_start3A_195, %dma_start3A_196] : memref<32x20x256xi32, #tpu.memory_space<hbm>> -> memref<1x20x256xi32, #tpu.memory_space<hbm>>
      %dma_start3A_198 = tpu.memref_squeeze %dma_start3A_197 : memref<1x20x256xi32, #tpu.memory_space<hbm>> -> memref<20x256xi32, #tpu.memory_space<hbm>>
      tpu.enqueue_dma source(%dma_start3A_198 : memref<20x256xi32, #tpu.memory_space<hbm>>) target(%arg5 : memref<20x256xi32, #tpu.memory_space<vmem>>) target_semaphore(%run_scoped3A : memref<!tpu.dma_semaphore, #tpu.memory_space<semaphore_mem>>)
      %dma_wait3A_199 = arith.constant 0 : i32
      %dma_wait3A_200 = arith.constant 0 : i32
      %dma_wait3A_201 = tpu.memref_slice %arg3[%add3A, %dma_wait3A_199, %dma_wait3A_200] : memref<32x20x256xi32, #tpu.memory_space<hbm>> -> memref<1x20x256xi32, #tpu.memory_space<hbm>>
      %dma_wait3A_202 = tpu.memref_squeeze %dma_wait3A_201 : memref<1x20x256xi32, #tpu.memory_space<hbm>> -> memref<20x256xi32, #tpu.memory_space<hbm>>
      %dma_wait3A_203 = arith.constant 0 : i32
      %dma_wait3A_204 = arith.constant 0 : i32
      %dma_wait3A_205 = tpu.memref_slice %arg3[%add3A, %dma_wait3A_203, %dma_wait3A_204] : memref<32x20x256xi32, #tpu.memory_space<hbm>> -> memref<1x20x256xi32, #tpu.memory_space<hbm>>
      %dma_wait3A_206 = tpu.memref_squeeze %dma_wait3A_205 : memref<1x20x256xi32, #tpu.memory_space<hbm>> -> memref<20x256xi32, #tpu.memory_space<hbm>>
      tpu.wait_dma2 semaphore(%run_scoped3A : memref<!tpu.dma_semaphore, #tpu.memory_space<semaphore_mem>>) src(%dma_wait3A_206 : memref<20x256xi32, #tpu.memory_space<hbm>>) dst(%arg5 : memref<20x256xi32, #tpu.memory_space<vmem>>)
      tpu.yield
    }) : () -> ()
    %dma_start3A = arith.constant 0 : i32
    %dma_start3A_3 = arith.constant 0 : i32
    %dma_start3A_4 = arith.constant 0 : i32
    %dma_start3A_5 = arith.constant 0 : i32
    %dma_start3A_6 = tpu.memref_slice %arg6[%dma_start3A_3, %dma_start3A_4, %dma_start3A_5] : memref<2x256x32xi32, #tpu.memory_space<vmem>> -> memref<1x256x32xi32, #tpu.memory_space<vmem>>
    %dma_start3A_7 = tpu.memref_squeeze %dma_start3A_6 : memref<1x256x32xi32, #tpu.memory_space<vmem>> -> memref<256x32xi32, #tpu.memory_space<vmem>>
    %dma_start3A_8 = arith.constant 0 : i32
    %dma_start3A_9 = tpu.memref_slice %arg5[%dma_start3A, %dma_start3A_8] : memref<20x256xi32, #tpu.memory_space<vmem>> -> memref<1x256xi32, #tpu.memory_space<vmem>>
    %dma_start3A_10 = tpu.memref_squeeze %dma_start3A_9 : memref<1x256xi32, #tpu.memory_space<vmem>> -> memref<256xi32, #tpu.memory_space<vmem>>
    %dma_start3A_11 = arith.constant 0 : i32
    %dma_start3A_12 = arith.constant 0 : i32
    %dma_start3A_13 = tpu.memref_slice %arg2[%dma_start3A_11, %dma_start3A_12] : memref<100000x32xi32, #tpu.memory_space<hbm>> -> memref<100000x32xi32, #tpu.memory_space<hbm>>
    tpu.enqueue_indirect_dma source(%dma_start3A_13 : memref<100000x32xi32, #tpu.memory_space<hbm>>) target(%dma_start3A_7 : memref<256x32xi32, #tpu.memory_space<vmem>>) offsets(%dma_start3A_10 : memref<256xi32, #tpu.memory_space<vmem>>) semaphore(%arg7 : memref<!tpu.dma_semaphore, #tpu.memory_space<semaphore_mem>>)
    %dma_start3A_14 = arith.constant 1 : i32
    %dma_start3A_15 = arith.constant 1 : i32
    %dma_start3A_16 = arith.constant 0 : i32
    %dma_start3A_17 = arith.constant 0 : i32
    %dma_start3A_18 = tpu.memref_slice %arg6[%dma_start3A_15, %dma_start3A_16, %dma_start3A_17] : memref<2x256x32xi32, #tpu.memory_space<vmem>> -> memref<1x256x32xi32, #tpu.memory_space<vmem>>
    %dma_start3A_19 = tpu.memref_squeeze %dma_start3A_18 : memref<1x256x32xi32, #tpu.memory_space<vmem>> -> memref<256x32xi32, #tpu.memory_space<vmem>>
    %dma_start3A_20 = arith.constant 0 : i32
    %dma_start3A_21 = tpu.memref_slice %arg5[%dma_start3A_14, %dma_start3A_20] : memref<20x256xi32, #tpu.memory_space<vmem>> -> memref<1x256xi32, #tpu.memory_space<vmem>>
    %dma_start3A_22 = tpu.memref_squeeze %dma_start3A_21 : memref<1x256xi32, #tpu.memory_space<vmem>> -> memref<256xi32, #tpu.memory_space<vmem>>
    %dma_start3A_23 = arith.constant 0 : i32
    %dma_start3A_24 = arith.constant 0 : i32
    %dma_start3A_25 = tpu.memref_slice %arg2[%dma_start3A_23, %dma_start3A_24] : memref<100000x32xi32, #tpu.memory_space<hbm>> -> memref<100000x32xi32, #tpu.memory_space<hbm>>
    tpu.enqueue_indirect_dma source(%dma_start3A_25 : memref<100000x32xi32, #tpu.memory_space<hbm>>) target(%dma_start3A_19 : memref<256x32xi32, #tpu.memory_space<vmem>>) offsets(%dma_start3A_22 : memref<256xi32, #tpu.memory_space<vmem>>) semaphore(%arg8 : memref<!tpu.dma_semaphore, #tpu.memory_space<semaphore_mem>>)
    %scan3A = arith.constant 0 : i32
    %scan3A_26 = arith.constant 0 : i32
    %scan3A_27 = arith.constant 10 : i32
    %scan3A_28 = arith.addi %scan3A_26, %scan3A_27 : i32
    %scan3A_29 = arith.constant 1 : i32
    scf.for %scan3A_191 = %scan3A_26 to %scan3A_28 step %scan3A_29  : i32 {
      %mul3A_192 = arith.constant 2 : i32
      %mul3A_193 = arith.muli %scan3A_191, %mul3A_192 : i32
      %add3A_194 = arith.constant 0 : i32
      %add3A_195 = arith.addi %mul3A_193, %add3A_194 : i32
      %dma_wait3A_196 = arith.constant 0 : i32
      %dma_wait3A_197 = arith.constant 0 : i32
      %dma_wait3A_198 = arith.constant 0 : i32
      %dma_wait3A_199 = tpu.memref_slice %arg6[%dma_wait3A_196, %dma_wait3A_197, %dma_wait3A_198] : memref<2x256x32xi32, #tpu.memory_space<vmem>> -> memref<1x256x32xi32, #tpu.memory_space<vmem>>
      %dma_wait3A_200 = tpu.memref_squeeze %dma_wait3A_199 : memref<1x256x32xi32, #tpu.memory_space<vmem>> -> memref<256x32xi32, #tpu.memory_space<vmem>>
      %dma_wait3A_201 = arith.constant 0 : i32
      %dma_wait3A_202 = tpu.memref_slice %arg5[%add3A_195, %dma_wait3A_201] : memref<20x256xi32, #tpu.memory_space<vmem>> -> memref<1x256xi32, #tpu.memory_space<vmem>>
      %dma_wait3A_203 = tpu.memref_squeeze %dma_wait3A_202 : memref<1x256xi32, #tpu.memory_space<vmem>> -> memref<256xi32, #tpu.memory_space<vmem>>
      %dma_wait3A_204 = arith.constant 0 : i32
      %dma_wait3A_205 = arith.constant 0 : i32
      %dma_wait3A_206 = tpu.memref_slice %arg2[%dma_wait3A_204, %dma_wait3A_205] : memref<100000x32xi32, #tpu.memory_space<hbm>> -> memref<100000x32xi32, #tpu.memory_space<hbm>>
      tpu.wait_indirect_dma semaphore(%arg7 : memref<!tpu.dma_semaphore, #tpu.memory_space<semaphore_mem>>) src(%dma_wait3A_206 : memref<100000x32xi32, #tpu.memory_space<hbm>>) dst(%dma_wait3A_200 : memref<256x32xi32, #tpu.memory_space<vmem>>)
      %multiple_of3A_207 = tpu.assume_multiple %mul3A_2, 256 : i32
      %mul3A_208 = arith.constant 256 : i32
      %mul3A_209 = arith.muli %add3A_195, %mul3A_208 : i32
      %add3A_210 = arith.addi %multiple_of3A_207, %mul3A_209 : i32
      %jit3A_211 = arith.constant 16384 : i32
      %div3A_212 = arith.divsi %add3A_210, %jit3A_211 : i32
      %sign3A_213 = arith.constant 0 : i32
      %sign3A_214 = arith.cmpi sgt, %add3A_210, %sign3A_213 : i32
      %sign3A_215 = arith.extui %sign3A_214 : i1 to i32
      %sign3A_216 = arith.constant 0 : i32
      %sign3A_217 = arith.cmpi slt, %add3A_210, %sign3A_216 : i32
      %sign3A_218 = arith.extui %sign3A_217 : i1 to i32
      %sign3A_219 = arith.subi %sign3A_215, %sign3A_218 : i32
      %sign3A_220 = arith.constant 0 : i32
      %sign3A_221 = arith.cmpi sgt, %jit3A_211, %sign3A_220 : i32
      %sign3A_222 = arith.extui %sign3A_221 : i1 to i32
      %sign3A_223 = arith.constant 0 : i32
      %sign3A_224 = arith.cmpi slt, %jit3A_211, %sign3A_223 : i32
      %sign3A_225 = arith.extui %sign3A_224 : i1 to i32
      %sign3A_226 = arith.subi %sign3A_222, %sign3A_225 : i32
      %ne3A_227 = arith.cmpi ne, %sign3A_219, %sign3A_226 : i32
      %rem3A_228 = arith.remsi %add3A_210, %jit3A_211 : i32
      %ne3A_229 = arith.constant 0 : i32
      %ne3A_230 = arith.cmpi ne, %rem3A_228, %ne3A_229 : i32
      %and3A_231 = arith.andi %ne3A_227, %ne3A_230 : i1
      %sub3A_232 = arith.constant 1 : i32
      %sub3A_233 = arith.subi %div3A_212, %sub3A_232 : i32
      %select_n3A_234 = arith.select %and3A_231, %sub3A_233, %div3A_212 : i32
      %jit3A_235 = arith.constant 16384 : i32
      %eq3A_236 = arith.constant 0 : i32
      %eq3A_237 = arith.cmpi eq, %jit3A_235, %eq3A_236 : i32
      %jit3A_238 = arith.constant 1 : i32
      %select_n3A_239 = arith.select %eq3A_237, %jit3A_238, %jit3A_235 : i32
      %rem3A_240 = arith.remsi %add3A_210, %select_n3A_239 : i32
      %ne3A_241 = arith.constant 0 : i32
      %ne3A_242 = arith.cmpi ne, %rem3A_240, %ne3A_241 : i32
      %lt3A_243 = arith.constant 0 : i32
      %lt3A_244 = arith.cmpi slt, %rem3A_240, %lt3A_243 : i32
      %lt3A_245 = arith.constant 0 : i32
      %lt3A_246 = arith.cmpi slt, %select_n3A_239, %lt3A_245 : i32
      %ne3A_247 = arith.xori %lt3A_244, %lt3A_246 : i1
      %and3A_248 = arith.andi %ne3A_247, %ne3A_242 : i1
      %add3A_249 = arith.addi %rem3A_240, %select_n3A_239 : i32
      %select_n3A_250 = arith.select %and3A_248, %add3A_249, %rem3A_240 : i32
      %jit3A_251 = arith.constant 4096 : i32
      %div3A_252 = arith.divsi %select_n3A_250, %jit3A_251 : i32
      %sign3A_253 = arith.constant 0 : i32
      %sign3A_254 = arith.cmpi sgt, %select_n3A_250, %sign3A_253 : i32
      %sign3A_255 = arith.extui %sign3A_254 : i1 to i32
      %sign3A_256 = arith.constant 0 : i32
      %sign3A_257 = arith.cmpi slt, %select_n3A_250, %sign3A_256 : i32
      %sign3A_258 = arith.extui %sign3A_257 : i1 to i32
      %sign3A_259 = arith.subi %sign3A_255, %sign3A_258 : i32
      %sign3A_260 = arith.constant 0 : i32
      %sign3A_261 = arith.cmpi sgt, %jit3A_251, %sign3A_260 : i32
      %sign3A_262 = arith.extui %sign3A_261 : i1 to i32
      %sign3A_263 = arith.constant 0 : i32
      %sign3A_264 = arith.cmpi slt, %jit3A_251, %sign3A_263 : i32
      %sign3A_265 = arith.extui %sign3A_264 : i1 to i32
      %sign3A_266 = arith.subi %sign3A_262, %sign3A_265 : i32
      %ne3A_267 = arith.cmpi ne, %sign3A_259, %sign3A_266 : i32
      %rem3A_268 = arith.remsi %select_n3A_250, %jit3A_251 : i32
      %ne3A_269 = arith.constant 0 : i32
      %ne3A_270 = arith.cmpi ne, %rem3A_268, %ne3A_269 : i32
      %and3A_271 = arith.andi %ne3A_267, %ne3A_270 : i1
      %sub3A_272 = arith.constant 1 : i32
      %sub3A_273 = arith.subi %div3A_252, %sub3A_272 : i32
      %select_n3A_274 = arith.select %and3A_271, %sub3A_273, %div3A_252 : i32
      %mul3A_275 = arith.constant 4096 : i32
      %mul3A_276 = arith.muli %select_n3A_234, %mul3A_275 : i32
      %add3A_277 = arith.addi %mul3A_276, %select_n3A_250 : i32
      %mul3A_278 = arith.constant 4096 : i32
      %mul3A_279 = arith.muli %select_n3A_274, %mul3A_278 : i32
      %sub3A_280 = arith.subi %add3A_277, %mul3A_279 : i32
      %mul3A_281 = arith.constant 32 : i32
      %mul3A_282 = arith.muli %select_n3A_274, %mul3A_281 : i32
      %dma_start3A_283 = arith.constant 0 : i32
      %dma_start3A_284 = arith.constant 0 : i32
      %dma_start3A_285 = arith.constant 0 : i32
      %dma_start3A_286 = tpu.memref_slice %arg6[%dma_start3A_283, %dma_start3A_284, %dma_start3A_285] : memref<2x256x32xi32, #tpu.memory_space<vmem>> -> memref<1x256x32xi32, #tpu.memory_space<vmem>>
      %dma_start3A_287 = tpu.memref_squeeze %dma_start3A_286 : memref<1x256x32xi32, #tpu.memory_space<vmem>> -> memref<256x32xi32, #tpu.memory_space<vmem>>
      %dma_start3A_288 = tpu.memref_slice %arg4[%sub3A_280, %mul3A_282] : memref<40960x128xi32, #tpu.memory_space<hbm>> -> memref<256x32xi32, #tpu.memory_space<hbm>>
      %dma_start3A_289 = tpu.memref_slice %arg4[%sub3A_280, %mul3A_282] : memref<40960x128xi32, #tpu.memory_space<hbm>> -> memref<256x32xi32, #tpu.memory_space<hbm>>
      %dma_start3A_290 = arith.constant 0 : i32
      %dma_start3A_291 = arith.constant 0 : i32
      %dma_start3A_292 = tpu.memref_slice %arg6[%dma_start3A_283, %dma_start3A_290, %dma_start3A_291] : memref<2x256x32xi32, #tpu.memory_space<vmem>> -> memref<1x256x32xi32, #tpu.memory_space<vmem>>
      %dma_start3A_293 = tpu.memref_squeeze %dma_start3A_292 : memref<1x256x32xi32, #tpu.memory_space<vmem>> -> memref<256x32xi32, #tpu.memory_space<vmem>>
      tpu.enqueue_dma source(%dma_start3A_293 : memref<256x32xi32, #tpu.memory_space<vmem>>) target(%dma_start3A_289 : memref<256x32xi32, #tpu.memory_space<hbm>>) target_semaphore(%arg9 : memref<!tpu.dma_semaphore, #tpu.memory_space<semaphore_mem>>)
      %add3A_294 = arith.constant 2 : i32
      %add3A_295 = arith.addi %add3A_195, %add3A_294 : i32
      %lt3A_296 = arith.constant 20 : i32
      %lt3A_297 = arith.cmpi slt, %add3A_295, %lt3A_296 : i32
      %convert_element_type3A = arith.extui %lt3A_297 : i1 to i32
      %cond3A = arith.constant 0 : i32
      %cond3A_298 = arith.cmpi ne, %convert_element_type3A, %cond3A : i32
      scf.if %cond3A_298 {
        %multiple_of3A_408 = tpu.assume_multiple %mul3A_2, 256 : i32
        %mul3A_409 = arith.constant 256 : i32
        %mul3A_410 = arith.muli %add3A_195, %mul3A_409 : i32
        %add3A_411 = arith.addi %multiple_of3A_408, %mul3A_410 : i32
        %jit3A_412 = arith.constant 16384 : i32
        %div3A_413 = arith.divsi %add3A_411, %jit3A_412 : i32
        %sign3A_414 = arith.constant 0 : i32
        %sign3A_415 = arith.cmpi sgt, %add3A_411, %sign3A_414 : i32
        %sign3A_416 = arith.extui %sign3A_415 : i1 to i32
        %sign3A_417 = arith.constant 0 : i32
        %sign3A_418 = arith.cmpi slt, %add3A_411, %sign3A_417 : i32
        %sign3A_419 = arith.extui %sign3A_418 : i1 to i32
        %sign3A_420 = arith.subi %sign3A_416, %sign3A_419 : i32
        %sign3A_421 = arith.constant 0 : i32
        %sign3A_422 = arith.cmpi sgt, %jit3A_412, %sign3A_421 : i32
        %sign3A_423 = arith.extui %sign3A_422 : i1 to i32
        %sign3A_424 = arith.constant 0 : i32
        %sign3A_425 = arith.cmpi slt, %jit3A_412, %sign3A_424 : i32
        %sign3A_426 = arith.extui %sign3A_425 : i1 to i32
        %sign3A_427 = arith.subi %sign3A_423, %sign3A_426 : i32
        %ne3A_428 = arith.cmpi ne, %sign3A_420, %sign3A_427 : i32
        %rem3A_429 = arith.remsi %add3A_411, %jit3A_412 : i32
        %ne3A_430 = arith.constant 0 : i32
        %ne3A_431 = arith.cmpi ne, %rem3A_429, %ne3A_430 : i32
        %and3A_432 = arith.andi %ne3A_428, %ne3A_431 : i1
        %sub3A_433 = arith.constant 1 : i32
        %sub3A_434 = arith.subi %div3A_413, %sub3A_433 : i32
        %select_n3A_435 = arith.select %and3A_432, %sub3A_434, %div3A_413 : i32
        %jit3A_436 = arith.constant 16384 : i32
        %eq3A_437 = arith.constant 0 : i32
        %eq3A_438 = arith.cmpi eq, %jit3A_436, %eq3A_437 : i32
        %jit3A_439 = arith.constant 1 : i32
        %select_n3A_440 = arith.select %eq3A_438, %jit3A_439, %jit3A_436 : i32
        %rem3A_441 = arith.remsi %add3A_411, %select_n3A_440 : i32
        %ne3A_442 = arith.constant 0 : i32
        %ne3A_443 = arith.cmpi ne, %rem3A_441, %ne3A_442 : i32
        %lt3A_444 = arith.constant 0 : i32
        %lt3A_445 = arith.cmpi slt, %rem3A_441, %lt3A_444 : i32
        %lt3A_446 = arith.constant 0 : i32
        %lt3A_447 = arith.cmpi slt, %select_n3A_440, %lt3A_446 : i32
        %ne3A_448 = arith.xori %lt3A_445, %lt3A_447 : i1
        %and3A_449 = arith.andi %ne3A_448, %ne3A_443 : i1
        %add3A_450 = arith.addi %rem3A_441, %select_n3A_440 : i32
        %select_n3A_451 = arith.select %and3A_449, %add3A_450, %rem3A_441 : i32
        %jit3A_452 = arith.constant 4096 : i32
        %div3A_453 = arith.divsi %select_n3A_451, %jit3A_452 : i32
        %sign3A_454 = arith.constant 0 : i32
        %sign3A_455 = arith.cmpi sgt, %select_n3A_451, %sign3A_454 : i32
        %sign3A_456 = arith.extui %sign3A_455 : i1 to i32
        %sign3A_457 = arith.constant 0 : i32
        %sign3A_458 = arith.cmpi slt, %select_n3A_451, %sign3A_457 : i32
        %sign3A_459 = arith.extui %sign3A_458 : i1 to i32
        %sign3A_460 = arith.subi %sign3A_456, %sign3A_459 : i32
        %sign3A_461 = arith.constant 0 : i32
        %sign3A_462 = arith.cmpi sgt, %jit3A_452, %sign3A_461 : i32
        %sign3A_463 = arith.extui %sign3A_462 : i1 to i32
        %sign3A_464 = arith.constant 0 : i32
        %sign3A_465 = arith.cmpi slt, %jit3A_452, %sign3A_464 : i32
        %sign3A_466 = arith.extui %sign3A_465 : i1 to i32
        %sign3A_467 = arith.subi %sign3A_463, %sign3A_466 : i32
        %ne3A_468 = arith.cmpi ne, %sign3A_460, %sign3A_467 : i32
        %rem3A_469 = arith.remsi %select_n3A_451, %jit3A_452 : i32
        %ne3A_470 = arith.constant 0 : i32
        %ne3A_471 = arith.cmpi ne, %rem3A_469, %ne3A_470 : i32
        %and3A_472 = arith.andi %ne3A_468, %ne3A_471 : i1
        %sub3A_473 = arith.constant 1 : i32
        %sub3A_474 = arith.subi %div3A_453, %sub3A_473 : i32
        %select_n3A_475 = arith.select %and3A_472, %sub3A_474, %div3A_453 : i32
        %mul3A_476 = arith.constant 4096 : i32
        %mul3A_477 = arith.muli %select_n3A_435, %mul3A_476 : i32
        %add3A_478 = arith.addi %mul3A_477, %select_n3A_451 : i32
        %mul3A_479 = arith.constant 4096 : i32
        %mul3A_480 = arith.muli %select_n3A_475, %mul3A_479 : i32
        %sub3A_481 = arith.subi %add3A_478, %mul3A_480 : i32
        %mul3A_482 = arith.constant 32 : i32
        %mul3A_483 = arith.muli %select_n3A_475, %mul3A_482 : i32
        %dma_wait3A_484 = arith.constant 0 : i32
        %dma_wait3A_485 = arith.constant 0 : i32
        %dma_wait3A_486 = arith.constant 0 : i32
        %dma_wait3A_487 = tpu.memref_slice %arg6[%dma_wait3A_484, %dma_wait3A_485, %dma_wait3A_486] : memref<2x256x32xi32, #tpu.memory_space<vmem>> -> memref<1x256x32xi32, #tpu.memory_space<vmem>>
        %dma_wait3A_488 = tpu.memref_squeeze %dma_wait3A_487 : memref<1x256x32xi32, #tpu.memory_space<vmem>> -> memref<256x32xi32, #tpu.memory_space<vmem>>
        %dma_wait3A_489 = tpu.memref_slice %arg4[%sub3A_481, %mul3A_483] : memref<40960x128xi32, #tpu.memory_space<hbm>> -> memref<256x32xi32, #tpu.memory_space<hbm>>
        %dma_wait3A_490 = tpu.memref_slice %arg4[%sub3A_481, %mul3A_483] : memref<40960x128xi32, #tpu.memory_space<hbm>> -> memref<256x32xi32, #tpu.memory_space<hbm>>
        %dma_wait3A_491 = arith.constant 0 : i32
        %dma_wait3A_492 = arith.constant 0 : i32
        %dma_wait3A_493 = tpu.memref_slice %arg6[%dma_wait3A_484, %dma_wait3A_491, %dma_wait3A_492] : memref<2x256x32xi32, #tpu.memory_space<vmem>> -> memref<1x256x32xi32, #tpu.memory_space<vmem>>
        %dma_wait3A_494 = tpu.memref_squeeze %dma_wait3A_493 : memref<1x256x32xi32, #tpu.memory_space<vmem>> -> memref<256x32xi32, #tpu.memory_space<vmem>>
        tpu.wait_dma2 semaphore(%arg9 : memref<!tpu.dma_semaphore, #tpu.memory_space<semaphore_mem>>) src(%dma_wait3A_494 : memref<256x32xi32, #tpu.memory_space<vmem>>) dst(%dma_wait3A_490 : memref<256x32xi32, #tpu.memory_space<hbm>>)
        %dma_start3A_495 = arith.constant 0 : i32
        %dma_start3A_496 = arith.constant 0 : i32
        %dma_start3A_497 = arith.constant 0 : i32
        %dma_start3A_498 = tpu.memref_slice %arg6[%dma_start3A_495, %dma_start3A_496, %dma_start3A_497] : memref<2x256x32xi32, #tpu.memory_space<vmem>> -> memref<1x256x32xi32, #tpu.memory_space<vmem>>
        %dma_start3A_499 = tpu.memref_squeeze %dma_start3A_498 : memref<1x256x32xi32, #tpu.memory_space<vmem>> -> memref<256x32xi32, #tpu.memory_space<vmem>>
        %dma_start3A_500 = arith.constant 0 : i32
        %dma_start3A_501 = tpu.memref_slice %arg5[%add3A_295, %dma_start3A_500] : memref<20x256xi32, #tpu.memory_space<vmem>> -> memref<1x256xi32, #tpu.memory_space<vmem>>
        %dma_start3A_502 = tpu.memref_squeeze %dma_start3A_501 : memref<1x256xi32, #tpu.memory_space<vmem>> -> memref<256xi32, #tpu.memory_space<vmem>>
        %dma_start3A_503 = arith.constant 0 : i32
        %dma_start3A_504 = arith.constant 0 : i32
        %dma_start3A_505 = tpu.memref_slice %arg2[%dma_start3A_503, %dma_start3A_504] : memref<100000x32xi32, #tpu.memory_space<hbm>> -> memref<100000x32xi32, #tpu.memory_space<hbm>>
        tpu.enqueue_indirect_dma source(%dma_start3A_505 : memref<100000x32xi32, #tpu.memory_space<hbm>>) target(%dma_start3A_499 : memref<256x32xi32, #tpu.memory_space<vmem>>) offsets(%dma_start3A_502 : memref<256xi32, #tpu.memory_space<vmem>>) semaphore(%arg7 : memref<!tpu.dma_semaphore, #tpu.memory_space<semaphore_mem>>)
      } else {
      }
      %mul3A_299 = arith.constant 2 : i32
      %mul3A_300 = arith.muli %scan3A_191, %mul3A_299 : i32
      %add3A_301 = arith.constant 1 : i32
      %add3A_302 = arith.addi %mul3A_300, %add3A_301 : i32
      %dma_wait3A_303 = arith.constant 1 : i32
      %dma_wait3A_304 = arith.constant 0 : i32
      %dma_wait3A_305 = arith.constant 0 : i32
      %dma_wait3A_306 = tpu.memref_slice %arg6[%dma_wait3A_303, %dma_wait3A_304, %dma_wait3A_305] : memref<2x256x32xi32, #tpu.memory_space<vmem>> -> memref<1x256x32xi32, #tpu.memory_space<vmem>>
      %dma_wait3A_307 = tpu.memref_squeeze %dma_wait3A_306 : memref<1x256x32xi32, #tpu.memory_space<vmem>> -> memref<256x32xi32, #tpu.memory_space<vmem>>
      %dma_wait3A_308 = arith.constant 0 : i32
      %dma_wait3A_309 = tpu.memref_slice %arg5[%add3A_302, %dma_wait3A_308] : memref<20x256xi32, #tpu.memory_space<vmem>> -> memref<1x256xi32, #tpu.memory_space<vmem>>
      %dma_wait3A_310 = tpu.memref_squeeze %dma_wait3A_309 : memref<1x256xi32, #tpu.memory_space<vmem>> -> memref<256xi32, #tpu.memory_space<vmem>>
      %dma_wait3A_311 = arith.constant 0 : i32
      %dma_wait3A_312 = arith.constant 0 : i32
      %dma_wait3A_313 = tpu.memref_slice %arg2[%dma_wait3A_311, %dma_wait3A_312] : memref<100000x32xi32, #tpu.memory_space<hbm>> -> memref<100000x32xi32, #tpu.memory_space<hbm>>
      tpu.wait_indirect_dma semaphore(%arg8 : memref<!tpu.dma_semaphore, #tpu.memory_space<semaphore_mem>>) src(%dma_wait3A_313 : memref<100000x32xi32, #tpu.memory_space<hbm>>) dst(%dma_wait3A_307 : memref<256x32xi32, #tpu.memory_space<vmem>>)
      %multiple_of3A_314 = tpu.assume_multiple %mul3A_2, 256 : i32
      %mul3A_315 = arith.constant 256 : i32
      %mul3A_316 = arith.muli %add3A_302, %mul3A_315 : i32
      %add3A_317 = arith.addi %multiple_of3A_314, %mul3A_316 : i32
      %jit3A_318 = arith.constant 16384 : i32
      %div3A_319 = arith.divsi %add3A_317, %jit3A_318 : i32
      %sign3A_320 = arith.constant 0 : i32
      %sign3A_321 = arith.cmpi sgt, %add3A_317, %sign3A_320 : i32
      %sign3A_322 = arith.extui %sign3A_321 : i1 to i32
      %sign3A_323 = arith.constant 0 : i32
      %sign3A_324 = arith.cmpi slt, %add3A_317, %sign3A_323 : i32
      %sign3A_325 = arith.extui %sign3A_324 : i1 to i32
      %sign3A_326 = arith.subi %sign3A_322, %sign3A_325 : i32
      %sign3A_327 = arith.constant 0 : i32
      %sign3A_328 = arith.cmpi sgt, %jit3A_318, %sign3A_327 : i32
      %sign3A_329 = arith.extui %sign3A_328 : i1 to i32
      %sign3A_330 = arith.constant 0 : i32
      %sign3A_331 = arith.cmpi slt, %jit3A_318, %sign3A_330 : i32
      %sign3A_332 = arith.extui %sign3A_331 : i1 to i32
      %sign3A_333 = arith.subi %sign3A_329, %sign3A_332 : i32
      %ne3A_334 = arith.cmpi ne, %sign3A_326, %sign3A_333 : i32
      %rem3A_335 = arith.remsi %add3A_317, %jit3A_318 : i32
      %ne3A_336 = arith.constant 0 : i32
      %ne3A_337 = arith.cmpi ne, %rem3A_335, %ne3A_336 : i32
      %and3A_338 = arith.andi %ne3A_334, %ne3A_337 : i1
      %sub3A_339 = arith.constant 1 : i32
      %sub3A_340 = arith.subi %div3A_319, %sub3A_339 : i32
      %select_n3A_341 = arith.select %and3A_338, %sub3A_340, %div3A_319 : i32
      %jit3A_342 = arith.constant 16384 : i32
      %eq3A_343 = arith.constant 0 : i32
      %eq3A_344 = arith.cmpi eq, %jit3A_342, %eq3A_343 : i32
      %jit3A_345 = arith.constant 1 : i32
      %select_n3A_346 = arith.select %eq3A_344, %jit3A_345, %jit3A_342 : i32
      %rem3A_347 = arith.remsi %add3A_317, %select_n3A_346 : i32
      %ne3A_348 = arith.constant 0 : i32
      %ne3A_349 = arith.cmpi ne, %rem3A_347, %ne3A_348 : i32
      %lt3A_350 = arith.constant 0 : i32
      %lt3A_351 = arith.cmpi slt, %rem3A_347, %lt3A_350 : i32
      %lt3A_352 = arith.constant 0 : i32
      %lt3A_353 = arith.cmpi slt, %select_n3A_346, %lt3A_352 : i32
      %ne3A_354 = arith.xori %lt3A_351, %lt3A_353 : i1
      %and3A_355 = arith.andi %ne3A_354, %ne3A_349 : i1
      %add3A_356 = arith.addi %rem3A_347, %select_n3A_346 : i32
      %select_n3A_357 = arith.select %and3A_355, %add3A_356, %rem3A_347 : i32
      %jit3A_358 = arith.constant 4096 : i32
      %div3A_359 = arith.divsi %select_n3A_357, %jit3A_358 : i32
      %sign3A_360 = arith.constant 0 : i32
      %sign3A_361 = arith.cmpi sgt, %select_n3A_357, %sign3A_360 : i32
      %sign3A_362 = arith.extui %sign3A_361 : i1 to i32
      %sign3A_363 = arith.constant 0 : i32
      %sign3A_364 = arith.cmpi slt, %select_n3A_357, %sign3A_363 : i32
      %sign3A_365 = arith.extui %sign3A_364 : i1 to i32
      %sign3A_366 = arith.subi %sign3A_362, %sign3A_365 : i32
      %sign3A_367 = arith.constant 0 : i32
      %sign3A_368 = arith.cmpi sgt, %jit3A_358, %sign3A_367 : i32
      %sign3A_369 = arith.extui %sign3A_368 : i1 to i32
      %sign3A_370 = arith.constant 0 : i32
      %sign3A_371 = arith.cmpi slt, %jit3A_358, %sign3A_370 : i32
      %sign3A_372 = arith.extui %sign3A_371 : i1 to i32
      %sign3A_373 = arith.subi %sign3A_369, %sign3A_372 : i32
      %ne3A_374 = arith.cmpi ne, %sign3A_366, %sign3A_373 : i32
      %rem3A_375 = arith.remsi %select_n3A_357, %jit3A_358 : i32
      %ne3A_376 = arith.constant 0 : i32
      %ne3A_377 = arith.cmpi ne, %rem3A_375, %ne3A_376 : i32
      %and3A_378 = arith.andi %ne3A_374, %ne3A_377 : i1
      %sub3A_379 = arith.constant 1 : i32
      %sub3A_380 = arith.subi %div3A_359, %sub3A_379 : i32
      %select_n3A_381 = arith.select %and3A_378, %sub3A_380, %div3A_359 : i32
      %mul3A_382 = arith.constant 4096 : i32
      %mul3A_383 = arith.muli %select_n3A_341, %mul3A_382 : i32
      %add3A_384 = arith.addi %mul3A_383, %select_n3A_357 : i32
      %mul3A_385 = arith.constant 4096 : i32
      %mul3A_386 = arith.muli %select_n3A_381, %mul3A_385 : i32
      %sub3A_387 = arith.subi %add3A_384, %mul3A_386 : i32
      %mul3A_388 = arith.constant 32 : i32
      %mul3A_389 = arith.muli %select_n3A_381, %mul3A_388 : i32
      %dma_start3A_390 = arith.constant 1 : i32
      %dma_start3A_391 = arith.constant 0 : i32
      %dma_start3A_392 = arith.constant 0 : i32
      %dma_start3A_393 = tpu.memref_slice %arg6[%dma_start3A_390, %dma_start3A_391, %dma_start3A_392] : memref<2x256x32xi32, #tpu.memory_space<vmem>> -> memref<1x256x32xi32, #tpu.memory_space<vmem>>
      %dma_start3A_394 = tpu.memref_squeeze %dma_start3A_393 : memref<1x256x32xi32, #tpu.memory_space<vmem>> -> memref<256x32xi32, #tpu.memory_space<vmem>>
      %dma_start3A_395 = tpu.memref_slice %arg4[%sub3A_387, %mul3A_389] : memref<40960x128xi32, #tpu.memory_space<hbm>> -> memref<256x32xi32, #tpu.memory_space<hbm>>
      %dma_start3A_396 = tpu.memref_slice %arg4[%sub3A_387, %mul3A_389] : memref<40960x128xi32, #tpu.memory_space<hbm>> -> memref<256x32xi32, #tpu.memory_space<hbm>>
      %dma_start3A_397 = arith.constant 0 : i32
      %dma_start3A_398 = arith.constant 0 : i32
      %dma_start3A_399 = tpu.memref_slice %arg6[%dma_start3A_390, %dma_start3A_397, %dma_start3A_398] : memref<2x256x32xi32, #tpu.memory_space<vmem>> -> memref<1x256x32xi32, #tpu.memory_space<vmem>>
      %dma_start3A_400 = tpu.memref_squeeze %dma_start3A_399 : memref<1x256x32xi32, #tpu.memory_space<vmem>> -> memref<256x32xi32, #tpu.memory_space<vmem>>
      tpu.enqueue_dma source(%dma_start3A_400 : memref<256x32xi32, #tpu.memory_space<vmem>>) target(%dma_start3A_396 : memref<256x32xi32, #tpu.memory_space<hbm>>) target_semaphore(%arg10 : memref<!tpu.dma_semaphore, #tpu.memory_space<semaphore_mem>>)
      %add3A_401 = arith.constant 2 : i32
      %add3A_402 = arith.addi %add3A_302, %add3A_401 : i32
      %lt3A_403 = arith.constant 20 : i32
      %lt3A_404 = arith.cmpi slt, %add3A_402, %lt3A_403 : i32
      %convert_element_type3A_405 = arith.extui %lt3A_404 : i1 to i32
      %cond3A_406 = arith.constant 0 : i32
      %cond3A_407 = arith.cmpi ne, %convert_element_type3A_405, %cond3A_406 : i32
      scf.if %cond3A_407 {
        %multiple_of3A_408 = tpu.assume_multiple %mul3A_2, 256 : i32
        %mul3A_409 = arith.constant 256 : i32
        %mul3A_410 = arith.muli %add3A_302, %mul3A_409 : i32
        %add3A_411 = arith.addi %multiple_of3A_408, %mul3A_410 : i32
        %jit3A_412 = arith.constant 16384 : i32
        %div3A_413 = arith.divsi %add3A_411, %jit3A_412 : i32
        %sign3A_414 = arith.constant 0 : i32
        %sign3A_415 = arith.cmpi sgt, %add3A_411, %sign3A_414 : i32
        %sign3A_416 = arith.extui %sign3A_415 : i1 to i32
        %sign3A_417 = arith.constant 0 : i32
        %sign3A_418 = arith.cmpi slt, %add3A_411, %sign3A_417 : i32
        %sign3A_419 = arith.extui %sign3A_418 : i1 to i32
        %sign3A_420 = arith.subi %sign3A_416, %sign3A_419 : i32
        %sign3A_421 = arith.constant 0 : i32
        %sign3A_422 = arith.cmpi sgt, %jit3A_412, %sign3A_421 : i32
        %sign3A_423 = arith.extui %sign3A_422 : i1 to i32
        %sign3A_424 = arith.constant 0 : i32
        %sign3A_425 = arith.cmpi slt, %jit3A_412, %sign3A_424 : i32
        %sign3A_426 = arith.extui %sign3A_425 : i1 to i32
        %sign3A_427 = arith.subi %sign3A_423, %sign3A_426 : i32
        %ne3A_428 = arith.cmpi ne, %sign3A_420, %sign3A_427 : i32
        %rem3A_429 = arith.remsi %add3A_411, %jit3A_412 : i32
        %ne3A_430 = arith.constant 0 : i32
        %ne3A_431 = arith.cmpi ne, %rem3A_429, %ne3A_430 : i32
        %and3A_432 = arith.andi %ne3A_428, %ne3A_431 : i1
        %sub3A_433 = arith.constant 1 : i32
        %sub3A_434 = arith.subi %div3A_413, %sub3A_433 : i32
        %select_n3A_435 = arith.select %and3A_432, %sub3A_434, %div3A_413 : i32
        %jit3A_436 = arith.constant 16384 : i32
        %eq3A_437 = arith.constant 0 : i32
        %eq3A_438 = arith.cmpi eq, %jit3A_436, %eq3A_437 : i32
        %jit3A_439 = arith.constant 1 : i32
        %select_n3A_440 = arith.select %eq3A_438, %jit3A_439, %jit3A_436 : i32
        %rem3A_441 = arith.remsi %add3A_411, %select_n3A_440 : i32
        %ne3A_442 = arith.constant 0 : i32
        %ne3A_443 = arith.cmpi ne, %rem3A_441, %ne3A_442 : i32
        %lt3A_444 = arith.constant 0 : i32
        %lt3A_445 = arith.cmpi slt, %rem3A_441, %lt3A_444 : i32
        %lt3A_446 = arith.constant 0 : i32
        %lt3A_447 = arith.cmpi slt, %select_n3A_440, %lt3A_446 : i32
        %ne3A_448 = arith.xori %lt3A_445, %lt3A_447 : i1
        %and3A_449 = arith.andi %ne3A_448, %ne3A_443 : i1
        %add3A_450 = arith.addi %rem3A_441, %select_n3A_440 : i32
        %select_n3A_451 = arith.select %and3A_449, %add3A_450, %rem3A_441 : i32
        %jit3A_452 = arith.constant 4096 : i32
        %div3A_453 = arith.divsi %select_n3A_451, %jit3A_452 : i32
        %sign3A_454 = arith.constant 0 : i32
        %sign3A_455 = arith.cmpi sgt, %select_n3A_451, %sign3A_454 : i32
        %sign3A_456 = arith.extui %sign3A_455 : i1 to i32
        %sign3A_457 = arith.constant 0 : i32
        %sign3A_458 = arith.cmpi slt, %select_n3A_451, %sign3A_457 : i32
        %sign3A_459 = arith.extui %sign3A_458 : i1 to i32
        %sign3A_460 = arith.subi %sign3A_456, %sign3A_459 : i32
        %sign3A_461 = arith.constant 0 : i32
        %sign3A_462 = arith.cmpi sgt, %jit3A_452, %sign3A_461 : i32
        %sign3A_463 = arith.extui %sign3A_462 : i1 to i32
        %sign3A_464 = arith.constant 0 : i32
        %sign3A_465 = arith.cmpi slt, %jit3A_452, %sign3A_464 : i32
        %sign3A_466 = arith.extui %sign3A_465 : i1 to i32
        %sign3A_467 = arith.subi %sign3A_463, %sign3A_466 : i32
        %ne3A_468 = arith.cmpi ne, %sign3A_460, %sign3A_467 : i32
        %rem3A_469 = arith.remsi %select_n3A_451, %jit3A_452 : i32
        %ne3A_470 = arith.constant 0 : i32
        %ne3A_471 = arith.cmpi ne, %rem3A_469, %ne3A_470 : i32
        %and3A_472 = arith.andi %ne3A_468, %ne3A_471 : i1
        %sub3A_473 = arith.constant 1 : i32
        %sub3A_474 = arith.subi %div3A_453, %sub3A_473 : i32
        %select_n3A_475 = arith.select %and3A_472, %sub3A_474, %div3A_453 : i32
        %mul3A_476 = arith.constant 4096 : i32
        %mul3A_477 = arith.muli %select_n3A_435, %mul3A_476 : i32
        %add3A_478 = arith.addi %mul3A_477, %select_n3A_451 : i32
        %mul3A_479 = arith.constant 4096 : i32
        %mul3A_480 = arith.muli %select_n3A_475, %mul3A_479 : i32
        %sub3A_481 = arith.subi %add3A_478, %mul3A_480 : i32
        %mul3A_482 = arith.constant 32 : i32
        %mul3A_483 = arith.muli %select_n3A_475, %mul3A_482 : i32
        %dma_wait3A_484 = arith.constant 1 : i32
        %dma_wait3A_485 = arith.constant 0 : i32
        %dma_wait3A_486 = arith.constant 0 : i32
        %dma_wait3A_487 = tpu.memref_slice %arg6[%dma_wait3A_484, %dma_wait3A_485, %dma_wait3A_486] : memref<2x256x32xi32, #tpu.memory_space<vmem>> -> memref<1x256x32xi32, #tpu.memory_space<vmem>>
        %dma_wait3A_488 = tpu.memref_squeeze %dma_wait3A_487 : memref<1x256x32xi32, #tpu.memory_space<vmem>> -> memref<256x32xi32, #tpu.memory_space<vmem>>
        %dma_wait3A_489 = tpu.memref_slice %arg4[%sub3A_481, %mul3A_483] : memref<40960x128xi32, #tpu.memory_space<hbm>> -> memref<256x32xi32, #tpu.memory_space<hbm>>
        %dma_wait3A_490 = tpu.memref_slice %arg4[%sub3A_481, %mul3A_483] : memref<40960x128xi32, #tpu.memory_space<hbm>> -> memref<256x32xi32, #tpu.memory_space<hbm>>
        %dma_wait3A_491 = arith.constant 0 : i32
        %dma_wait3A_492 = arith.constant 0 : i32
        %dma_wait3A_493 = tpu.memref_slice %arg6[%dma_wait3A_484, %dma_wait3A_491, %dma_wait3A_492] : memref<2x256x32xi32, #tpu.memory_space<vmem>> -> memref<1x256x32xi32, #tpu.memory_space<vmem>>
        %dma_wait3A_494 = tpu.memref_squeeze %dma_wait3A_493 : memref<1x256x32xi32, #tpu.memory_space<vmem>> -> memref<256x32xi32, #tpu.memory_space<vmem>>
        tpu.wait_dma2 semaphore(%arg10 : memref<!tpu.dma_semaphore, #tpu.memory_space<semaphore_mem>>) src(%dma_wait3A_494 : memref<256x32xi32, #tpu.memory_space<vmem>>) dst(%dma_wait3A_490 : memref<256x32xi32, #tpu.memory_space<hbm>>)
        %dma_start3A_495 = arith.constant 1 : i32
        %dma_start3A_496 = arith.constant 0 : i32
        %dma_start3A_497 = arith.constant 0 : i32
        %dma_start3A_498 = tpu.memref_slice %arg6[%dma_start3A_495, %dma_start3A_496, %dma_start3A_497] : memref<2x256x32xi32, #tpu.memory_space<vmem>> -> memref<1x256x32xi32, #tpu.memory_space<vmem>>
        %dma_start3A_499 = tpu.memref_squeeze %dma_start3A_498 : memref<1x256x32xi32, #tpu.memory_space<vmem>> -> memref<256x32xi32, #tpu.memory_space<vmem>>
        %dma_start3A_500 = arith.constant 0 : i32
        %dma_start3A_501 = tpu.memref_slice %arg5[%add3A_402, %dma_start3A_500] : memref<20x256xi32, #tpu.memory_space<vmem>> -> memref<1x256xi32, #tpu.memory_space<vmem>>
        %dma_start3A_502 = tpu.memref_squeeze %dma_start3A_501 : memref<1x256xi32, #tpu.memory_space<vmem>> -> memref<256xi32, #tpu.memory_space<vmem>>
        %dma_start3A_503 = arith.constant 0 : i32
        %dma_start3A_504 = arith.constant 0 : i32
        %dma_start3A_505 = tpu.memref_slice %arg2[%dma_start3A_503, %dma_start3A_504] : memref<100000x32xi32, #tpu.memory_space<hbm>> -> memref<100000x32xi32, #tpu.memory_space<hbm>>
        tpu.enqueue_indirect_dma source(%dma_start3A_505 : memref<100000x32xi32, #tpu.memory_space<hbm>>) target(%dma_start3A_499 : memref<256x32xi32, #tpu.memory_space<vmem>>) offsets(%dma_start3A_502 : memref<256xi32, #tpu.memory_space<vmem>>) semaphore(%arg8 : memref<!tpu.dma_semaphore, #tpu.memory_space<semaphore_mem>>)
      } else {
      }
    }
    %scan3A_30 = arith.constant 10 : i32
    %multiple_of3A = tpu.assume_multiple %mul3A_2, 256 : i32
    %add3A_31 = arith.constant 4608 : i32
    %add3A_32 = arith.addi %multiple_of3A, %add3A_31 : i32
    %jit3A = arith.constant 16384 : i32
    %div3A = arith.divsi %add3A_32, %jit3A : i32
    %sign3A = arith.constant 0 : i32
    %sign3A_33 = arith.cmpi sgt, %add3A_32, %sign3A : i32
    %sign3A_34 = arith.extui %sign3A_33 : i1 to i32
    %sign3A_35 = arith.constant 0 : i32
    %sign3A_36 = arith.cmpi slt, %add3A_32, %sign3A_35 : i32
    %sign3A_37 = arith.extui %sign3A_36 : i1 to i32
    %sign3A_38 = arith.subi %sign3A_34, %sign3A_37 : i32
    %sign3A_39 = arith.constant 0 : i32
    %sign3A_40 = arith.cmpi sgt, %jit3A, %sign3A_39 : i32
    %sign3A_41 = arith.extui %sign3A_40 : i1 to i32
    %sign3A_42 = arith.constant 0 : i32
    %sign3A_43 = arith.cmpi slt, %jit3A, %sign3A_42 : i32
    %sign3A_44 = arith.extui %sign3A_43 : i1 to i32
    %sign3A_45 = arith.subi %sign3A_41, %sign3A_44 : i32
    %ne3A = arith.cmpi ne, %sign3A_38, %sign3A_45 : i32
    %rem3A = arith.remsi %add3A_32, %jit3A : i32
    %ne3A_46 = arith.constant 0 : i32
    %ne3A_47 = arith.cmpi ne, %rem3A, %ne3A_46 : i32
    %and3A = arith.andi %ne3A, %ne3A_47 : i1
    %sub3A = arith.constant 1 : i32
    %sub3A_48 = arith.subi %div3A, %sub3A : i32
    %select_n3A = arith.select %and3A, %sub3A_48, %div3A : i32
    %jit3A_49 = arith.constant 16384 : i32
    %eq3A = arith.constant 0 : i32
    %eq3A_50 = arith.cmpi eq, %jit3A_49, %eq3A : i32
    %jit3A_51 = arith.constant 1 : i32
    %select_n3A_52 = arith.select %eq3A_50, %jit3A_51, %jit3A_49 : i32
    %rem3A_53 = arith.remsi %add3A_32, %select_n3A_52 : i32
    %ne3A_54 = arith.constant 0 : i32
    %ne3A_55 = arith.cmpi ne, %rem3A_53, %ne3A_54 : i32
    %lt3A = arith.constant 0 : i32
    %lt3A_56 = arith.cmpi slt, %rem3A_53, %lt3A : i32
    %lt3A_57 = arith.constant 0 : i32
    %lt3A_58 = arith.cmpi slt, %select_n3A_52, %lt3A_57 : i32
    %ne3A_59 = arith.xori %lt3A_56, %lt3A_58 : i1
    %and3A_60 = arith.andi %ne3A_59, %ne3A_55 : i1
    %add3A_61 = arith.addi %rem3A_53, %select_n3A_52 : i32
    %select_n3A_62 = arith.select %and3A_60, %add3A_61, %rem3A_53 : i32
    %jit3A_63 = arith.constant 4096 : i32
    %div3A_64 = arith.divsi %select_n3A_62, %jit3A_63 : i32
    %sign3A_65 = arith.constant 0 : i32
    %sign3A_66 = arith.cmpi sgt, %select_n3A_62, %sign3A_65 : i32
    %sign3A_67 = arith.extui %sign3A_66 : i1 to i32
    %sign3A_68 = arith.constant 0 : i32
    %sign3A_69 = arith.cmpi slt, %select_n3A_62, %sign3A_68 : i32
    %sign3A_70 = arith.extui %sign3A_69 : i1 to i32
    %sign3A_71 = arith.subi %sign3A_67, %sign3A_70 : i32
    %sign3A_72 = arith.constant 0 : i32
    %sign3A_73 = arith.cmpi sgt, %jit3A_63, %sign3A_72 : i32
    %sign3A_74 = arith.extui %sign3A_73 : i1 to i32
    %sign3A_75 = arith.constant 0 : i32
    %sign3A_76 = arith.cmpi slt, %jit3A_63, %sign3A_75 : i32
    %sign3A_77 = arith.extui %sign3A_76 : i1 to i32
    %sign3A_78 = arith.subi %sign3A_74, %sign3A_77 : i32
    %ne3A_79 = arith.cmpi ne, %sign3A_71, %sign3A_78 : i32
    %rem3A_80 = arith.remsi %select_n3A_62, %jit3A_63 : i32
    %ne3A_81 = arith.constant 0 : i32
    %ne3A_82 = arith.cmpi ne, %rem3A_80, %ne3A_81 : i32
    %and3A_83 = arith.andi %ne3A_79, %ne3A_82 : i1
    %sub3A_84 = arith.constant 1 : i32
    %sub3A_85 = arith.subi %div3A_64, %sub3A_84 : i32
    %select_n3A_86 = arith.select %and3A_83, %sub3A_85, %div3A_64 : i32
    %mul3A_87 = arith.constant 4096 : i32
    %mul3A_88 = arith.muli %select_n3A, %mul3A_87 : i32
    %add3A_89 = arith.addi %mul3A_88, %select_n3A_62 : i32
    %mul3A_90 = arith.constant 4096 : i32
    %mul3A_91 = arith.muli %select_n3A_86, %mul3A_90 : i32
    %sub3A_92 = arith.subi %add3A_89, %mul3A_91 : i32
    %mul3A_93 = arith.constant 32 : i32
    %mul3A_94 = arith.muli %select_n3A_86, %mul3A_93 : i32
    %dma_wait3A = arith.constant 0 : i32
    %dma_wait3A_95 = arith.constant 0 : i32
    %dma_wait3A_96 = arith.constant 0 : i32
    %dma_wait3A_97 = tpu.memref_slice %arg6[%dma_wait3A, %dma_wait3A_95, %dma_wait3A_96] : memref<2x256x32xi32, #tpu.memory_space<vmem>> -> memref<1x256x32xi32, #tpu.memory_space<vmem>>
    %dma_wait3A_98 = tpu.memref_squeeze %dma_wait3A_97 : memref<1x256x32xi32, #tpu.memory_space<vmem>> -> memref<256x32xi32, #tpu.memory_space<vmem>>
    %dma_wait3A_99 = tpu.memref_slice %arg4[%sub3A_92, %mul3A_94] : memref<40960x128xi32, #tpu.memory_space<hbm>> -> memref<256x32xi32, #tpu.memory_space<hbm>>
    %dma_wait3A_100 = tpu.memref_slice %arg4[%sub3A_92, %mul3A_94] : memref<40960x128xi32, #tpu.memory_space<hbm>> -> memref<256x32xi32, #tpu.memory_space<hbm>>
    %dma_wait3A_101 = arith.constant 0 : i32
    %dma_wait3A_102 = arith.constant 0 : i32
    %dma_wait3A_103 = tpu.memref_slice %arg6[%dma_wait3A, %dma_wait3A_101, %dma_wait3A_102] : memref<2x256x32xi32, #tpu.memory_space<vmem>> -> memref<1x256x32xi32, #tpu.memory_space<vmem>>
    %dma_wait3A_104 = tpu.memref_squeeze %dma_wait3A_103 : memref<1x256x32xi32, #tpu.memory_space<vmem>> -> memref<256x32xi32, #tpu.memory_space<vmem>>
    tpu.wait_dma2 semaphore(%arg9 : memref<!tpu.dma_semaphore, #tpu.memory_space<semaphore_mem>>) src(%dma_wait3A_104 : memref<256x32xi32, #tpu.memory_space<vmem>>) dst(%dma_wait3A_100 : memref<256x32xi32, #tpu.memory_space<hbm>>)
    %multiple_of3A_105 = tpu.assume_multiple %mul3A_2, 256 : i32
    %add3A_106 = arith.constant 4864 : i32
    %add3A_107 = arith.addi %multiple_of3A_105, %add3A_106 : i32
    %jit3A_108 = arith.constant 16384 : i32
    %div3A_109 = arith.divsi %add3A_107, %jit3A_108 : i32
    %sign3A_110 = arith.constant 0 : i32
    %sign3A_111 = arith.cmpi sgt, %add3A_107, %sign3A_110 : i32
    %sign3A_112 = arith.extui %sign3A_111 : i1 to i32
    %sign3A_113 = arith.constant 0 : i32
    %sign3A_114 = arith.cmpi slt, %add3A_107, %sign3A_113 : i32
    %sign3A_115 = arith.extui %sign3A_114 : i1 to i32
    %sign3A_116 = arith.subi %sign3A_112, %sign3A_115 : i32
    %sign3A_117 = arith.constant 0 : i32
    %sign3A_118 = arith.cmpi sgt, %jit3A_108, %sign3A_117 : i32
    %sign3A_119 = arith.extui %sign3A_118 : i1 to i32
    %sign3A_120 = arith.constant 0 : i32
    %sign3A_121 = arith.cmpi slt, %jit3A_108, %sign3A_120 : i32
    %sign3A_122 = arith.extui %sign3A_121 : i1 to i32
    %sign3A_123 = arith.subi %sign3A_119, %sign3A_122 : i32
    %ne3A_124 = arith.cmpi ne, %sign3A_116, %sign3A_123 : i32
    %rem3A_125 = arith.remsi %add3A_107, %jit3A_108 : i32
    %ne3A_126 = arith.constant 0 : i32
    %ne3A_127 = arith.cmpi ne, %rem3A_125, %ne3A_126 : i32
    %and3A_128 = arith.andi %ne3A_124, %ne3A_127 : i1
    %sub3A_129 = arith.constant 1 : i32
    %sub3A_130 = arith.subi %div3A_109, %sub3A_129 : i32
    %select_n3A_131 = arith.select %and3A_128, %sub3A_130, %div3A_109 : i32
    %jit3A_132 = arith.constant 16384 : i32
    %eq3A_133 = arith.constant 0 : i32
    %eq3A_134 = arith.cmpi eq, %jit3A_132, %eq3A_133 : i32
    %jit3A_135 = arith.constant 1 : i32
    %select_n3A_136 = arith.select %eq3A_134, %jit3A_135, %jit3A_132 : i32
    %rem3A_137 = arith.remsi %add3A_107, %select_n3A_136 : i32
    %ne3A_138 = arith.constant 0 : i32
    %ne3A_139 = arith.cmpi ne, %rem3A_137, %ne3A_138 : i32
    %lt3A_140 = arith.constant 0 : i32
    %lt3A_141 = arith.cmpi slt, %rem3A_137, %lt3A_140 : i32
    %lt3A_142 = arith.constant 0 : i32
    %lt3A_143 = arith.cmpi slt, %select_n3A_136, %lt3A_142 : i32
    %ne3A_144 = arith.xori %lt3A_141, %lt3A_143 : i1
    %and3A_145 = arith.andi %ne3A_144, %ne3A_139 : i1
    %add3A_146 = arith.addi %rem3A_137, %select_n3A_136 : i32
    %select_n3A_147 = arith.select %and3A_145, %add3A_146, %rem3A_137 : i32
    %jit3A_148 = arith.constant 4096 : i32
    %div3A_149 = arith.divsi %select_n3A_147, %jit3A_148 : i32
    %sign3A_150 = arith.constant 0 : i32
    %sign3A_151 = arith.cmpi sgt, %select_n3A_147, %sign3A_150 : i32
    %sign3A_152 = arith.extui %sign3A_151 : i1 to i32
    %sign3A_153 = arith.constant 0 : i32
    %sign3A_154 = arith.cmpi slt, %select_n3A_147, %sign3A_153 : i32
    %sign3A_155 = arith.extui %sign3A_154 : i1 to i32
    %sign3A_156 = arith.subi %sign3A_152, %sign3A_155 : i32
    %sign3A_157 = arith.constant 0 : i32
    %sign3A_158 = arith.cmpi sgt, %jit3A_148, %sign3A_157 : i32
    %sign3A_159 = arith.extui %sign3A_158 : i1 to i32
    %sign3A_160 = arith.constant 0 : i32
    %sign3A_161 = arith.cmpi slt, %jit3A_148, %sign3A_160 : i32
    %sign3A_162 = arith.extui %sign3A_161 : i1 to i32
    %sign3A_163 = arith.subi %sign3A_159, %sign3A_162 : i32
    %ne3A_164 = arith.cmpi ne, %sign3A_156, %sign3A_163 : i32
    %rem3A_165 = arith.remsi %select_n3A_147, %jit3A_148 : i32
    %ne3A_166 = arith.constant 0 : i32
    %ne3A_167 = arith.cmpi ne, %rem3A_165, %ne3A_166 : i32
    %and3A_168 = arith.andi %ne3A_164, %ne3A_167 : i1
    %sub3A_169 = arith.constant 1 : i32
    %sub3A_170 = arith.subi %div3A_149, %sub3A_169 : i32
    %select_n3A_171 = arith.select %and3A_168, %sub3A_170, %div3A_149 : i32
    %mul3A_172 = arith.constant 4096 : i32
    %mul3A_173 = arith.muli %select_n3A_131, %mul3A_172 : i32
    %add3A_174 = arith.addi %mul3A_173, %select_n3A_147 : i32
    %mul3A_175 = arith.constant 4096 : i32
    %mul3A_176 = arith.muli %select_n3A_171, %mul3A_175 : i32
    %sub3A_177 = arith.subi %add3A_174, %mul3A_176 : i32
    %mul3A_178 = arith.constant 32 : i32
    %mul3A_179 = arith.muli %select_n3A_171, %mul3A_178 : i32
    %dma_wait3A_180 = arith.constant 1 : i32
    %dma_wait3A_181 = arith.constant 0 : i32
    %dma_wait3A_182 = arith.constant 0 : i32
    %dma_wait3A_183 = tpu.memref_slice %arg6[%dma_wait3A_180, %dma_wait3A_181, %dma_wait3A_182] : memref<2x256x32xi32, #tpu.memory_space<vmem>> -> memref<1x256x32xi32, #tpu.memory_space<vmem>>
    %dma_wait3A_184 = tpu.memref_squeeze %dma_wait3A_183 : memref<1x256x32xi32, #tpu.memory_space<vmem>> -> memref<256x32xi32, #tpu.memory_space<vmem>>
    %dma_wait3A_185 = tpu.memref_slice %arg4[%sub3A_177, %mul3A_179] : memref<40960x128xi32, #tpu.memory_space<hbm>> -> memref<256x32xi32, #tpu.memory_space<hbm>>
    %dma_wait3A_186 = tpu.memref_slice %arg4[%sub3A_177, %mul3A_179] : memref<40960x128xi32, #tpu.memory_space<hbm>> -> memref<256x32xi32, #tpu.memory_space<hbm>>
    %dma_wait3A_187 = arith.constant 0 : i32
    %dma_wait3A_188 = arith.constant 0 : i32
    %dma_wait3A_189 = tpu.memref_slice %arg6[%dma_wait3A_180, %dma_wait3A_187, %dma_wait3A_188] : memref<2x256x32xi32, #tpu.memory_space<vmem>> -> memref<1x256x32xi32, #tpu.memory_space<vmem>>
    %dma_wait3A_190 = tpu.memref_squeeze %dma_wait3A_189 : memref<1x256x32xi32, #tpu.memory_space<vmem>> -> memref<256x32xi32, #tpu.memory_space<vmem>>
    tpu.wait_dma2 semaphore(%arg10 : memref<!tpu.dma_semaphore, #tpu.memory_space<semaphore_mem>>) src(%dma_wait3A_190 : memref<256x32xi32, #tpu.memory_space<vmem>>) dst(%dma_wait3A_186 : memref<256x32xi32, #tpu.memory_space<hbm>>)
    return
  }
}

#map = affine_map<(d0, d1) -> (0, 0)>
#map1 = affine_map<(d0, d1) -> (0, 0, 0)>
module attributes {stable_mosaic.version = 14 : i64} {
  func.func @gather(%arg0: i32, %arg1: i32, %arg2: memref<100000x32xi32, #tpu.memory_space<hbm>>, %arg3: memref<32x20x256xi32, #tpu.memory_space<hbm>>, %arg4: memref<40960x128xi32, #tpu.memory_space<hbm>>, %arg5: memref<20x256xi32, #tpu.memory_space<vmem>>, %arg6: memref<2x256x32xi32, #tpu.memory_space<vmem>>, %arg7: memref<!tpu.dma_semaphore, #tpu.memory_space<semaphore_mem>>, %arg8: memref<!tpu.dma_semaphore, #tpu.memory_space<semaphore_mem>>, %arg9: memref<!tpu.dma_semaphore, #tpu.memory_space<semaphore_mem>>, %arg10: memref<!tpu.dma_semaphore, #tpu.memory_space<semaphore_mem>>) attributes {dimension_semantics = [#tpu.dimension_semantics<core_parallel>, #tpu.dimension_semantics<subcore_parallel>], iteration_bounds = array<i64: 2, 16>, scalar_prefetch = 0 : i64, scratch_operands = 6 : i64, tpu.core_type = #tpu.core_type<sc_vector_subcore>, window_params = [{transform_indices = #map}, {transform_indices = #map1}, {transform_indices = #map}]} {
    %mul3A = arith.constant 2 : i32
    %mul3A_0 = arith.muli %arg1, %mul3A : i32
    %add3A = arith.addi %mul3A_0, %arg0 : i32
    %mul3A_1 = arith.constant 5120 : i32
    %mul3A_2 = arith.muli %add3A, %mul3A_1 : i32
    "tpu.region"() ({
      %run_scoped3A = tpu.sem_alloc : memref<!tpu.dma_semaphore, #tpu.memory_space<semaphore_mem>>
      %dma_start3A_191 = arith.constant 0 : i32
      %dma_start3A_192 = arith.constant 0 : i32
      %dma_start3A_193 = tpu.memref_slice %arg3[%add3A, %dma_start3A_191, %dma_start3A_192] : memref<32x20x256xi32, #tpu.memory_space<hbm>> -> memref<1x20x256xi32, #tpu.memory_space<hbm>>
      %dma_start3A_194 = tpu.memref_squeeze %dma_start3A_193 : memref<1x20x256xi32, #tpu.memory_space<hbm>> -> memref<20x256xi32, #tpu.memory_space<hbm>>
      %dma_start3A_195 = arith.constant 0 : i32
      %dma_start3A_196 = arith.constant 0 : i32
      %dma_start3A_197 = tpu.memref_slice %arg3[%add3A, %dma_start3A_195, %dma_start3A_196] : memref<32x20x256xi32, #tpu.memory_space<hbm>> -> memref<1x20x256xi32, #tpu.memory_space<hbm>>
      %dma_start3A_198 = tpu.memref_squeeze %dma_start3A_197 : memref<1x20x256xi32, #tpu.memory_space<hbm>> -> memref<20x256xi32, #tpu.memory_space<hbm>>
      tpu.enqueue_dma source(%dma_start3A_198 : memref<20x256xi32, #tpu.memory_space<hbm>>) target(%arg5 : memref<20x256xi32, #tpu.memory_space<vmem>>) target_semaphore(%run_scoped3A : memref<!tpu.dma_semaphore, #tpu.memory_space<semaphore_mem>>)
      %dma_wait3A_199 = arith.constant 0 : i32
      %dma_wait3A_200 = arith.constant 0 : i32
      %dma_wait3A_201 = tpu.memref_slice %arg3[%add3A, %dma_wait3A_199, %dma_wait3A_200] : memref<32x20x256xi32, #tpu.memory_space<hbm>> -> memref<1x20x256xi32, #tpu.memory_space<hbm>>
      %dma_wait3A_202 = tpu.memref_squeeze %dma_wait3A_201 : memref<1x20x256xi32, #tpu.memory_space<hbm>> -> memref<20x256xi32, #tpu.memory_space<hbm>>
      %dma_wait3A_203 = arith.constant 0 : i32
      %dma_wait3A_204 = arith.constant 0 : i32
      %dma_wait3A_205 = tpu.memref_slice %arg3[%add3A, %dma_wait3A_203, %dma_wait3A_204] : memref<32x20x256xi32, #tpu.memory_space<hbm>> -> memref<1x20x256xi32, #tpu.memory_space<hbm>>
      %dma_wait3A_206 = tpu.memref_squeeze %dma_wait3A_205 : memref<1x20x256xi32, #tpu.memory_space<hbm>> -> memref<20x256xi32, #tpu.memory_space<hbm>>
      tpu.wait_dma2 semaphore(%run_scoped3A : memref<!tpu.dma_semaphore, #tpu.memory_space<semaphore_mem>>) src(%dma_wait3A_206 : memref<20x256xi32, #tpu.memory_space<hbm>>) dst(%arg5 : memref<20x256xi32, #tpu.memory_space<vmem>>)
      tpu.yield
    }) : () -> ()
    %dma_start3A = arith.constant 0 : i32
    %dma_start3A_3 = arith.constant 0 : i32
    %dma_start3A_4 = arith.constant 0 : i32
    %dma_start3A_5 = arith.constant 0 : i32
    %dma_start3A_6 = tpu.memref_slice %arg6[%dma_start3A_3, %dma_start3A_4, %dma_start3A_5] : memref<2x256x32xi32, #tpu.memory_space<vmem>> -> memref<1x256x32xi32, #tpu.memory_space<vmem>>
    %dma_start3A_7 = tpu.memref_squeeze %dma_start3A_6 : memref<1x256x32xi32, #tpu.memory_space<vmem>> -> memref<256x32xi32, #tpu.memory_space<vmem>>
    %dma_start3A_8 = arith.constant 0 : i32
    %dma_start3A_9 = tpu.memref_slice %arg5[%dma_start3A, %dma_start3A_8] : memref<20x256xi32, #tpu.memory_space<vmem>> -> memref<1x256xi32, #tpu.memory_space<vmem>>
    %dma_start3A_10 = tpu.memref_squeeze %dma_start3A_9 : memref<1x256xi32, #tpu.memory_space<vmem>> -> memref<256xi32, #tpu.memory_space<vmem>>
    %dma_start3A_11 = arith.constant 0 : i32
    %dma_start3A_12 = arith.constant 0 : i32
    %dma_start3A_13 = tpu.memref_slice %arg2[%dma_start3A_11, %dma_start3A_12] : memref<100000x32xi32, #tpu.memory_space<hbm>> -> memref<100000x32xi32, #tpu.memory_space<hbm>>
    tpu.enqueue_indirect_dma source(%dma_start3A_13 : memref<100000x32xi32, #tpu.memory_space<hbm>>) target(%dma_start3A_7 : memref<256x32xi32, #tpu.memory_space<vmem>>) offsets(%dma_start3A_10 : memref<256xi32, #tpu.memory_space<vmem>>) semaphore(%arg7 : memref<!tpu.dma_semaphore, #tpu.memory_space<semaphore_mem>>)
    %dma_start3A_14 = arith.constant 1 : i32
    %dma_start3A_15 = arith.constant 1 : i32
    %dma_start3A_16 = arith.constant 0 : i32
    %dma_start3A_17 = arith.constant 0 : i32
    %dma_start3A_18 = tpu.memref_slice %arg6[%dma_start3A_15, %dma_start3A_16, %dma_start3A_17] : memref<2x256x32xi32, #tpu.memory_space<vmem>> -> memref<1x256x32xi32, #tpu.memory_space<vmem>>
    %dma_start3A_19 = tpu.memref_squeeze %dma_start3A_18 : memref<1x256x32xi32, #tpu.memory_space<vmem>> -> memref<256x32xi32, #tpu.memory_space<vmem>>
    %dma_start3A_20 = arith.constant 0 : i32
    %dma_start3A_21 = tpu.memref_slice %arg5[%dma_start3A_14, %dma_start3A_20] : memref<20x256xi32, #tpu.memory_space<vmem>> -> memref<1x256xi32, #tpu.memory_space<vmem>>
    %dma_start3A_22 = tpu.memref_squeeze %dma_start3A_21 : memref<1x256xi32, #tpu.memory_space<vmem>> -> memref<256xi32, #tpu.memory_space<vmem>>
    %dma_start3A_23 = arith.constant 0 : i32
    %dma_start3A_24 = arith.constant 0 : i32
    %dma_start3A_25 = tpu.memref_slice %arg2[%dma_start3A_23, %dma_start3A_24] : memref<100000x32xi32, #tpu.memory_space<hbm>> -> memref<100000x32xi32, #tpu.memory_space<hbm>>
    tpu.enqueue_indirect_dma source(%dma_start3A_25 : memref<100000x32xi32, #tpu.memory_space<hbm>>) target(%dma_start3A_19 : memref<256x32xi32, #tpu.memory_space<vmem>>) offsets(%dma_start3A_22 : memref<256xi32, #tpu.memory_space<vmem>>) semaphore(%arg8 : memref<!tpu.dma_semaphore, #tpu.memory_space<semaphore_mem>>)
    %scan3A = arith.constant 0 : i32
    %scan3A_26 = arith.constant 0 : i32
    %scan3A_27 = arith.constant 10 : i32
    %scan3A_28 = arith.addi %scan3A_26, %scan3A_27 : i32
    %scan3A_29 = arith.constant 1 : i32
    scf.for %scan3A_191 = %scan3A_26 to %scan3A_28 step %scan3A_29  : i32 {
      %mul3A_192 = arith.constant 2 : i32
      %mul3A_193 = arith.muli %scan3A_191, %mul3A_192 : i32
      %add3A_194 = arith.constant 0 : i32
      %add3A_195 = arith.addi %mul3A_193, %add3A_194 : i32
      %dma_wait3A_196 = arith.constant 0 : i32
      %dma_wait3A_197 = arith.constant 0 : i32
      %dma_wait3A_198 = arith.constant 0 : i32
      %dma_wait3A_199 = tpu.memref_slice %arg6[%dma_wait3A_196, %dma_wait3A_197, %dma_wait3A_198] : memref<2x256x32xi32, #tpu.memory_space<vmem>> -> memref<1x256x32xi32, #tpu.memory_space<vmem>>
      %dma_wait3A_200 = tpu.memref_squeeze %dma_wait3A_199 : memref<1x256x32xi32, #tpu.memory_space<vmem>> -> memref<256x32xi32, #tpu.memory_space<vmem>>
      %dma_wait3A_201 = arith.constant 0 : i32
      %dma_wait3A_202 = tpu.memref_slice %arg5[%add3A_195, %dma_wait3A_201] : memref<20x256xi32, #tpu.memory_space<vmem>> -> memref<1x256xi32, #tpu.memory_space<vmem>>
      %dma_wait3A_203 = tpu.memref_squeeze %dma_wait3A_202 : memref<1x256xi32, #tpu.memory_space<vmem>> -> memref<256xi32, #tpu.memory_space<vmem>>
      %dma_wait3A_204 = arith.constant 0 : i32
      %dma_wait3A_205 = arith.constant 0 : i32
      %dma_wait3A_206 = tpu.memref_slice %arg2[%dma_wait3A_204, %dma_wait3A_205] : memref<100000x32xi32, #tpu.memory_space<hbm>> -> memref<100000x32xi32, #tpu.memory_space<hbm>>
      tpu.wait_indirect_dma semaphore(%arg7 : memref<!tpu.dma_semaphore, #tpu.memory_space<semaphore_mem>>) src(%dma_wait3A_206 : memref<100000x32xi32, #tpu.memory_space<hbm>>) dst(%dma_wait3A_200 : memref<256x32xi32, #tpu.memory_space<vmem>>)
      %multiple_of3A_207 = tpu.assume_multiple %mul3A_2, 256 : i32
      %mul3A_208 = arith.constant 256 : i32
      %mul3A_209 = arith.muli %add3A_195, %mul3A_208 : i32
      %add3A_210 = arith.addi %multiple_of3A_207, %mul3A_209 : i32
      %jit3A_211 = arith.constant 16384 : i32
      %div3A_212 = arith.divsi %add3A_210, %jit3A_211 : i32
      %sign3A_213 = arith.constant 0 : i32
      %sign3A_214 = arith.cmpi sgt, %add3A_210, %sign3A_213 : i32
      %sign3A_215 = arith.extui %sign3A_214 : i1 to i32
      %sign3A_216 = arith.constant 0 : i32
      %sign3A_217 = arith.cmpi slt, %add3A_210, %sign3A_216 : i32
      %sign3A_218 = arith.extui %sign3A_217 : i1 to i32
      %sign3A_219 = arith.subi %sign3A_215, %sign3A_218 : i32
      %sign3A_220 = arith.constant 0 : i32
      %sign3A_221 = arith.cmpi sgt, %jit3A_211, %sign3A_220 : i32
      %sign3A_222 = arith.extui %sign3A_221 : i1 to i32
      %sign3A_223 = arith.constant 0 : i32
      %sign3A_224 = arith.cmpi slt, %jit3A_211, %sign3A_223 : i32
      %sign3A_225 = arith.extui %sign3A_224 : i1 to i32
      %sign3A_226 = arith.subi %sign3A_222, %sign3A_225 : i32
      %ne3A_227 = arith.cmpi ne, %sign3A_219, %sign3A_226 : i32
      %rem3A_228 = arith.remsi %add3A_210, %jit3A_211 : i32
      %ne3A_229 = arith.constant 0 : i32
      %ne3A_230 = arith.cmpi ne, %rem3A_228, %ne3A_229 : i32
      %and3A_231 = arith.andi %ne3A_227, %ne3A_230 : i1
      %sub3A_232 = arith.constant 1 : i32
      %sub3A_233 = arith.subi %div3A_212, %sub3A_232 : i32
      %select_n3A_234 = arith.select %and3A_231, %sub3A_233, %div3A_212 : i32
      %jit3A_235 = arith.constant 16384 : i32
      %eq3A_236 = arith.constant 0 : i32
      %eq3A_237 = arith.cmpi eq, %jit3A_235, %eq3A_236 : i32
      %jit3A_238 = arith.constant 1 : i32
      %select_n3A_239 = arith.select %eq3A_237, %jit3A_238, %jit3A_235 : i32
      %rem3A_240 = arith.remsi %add3A_210, %select_n3A_239 : i32
      %ne3A_241 = arith.constant 0 : i32
      %ne3A_242 = arith.cmpi ne, %rem3A_240, %ne3A_241 : i32
      %lt3A_243 = arith.constant 0 : i32
      %lt3A_244 = arith.cmpi slt, %rem3A_240, %lt3A_243 : i32
      %lt3A_245 = arith.constant 0 : i32
      %lt3A_246 = arith.cmpi slt, %select_n3A_239, %lt3A_245 : i32
      %ne3A_247 = arith.xori %lt3A_244, %lt3A_246 : i1
      %and3A_248 = arith.andi %ne3A_247, %ne3A_242 : i1
      %add3A_249 = arith.addi %rem3A_240, %select_n3A_239 : i32
      %select_n3A_250 = arith.select %and3A_248, %add3A_249, %rem3A_240 : i32
      %jit3A_251 = arith.constant 4096 : i32
      %div3A_252 = arith.divsi %select_n3A_250, %jit3A_251 : i32
      %sign3A_253 = arith.constant 0 : i32
      %sign3A_254 = arith.cmpi sgt, %select_n3A_250, %sign3A_253 : i32
      %sign3A_255 = arith.extui %sign3A_254 : i1 to i32
      %sign3A_256 = arith.constant 0 : i32
      %sign3A_257 = arith.cmpi slt, %select_n3A_250, %sign3A_256 : i32
      %sign3A_258 = arith.extui %sign3A_257 : i1 to i32
      %sign3A_259 = arith.subi %sign3A_255, %sign3A_258 : i32
      %sign3A_260 = arith.constant 0 : i32
      %sign3A_261 = arith.cmpi sgt, %jit3A_251, %sign3A_260 : i32
      %sign3A_262 = arith.extui %sign3A_261 : i1 to i32
      %sign3A_263 = arith.constant 0 : i32
      %sign3A_264 = arith.cmpi slt, %jit3A_251, %sign3A_263 : i32
      %sign3A_265 = arith.extui %sign3A_264 : i1 to i32
      %sign3A_266 = arith.subi %sign3A_262, %sign3A_265 : i32
      %ne3A_267 = arith.cmpi ne, %sign3A_259, %sign3A_266 : i32
      %rem3A_268 = arith.remsi %select_n3A_250, %jit3A_251 : i32
      %ne3A_269 = arith.constant 0 : i32
      %ne3A_270 = arith.cmpi ne, %rem3A_268, %ne3A_269 : i32
      %and3A_271 = arith.andi %ne3A_267, %ne3A_270 : i1
      %sub3A_272 = arith.constant 1 : i32
      %sub3A_273 = arith.subi %div3A_252, %sub3A_272 : i32
      %select_n3A_274 = arith.select %and3A_271, %sub3A_273, %div3A_252 : i32
      %mul3A_275 = arith.constant 4096 : i32
      %mul3A_276 = arith.muli %select_n3A_234, %mul3A_275 : i32
      %add3A_277 = arith.addi %mul3A_276, %select_n3A_250 : i32
      %mul3A_278 = arith.constant 4096 : i32
      %mul3A_279 = arith.muli %select_n3A_274, %mul3A_278 : i32
      %sub3A_280 = arith.subi %add3A_277, %mul3A_279 : i32
      %mul3A_281 = arith.constant 32 : i32
      %mul3A_282 = arith.muli %select_n3A_274, %mul3A_281 : i32
      %dma_start3A_283 = arith.constant 0 : i32
      %dma_start3A_284 = arith.constant 0 : i32
      %dma_start3A_285 = arith.constant 0 : i32
      %dma_start3A_286 = tpu.memref_slice %arg6[%dma_start3A_283, %dma_start3A_284, %dma_start3A_285] : memref<2x256x32xi32, #tpu.memory_space<vmem>> -> memref<1x256x32xi32, #tpu.memory_space<vmem>>
      %dma_start3A_287 = tpu.memref_squeeze %dma_start3A_286 : memref<1x256x32xi32, #tpu.memory_space<vmem>> -> memref<256x32xi32, #tpu.memory_space<vmem>>
      %dma_start3A_288 = tpu.memref_slice %arg4[%sub3A_280, %mul3A_282] : memref<40960x128xi32, #tpu.memory_space<hbm>> -> memref<256x32xi32, #tpu.memory_space<hbm>>
      %dma_start3A_289 = tpu.memref_slice %arg4[%sub3A_280, %mul3A_282] : memref<40960x128xi32, #tpu.memory_space<hbm>> -> memref<256x32xi32, #tpu.memory_space<hbm>>
      %dma_start3A_290 = arith.constant 0 : i32
      %dma_start3A_291 = arith.constant 0 : i32
      %dma_start3A_292 = tpu.memref_slice %arg6[%dma_start3A_283, %dma_start3A_290, %dma_start3A_291] : memref<2x256x32xi32, #tpu.memory_space<vmem>> -> memref<1x256x32xi32, #tpu.memory_space<vmem>>
      %dma_start3A_293 = tpu.memref_squeeze %dma_start3A_292 : memref<1x256x32xi32, #tpu.memory_space<vmem>> -> memref<256x32xi32, #tpu.memory_space<vmem>>
      tpu.enqueue_dma source(%dma_start3A_293 : memref<256x32xi32, #tpu.memory_space<vmem>>) target(%dma_start3A_289 : memref<256x32xi32, #tpu.memory_space<hbm>>) target_semaphore(%arg9 : memref<!tpu.dma_semaphore, #tpu.memory_space<semaphore_mem>>)
      %add3A_294 = arith.constant 2 : i32
      %add3A_295 = arith.addi %add3A_195, %add3A_294 : i32
      %lt3A_296 = arith.constant 20 : i32
      %lt3A_297 = arith.cmpi slt, %add3A_295, %lt3A_296 : i32
      %convert_element_type3A = arith.extui %lt3A_297 : i1 to i32
      %cond3A = arith.constant 0 : i32
      %cond3A_298 = arith.cmpi ne, %convert_element_type3A, %cond3A : i32
      scf.if %cond3A_298 {
        %multiple_of3A_408 = tpu.assume_multiple %mul3A_2, 256 : i32
        %mul3A_409 = arith.constant 256 : i32
        %mul3A_410 = arith.muli %add3A_195, %mul3A_409 : i32
        %add3A_411 = arith.addi %multiple_of3A_408, %mul3A_410 : i32
        %jit3A_412 = arith.constant 16384 : i32
        %div3A_413 = arith.divsi %add3A_411, %jit3A_412 : i32
        %sign3A_414 = arith.constant 0 : i32
        %sign3A_415 = arith.cmpi sgt, %add3A_411, %sign3A_414 : i32
        %sign3A_416 = arith.extui %sign3A_415 : i1 to i32
        %sign3A_417 = arith.constant 0 : i32
        %sign3A_418 = arith.cmpi slt, %add3A_411, %sign3A_417 : i32
        %sign3A_419 = arith.extui %sign3A_418 : i1 to i32
        %sign3A_420 = arith.subi %sign3A_416, %sign3A_419 : i32
        %sign3A_421 = arith.constant 0 : i32
        %sign3A_422 = arith.cmpi sgt, %jit3A_412, %sign3A_421 : i32
        %sign3A_423 = arith.extui %sign3A_422 : i1 to i32
        %sign3A_424 = arith.constant 0 : i32
        %sign3A_425 = arith.cmpi slt, %jit3A_412, %sign3A_424 : i32
        %sign3A_426 = arith.extui %sign3A_425 : i1 to i32
        %sign3A_427 = arith.subi %sign3A_423, %sign3A_426 : i32
        %ne3A_428 = arith.cmpi ne, %sign3A_420, %sign3A_427 : i32
        %rem3A_429 = arith.remsi %add3A_411, %jit3A_412 : i32
        %ne3A_430 = arith.constant 0 : i32
        %ne3A_431 = arith.cmpi ne, %rem3A_429, %ne3A_430 : i32
        %and3A_432 = arith.andi %ne3A_428, %ne3A_431 : i1
        %sub3A_433 = arith.constant 1 : i32
        %sub3A_434 = arith.subi %div3A_413, %sub3A_433 : i32
        %select_n3A_435 = arith.select %and3A_432, %sub3A_434, %div3A_413 : i32
        %jit3A_436 = arith.constant 16384 : i32
        %eq3A_437 = arith.constant 0 : i32
        %eq3A_438 = arith.cmpi eq, %jit3A_436, %eq3A_437 : i32
        %jit3A_439 = arith.constant 1 : i32
        %select_n3A_440 = arith.select %eq3A_438, %jit3A_439, %jit3A_436 : i32
        %rem3A_441 = arith.remsi %add3A_411, %select_n3A_440 : i32
        %ne3A_442 = arith.constant 0 : i32
        %ne3A_443 = arith.cmpi ne, %rem3A_441, %ne3A_442 : i32
        %lt3A_444 = arith.constant 0 : i32
        %lt3A_445 = arith.cmpi slt, %rem3A_441, %lt3A_444 : i32
        %lt3A_446 = arith.constant 0 : i32
        %lt3A_447 = arith.cmpi slt, %select_n3A_440, %lt3A_446 : i32
        %ne3A_448 = arith.xori %lt3A_445, %lt3A_447 : i1
        %and3A_449 = arith.andi %ne3A_448, %ne3A_443 : i1
        %add3A_450 = arith.addi %rem3A_441, %select_n3A_440 : i32
        %select_n3A_451 = arith.select %and3A_449, %add3A_450, %rem3A_441 : i32
        %jit3A_452 = arith.constant 4096 : i32
        %div3A_453 = arith.divsi %select_n3A_451, %jit3A_452 : i32
        %sign3A_454 = arith.constant 0 : i32
        %sign3A_455 = arith.cmpi sgt, %select_n3A_451, %sign3A_454 : i32
        %sign3A_456 = arith.extui %sign3A_455 : i1 to i32
        %sign3A_457 = arith.constant 0 : i32
        %sign3A_458 = arith.cmpi slt, %select_n3A_451, %sign3A_457 : i32
        %sign3A_459 = arith.extui %sign3A_458 : i1 to i32
        %sign3A_460 = arith.subi %sign3A_456, %sign3A_459 : i32
        %sign3A_461 = arith.constant 0 : i32
        %sign3A_462 = arith.cmpi sgt, %jit3A_452, %sign3A_461 : i32
        %sign3A_463 = arith.extui %sign3A_462 : i1 to i32
        %sign3A_464 = arith.constant 0 : i32
        %sign3A_465 = arith.cmpi slt, %jit3A_452, %sign3A_464 : i32
        %sign3A_466 = arith.extui %sign3A_465 : i1 to i32
        %sign3A_467 = arith.subi %sign3A_463, %sign3A_466 : i32
        %ne3A_468 = arith.cmpi ne, %sign3A_460, %sign3A_467 : i32
        %rem3A_469 = arith.remsi %select_n3A_451, %jit3A_452 : i32
        %ne3A_470 = arith.constant 0 : i32
        %ne3A_471 = arith.cmpi ne, %rem3A_469, %ne3A_470 : i32
        %and3A_472 = arith.andi %ne3A_468, %ne3A_471 : i1
        %sub3A_473 = arith.constant 1 : i32
        %sub3A_474 = arith.subi %div3A_453, %sub3A_473 : i32
        %select_n3A_475 = arith.select %and3A_472, %sub3A_474, %div3A_453 : i32
        %mul3A_476 = arith.constant 4096 : i32
        %mul3A_477 = arith.muli %select_n3A_435, %mul3A_476 : i32
        %add3A_478 = arith.addi %mul3A_477, %select_n3A_451 : i32
        %mul3A_479 = arith.constant 4096 : i32
        %mul3A_480 = arith.muli %select_n3A_475, %mul3A_479 : i32
        %sub3A_481 = arith.subi %add3A_478, %mul3A_480 : i32
        %mul3A_482 = arith.constant 32 : i32
        %mul3A_483 = arith.muli %select_n3A_475, %mul3A_482 : i32
        %dma_wait3A_484 = arith.constant 0 : i32
        %dma_wait3A_485 = arith.constant 0 : i32
        %dma_wait3A_486 = arith.constant 0 : i32
        %dma_wait3A_487 = tpu.memref_slice %arg6[%dma_wait3A_484, %dma_wait3A_485, %dma_wait3A_486] : memref<2x256x32xi32, #tpu.memory_space<vmem>> -> memref<1x256x32xi32, #tpu.memory_space<vmem>>
        %dma_wait3A_488 = tpu.memref_squeeze %dma_wait3A_487 : memref<1x256x32xi32, #tpu.memory_space<vmem>> -> memref<256x32xi32, #tpu.memory_space<vmem>>
        %dma_wait3A_489 = tpu.memref_slice %arg4[%sub3A_481, %mul3A_483] : memref<40960x128xi32, #tpu.memory_space<hbm>> -> memref<256x32xi32, #tpu.memory_space<hbm>>
        %dma_wait3A_490 = tpu.memref_slice %arg4[%sub3A_481, %mul3A_483] : memref<40960x128xi32, #tpu.memory_space<hbm>> -> memref<256x32xi32, #tpu.memory_space<hbm>>
        %dma_wait3A_491 = arith.constant 0 : i32
        %dma_wait3A_492 = arith.constant 0 : i32
        %dma_wait3A_493 = tpu.memref_slice %arg6[%dma_wait3A_484, %dma_wait3A_491, %dma_wait3A_492] : memref<2x256x32xi32, #tpu.memory_space<vmem>> -> memref<1x256x32xi32, #tpu.memory_space<vmem>>
        %dma_wait3A_494 = tpu.memref_squeeze %dma_wait3A_493 : memref<1x256x32xi32, #tpu.memory_space<vmem>> -> memref<256x32xi32, #tpu.memory_space<vmem>>
        tpu.wait_dma2 semaphore(%arg9 : memref<!tpu.dma_semaphore, #tpu.memory_space<semaphore_mem>>) src(%dma_wait3A_494 : memref<256x32xi32, #tpu.memory_space<vmem>>) dst(%dma_wait3A_490 : memref<256x32xi32, #tpu.memory_space<hbm>>)
        %dma_start3A_495 = arith.constant 0 : i32
        %dma_start3A_496 = arith.constant 0 : i32
        %dma_start3A_497 = arith.constant 0 : i32
        %dma_start3A_498 = tpu.memref_slice %arg6[%dma_start3A_495, %dma_start3A_496, %dma_start3A_497] : memref<2x256x32xi32, #tpu.memory_space<vmem>> -> memref<1x256x32xi32, #tpu.memory_space<vmem>>
        %dma_start3A_499 = tpu.memref_squeeze %dma_start3A_498 : memref<1x256x32xi32, #tpu.memory_space<vmem>> -> memref<256x32xi32, #tpu.memory_space<vmem>>
        %dma_start3A_500 = arith.constant 0 : i32
        %dma_start3A_501 = tpu.memref_slice %arg5[%add3A_295, %dma_start3A_500] : memref<20x256xi32, #tpu.memory_space<vmem>> -> memref<1x256xi32, #tpu.memory_space<vmem>>
        %dma_start3A_502 = tpu.memref_squeeze %dma_start3A_501 : memref<1x256xi32, #tpu.memory_space<vmem>> -> memref<256xi32, #tpu.memory_space<vmem>>
        %dma_start3A_503 = arith.constant 0 : i32
        %dma_start3A_504 = arith.constant 0 : i32
        %dma_start3A_505 = tpu.memref_slice %arg2[%dma_start3A_503, %dma_start3A_504] : memref<100000x32xi32, #tpu.memory_space<hbm>> -> memref<100000x32xi32, #tpu.memory_space<hbm>>
        tpu.enqueue_indirect_dma source(%dma_start3A_505 : memref<100000x32xi32, #tpu.memory_space<hbm>>) target(%dma_start3A_499 : memref<256x32xi32, #tpu.memory_space<vmem>>) offsets(%dma_start3A_502 : memref<256xi32, #tpu.memory_space<vmem>>) semaphore(%arg7 : memref<!tpu.dma_semaphore, #tpu.memory_space<semaphore_mem>>)
      } else {
      }
      %mul3A_299 = arith.constant 2 : i32
      %mul3A_300 = arith.muli %scan3A_191, %mul3A_299 : i32
      %add3A_301 = arith.constant 1 : i32
      %add3A_302 = arith.addi %mul3A_300, %add3A_301 : i32
      %dma_wait3A_303 = arith.constant 1 : i32
      %dma_wait3A_304 = arith.constant 0 : i32
      %dma_wait3A_305 = arith.constant 0 : i32
      %dma_wait3A_306 = tpu.memref_slice %arg6[%dma_wait3A_303, %dma_wait3A_304, %dma_wait3A_305] : memref<2x256x32xi32, #tpu.memory_space<vmem>> -> memref<1x256x32xi32, #tpu.memory_space<vmem>>
      %dma_wait3A_307 = tpu.memref_squeeze %dma_wait3A_306 : memref<1x256x32xi32, #tpu.memory_space<vmem>> -> memref<256x32xi32, #tpu.memory_space<vmem>>
      %dma_wait3A_308 = arith.constant 0 : i32
      %dma_wait3A_309 = tpu.memref_slice %arg5[%add3A_302, %dma_wait3A_308] : memref<20x256xi32, #tpu.memory_space<vmem>> -> memref<1x256xi32, #tpu.memory_space<vmem>>
      %dma_wait3A_310 = tpu.memref_squeeze %dma_wait3A_309 : memref<1x256xi32, #tpu.memory_space<vmem>> -> memref<256xi32, #tpu.memory_space<vmem>>
      %dma_wait3A_311 = arith.constant 0 : i32
      %dma_wait3A_312 = arith.constant 0 : i32
      %dma_wait3A_313 = tpu.memref_slice %arg2[%dma_wait3A_311, %dma_wait3A_312] : memref<100000x32xi32, #tpu.memory_space<hbm>> -> memref<100000x32xi32, #tpu.memory_space<hbm>>
      tpu.wait_indirect_dma semaphore(%arg8 : memref<!tpu.dma_semaphore, #tpu.memory_space<semaphore_mem>>) src(%dma_wait3A_313 : memref<100000x32xi32, #tpu.memory_space<hbm>>) dst(%dma_wait3A_307 : memref<256x32xi32, #tpu.memory_space<vmem>>)
      %multiple_of3A_314 = tpu.assume_multiple %mul3A_2, 256 : i32
      %mul3A_315 = arith.constant 256 : i32
      %mul3A_316 = arith.muli %add3A_302, %mul3A_315 : i32
      %add3A_317 = arith.addi %multiple_of3A_314, %mul3A_316 : i32
      %jit3A_318 = arith.constant 16384 : i32
      %div3A_319 = arith.divsi %add3A_317, %jit3A_318 : i32
      %sign3A_320 = arith.constant 0 : i32
      %sign3A_321 = arith.cmpi sgt, %add3A_317, %sign3A_320 : i32
      %sign3A_322 = arith.extui %sign3A_321 : i1 to i32
      %sign3A_323 = arith.constant 0 : i32
      %sign3A_324 = arith.cmpi slt, %add3A_317, %sign3A_323 : i32
      %sign3A_325 = arith.extui %sign3A_324 : i1 to i32
      %sign3A_326 = arith.subi %sign3A_322, %sign3A_325 : i32
      %sign3A_327 = arith.constant 0 : i32
      %sign3A_328 = arith.cmpi sgt, %jit3A_318, %sign3A_327 : i32
      %sign3A_329 = arith.extui %sign3A_328 : i1 to i32
      %sign3A_330 = arith.constant 0 : i32
      %sign3A_331 = arith.cmpi slt, %jit3A_318, %sign3A_330 : i32
      %sign3A_332 = arith.extui %sign3A_331 : i1 to i32
      %sign3A_333 = arith.subi %sign3A_329, %sign3A_332 : i32
      %ne3A_334 = arith.cmpi ne, %sign3A_326, %sign3A_333 : i32
      %rem3A_335 = arith.remsi %add3A_317, %jit3A_318 : i32
      %ne3A_336 = arith.constant 0 : i32
      %ne3A_337 = arith.cmpi ne, %rem3A_335, %ne3A_336 : i32
      %and3A_338 = arith.andi %ne3A_334, %ne3A_337 : i1
      %sub3A_339 = arith.constant 1 : i32
      %sub3A_340 = arith.subi %div3A_319, %sub3A_339 : i32
      %select_n3A_341 = arith.select %and3A_338, %sub3A_340, %div3A_319 : i32
      %jit3A_342 = arith.constant 16384 : i32
      %eq3A_343 = arith.constant 0 : i32
      %eq3A_344 = arith.cmpi eq, %jit3A_342, %eq3A_343 : i32
      %jit3A_345 = arith.constant 1 : i32
      %select_n3A_346 = arith.select %eq3A_344, %jit3A_345, %jit3A_342 : i32
      %rem3A_347 = arith.remsi %add3A_317, %select_n3A_346 : i32
      %ne3A_348 = arith.constant 0 : i32
      %ne3A_349 = arith.cmpi ne, %rem3A_347, %ne3A_348 : i32
      %lt3A_350 = arith.constant 0 : i32
      %lt3A_351 = arith.cmpi slt, %rem3A_347, %lt3A_350 : i32
      %lt3A_352 = arith.constant 0 : i32
      %lt3A_353 = arith.cmpi slt, %select_n3A_346, %lt3A_352 : i32
      %ne3A_354 = arith.xori %lt3A_351, %lt3A_353 : i1
      %and3A_355 = arith.andi %ne3A_354, %ne3A_349 : i1
      %add3A_356 = arith.addi %rem3A_347, %select_n3A_346 : i32
      %select_n3A_357 = arith.select %and3A_355, %add3A_356, %rem3A_347 : i32
      %jit3A_358 = arith.constant 4096 : i32
      %div3A_359 = arith.divsi %select_n3A_357, %jit3A_358 : i32
      %sign3A_360 = arith.constant 0 : i32
      %sign3A_361 = arith.cmpi sgt, %select_n3A_357, %sign3A_360 : i32
      %sign3A_362 = arith.extui %sign3A_361 : i1 to i32
      %sign3A_363 = arith.constant 0 : i32
      %sign3A_364 = arith.cmpi slt, %select_n3A_357, %sign3A_363 : i32
      %sign3A_365 = arith.extui %sign3A_364 : i1 to i32
      %sign3A_366 = arith.subi %sign3A_362, %sign3A_365 : i32
      %sign3A_367 = arith.constant 0 : i32
      %sign3A_368 = arith.cmpi sgt, %jit3A_358, %sign3A_367 : i32
      %sign3A_369 = arith.extui %sign3A_368 : i1 to i32
      %sign3A_370 = arith.constant 0 : i32
      %sign3A_371 = arith.cmpi slt, %jit3A_358, %sign3A_370 : i32
      %sign3A_372 = arith.extui %sign3A_371 : i1 to i32
      %sign3A_373 = arith.subi %sign3A_369, %sign3A_372 : i32
      %ne3A_374 = arith.cmpi ne, %sign3A_366, %sign3A_373 : i32
      %rem3A_375 = arith.remsi %select_n3A_357, %jit3A_358 : i32
      %ne3A_376 = arith.constant 0 : i32
      %ne3A_377 = arith.cmpi ne, %rem3A_375, %ne3A_376 : i32
      %and3A_378 = arith.andi %ne3A_374, %ne3A_377 : i1
      %sub3A_379 = arith.constant 1 : i32
      %sub3A_380 = arith.subi %div3A_359, %sub3A_379 : i32
      %select_n3A_381 = arith.select %and3A_378, %sub3A_380, %div3A_359 : i32
      %mul3A_382 = arith.constant 4096 : i32
      %mul3A_383 = arith.muli %select_n3A_341, %mul3A_382 : i32
      %add3A_384 = arith.addi %mul3A_383, %select_n3A_357 : i32
      %mul3A_385 = arith.constant 4096 : i32
      %mul3A_386 = arith.muli %select_n3A_381, %mul3A_385 : i32
      %sub3A_387 = arith.subi %add3A_384, %mul3A_386 : i32
      %mul3A_388 = arith.constant 32 : i32
      %mul3A_389 = arith.muli %select_n3A_381, %mul3A_388 : i32
      %dma_start3A_390 = arith.constant 1 : i32
      %dma_start3A_391 = arith.constant 0 : i32
      %dma_start3A_392 = arith.constant 0 : i32
      %dma_start3A_393 = tpu.memref_slice %arg6[%dma_start3A_390, %dma_start3A_391, %dma_start3A_392] : memref<2x256x32xi32, #tpu.memory_space<vmem>> -> memref<1x256x32xi32, #tpu.memory_space<vmem>>
      %dma_start3A_394 = tpu.memref_squeeze %dma_start3A_393 : memref<1x256x32xi32, #tpu.memory_space<vmem>> -> memref<256x32xi32, #tpu.memory_space<vmem>>
      %dma_start3A_395 = tpu.memref_slice %arg4[%sub3A_387, %mul3A_389] : memref<40960x128xi32, #tpu.memory_space<hbm>> -> memref<256x32xi32, #tpu.memory_space<hbm>>
      %dma_start3A_396 = tpu.memref_slice %arg4[%sub3A_387, %mul3A_389] : memref<40960x128xi32, #tpu.memory_space<hbm>> -> memref<256x32xi32, #tpu.memory_space<hbm>>
      %dma_start3A_397 = arith.constant 0 : i32
      %dma_start3A_398 = arith.constant 0 : i32
      %dma_start3A_399 = tpu.memref_slice %arg6[%dma_start3A_390, %dma_start3A_397, %dma_start3A_398] : memref<2x256x32xi32, #tpu.memory_space<vmem>> -> memref<1x256x32xi32, #tpu.memory_space<vmem>>
      %dma_start3A_400 = tpu.memref_squeeze %dma_start3A_399 : memref<1x256x32xi32, #tpu.memory_space<vmem>> -> memref<256x32xi32, #tpu.memory_space<vmem>>
      tpu.enqueue_dma source(%dma_start3A_400 : memref<256x32xi32, #tpu.memory_space<vmem>>) target(%dma_start3A_396 : memref<256x32xi32, #tpu.memory_space<hbm>>) target_semaphore(%arg10 : memref<!tpu.dma_semaphore, #tpu.memory_space<semaphore_mem>>)
      %add3A_401 = arith.constant 2 : i32
      %add3A_402 = arith.addi %add3A_302, %add3A_401 : i32
      %lt3A_403 = arith.constant 20 : i32
      %lt3A_404 = arith.cmpi slt, %add3A_402, %lt3A_403 : i32
      %convert_element_type3A_405 = arith.extui %lt3A_404 : i1 to i32
      %cond3A_406 = arith.constant 0 : i32
      %cond3A_407 = arith.cmpi ne, %convert_element_type3A_405, %cond3A_406 : i32
      scf.if %cond3A_407 {
        %multiple_of3A_408 = tpu.assume_multiple %mul3A_2, 256 : i32
        %mul3A_409 = arith.constant 256 : i32
        %mul3A_410 = arith.muli %add3A_302, %mul3A_409 : i32
        %add3A_411 = arith.addi %multiple_of3A_408, %mul3A_410 : i32
        %jit3A_412 = arith.constant 16384 : i32
        %div3A_413 = arith.divsi %add3A_411, %jit3A_412 : i32
        %sign3A_414 = arith.constant 0 : i32
        %sign3A_415 = arith.cmpi sgt, %add3A_411, %sign3A_414 : i32
        %sign3A_416 = arith.extui %sign3A_415 : i1 to i32
        %sign3A_417 = arith.constant 0 : i32
        %sign3A_418 = arith.cmpi slt, %add3A_411, %sign3A_417 : i32
        %sign3A_419 = arith.extui %sign3A_418 : i1 to i32
        %sign3A_420 = arith.subi %sign3A_416, %sign3A_419 : i32
        %sign3A_421 = arith.constant 0 : i32
        %sign3A_422 = arith.cmpi sgt, %jit3A_412, %sign3A_421 : i32
        %sign3A_423 = arith.extui %sign3A_422 : i1 to i32
        %sign3A_424 = arith.constant 0 : i32
        %sign3A_425 = arith.cmpi slt, %jit3A_412, %sign3A_424 : i32
        %sign3A_426 = arith.extui %sign3A_425 : i1 to i32
        %sign3A_427 = arith.subi %sign3A_423, %sign3A_426 : i32
        %ne3A_428 = arith.cmpi ne, %sign3A_420, %sign3A_427 : i32
        %rem3A_429 = arith.remsi %add3A_411, %jit3A_412 : i32
        %ne3A_430 = arith.constant 0 : i32
        %ne3A_431 = arith.cmpi ne, %rem3A_429, %ne3A_430 : i32
        %and3A_432 = arith.andi %ne3A_428, %ne3A_431 : i1
        %sub3A_433 = arith.constant 1 : i32
        %sub3A_434 = arith.subi %div3A_413, %sub3A_433 : i32
        %select_n3A_435 = arith.select %and3A_432, %sub3A_434, %div3A_413 : i32
        %jit3A_436 = arith.constant 16384 : i32
        %eq3A_437 = arith.constant 0 : i32
        %eq3A_438 = arith.cmpi eq, %jit3A_436, %eq3A_437 : i32
        %jit3A_439 = arith.constant 1 : i32
        %select_n3A_440 = arith.select %eq3A_438, %jit3A_439, %jit3A_436 : i32
        %rem3A_441 = arith.remsi %add3A_411, %select_n3A_440 : i32
        %ne3A_442 = arith.constant 0 : i32
        %ne3A_443 = arith.cmpi ne, %rem3A_441, %ne3A_442 : i32
        %lt3A_444 = arith.constant 0 : i32
        %lt3A_445 = arith.cmpi slt, %rem3A_441, %lt3A_444 : i32
        %lt3A_446 = arith.constant 0 : i32
        %lt3A_447 = arith.cmpi slt, %select_n3A_440, %lt3A_446 : i32
        %ne3A_448 = arith.xori %lt3A_445, %lt3A_447 : i1
        %and3A_449 = arith.andi %ne3A_448, %ne3A_443 : i1
        %add3A_450 = arith.addi %rem3A_441, %select_n3A_440 : i32
        %select_n3A_451 = arith.select %and3A_449, %add3A_450, %rem3A_441 : i32
        %jit3A_452 = arith.constant 4096 : i32
        %div3A_453 = arith.divsi %select_n3A_451, %jit3A_452 : i32
        %sign3A_454 = arith.constant 0 : i32
        %sign3A_455 = arith.cmpi sgt, %select_n3A_451, %sign3A_454 : i32
        %sign3A_456 = arith.extui %sign3A_455 : i1 to i32
        %sign3A_457 = arith.constant 0 : i32
        %sign3A_458 = arith.cmpi slt, %select_n3A_451, %sign3A_457 : i32
        %sign3A_459 = arith.extui %sign3A_458 : i1 to i32
        %sign3A_460 = arith.subi %sign3A_456, %sign3A_459 : i32
        %sign3A_461 = arith.constant 0 : i32
        %sign3A_462 = arith.cmpi sgt, %jit3A_452, %sign3A_461 : i32
        %sign3A_463 = arith.extui %sign3A_462 : i1 to i32
        %sign3A_464 = arith.constant 0 : i32
        %sign3A_465 = arith.cmpi slt, %jit3A_452, %sign3A_464 : i32
        %sign3A_466 = arith.extui %sign3A_465 : i1 to i32
        %sign3A_467 = arith.subi %sign3A_463, %sign3A_466 : i32
        %ne3A_468 = arith.cmpi ne, %sign3A_460, %sign3A_467 : i32
        %rem3A_469 = arith.remsi %select_n3A_451, %jit3A_452 : i32
        %ne3A_470 = arith.constant 0 : i32
        %ne3A_471 = arith.cmpi ne, %rem3A_469, %ne3A_470 : i32
        %and3A_472 = arith.andi %ne3A_468, %ne3A_471 : i1
        %sub3A_473 = arith.constant 1 : i32
        %sub3A_474 = arith.subi %div3A_453, %sub3A_473 : i32
        %select_n3A_475 = arith.select %and3A_472, %sub3A_474, %div3A_453 : i32
        %mul3A_476 = arith.constant 4096 : i32
        %mul3A_477 = arith.muli %select_n3A_435, %mul3A_476 : i32
        %add3A_478 = arith.addi %mul3A_477, %select_n3A_451 : i32
        %mul3A_479 = arith.constant 4096 : i32
        %mul3A_480 = arith.muli %select_n3A_475, %mul3A_479 : i32
        %sub3A_481 = arith.subi %add3A_478, %mul3A_480 : i32
        %mul3A_482 = arith.constant 32 : i32
        %mul3A_483 = arith.muli %select_n3A_475, %mul3A_482 : i32
        %dma_wait3A_484 = arith.constant 1 : i32
        %dma_wait3A_485 = arith.constant 0 : i32
        %dma_wait3A_486 = arith.constant 0 : i32
        %dma_wait3A_487 = tpu.memref_slice %arg6[%dma_wait3A_484, %dma_wait3A_485, %dma_wait3A_486] : memref<2x256x32xi32, #tpu.memory_space<vmem>> -> memref<1x256x32xi32, #tpu.memory_space<vmem>>
        %dma_wait3A_488 = tpu.memref_squeeze %dma_wait3A_487 : memref<1x256x32xi32, #tpu.memory_space<vmem>> -> memref<256x32xi32, #tpu.memory_space<vmem>>
        %dma_wait3A_489 = tpu.memref_slice %arg4[%sub3A_481, %mul3A_483] : memref<40960x128xi32, #tpu.memory_space<hbm>> -> memref<256x32xi32, #tpu.memory_space<hbm>>
        %dma_wait3A_490 = tpu.memref_slice %arg4[%sub3A_481, %mul3A_483] : memref<40960x128xi32, #tpu.memory_space<hbm>> -> memref<256x32xi32, #tpu.memory_space<hbm>>
        %dma_wait3A_491 = arith.constant 0 : i32
        %dma_wait3A_492 = arith.constant 0 : i32
        %dma_wait3A_493 = tpu.memref_slice %arg6[%dma_wait3A_484, %dma_wait3A_491, %dma_wait3A_492] : memref<2x256x32xi32, #tpu.memory_space<vmem>> -> memref<1x256x32xi32, #tpu.memory_space<vmem>>
        %dma_wait3A_494 = tpu.memref_squeeze %dma_wait3A_493 : memref<1x256x32xi32, #tpu.memory_space<vmem>> -> memref<256x32xi32, #tpu.memory_space<vmem>>
        tpu.wait_dma2 semaphore(%arg10 : memref<!tpu.dma_semaphore, #tpu.memory_space<semaphore_mem>>) src(%dma_wait3A_494 : memref<256x32xi32, #tpu.memory_space<vmem>>) dst(%dma_wait3A_490 : memref<256x32xi32, #tpu.memory_space<hbm>>)
        %dma_start3A_495 = arith.constant 1 : i32
        %dma_start3A_496 = arith.constant 0 : i32
        %dma_start3A_497 = arith.constant 0 : i32
        %dma_start3A_498 = tpu.memref_slice %arg6[%dma_start3A_495, %dma_start3A_496, %dma_start3A_497] : memref<2x256x32xi32, #tpu.memory_space<vmem>> -> memref<1x256x32xi32, #tpu.memory_space<vmem>>
        %dma_start3A_499 = tpu.memref_squeeze %dma_start3A_498 : memref<1x256x32xi32, #tpu.memory_space<vmem>> -> memref<256x32xi32, #tpu.memory_space<vmem>>
        %dma_start3A_500 = arith.constant 0 : i32
        %dma_start3A_501 = tpu.memref_slice %arg5[%add3A_402, %dma_start3A_500] : memref<20x256xi32, #tpu.memory_space<vmem>> -> memref<1x256xi32, #tpu.memory_space<vmem>>
        %dma_start3A_502 = tpu.memref_squeeze %dma_start3A_501 : memref<1x256xi32, #tpu.memory_space<vmem>> -> memref<256xi32, #tpu.memory_space<vmem>>
        %dma_start3A_503 = arith.constant 0 : i32
        %dma_start3A_504 = arith.constant 0 : i32
        %dma_start3A_505 = tpu.memref_slice %arg2[%dma_start3A_503, %dma_start3A_504] : memref<100000x32xi32, #tpu.memory_space<hbm>> -> memref<100000x32xi32, #tpu.memory_space<hbm>>
        tpu.enqueue_indirect_dma source(%dma_start3A_505 : memref<100000x32xi32, #tpu.memory_space<hbm>>) target(%dma_start3A_499 : memref<256x32xi32, #tpu.memory_space<vmem>>) offsets(%dma_start3A_502 : memref<256xi32, #tpu.memory_space<vmem>>) semaphore(%arg8 : memref<!tpu.dma_semaphore, #tpu.memory_space<semaphore_mem>>)
      } else {
      }
    }
    %scan3A_30 = arith.constant 10 : i32
    %multiple_of3A = tpu.assume_multiple %mul3A_2, 256 : i32
    %add3A_31 = arith.constant 4608 : i32
    %add3A_32 = arith.addi %multiple_of3A, %add3A_31 : i32
    %jit3A = arith.constant 16384 : i32
    %div3A = arith.divsi %add3A_32, %jit3A : i32
    %sign3A = arith.constant 0 : i32
    %sign3A_33 = arith.cmpi sgt, %add3A_32, %sign3A : i32
    %sign3A_34 = arith.extui %sign3A_33 : i1 to i32
    %sign3A_35 = arith.constant 0 : i32
    %sign3A_36 = arith.cmpi slt, %add3A_32, %sign3A_35 : i32
    %sign3A_37 = arith.extui %sign3A_36 : i1 to i32
    %sign3A_38 = arith.subi %sign3A_34, %sign3A_37 : i32
    %sign3A_39 = arith.constant 0 : i32
    %sign3A_40 = arith.cmpi sgt, %jit3A, %sign3A_39 : i32
    %sign3A_41 = arith.extui %sign3A_40 : i1 to i32
    %sign3A_42 = arith.constant 0 : i32
    %sign3A_43 = arith.cmpi slt, %jit3A, %sign3A_42 : i32
    %sign3A_44 = arith.extui %sign3A_43 : i1 to i32
    %sign3A_45 = arith.subi %sign3A_41, %sign3A_44 : i32
    %ne3A = arith.cmpi ne, %sign3A_38, %sign3A_45 : i32
    %rem3A = arith.remsi %add3A_32, %jit3A : i32
    %ne3A_46 = arith.constant 0 : i32
    %ne3A_47 = arith.cmpi ne, %rem3A, %ne3A_46 : i32
    %and3A = arith.andi %ne3A, %ne3A_47 : i1
    %sub3A = arith.constant 1 : i32
    %sub3A_48 = arith.subi %div3A, %sub3A : i32
    %select_n3A = arith.select %and3A, %sub3A_48, %div3A : i32
    %jit3A_49 = arith.constant 16384 : i32
    %eq3A = arith.constant 0 : i32
    %eq3A_50 = arith.cmpi eq, %jit3A_49, %eq3A : i32
    %jit3A_51 = arith.constant 1 : i32
    %select_n3A_52 = arith.select %eq3A_50, %jit3A_51, %jit3A_49 : i32
    %rem3A_53 = arith.remsi %add3A_32, %select_n3A_52 : i32
    %ne3A_54 = arith.constant 0 : i32
    %ne3A_55 = arith.cmpi ne, %rem3A_53, %ne3A_54 : i32
    %lt3A = arith.constant 0 : i32
    %lt3A_56 = arith.cmpi slt, %rem3A_53, %lt3A : i32
    %lt3A_57 = arith.constant 0 : i32
    %lt3A_58 = arith.cmpi slt, %select_n3A_52, %lt3A_57 : i32
    %ne3A_59 = arith.xori %lt3A_56, %lt3A_58 : i1
    %and3A_60 = arith.andi %ne3A_59, %ne3A_55 : i1
    %add3A_61 = arith.addi %rem3A_53, %select_n3A_52 : i32
    %select_n3A_62 = arith.select %and3A_60, %add3A_61, %rem3A_53 : i32
    %jit3A_63 = arith.constant 4096 : i32
    %div3A_64 = arith.divsi %select_n3A_62, %jit3A_63 : i32
    %sign3A_65 = arith.constant 0 : i32
    %sign3A_66 = arith.cmpi sgt, %select_n3A_62, %sign3A_65 : i32
    %sign3A_67 = arith.extui %sign3A_66 : i1 to i32
    %sign3A_68 = arith.constant 0 : i32
    %sign3A_69 = arith.cmpi slt, %select_n3A_62, %sign3A_68 : i32
    %sign3A_70 = arith.extui %sign3A_69 : i1 to i32
    %sign3A_71 = arith.subi %sign3A_67, %sign3A_70 : i32
    %sign3A_72 = arith.constant 0 : i32
    %sign3A_73 = arith.cmpi sgt, %jit3A_63, %sign3A_72 : i32
    %sign3A_74 = arith.extui %sign3A_73 : i1 to i32
    %sign3A_75 = arith.constant 0 : i32
    %sign3A_76 = arith.cmpi slt, %jit3A_63, %sign3A_75 : i32
    %sign3A_77 = arith.extui %sign3A_76 : i1 to i32
    %sign3A_78 = arith.subi %sign3A_74, %sign3A_77 : i32
    %ne3A_79 = arith.cmpi ne, %sign3A_71, %sign3A_78 : i32
    %rem3A_80 = arith.remsi %select_n3A_62, %jit3A_63 : i32
    %ne3A_81 = arith.constant 0 : i32
    %ne3A_82 = arith.cmpi ne, %rem3A_80, %ne3A_81 : i32
    %and3A_83 = arith.andi %ne3A_79, %ne3A_82 : i1
    %sub3A_84 = arith.constant 1 : i32
    %sub3A_85 = arith.subi %div3A_64, %sub3A_84 : i32
    %select_n3A_86 = arith.select %and3A_83, %sub3A_85, %div3A_64 : i32
    %mul3A_87 = arith.constant 4096 : i32
    %mul3A_88 = arith.muli %select_n3A, %mul3A_87 : i32
    %add3A_89 = arith.addi %mul3A_88, %select_n3A_62 : i32
    %mul3A_90 = arith.constant 4096 : i32
    %mul3A_91 = arith.muli %select_n3A_86, %mul3A_90 : i32
    %sub3A_92 = arith.subi %add3A_89, %mul3A_91 : i32
    %mul3A_93 = arith.constant 32 : i32
    %mul3A_94 = arith.muli %select_n3A_86, %mul3A_93 : i32
    %dma_wait3A = arith.constant 0 : i32
    %dma_wait3A_95 = arith.constant 0 : i32
    %dma_wait3A_96 = arith.constant 0 : i32
    %dma_wait3A_97 = tpu.memref_slice %arg6[%dma_wait3A, %dma_wait3A_95, %dma_wait3A_96] : memref<2x256x32xi32, #tpu.memory_space<vmem>> -> memref<1x256x32xi32, #tpu.memory_space<vmem>>
    %dma_wait3A_98 = tpu.memref_squeeze %dma_wait3A_97 : memref<1x256x32xi32, #tpu.memory_space<vmem>> -> memref<256x32xi32, #tpu.memory_space<vmem>>
    %dma_wait3A_99 = tpu.memref_slice %arg4[%sub3A_92, %mul3A_94] : memref<40960x128xi32, #tpu.memory_space<hbm>> -> memref<256x32xi32, #tpu.memory_space<hbm>>
    %dma_wait3A_100 = tpu.memref_slice %arg4[%sub3A_92, %mul3A_94] : memref<40960x128xi32, #tpu.memory_space<hbm>> -> memref<256x32xi32, #tpu.memory_space<hbm>>
    %dma_wait3A_101 = arith.constant 0 : i32
    %dma_wait3A_102 = arith.constant 0 : i32
    %dma_wait3A_103 = tpu.memref_slice %arg6[%dma_wait3A, %dma_wait3A_101, %dma_wait3A_102] : memref<2x256x32xi32, #tpu.memory_space<vmem>> -> memref<1x256x32xi32, #tpu.memory_space<vmem>>
    %dma_wait3A_104 = tpu.memref_squeeze %dma_wait3A_103 : memref<1x256x32xi32, #tpu.memory_space<vmem>> -> memref<256x32xi32, #tpu.memory_space<vmem>>
    tpu.wait_dma2 semaphore(%arg9 : memref<!tpu.dma_semaphore, #tpu.memory_space<semaphore_mem>>) src(%dma_wait3A_104 : memref<256x32xi32, #tpu.memory_space<vmem>>) dst(%dma_wait3A_100 : memref<256x32xi32, #tpu.memory_space<hbm>>)
    %multiple_of3A_105 = tpu.assume_multiple %mul3A_2, 256 : i32
    %add3A_106 = arith.constant 4864 : i32
    %add3A_107 = arith.addi %multiple_of3A_105, %add3A_106 : i32
    %jit3A_108 = arith.constant 16384 : i32
    %div3A_109 = arith.divsi %add3A_107, %jit3A_108 : i32
    %sign3A_110 = arith.constant 0 : i32
    %sign3A_111 = arith.cmpi sgt, %add3A_107, %sign3A_110 : i32
    %sign3A_112 = arith.extui %sign3A_111 : i1 to i32
    %sign3A_113 = arith.constant 0 : i32
    %sign3A_114 = arith.cmpi slt, %add3A_107, %sign3A_113 : i32
    %sign3A_115 = arith.extui %sign3A_114 : i1 to i32
    %sign3A_116 = arith.subi %sign3A_112, %sign3A_115 : i32
    %sign3A_117 = arith.constant 0 : i32
    %sign3A_118 = arith.cmpi sgt, %jit3A_108, %sign3A_117 : i32
    %sign3A_119 = arith.extui %sign3A_118 : i1 to i32
    %sign3A_120 = arith.constant 0 : i32
    %sign3A_121 = arith.cmpi slt, %jit3A_108, %sign3A_120 : i32
    %sign3A_122 = arith.extui %sign3A_121 : i1 to i32
    %sign3A_123 = arith.subi %sign3A_119, %sign3A_122 : i32
    %ne3A_124 = arith.cmpi ne, %sign3A_116, %sign3A_123 : i32
    %rem3A_125 = arith.remsi %add3A_107, %jit3A_108 : i32
    %ne3A_126 = arith.constant 0 : i32
    %ne3A_127 = arith.cmpi ne, %rem3A_125, %ne3A_126 : i32
    %and3A_128 = arith.andi %ne3A_124, %ne3A_127 : i1
    %sub3A_129 = arith.constant 1 : i32
    %sub3A_130 = arith.subi %div3A_109, %sub3A_129 : i32
    %select_n3A_131 = arith.select %and3A_128, %sub3A_130, %div3A_109 : i32
    %jit3A_132 = arith.constant 16384 : i32
    %eq3A_133 = arith.constant 0 : i32
    %eq3A_134 = arith.cmpi eq, %jit3A_132, %eq3A_133 : i32
    %jit3A_135 = arith.constant 1 : i32
    %select_n3A_136 = arith.select %eq3A_134, %jit3A_135, %jit3A_132 : i32
    %rem3A_137 = arith.remsi %add3A_107, %select_n3A_136 : i32
    %ne3A_138 = arith.constant 0 : i32
    %ne3A_139 = arith.cmpi ne, %rem3A_137, %ne3A_138 : i32
    %lt3A_140 = arith.constant 0 : i32
    %lt3A_141 = arith.cmpi slt, %rem3A_137, %lt3A_140 : i32
    %lt3A_142 = arith.constant 0 : i32
    %lt3A_143 = arith.cmpi slt, %select_n3A_136, %lt3A_142 : i32
    %ne3A_144 = arith.xori %lt3A_141, %lt3A_143 : i1
    %and3A_145 = arith.andi %ne3A_144, %ne3A_139 : i1
    %add3A_146 = arith.addi %rem3A_137, %select_n3A_136 : i32
    %select_n3A_147 = arith.select %and3A_145, %add3A_146, %rem3A_137 : i32
    %jit3A_148 = arith.constant 4096 : i32
    %div3A_149 = arith.divsi %select_n3A_147, %jit3A_148 : i32
    %sign3A_150 = arith.constant 0 : i32
    %sign3A_151 = arith.cmpi sgt, %select_n3A_147, %sign3A_150 : i32
    %sign3A_152 = arith.extui %sign3A_151 : i1 to i32
    %sign3A_153 = arith.constant 0 : i32
    %sign3A_154 = arith.cmpi slt, %select_n3A_147, %sign3A_153 : i32
    %sign3A_155 = arith.extui %sign3A_154 : i1 to i32
    %sign3A_156 = arith.subi %sign3A_152, %sign3A_155 : i32
    %sign3A_157 = arith.constant 0 : i32
    %sign3A_158 = arith.cmpi sgt, %jit3A_148, %sign3A_157 : i32
    %sign3A_159 = arith.extui %sign3A_158 : i1 to i32
    %sign3A_160 = arith.constant 0 : i32
    %sign3A_161 = arith.cmpi slt, %jit3A_148, %sign3A_160 : i32
    %sign3A_162 = arith.extui %sign3A_161 : i1 to i32
    %sign3A_163 = arith.subi %sign3A_159, %sign3A_162 : i32
    %ne3A_164 = arith.cmpi ne, %sign3A_156, %sign3A_163 : i32
    %rem3A_165 = arith.remsi %select_n3A_147, %jit3A_148 : i32
    %ne3A_166 = arith.constant 0 : i32
    %ne3A_167 = arith.cmpi ne, %rem3A_165, %ne3A_166 : i32
    %and3A_168 = arith.andi %ne3A_164, %ne3A_167 : i1
    %sub3A_169 = arith.constant 1 : i32
    %sub3A_170 = arith.subi %div3A_149, %sub3A_169 : i32
    %select_n3A_171 = arith.select %and3A_168, %sub3A_170, %div3A_149 : i32
    %mul3A_172 = arith.constant 4096 : i32
    %mul3A_173 = arith.muli %select_n3A_131, %mul3A_172 : i32
    %add3A_174 = arith.addi %mul3A_173, %select_n3A_147 : i32
    %mul3A_175 = arith.constant 4096 : i32
    %mul3A_176 = arith.muli %select_n3A_171, %mul3A_175 : i32
    %sub3A_177 = arith.subi %add3A_174, %mul3A_176 : i32
    %mul3A_178 = arith.constant 32 : i32
    %mul3A_179 = arith.muli %select_n3A_171, %mul3A_178 : i32
    %dma_wait3A_180 = arith.constant 1 : i32
    %dma_wait3A_181 = arith.constant 0 : i32
    %dma_wait3A_182 = arith.constant 0 : i32
    %dma_wait3A_183 = tpu.memref_slice %arg6[%dma_wait3A_180, %dma_wait3A_181, %dma_wait3A_182] : memref<2x256x32xi32, #tpu.memory_space<vmem>> -> memref<1x256x32xi32, #tpu.memory_space<vmem>>
    %dma_wait3A_184 = tpu.memref_squeeze %dma_wait3A_183 : memref<1x256x32xi32, #tpu.memory_space<vmem>> -> memref<256x32xi32, #tpu.memory_space<vmem>>
    %dma_wait3A_185 = tpu.memref_slice %arg4[%sub3A_177, %mul3A_179] : memref<40960x128xi32, #tpu.memory_space<hbm>> -> memref<256x32xi32, #tpu.memory_space<hbm>>
    %dma_wait3A_186 = tpu.memref_slice %arg4[%sub3A_177, %mul3A_179] : memref<40960x128xi32, #tpu.memory_space<hbm>> -> memref<256x32xi32, #tpu.memory_space<hbm>>
    %dma_wait3A_187 = arith.constant 0 : i32
    %dma_wait3A_188 = arith.constant 0 : i32
    %dma_wait3A_189 = tpu.memref_slice %arg6[%dma_wait3A_180, %dma_wait3A_187, %dma_wait3A_188] : memref<2x256x32xi32, #tpu.memory_space<vmem>> -> memref<1x256x32xi32, #tpu.memory_space<vmem>>
    %dma_wait3A_190 = tpu.memref_squeeze %dma_wait3A_189 : memref<1x256x32xi32, #tpu.memory_space<vmem>> -> memref<256x32xi32, #tpu.memory_space<vmem>>
    tpu.wait_dma2 semaphore(%arg10 : memref<!tpu.dma_semaphore, #tpu.memory_space<semaphore_mem>>) src(%dma_wait3A_190 : memref<256x32xi32, #tpu.memory_space<vmem>>) dst(%dma_wait3A_186 : memref<256x32xi32, #tpu.memory_space<hbm>>)
    return
  }
}

#map = affine_map<(d0, d1) -> (0, 0)>
#map1 = affine_map<(d0, d1) -> (0, 0, 0)>
module attributes {stable_mosaic.version = 14 : i64} {
  func.func @gather(%arg0: i32, %arg1: i32, %arg2: memref<100000x32xi32, #tpu.memory_space<hbm>>, %arg3: memref<32x20x256xi32, #tpu.memory_space<hbm>>, %arg4: memref<40960x128xi32, #tpu.memory_space<hbm>>, %arg5: memref<20x256xi32, #tpu.memory_space<vmem>>, %arg6: memref<2x256x32xi32, #tpu.memory_space<vmem>>, %arg7: memref<!tpu.dma_semaphore, #tpu.memory_space<semaphore_mem>>, %arg8: memref<!tpu.dma_semaphore, #tpu.memory_space<semaphore_mem>>, %arg9: memref<!tpu.dma_semaphore, #tpu.memory_space<semaphore_mem>>, %arg10: memref<!tpu.dma_semaphore, #tpu.memory_space<semaphore_mem>>) attributes {dimension_semantics = [#tpu.dimension_semantics<core_parallel>, #tpu.dimension_semantics<subcore_parallel>], iteration_bounds = array<i64: 2, 16>, scalar_prefetch = 0 : i64, scratch_operands = 6 : i64, tpu.core_type = #tpu.core_type<sc_vector_subcore>, window_params = [{transform_indices = #map}, {transform_indices = #map1}, {transform_indices = #map}]} {
    %mul3A = arith.constant 2 : i32
    %mul3A_0 = arith.muli %arg1, %mul3A : i32
    %add3A = arith.addi %mul3A_0, %arg0 : i32
    %mul3A_1 = arith.constant 5120 : i32
    %mul3A_2 = arith.muli %add3A, %mul3A_1 : i32
    "tpu.region"() ({
      %run_scoped3A = tpu.sem_alloc : memref<!tpu.dma_semaphore, #tpu.memory_space<semaphore_mem>>
      %dma_start3A_191 = arith.constant 0 : i32
      %dma_start3A_192 = arith.constant 0 : i32
      %dma_start3A_193 = tpu.memref_slice %arg3[%add3A, %dma_start3A_191, %dma_start3A_192] : memref<32x20x256xi32, #tpu.memory_space<hbm>> -> memref<1x20x256xi32, #tpu.memory_space<hbm>>
      %dma_start3A_194 = tpu.memref_squeeze %dma_start3A_193 : memref<1x20x256xi32, #tpu.memory_space<hbm>> -> memref<20x256xi32, #tpu.memory_space<hbm>>
      %dma_start3A_195 = arith.constant 0 : i32
      %dma_start3A_196 = arith.constant 0 : i32
      %dma_start3A_197 = tpu.memref_slice %arg3[%add3A, %dma_start3A_195, %dma_start3A_196] : memref<32x20x256xi32, #tpu.memory_space<hbm>> -> memref<1x20x256xi32, #tpu.memory_space<hbm>>
      %dma_start3A_198 = tpu.memref_squeeze %dma_start3A_197 : memref<1x20x256xi32, #tpu.memory_space<hbm>> -> memref<20x256xi32, #tpu.memory_space<hbm>>
      tpu.enqueue_dma source(%dma_start3A_198 : memref<20x256xi32, #tpu.memory_space<hbm>>) target(%arg5 : memref<20x256xi32, #tpu.memory_space<vmem>>) target_semaphore(%run_scoped3A : memref<!tpu.dma_semaphore, #tpu.memory_space<semaphore_mem>>)
      %dma_wait3A_199 = arith.constant 0 : i32
      %dma_wait3A_200 = arith.constant 0 : i32
      %dma_wait3A_201 = tpu.memref_slice %arg3[%add3A, %dma_wait3A_199, %dma_wait3A_200] : memref<32x20x256xi32, #tpu.memory_space<hbm>> -> memref<1x20x256xi32, #tpu.memory_space<hbm>>
      %dma_wait3A_202 = tpu.memref_squeeze %dma_wait3A_201 : memref<1x20x256xi32, #tpu.memory_space<hbm>> -> memref<20x256xi32, #tpu.memory_space<hbm>>
      %dma_wait3A_203 = arith.constant 0 : i32
      %dma_wait3A_204 = arith.constant 0 : i32
      %dma_wait3A_205 = tpu.memref_slice %arg3[%add3A, %dma_wait3A_203, %dma_wait3A_204] : memref<32x20x256xi32, #tpu.memory_space<hbm>> -> memref<1x20x256xi32, #tpu.memory_space<hbm>>
      %dma_wait3A_206 = tpu.memref_squeeze %dma_wait3A_205 : memref<1x20x256xi32, #tpu.memory_space<hbm>> -> memref<20x256xi32, #tpu.memory_space<hbm>>
      tpu.wait_dma2 semaphore(%run_scoped3A : memref<!tpu.dma_semaphore, #tpu.memory_space<semaphore_mem>>) src(%dma_wait3A_206 : memref<20x256xi32, #tpu.memory_space<hbm>>) dst(%arg5 : memref<20x256xi32, #tpu.memory_space<vmem>>)
      tpu.yield
    }) : () -> ()
    %dma_start3A = arith.constant 0 : i32
    %dma_start3A_3 = arith.constant 0 : i32
    %dma_start3A_4 = arith.constant 0 : i32
    %dma_start3A_5 = arith.constant 0 : i32
    %dma_start3A_6 = tpu.memref_slice %arg6[%dma_start3A_3, %dma_start3A_4, %dma_start3A_5] : memref<2x256x32xi32, #tpu.memory_space<vmem>> -> memref<1x256x32xi32, #tpu.memory_space<vmem>>
    %dma_start3A_7 = tpu.memref_squeeze %dma_start3A_6 : memref<1x256x32xi32, #tpu.memory_space<vmem>> -> memref<256x32xi32, #tpu.memory_space<vmem>>
    %dma_start3A_8 = arith.constant 0 : i32
    %dma_start3A_9 = tpu.memref_slice %arg5[%dma_start3A, %dma_start3A_8] : memref<20x256xi32, #tpu.memory_space<vmem>> -> memref<1x256xi32, #tpu.memory_space<vmem>>
    %dma_start3A_10 = tpu.memref_squeeze %dma_start3A_9 : memref<1x256xi32, #tpu.memory_space<vmem>> -> memref<256xi32, #tpu.memory_space<vmem>>
    %dma_start3A_11 = arith.constant 0 : i32
    %dma_start3A_12 = arith.constant 0 : i32
    %dma_start3A_13 = tpu.memref_slice %arg2[%dma_start3A_11, %dma_start3A_12] : memref<100000x32xi32, #tpu.memory_space<hbm>> -> memref<100000x32xi32, #tpu.memory_space<hbm>>
    tpu.enqueue_indirect_dma source(%dma_start3A_13 : memref<100000x32xi32, #tpu.memory_space<hbm>>) target(%dma_start3A_7 : memref<256x32xi32, #tpu.memory_space<vmem>>) offsets(%dma_start3A_10 : memref<256xi32, #tpu.memory_space<vmem>>) semaphore(%arg7 : memref<!tpu.dma_semaphore, #tpu.memory_space<semaphore_mem>>)
    %dma_start3A_14 = arith.constant 1 : i32
    %dma_start3A_15 = arith.constant 1 : i32
    %dma_start3A_16 = arith.constant 0 : i32
    %dma_start3A_17 = arith.constant 0 : i32
    %dma_start3A_18 = tpu.memref_slice %arg6[%dma_start3A_15, %dma_start3A_16, %dma_start3A_17] : memref<2x256x32xi32, #tpu.memory_space<vmem>> -> memref<1x256x32xi32, #tpu.memory_space<vmem>>
    %dma_start3A_19 = tpu.memref_squeeze %dma_start3A_18 : memref<1x256x32xi32, #tpu.memory_space<vmem>> -> memref<256x32xi32, #tpu.memory_space<vmem>>
    %dma_start3A_20 = arith.constant 0 : i32
    %dma_start3A_21 = tpu.memref_slice %arg5[%dma_start3A_14, %dma_start3A_20] : memref<20x256xi32, #tpu.memory_space<vmem>> -> memref<1x256xi32, #tpu.memory_space<vmem>>
    %dma_start3A_22 = tpu.memref_squeeze %dma_start3A_21 : memref<1x256xi32, #tpu.memory_space<vmem>> -> memref<256xi32, #tpu.memory_space<vmem>>
    %dma_start3A_23 = arith.constant 0 : i32
    %dma_start3A_24 = arith.constant 0 : i32
    %dma_start3A_25 = tpu.memref_slice %arg2[%dma_start3A_23, %dma_start3A_24] : memref<100000x32xi32, #tpu.memory_space<hbm>> -> memref<100000x32xi32, #tpu.memory_space<hbm>>
    tpu.enqueue_indirect_dma source(%dma_start3A_25 : memref<100000x32xi32, #tpu.memory_space<hbm>>) target(%dma_start3A_19 : memref<256x32xi32, #tpu.memory_space<vmem>>) offsets(%dma_start3A_22 : memref<256xi32, #tpu.memory_space<vmem>>) semaphore(%arg8 : memref<!tpu.dma_semaphore, #tpu.memory_space<semaphore_mem>>)
    %scan3A = arith.constant 0 : i32
    %scan3A_26 = arith.constant 0 : i32
    %scan3A_27 = arith.constant 10 : i32
    %scan3A_28 = arith.addi %scan3A_26, %scan3A_27 : i32
    %scan3A_29 = arith.constant 1 : i32
    scf.for %scan3A_191 = %scan3A_26 to %scan3A_28 step %scan3A_29  : i32 {
      %mul3A_192 = arith.constant 2 : i32
      %mul3A_193 = arith.muli %scan3A_191, %mul3A_192 : i32
      %add3A_194 = arith.constant 0 : i32
      %add3A_195 = arith.addi %mul3A_193, %add3A_194 : i32
      %dma_wait3A_196 = arith.constant 0 : i32
      %dma_wait3A_197 = arith.constant 0 : i32
      %dma_wait3A_198 = arith.constant 0 : i32
      %dma_wait3A_199 = tpu.memref_slice %arg6[%dma_wait3A_196, %dma_wait3A_197, %dma_wait3A_198] : memref<2x256x32xi32, #tpu.memory_space<vmem>> -> memref<1x256x32xi32, #tpu.memory_space<vmem>>
      %dma_wait3A_200 = tpu.memref_squeeze %dma_wait3A_199 : memref<1x256x32xi32, #tpu.memory_space<vmem>> -> memref<256x32xi32, #tpu.memory_space<vmem>>
      %dma_wait3A_201 = arith.constant 0 : i32
      %dma_wait3A_202 = tpu.memref_slice %arg5[%add3A_195, %dma_wait3A_201] : memref<20x256xi32, #tpu.memory_space<vmem>> -> memref<1x256xi32, #tpu.memory_space<vmem>>
      %dma_wait3A_203 = tpu.memref_squeeze %dma_wait3A_202 : memref<1x256xi32, #tpu.memory_space<vmem>> -> memref<256xi32, #tpu.memory_space<vmem>>
      %dma_wait3A_204 = arith.constant 0 : i32
      %dma_wait3A_205 = arith.constant 0 : i32
      %dma_wait3A_206 = tpu.memref_slice %arg2[%dma_wait3A_204, %dma_wait3A_205] : memref<100000x32xi32, #tpu.memory_space<hbm>> -> memref<100000x32xi32, #tpu.memory_space<hbm>>
      tpu.wait_indirect_dma semaphore(%arg7 : memref<!tpu.dma_semaphore, #tpu.memory_space<semaphore_mem>>) src(%dma_wait3A_206 : memref<100000x32xi32, #tpu.memory_space<hbm>>) dst(%dma_wait3A_200 : memref<256x32xi32, #tpu.memory_space<vmem>>)
      %multiple_of3A_207 = tpu.assume_multiple %mul3A_2, 256 : i32
      %mul3A_208 = arith.constant 256 : i32
      %mul3A_209 = arith.muli %add3A_195, %mul3A_208 : i32
      %add3A_210 = arith.addi %multiple_of3A_207, %mul3A_209 : i32
      %jit3A_211 = arith.constant 16384 : i32
      %div3A_212 = arith.divsi %add3A_210, %jit3A_211 : i32
      %sign3A_213 = arith.constant 0 : i32
      %sign3A_214 = arith.cmpi sgt, %add3A_210, %sign3A_213 : i32
      %sign3A_215 = arith.extui %sign3A_214 : i1 to i32
      %sign3A_216 = arith.constant 0 : i32
      %sign3A_217 = arith.cmpi slt, %add3A_210, %sign3A_216 : i32
      %sign3A_218 = arith.extui %sign3A_217 : i1 to i32
      %sign3A_219 = arith.subi %sign3A_215, %sign3A_218 : i32
      %sign3A_220 = arith.constant 0 : i32
      %sign3A_221 = arith.cmpi sgt, %jit3A_211, %sign3A_220 : i32
      %sign3A_222 = arith.extui %sign3A_221 : i1 to i32
      %sign3A_223 = arith.constant 0 : i32
      %sign3A_224 = arith.cmpi slt, %jit3A_211, %sign3A_223 : i32
      %sign3A_225 = arith.extui %sign3A_224 : i1 to i32
      %sign3A_226 = arith.subi %sign3A_222, %sign3A_225 : i32
      %ne3A_227 = arith.cmpi ne, %sign3A_219, %sign3A_226 : i32
      %rem3A_228 = arith.remsi %add3A_210, %jit3A_211 : i32
      %ne3A_229 = arith.constant 0 : i32
      %ne3A_230 = arith.cmpi ne, %rem3A_228, %ne3A_229 : i32
      %and3A_231 = arith.andi %ne3A_227, %ne3A_230 : i1
      %sub3A_232 = arith.constant 1 : i32
      %sub3A_233 = arith.subi %div3A_212, %sub3A_232 : i32
      %select_n3A_234 = arith.select %and3A_231, %sub3A_233, %div3A_212 : i32
      %jit3A_235 = arith.constant 16384 : i32
      %eq3A_236 = arith.constant 0 : i32
      %eq3A_237 = arith.cmpi eq, %jit3A_235, %eq3A_236 : i32
      %jit3A_238 = arith.constant 1 : i32
      %select_n3A_239 = arith.select %eq3A_237, %jit3A_238, %jit3A_235 : i32
      %rem3A_240 = arith.remsi %add3A_210, %select_n3A_239 : i32
      %ne3A_241 = arith.constant 0 : i32
      %ne3A_242 = arith.cmpi ne, %rem3A_240, %ne3A_241 : i32
      %lt3A_243 = arith.constant 0 : i32
      %lt3A_244 = arith.cmpi slt, %rem3A_240, %lt3A_243 : i32
      %lt3A_245 = arith.constant 0 : i32
      %lt3A_246 = arith.cmpi slt, %select_n3A_239, %lt3A_245 : i32
      %ne3A_247 = arith.xori %lt3A_244, %lt3A_246 : i1
      %and3A_248 = arith.andi %ne3A_247, %ne3A_242 : i1
      %add3A_249 = arith.addi %rem3A_240, %select_n3A_239 : i32
      %select_n3A_250 = arith.select %and3A_248, %add3A_249, %rem3A_240 : i32
      %jit3A_251 = arith.constant 4096 : i32
      %div3A_252 = arith.divsi %select_n3A_250, %jit3A_251 : i32
      %sign3A_253 = arith.constant 0 : i32
      %sign3A_254 = arith.cmpi sgt, %select_n3A_250, %sign3A_253 : i32
      %sign3A_255 = arith.extui %sign3A_254 : i1 to i32
      %sign3A_256 = arith.constant 0 : i32
      %sign3A_257 = arith.cmpi slt, %select_n3A_250, %sign3A_256 : i32
      %sign3A_258 = arith.extui %sign3A_257 : i1 to i32
      %sign3A_259 = arith.subi %sign3A_255, %sign3A_258 : i32
      %sign3A_260 = arith.constant 0 : i32
      %sign3A_261 = arith.cmpi sgt, %jit3A_251, %sign3A_260 : i32
      %sign3A_262 = arith.extui %sign3A_261 : i1 to i32
      %sign3A_263 = arith.constant 0 : i32
      %sign3A_264 = arith.cmpi slt, %jit3A_251, %sign3A_263 : i32
      %sign3A_265 = arith.extui %sign3A_264 : i1 to i32
      %sign3A_266 = arith.subi %sign3A_262, %sign3A_265 : i32
      %ne3A_267 = arith.cmpi ne, %sign3A_259, %sign3A_266 : i32
      %rem3A_268 = arith.remsi %select_n3A_250, %jit3A_251 : i32
      %ne3A_269 = arith.constant 0 : i32
      %ne3A_270 = arith.cmpi ne, %rem3A_268, %ne3A_269 : i32
      %and3A_271 = arith.andi %ne3A_267, %ne3A_270 : i1
      %sub3A_272 = arith.constant 1 : i32
      %sub3A_273 = arith.subi %div3A_252, %sub3A_272 : i32
      %select_n3A_274 = arith.select %and3A_271, %sub3A_273, %div3A_252 : i32
      %mul3A_275 = arith.constant 4096 : i32
      %mul3A_276 = arith.muli %select_n3A_234, %mul3A_275 : i32
      %add3A_277 = arith.addi %mul3A_276, %select_n3A_250 : i32
      %mul3A_278 = arith.constant 4096 : i32
      %mul3A_279 = arith.muli %select_n3A_274, %mul3A_278 : i32
      %sub3A_280 = arith.subi %add3A_277, %mul3A_279 : i32
      %mul3A_281 = arith.constant 32 : i32
      %mul3A_282 = arith.muli %select_n3A_274, %mul3A_281 : i32
      %dma_start3A_283 = arith.constant 0 : i32
      %dma_start3A_284 = arith.constant 0 : i32
      %dma_start3A_285 = arith.constant 0 : i32
      %dma_start3A_286 = tpu.memref_slice %arg6[%dma_start3A_283, %dma_start3A_284, %dma_start3A_285] : memref<2x256x32xi32, #tpu.memory_space<vmem>> -> memref<1x256x32xi32, #tpu.memory_space<vmem>>
      %dma_start3A_287 = tpu.memref_squeeze %dma_start3A_286 : memref<1x256x32xi32, #tpu.memory_space<vmem>> -> memref<256x32xi32, #tpu.memory_space<vmem>>
      %dma_start3A_288 = tpu.memref_slice %arg4[%sub3A_280, %mul3A_282] : memref<40960x128xi32, #tpu.memory_space<hbm>> -> memref<256x32xi32, #tpu.memory_space<hbm>>
      %dma_start3A_289 = tpu.memref_slice %arg4[%sub3A_280, %mul3A_282] : memref<40960x128xi32, #tpu.memory_space<hbm>> -> memref<256x32xi32, #tpu.memory_space<hbm>>
      %dma_start3A_290 = arith.constant 0 : i32
      %dma_start3A_291 = arith.constant 0 : i32
      %dma_start3A_292 = tpu.memref_slice %arg6[%dma_start3A_283, %dma_start3A_290, %dma_start3A_291] : memref<2x256x32xi32, #tpu.memory_space<vmem>> -> memref<1x256x32xi32, #tpu.memory_space<vmem>>
      %dma_start3A_293 = tpu.memref_squeeze %dma_start3A_292 : memref<1x256x32xi32, #tpu.memory_space<vmem>> -> memref<256x32xi32, #tpu.memory_space<vmem>>
      tpu.enqueue_dma source(%dma_start3A_293 : memref<256x32xi32, #tpu.memory_space<vmem>>) target(%dma_start3A_289 : memref<256x32xi32, #tpu.memory_space<hbm>>) target_semaphore(%arg9 : memref<!tpu.dma_semaphore, #tpu.memory_space<semaphore_mem>>)
      %add3A_294 = arith.constant 2 : i32
      %add3A_295 = arith.addi %add3A_195, %add3A_294 : i32
      %lt3A_296 = arith.constant 20 : i32
      %lt3A_297 = arith.cmpi slt, %add3A_295, %lt3A_296 : i32
      %convert_element_type3A = arith.extui %lt3A_297 : i1 to i32
      %cond3A = arith.constant 0 : i32
      %cond3A_298 = arith.cmpi ne, %convert_element_type3A, %cond3A : i32
      scf.if %cond3A_298 {
        %multiple_of3A_408 = tpu.assume_multiple %mul3A_2, 256 : i32
        %mul3A_409 = arith.constant 256 : i32
        %mul3A_410 = arith.muli %add3A_195, %mul3A_409 : i32
        %add3A_411 = arith.addi %multiple_of3A_408, %mul3A_410 : i32
        %jit3A_412 = arith.constant 16384 : i32
        %div3A_413 = arith.divsi %add3A_411, %jit3A_412 : i32
        %sign3A_414 = arith.constant 0 : i32
        %sign3A_415 = arith.cmpi sgt, %add3A_411, %sign3A_414 : i32
        %sign3A_416 = arith.extui %sign3A_415 : i1 to i32
        %sign3A_417 = arith.constant 0 : i32
        %sign3A_418 = arith.cmpi slt, %add3A_411, %sign3A_417 : i32
        %sign3A_419 = arith.extui %sign3A_418 : i1 to i32
        %sign3A_420 = arith.subi %sign3A_416, %sign3A_419 : i32
        %sign3A_421 = arith.constant 0 : i32
        %sign3A_422 = arith.cmpi sgt, %jit3A_412, %sign3A_421 : i32
        %sign3A_423 = arith.extui %sign3A_422 : i1 to i32
        %sign3A_424 = arith.constant 0 : i32
        %sign3A_425 = arith.cmpi slt, %jit3A_412, %sign3A_424 : i32
        %sign3A_426 = arith.extui %sign3A_425 : i1 to i32
        %sign3A_427 = arith.subi %sign3A_423, %sign3A_426 : i32
        %ne3A_428 = arith.cmpi ne, %sign3A_420, %sign3A_427 : i32
        %rem3A_429 = arith.remsi %add3A_411, %jit3A_412 : i32
        %ne3A_430 = arith.constant 0 : i32
        %ne3A_431 = arith.cmpi ne, %rem3A_429, %ne3A_430 : i32
        %and3A_432 = arith.andi %ne3A_428, %ne3A_431 : i1
        %sub3A_433 = arith.constant 1 : i32
        %sub3A_434 = arith.subi %div3A_413, %sub3A_433 : i32
        %select_n3A_435 = arith.select %and3A_432, %sub3A_434, %div3A_413 : i32
        %jit3A_436 = arith.constant 16384 : i32
        %eq3A_437 = arith.constant 0 : i32
        %eq3A_438 = arith.cmpi eq, %jit3A_436, %eq3A_437 : i32
        %jit3A_439 = arith.constant 1 : i32
        %select_n3A_440 = arith.select %eq3A_438, %jit3A_439, %jit3A_436 : i32
        %rem3A_441 = arith.remsi %add3A_411, %select_n3A_440 : i32
        %ne3A_442 = arith.constant 0 : i32
        %ne3A_443 = arith.cmpi ne, %rem3A_441, %ne3A_442 : i32
        %lt3A_444 = arith.constant 0 : i32
        %lt3A_445 = arith.cmpi slt, %rem3A_441, %lt3A_444 : i32
        %lt3A_446 = arith.constant 0 : i32
        %lt3A_447 = arith.cmpi slt, %select_n3A_440, %lt3A_446 : i32
        %ne3A_448 = arith.xori %lt3A_445, %lt3A_447 : i1
        %and3A_449 = arith.andi %ne3A_448, %ne3A_443 : i1
        %add3A_450 = arith.addi %rem3A_441, %select_n3A_440 : i32
        %select_n3A_451 = arith.select %and3A_449, %add3A_450, %rem3A_441 : i32
        %jit3A_452 = arith.constant 4096 : i32
        %div3A_453 = arith.divsi %select_n3A_451, %jit3A_452 : i32
        %sign3A_454 = arith.constant 0 : i32
        %sign3A_455 = arith.cmpi sgt, %select_n3A_451, %sign3A_454 : i32
        %sign3A_456 = arith.extui %sign3A_455 : i1 to i32
        %sign3A_457 = arith.constant 0 : i32
        %sign3A_458 = arith.cmpi slt, %select_n3A_451, %sign3A_457 : i32
        %sign3A_459 = arith.extui %sign3A_458 : i1 to i32
        %sign3A_460 = arith.subi %sign3A_456, %sign3A_459 : i32
        %sign3A_461 = arith.constant 0 : i32
        %sign3A_462 = arith.cmpi sgt, %jit3A_452, %sign3A_461 : i32
        %sign3A_463 = arith.extui %sign3A_462 : i1 to i32
        %sign3A_464 = arith.constant 0 : i32
        %sign3A_465 = arith.cmpi slt, %jit3A_452, %sign3A_464 : i32
        %sign3A_466 = arith.extui %sign3A_465 : i1 to i32
        %sign3A_467 = arith.subi %sign3A_463, %sign3A_466 : i32
        %ne3A_468 = arith.cmpi ne, %sign3A_460, %sign3A_467 : i32
        %rem3A_469 = arith.remsi %select_n3A_451, %jit3A_452 : i32
        %ne3A_470 = arith.constant 0 : i32
        %ne3A_471 = arith.cmpi ne, %rem3A_469, %ne3A_470 : i32
        %and3A_472 = arith.andi %ne3A_468, %ne3A_471 : i1
        %sub3A_473 = arith.constant 1 : i32
        %sub3A_474 = arith.subi %div3A_453, %sub3A_473 : i32
        %select_n3A_475 = arith.select %and3A_472, %sub3A_474, %div3A_453 : i32
        %mul3A_476 = arith.constant 4096 : i32
        %mul3A_477 = arith.muli %select_n3A_435, %mul3A_476 : i32
        %add3A_478 = arith.addi %mul3A_477, %select_n3A_451 : i32
        %mul3A_479 = arith.constant 4096 : i32
        %mul3A_480 = arith.muli %select_n3A_475, %mul3A_479 : i32
        %sub3A_481 = arith.subi %add3A_478, %mul3A_480 : i32
        %mul3A_482 = arith.constant 32 : i32
        %mul3A_483 = arith.muli %select_n3A_475, %mul3A_482 : i32
        %dma_wait3A_484 = arith.constant 0 : i32
        %dma_wait3A_485 = arith.constant 0 : i32
        %dma_wait3A_486 = arith.constant 0 : i32
        %dma_wait3A_487 = tpu.memref_slice %arg6[%dma_wait3A_484, %dma_wait3A_485, %dma_wait3A_486] : memref<2x256x32xi32, #tpu.memory_space<vmem>> -> memref<1x256x32xi32, #tpu.memory_space<vmem>>
        %dma_wait3A_488 = tpu.memref_squeeze %dma_wait3A_487 : memref<1x256x32xi32, #tpu.memory_space<vmem>> -> memref<256x32xi32, #tpu.memory_space<vmem>>
        %dma_wait3A_489 = tpu.memref_slice %arg4[%sub3A_481, %mul3A_483] : memref<40960x128xi32, #tpu.memory_space<hbm>> -> memref<256x32xi32, #tpu.memory_space<hbm>>
        %dma_wait3A_490 = tpu.memref_slice %arg4[%sub3A_481, %mul3A_483] : memref<40960x128xi32, #tpu.memory_space<hbm>> -> memref<256x32xi32, #tpu.memory_space<hbm>>
        %dma_wait3A_491 = arith.constant 0 : i32
        %dma_wait3A_492 = arith.constant 0 : i32
        %dma_wait3A_493 = tpu.memref_slice %arg6[%dma_wait3A_484, %dma_wait3A_491, %dma_wait3A_492] : memref<2x256x32xi32, #tpu.memory_space<vmem>> -> memref<1x256x32xi32, #tpu.memory_space<vmem>>
        %dma_wait3A_494 = tpu.memref_squeeze %dma_wait3A_493 : memref<1x256x32xi32, #tpu.memory_space<vmem>> -> memref<256x32xi32, #tpu.memory_space<vmem>>
        tpu.wait_dma2 semaphore(%arg9 : memref<!tpu.dma_semaphore, #tpu.memory_space<semaphore_mem>>) src(%dma_wait3A_494 : memref<256x32xi32, #tpu.memory_space<vmem>>) dst(%dma_wait3A_490 : memref<256x32xi32, #tpu.memory_space<hbm>>)
        %dma_start3A_495 = arith.constant 0 : i32
        %dma_start3A_496 = arith.constant 0 : i32
        %dma_start3A_497 = arith.constant 0 : i32
        %dma_start3A_498 = tpu.memref_slice %arg6[%dma_start3A_495, %dma_start3A_496, %dma_start3A_497] : memref<2x256x32xi32, #tpu.memory_space<vmem>> -> memref<1x256x32xi32, #tpu.memory_space<vmem>>
        %dma_start3A_499 = tpu.memref_squeeze %dma_start3A_498 : memref<1x256x32xi32, #tpu.memory_space<vmem>> -> memref<256x32xi32, #tpu.memory_space<vmem>>
        %dma_start3A_500 = arith.constant 0 : i32
        %dma_start3A_501 = tpu.memref_slice %arg5[%add3A_295, %dma_start3A_500] : memref<20x256xi32, #tpu.memory_space<vmem>> -> memref<1x256xi32, #tpu.memory_space<vmem>>
        %dma_start3A_502 = tpu.memref_squeeze %dma_start3A_501 : memref<1x256xi32, #tpu.memory_space<vmem>> -> memref<256xi32, #tpu.memory_space<vmem>>
        %dma_start3A_503 = arith.constant 0 : i32
        %dma_start3A_504 = arith.constant 0 : i32
        %dma_start3A_505 = tpu.memref_slice %arg2[%dma_start3A_503, %dma_start3A_504] : memref<100000x32xi32, #tpu.memory_space<hbm>> -> memref<100000x32xi32, #tpu.memory_space<hbm>>
        tpu.enqueue_indirect_dma source(%dma_start3A_505 : memref<100000x32xi32, #tpu.memory_space<hbm>>) target(%dma_start3A_499 : memref<256x32xi32, #tpu.memory_space<vmem>>) offsets(%dma_start3A_502 : memref<256xi32, #tpu.memory_space<vmem>>) semaphore(%arg7 : memref<!tpu.dma_semaphore, #tpu.memory_space<semaphore_mem>>)
      } else {
      }
      %mul3A_299 = arith.constant 2 : i32
      %mul3A_300 = arith.muli %scan3A_191, %mul3A_299 : i32
      %add3A_301 = arith.constant 1 : i32
      %add3A_302 = arith.addi %mul3A_300, %add3A_301 : i32
      %dma_wait3A_303 = arith.constant 1 : i32
      %dma_wait3A_304 = arith.constant 0 : i32
      %dma_wait3A_305 = arith.constant 0 : i32
      %dma_wait3A_306 = tpu.memref_slice %arg6[%dma_wait3A_303, %dma_wait3A_304, %dma_wait3A_305] : memref<2x256x32xi32, #tpu.memory_space<vmem>> -> memref<1x256x32xi32, #tpu.memory_space<vmem>>
      %dma_wait3A_307 = tpu.memref_squeeze %dma_wait3A_306 : memref<1x256x32xi32, #tpu.memory_space<vmem>> -> memref<256x32xi32, #tpu.memory_space<vmem>>
      %dma_wait3A_308 = arith.constant 0 : i32
      %dma_wait3A_309 = tpu.memref_slice %arg5[%add3A_302, %dma_wait3A_308] : memref<20x256xi32, #tpu.memory_space<vmem>> -> memref<1x256xi32, #tpu.memory_space<vmem>>
      %dma_wait3A_310 = tpu.memref_squeeze %dma_wait3A_309 : memref<1x256xi32, #tpu.memory_space<vmem>> -> memref<256xi32, #tpu.memory_space<vmem>>
      %dma_wait3A_311 = arith.constant 0 : i32
      %dma_wait3A_312 = arith.constant 0 : i32
      %dma_wait3A_313 = tpu.memref_slice %arg2[%dma_wait3A_311, %dma_wait3A_312] : memref<100000x32xi32, #tpu.memory_space<hbm>> -> memref<100000x32xi32, #tpu.memory_space<hbm>>
      tpu.wait_indirect_dma semaphore(%arg8 : memref<!tpu.dma_semaphore, #tpu.memory_space<semaphore_mem>>) src(%dma_wait3A_313 : memref<100000x32xi32, #tpu.memory_space<hbm>>) dst(%dma_wait3A_307 : memref<256x32xi32, #tpu.memory_space<vmem>>)
      %multiple_of3A_314 = tpu.assume_multiple %mul3A_2, 256 : i32
      %mul3A_315 = arith.constant 256 : i32
      %mul3A_316 = arith.muli %add3A_302, %mul3A_315 : i32
      %add3A_317 = arith.addi %multiple_of3A_314, %mul3A_316 : i32
      %jit3A_318 = arith.constant 16384 : i32
      %div3A_319 = arith.divsi %add3A_317, %jit3A_318 : i32
      %sign3A_320 = arith.constant 0 : i32
      %sign3A_321 = arith.cmpi sgt, %add3A_317, %sign3A_320 : i32
      %sign3A_322 = arith.extui %sign3A_321 : i1 to i32
      %sign3A_323 = arith.constant 0 : i32
      %sign3A_324 = arith.cmpi slt, %add3A_317, %sign3A_323 : i32
      %sign3A_325 = arith.extui %sign3A_324 : i1 to i32
      %sign3A_326 = arith.subi %sign3A_322, %sign3A_325 : i32
      %sign3A_327 = arith.constant 0 : i32
      %sign3A_328 = arith.cmpi sgt, %jit3A_318, %sign3A_327 : i32
      %sign3A_329 = arith.extui %sign3A_328 : i1 to i32
      %sign3A_330 = arith.constant 0 : i32
      %sign3A_331 = arith.cmpi slt, %jit3A_318, %sign3A_330 : i32
      %sign3A_332 = arith.extui %sign3A_331 : i1 to i32
      %sign3A_333 = arith.subi %sign3A_329, %sign3A_332 : i32
      %ne3A_334 = arith.cmpi ne, %sign3A_326, %sign3A_333 : i32
      %rem3A_335 = arith.remsi %add3A_317, %jit3A_318 : i32
      %ne3A_336 = arith.constant 0 : i32
      %ne3A_337 = arith.cmpi ne, %rem3A_335, %ne3A_336 : i32
      %and3A_338 = arith.andi %ne3A_334, %ne3A_337 : i1
      %sub3A_339 = arith.constant 1 : i32
      %sub3A_340 = arith.subi %div3A_319, %sub3A_339 : i32
      %select_n3A_341 = arith.select %and3A_338, %sub3A_340, %div3A_319 : i32
      %jit3A_342 = arith.constant 16384 : i32
      %eq3A_343 = arith.constant 0 : i32
      %eq3A_344 = arith.cmpi eq, %jit3A_342, %eq3A_343 : i32
      %jit3A_345 = arith.constant 1 : i32
      %select_n3A_346 = arith.select %eq3A_344, %jit3A_345, %jit3A_342 : i32
      %rem3A_347 = arith.remsi %add3A_317, %select_n3A_346 : i32
      %ne3A_348 = arith.constant 0 : i32
      %ne3A_349 = arith.cmpi ne, %rem3A_347, %ne3A_348 : i32
      %lt3A_350 = arith.constant 0 : i32
      %lt3A_351 = arith.cmpi slt, %rem3A_347, %lt3A_350 : i32
      %lt3A_352 = arith.constant 0 : i32
      %lt3A_353 = arith.cmpi slt, %select_n3A_346, %lt3A_352 : i32
      %ne3A_354 = arith.xori %lt3A_351, %lt3A_353 : i1
      %and3A_355 = arith.andi %ne3A_354, %ne3A_349 : i1
      %add3A_356 = arith.addi %rem3A_347, %select_n3A_346 : i32
      %select_n3A_357 = arith.select %and3A_355, %add3A_356, %rem3A_347 : i32
      %jit3A_358 = arith.constant 4096 : i32
      %div3A_359 = arith.divsi %select_n3A_357, %jit3A_358 : i32
      %sign3A_360 = arith.constant 0 : i32
      %sign3A_361 = arith.cmpi sgt, %select_n3A_357, %sign3A_360 : i32
      %sign3A_362 = arith.extui %sign3A_361 : i1 to i32
      %sign3A_363 = arith.constant 0 : i32
      %sign3A_364 = arith.cmpi slt, %select_n3A_357, %sign3A_363 : i32
      %sign3A_365 = arith.extui %sign3A_364 : i1 to i32
      %sign3A_366 = arith.subi %sign3A_362, %sign3A_365 : i32
      %sign3A_367 = arith.constant 0 : i32
      %sign3A_368 = arith.cmpi sgt, %jit3A_358, %sign3A_367 : i32
      %sign3A_369 = arith.extui %sign3A_368 : i1 to i32
      %sign3A_370 = arith.constant 0 : i32
      %sign3A_371 = arith.cmpi slt, %jit3A_358, %sign3A_370 : i32
      %sign3A_372 = arith.extui %sign3A_371 : i1 to i32
      %sign3A_373 = arith.subi %sign3A_369, %sign3A_372 : i32
      %ne3A_374 = arith.cmpi ne, %sign3A_366, %sign3A_373 : i32
      %rem3A_375 = arith.remsi %select_n3A_357, %jit3A_358 : i32
      %ne3A_376 = arith.constant 0 : i32
      %ne3A_377 = arith.cmpi ne, %rem3A_375, %ne3A_376 : i32
      %and3A_378 = arith.andi %ne3A_374, %ne3A_377 : i1
      %sub3A_379 = arith.constant 1 : i32
      %sub3A_380 = arith.subi %div3A_359, %sub3A_379 : i32
      %select_n3A_381 = arith.select %and3A_378, %sub3A_380, %div3A_359 : i32
      %mul3A_382 = arith.constant 4096 : i32
      %mul3A_383 = arith.muli %select_n3A_341, %mul3A_382 : i32
      %add3A_384 = arith.addi %mul3A_383, %select_n3A_357 : i32
      %mul3A_385 = arith.constant 4096 : i32
      %mul3A_386 = arith.muli %select_n3A_381, %mul3A_385 : i32
      %sub3A_387 = arith.subi %add3A_384, %mul3A_386 : i32
      %mul3A_388 = arith.constant 32 : i32
      %mul3A_389 = arith.muli %select_n3A_381, %mul3A_388 : i32
      %dma_start3A_390 = arith.constant 1 : i32
      %dma_start3A_391 = arith.constant 0 : i32
      %dma_start3A_392 = arith.constant 0 : i32
      %dma_start3A_393 = tpu.memref_slice %arg6[%dma_start3A_390, %dma_start3A_391, %dma_start3A_392] : memref<2x256x32xi32, #tpu.memory_space<vmem>> -> memref<1x256x32xi32, #tpu.memory_space<vmem>>
      %dma_start3A_394 = tpu.memref_squeeze %dma_start3A_393 : memref<1x256x32xi32, #tpu.memory_space<vmem>> -> memref<256x32xi32, #tpu.memory_space<vmem>>
      %dma_start3A_395 = tpu.memref_slice %arg4[%sub3A_387, %mul3A_389] : memref<40960x128xi32, #tpu.memory_space<hbm>> -> memref<256x32xi32, #tpu.memory_space<hbm>>
      %dma_start3A_396 = tpu.memref_slice %arg4[%sub3A_387, %mul3A_389] : memref<40960x128xi32, #tpu.memory_space<hbm>> -> memref<256x32xi32, #tpu.memory_space<hbm>>
      %dma_start3A_397 = arith.constant 0 : i32
      %dma_start3A_398 = arith.constant 0 : i32
      %dma_start3A_399 = tpu.memref_slice %arg6[%dma_start3A_390, %dma_start3A_397, %dma_start3A_398] : memref<2x256x32xi32, #tpu.memory_space<vmem>> -> memref<1x256x32xi32, #tpu.memory_space<vmem>>
      %dma_start3A_400 = tpu.memref_squeeze %dma_start3A_399 : memref<1x256x32xi32, #tpu.memory_space<vmem>> -> memref<256x32xi32, #tpu.memory_space<vmem>>
      tpu.enqueue_dma source(%dma_start3A_400 : memref<256x32xi32, #tpu.memory_space<vmem>>) target(%dma_start3A_396 : memref<256x32xi32, #tpu.memory_space<hbm>>) target_semaphore(%arg10 : memref<!tpu.dma_semaphore, #tpu.memory_space<semaphore_mem>>)
      %add3A_401 = arith.constant 2 : i32
      %add3A_402 = arith.addi %add3A_302, %add3A_401 : i32
      %lt3A_403 = arith.constant 20 : i32
      %lt3A_404 = arith.cmpi slt, %add3A_402, %lt3A_403 : i32
      %convert_element_type3A_405 = arith.extui %lt3A_404 : i1 to i32
      %cond3A_406 = arith.constant 0 : i32
      %cond3A_407 = arith.cmpi ne, %convert_element_type3A_405, %cond3A_406 : i32
      scf.if %cond3A_407 {
        %multiple_of3A_408 = tpu.assume_multiple %mul3A_2, 256 : i32
        %mul3A_409 = arith.constant 256 : i32
        %mul3A_410 = arith.muli %add3A_302, %mul3A_409 : i32
        %add3A_411 = arith.addi %multiple_of3A_408, %mul3A_410 : i32
        %jit3A_412 = arith.constant 16384 : i32
        %div3A_413 = arith.divsi %add3A_411, %jit3A_412 : i32
        %sign3A_414 = arith.constant 0 : i32
        %sign3A_415 = arith.cmpi sgt, %add3A_411, %sign3A_414 : i32
        %sign3A_416 = arith.extui %sign3A_415 : i1 to i32
        %sign3A_417 = arith.constant 0 : i32
        %sign3A_418 = arith.cmpi slt, %add3A_411, %sign3A_417 : i32
        %sign3A_419 = arith.extui %sign3A_418 : i1 to i32
        %sign3A_420 = arith.subi %sign3A_416, %sign3A_419 : i32
        %sign3A_421 = arith.constant 0 : i32
        %sign3A_422 = arith.cmpi sgt, %jit3A_412, %sign3A_421 : i32
        %sign3A_423 = arith.extui %sign3A_422 : i1 to i32
        %sign3A_424 = arith.constant 0 : i32
        %sign3A_425 = arith.cmpi slt, %jit3A_412, %sign3A_424 : i32
        %sign3A_426 = arith.extui %sign3A_425 : i1 to i32
        %sign3A_427 = arith.subi %sign3A_423, %sign3A_426 : i32
        %ne3A_428 = arith.cmpi ne, %sign3A_420, %sign3A_427 : i32
        %rem3A_429 = arith.remsi %add3A_411, %jit3A_412 : i32
        %ne3A_430 = arith.constant 0 : i32
        %ne3A_431 = arith.cmpi ne, %rem3A_429, %ne3A_430 : i32
        %and3A_432 = arith.andi %ne3A_428, %ne3A_431 : i1
        %sub3A_433 = arith.constant 1 : i32
        %sub3A_434 = arith.subi %div3A_413, %sub3A_433 : i32
        %select_n3A_435 = arith.select %and3A_432, %sub3A_434, %div3A_413 : i32
        %jit3A_436 = arith.constant 16384 : i32
        %eq3A_437 = arith.constant 0 : i32
        %eq3A_438 = arith.cmpi eq, %jit3A_436, %eq3A_437 : i32
        %jit3A_439 = arith.constant 1 : i32
        %select_n3A_440 = arith.select %eq3A_438, %jit3A_439, %jit3A_436 : i32
        %rem3A_441 = arith.remsi %add3A_411, %select_n3A_440 : i32
        %ne3A_442 = arith.constant 0 : i32
        %ne3A_443 = arith.cmpi ne, %rem3A_441, %ne3A_442 : i32
        %lt3A_444 = arith.constant 0 : i32
        %lt3A_445 = arith.cmpi slt, %rem3A_441, %lt3A_444 : i32
        %lt3A_446 = arith.constant 0 : i32
        %lt3A_447 = arith.cmpi slt, %select_n3A_440, %lt3A_446 : i32
        %ne3A_448 = arith.xori %lt3A_445, %lt3A_447 : i1
        %and3A_449 = arith.andi %ne3A_448, %ne3A_443 : i1
        %add3A_450 = arith.addi %rem3A_441, %select_n3A_440 : i32
        %select_n3A_451 = arith.select %and3A_449, %add3A_450, %rem3A_441 : i32
        %jit3A_452 = arith.constant 4096 : i32
        %div3A_453 = arith.divsi %select_n3A_451, %jit3A_452 : i32
        %sign3A_454 = arith.constant 0 : i32
        %sign3A_455 = arith.cmpi sgt, %select_n3A_451, %sign3A_454 : i32
        %sign3A_456 = arith.extui %sign3A_455 : i1 to i32
        %sign3A_457 = arith.constant 0 : i32
        %sign3A_458 = arith.cmpi slt, %select_n3A_451, %sign3A_457 : i32
        %sign3A_459 = arith.extui %sign3A_458 : i1 to i32
        %sign3A_460 = arith.subi %sign3A_456, %sign3A_459 : i32
        %sign3A_461 = arith.constant 0 : i32
        %sign3A_462 = arith.cmpi sgt, %jit3A_452, %sign3A_461 : i32
        %sign3A_463 = arith.extui %sign3A_462 : i1 to i32
        %sign3A_464 = arith.constant 0 : i32
        %sign3A_465 = arith.cmpi slt, %jit3A_452, %sign3A_464 : i32
        %sign3A_466 = arith.extui %sign3A_465 : i1 to i32
        %sign3A_467 = arith.subi %sign3A_463, %sign3A_466 : i32
        %ne3A_468 = arith.cmpi ne, %sign3A_460, %sign3A_467 : i32
        %rem3A_469 = arith.remsi %select_n3A_451, %jit3A_452 : i32
        %ne3A_470 = arith.constant 0 : i32
        %ne3A_471 = arith.cmpi ne, %rem3A_469, %ne3A_470 : i32
        %and3A_472 = arith.andi %ne3A_468, %ne3A_471 : i1
        %sub3A_473 = arith.constant 1 : i32
        %sub3A_474 = arith.subi %div3A_453, %sub3A_473 : i32
        %select_n3A_475 = arith.select %and3A_472, %sub3A_474, %div3A_453 : i32
        %mul3A_476 = arith.constant 4096 : i32
        %mul3A_477 = arith.muli %select_n3A_435, %mul3A_476 : i32
        %add3A_478 = arith.addi %mul3A_477, %select_n3A_451 : i32
        %mul3A_479 = arith.constant 4096 : i32
        %mul3A_480 = arith.muli %select_n3A_475, %mul3A_479 : i32
        %sub3A_481 = arith.subi %add3A_478, %mul3A_480 : i32
        %mul3A_482 = arith.constant 32 : i32
        %mul3A_483 = arith.muli %select_n3A_475, %mul3A_482 : i32
        %dma_wait3A_484 = arith.constant 1 : i32
        %dma_wait3A_485 = arith.constant 0 : i32
        %dma_wait3A_486 = arith.constant 0 : i32
        %dma_wait3A_487 = tpu.memref_slice %arg6[%dma_wait3A_484, %dma_wait3A_485, %dma_wait3A_486] : memref<2x256x32xi32, #tpu.memory_space<vmem>> -> memref<1x256x32xi32, #tpu.memory_space<vmem>>
        %dma_wait3A_488 = tpu.memref_squeeze %dma_wait3A_487 : memref<1x256x32xi32, #tpu.memory_space<vmem>> -> memref<256x32xi32, #tpu.memory_space<vmem>>
        %dma_wait3A_489 = tpu.memref_slice %arg4[%sub3A_481, %mul3A_483] : memref<40960x128xi32, #tpu.memory_space<hbm>> -> memref<256x32xi32, #tpu.memory_space<hbm>>
        %dma_wait3A_490 = tpu.memref_slice %arg4[%sub3A_481, %mul3A_483] : memref<40960x128xi32, #tpu.memory_space<hbm>> -> memref<256x32xi32, #tpu.memory_space<hbm>>
        %dma_wait3A_491 = arith.constant 0 : i32
        %dma_wait3A_492 = arith.constant 0 : i32
        %dma_wait3A_493 = tpu.memref_slice %arg6[%dma_wait3A_484, %dma_wait3A_491, %dma_wait3A_492] : memref<2x256x32xi32, #tpu.memory_space<vmem>> -> memref<1x256x32xi32, #tpu.memory_space<vmem>>
        %dma_wait3A_494 = tpu.memref_squeeze %dma_wait3A_493 : memref<1x256x32xi32, #tpu.memory_space<vmem>> -> memref<256x32xi32, #tpu.memory_space<vmem>>
        tpu.wait_dma2 semaphore(%arg10 : memref<!tpu.dma_semaphore, #tpu.memory_space<semaphore_mem>>) src(%dma_wait3A_494 : memref<256x32xi32, #tpu.memory_space<vmem>>) dst(%dma_wait3A_490 : memref<256x32xi32, #tpu.memory_space<hbm>>)
        %dma_start3A_495 = arith.constant 1 : i32
        %dma_start3A_496 = arith.constant 0 : i32
        %dma_start3A_497 = arith.constant 0 : i32
        %dma_start3A_498 = tpu.memref_slice %arg6[%dma_start3A_495, %dma_start3A_496, %dma_start3A_497] : memref<2x256x32xi32, #tpu.memory_space<vmem>> -> memref<1x256x32xi32, #tpu.memory_space<vmem>>
        %dma_start3A_499 = tpu.memref_squeeze %dma_start3A_498 : memref<1x256x32xi32, #tpu.memory_space<vmem>> -> memref<256x32xi32, #tpu.memory_space<vmem>>
        %dma_start3A_500 = arith.constant 0 : i32
        %dma_start3A_501 = tpu.memref_slice %arg5[%add3A_402, %dma_start3A_500] : memref<20x256xi32, #tpu.memory_space<vmem>> -> memref<1x256xi32, #tpu.memory_space<vmem>>
        %dma_start3A_502 = tpu.memref_squeeze %dma_start3A_501 : memref<1x256xi32, #tpu.memory_space<vmem>> -> memref<256xi32, #tpu.memory_space<vmem>>
        %dma_start3A_503 = arith.constant 0 : i32
        %dma_start3A_504 = arith.constant 0 : i32
        %dma_start3A_505 = tpu.memref_slice %arg2[%dma_start3A_503, %dma_start3A_504] : memref<100000x32xi32, #tpu.memory_space<hbm>> -> memref<100000x32xi32, #tpu.memory_space<hbm>>
        tpu.enqueue_indirect_dma source(%dma_start3A_505 : memref<100000x32xi32, #tpu.memory_space<hbm>>) target(%dma_start3A_499 : memref<256x32xi32, #tpu.memory_space<vmem>>) offsets(%dma_start3A_502 : memref<256xi32, #tpu.memory_space<vmem>>) semaphore(%arg8 : memref<!tpu.dma_semaphore, #tpu.memory_space<semaphore_mem>>)
      } else {
      }
    }
    %scan3A_30 = arith.constant 10 : i32
    %multiple_of3A = tpu.assume_multiple %mul3A_2, 256 : i32
    %add3A_31 = arith.constant 4608 : i32
    %add3A_32 = arith.addi %multiple_of3A, %add3A_31 : i32
    %jit3A = arith.constant 16384 : i32
    %div3A = arith.divsi %add3A_32, %jit3A : i32
    %sign3A = arith.constant 0 : i32
    %sign3A_33 = arith.cmpi sgt, %add3A_32, %sign3A : i32
    %sign3A_34 = arith.extui %sign3A_33 : i1 to i32
    %sign3A_35 = arith.constant 0 : i32
    %sign3A_36 = arith.cmpi slt, %add3A_32, %sign3A_35 : i32
    %sign3A_37 = arith.extui %sign3A_36 : i1 to i32
    %sign3A_38 = arith.subi %sign3A_34, %sign3A_37 : i32
    %sign3A_39 = arith.constant 0 : i32
    %sign3A_40 = arith.cmpi sgt, %jit3A, %sign3A_39 : i32
    %sign3A_41 = arith.extui %sign3A_40 : i1 to i32
    %sign3A_42 = arith.constant 0 : i32
    %sign3A_43 = arith.cmpi slt, %jit3A, %sign3A_42 : i32
    %sign3A_44 = arith.extui %sign3A_43 : i1 to i32
    %sign3A_45 = arith.subi %sign3A_41, %sign3A_44 : i32
    %ne3A = arith.cmpi ne, %sign3A_38, %sign3A_45 : i32
    %rem3A = arith.remsi %add3A_32, %jit3A : i32
    %ne3A_46 = arith.constant 0 : i32
    %ne3A_47 = arith.cmpi ne, %rem3A, %ne3A_46 : i32
    %and3A = arith.andi %ne3A, %ne3A_47 : i1
    %sub3A = arith.constant 1 : i32
    %sub3A_48 = arith.subi %div3A, %sub3A : i32
    %select_n3A = arith.select %and3A, %sub3A_48, %div3A : i32
    %jit3A_49 = arith.constant 16384 : i32
    %eq3A = arith.constant 0 : i32
    %eq3A_50 = arith.cmpi eq, %jit3A_49, %eq3A : i32
    %jit3A_51 = arith.constant 1 : i32
    %select_n3A_52 = arith.select %eq3A_50, %jit3A_51, %jit3A_49 : i32
    %rem3A_53 = arith.remsi %add3A_32, %select_n3A_52 : i32
    %ne3A_54 = arith.constant 0 : i32
    %ne3A_55 = arith.cmpi ne, %rem3A_53, %ne3A_54 : i32
    %lt3A = arith.constant 0 : i32
    %lt3A_56 = arith.cmpi slt, %rem3A_53, %lt3A : i32
    %lt3A_57 = arith.constant 0 : i32
    %lt3A_58 = arith.cmpi slt, %select_n3A_52, %lt3A_57 : i32
    %ne3A_59 = arith.xori %lt3A_56, %lt3A_58 : i1
    %and3A_60 = arith.andi %ne3A_59, %ne3A_55 : i1
    %add3A_61 = arith.addi %rem3A_53, %select_n3A_52 : i32
    %select_n3A_62 = arith.select %and3A_60, %add3A_61, %rem3A_53 : i32
    %jit3A_63 = arith.constant 4096 : i32
    %div3A_64 = arith.divsi %select_n3A_62, %jit3A_63 : i32
    %sign3A_65 = arith.constant 0 : i32
    %sign3A_66 = arith.cmpi sgt, %select_n3A_62, %sign3A_65 : i32
    %sign3A_67 = arith.extui %sign3A_66 : i1 to i32
    %sign3A_68 = arith.constant 0 : i32
    %sign3A_69 = arith.cmpi slt, %select_n3A_62, %sign3A_68 : i32
    %sign3A_70 = arith.extui %sign3A_69 : i1 to i32
    %sign3A_71 = arith.subi %sign3A_67, %sign3A_70 : i32
    %sign3A_72 = arith.constant 0 : i32
    %sign3A_73 = arith.cmpi sgt, %jit3A_63, %sign3A_72 : i32
    %sign3A_74 = arith.extui %sign3A_73 : i1 to i32
    %sign3A_75 = arith.constant 0 : i32
    %sign3A_76 = arith.cmpi slt, %jit3A_63, %sign3A_75 : i32
    %sign3A_77 = arith.extui %sign3A_76 : i1 to i32
    %sign3A_78 = arith.subi %sign3A_74, %sign3A_77 : i32
    %ne3A_79 = arith.cmpi ne, %sign3A_71, %sign3A_78 : i32
    %rem3A_80 = arith.remsi %select_n3A_62, %jit3A_63 : i32
    %ne3A_81 = arith.constant 0 : i32
    %ne3A_82 = arith.cmpi ne, %rem3A_80, %ne3A_81 : i32
    %and3A_83 = arith.andi %ne3A_79, %ne3A_82 : i1
    %sub3A_84 = arith.constant 1 : i32
    %sub3A_85 = arith.subi %div3A_64, %sub3A_84 : i32
    %select_n3A_86 = arith.select %and3A_83, %sub3A_85, %div3A_64 : i32
    %mul3A_87 = arith.constant 4096 : i32
    %mul3A_88 = arith.muli %select_n3A, %mul3A_87 : i32
    %add3A_89 = arith.addi %mul3A_88, %select_n3A_62 : i32
    %mul3A_90 = arith.constant 4096 : i32
    %mul3A_91 = arith.muli %select_n3A_86, %mul3A_90 : i32
    %sub3A_92 = arith.subi %add3A_89, %mul3A_91 : i32
    %mul3A_93 = arith.constant 32 : i32
    %mul3A_94 = arith.muli %select_n3A_86, %mul3A_93 : i32
    %dma_wait3A = arith.constant 0 : i32
    %dma_wait3A_95 = arith.constant 0 : i32
    %dma_wait3A_96 = arith.constant 0 : i32
    %dma_wait3A_97 = tpu.memref_slice %arg6[%dma_wait3A, %dma_wait3A_95, %dma_wait3A_96] : memref<2x256x32xi32, #tpu.memory_space<vmem>> -> memref<1x256x32xi32, #tpu.memory_space<vmem>>
    %dma_wait3A_98 = tpu.memref_squeeze %dma_wait3A_97 : memref<1x256x32xi32, #tpu.memory_space<vmem>> -> memref<256x32xi32, #tpu.memory_space<vmem>>
    %dma_wait3A_99 = tpu.memref_slice %arg4[%sub3A_92, %mul3A_94] : memref<40960x128xi32, #tpu.memory_space<hbm>> -> memref<256x32xi32, #tpu.memory_space<hbm>>
    %dma_wait3A_100 = tpu.memref_slice %arg4[%sub3A_92, %mul3A_94] : memref<40960x128xi32, #tpu.memory_space<hbm>> -> memref<256x32xi32, #tpu.memory_space<hbm>>
    %dma_wait3A_101 = arith.constant 0 : i32
    %dma_wait3A_102 = arith.constant 0 : i32
    %dma_wait3A_103 = tpu.memref_slice %arg6[%dma_wait3A, %dma_wait3A_101, %dma_wait3A_102] : memref<2x256x32xi32, #tpu.memory_space<vmem>> -> memref<1x256x32xi32, #tpu.memory_space<vmem>>
    %dma_wait3A_104 = tpu.memref_squeeze %dma_wait3A_103 : memref<1x256x32xi32, #tpu.memory_space<vmem>> -> memref<256x32xi32, #tpu.memory_space<vmem>>
    tpu.wait_dma2 semaphore(%arg9 : memref<!tpu.dma_semaphore, #tpu.memory_space<semaphore_mem>>) src(%dma_wait3A_104 : memref<256x32xi32, #tpu.memory_space<vmem>>) dst(%dma_wait3A_100 : memref<256x32xi32, #tpu.memory_space<hbm>>)
    %multiple_of3A_105 = tpu.assume_multiple %mul3A_2, 256 : i32
    %add3A_106 = arith.constant 4864 : i32
    %add3A_107 = arith.addi %multiple_of3A_105, %add3A_106 : i32
    %jit3A_108 = arith.constant 16384 : i32
    %div3A_109 = arith.divsi %add3A_107, %jit3A_108 : i32
    %sign3A_110 = arith.constant 0 : i32
    %sign3A_111 = arith.cmpi sgt, %add3A_107, %sign3A_110 : i32
    %sign3A_112 = arith.extui %sign3A_111 : i1 to i32
    %sign3A_113 = arith.constant 0 : i32
    %sign3A_114 = arith.cmpi slt, %add3A_107, %sign3A_113 : i32
    %sign3A_115 = arith.extui %sign3A_114 : i1 to i32
    %sign3A_116 = arith.subi %sign3A_112, %sign3A_115 : i32
    %sign3A_117 = arith.constant 0 : i32
    %sign3A_118 = arith.cmpi sgt, %jit3A_108, %sign3A_117 : i32
    %sign3A_119 = arith.extui %sign3A_118 : i1 to i32
    %sign3A_120 = arith.constant 0 : i32
    %sign3A_121 = arith.cmpi slt, %jit3A_108, %sign3A_120 : i32
    %sign3A_122 = arith.extui %sign3A_121 : i1 to i32
    %sign3A_123 = arith.subi %sign3A_119, %sign3A_122 : i32
    %ne3A_124 = arith.cmpi ne, %sign3A_116, %sign3A_123 : i32
    %rem3A_125 = arith.remsi %add3A_107, %jit3A_108 : i32
    %ne3A_126 = arith.constant 0 : i32
    %ne3A_127 = arith.cmpi ne, %rem3A_125, %ne3A_126 : i32
    %and3A_128 = arith.andi %ne3A_124, %ne3A_127 : i1
    %sub3A_129 = arith.constant 1 : i32
    %sub3A_130 = arith.subi %div3A_109, %sub3A_129 : i32
    %select_n3A_131 = arith.select %and3A_128, %sub3A_130, %div3A_109 : i32
    %jit3A_132 = arith.constant 16384 : i32
    %eq3A_133 = arith.constant 0 : i32
    %eq3A_134 = arith.cmpi eq, %jit3A_132, %eq3A_133 : i32
    %jit3A_135 = arith.constant 1 : i32
    %select_n3A_136 = arith.select %eq3A_134, %jit3A_135, %jit3A_132 : i32
    %rem3A_137 = arith.remsi %add3A_107, %select_n3A_136 : i32
    %ne3A_138 = arith.constant 0 : i32
    %ne3A_139 = arith.cmpi ne, %rem3A_137, %ne3A_138 : i32
    %lt3A_140 = arith.constant 0 : i32
    %lt3A_141 = arith.cmpi slt, %rem3A_137, %lt3A_140 : i32
    %lt3A_142 = arith.constant 0 : i32
    %lt3A_143 = arith.cmpi slt, %select_n3A_136, %lt3A_142 : i32
    %ne3A_144 = arith.xori %lt3A_141, %lt3A_143 : i1
    %and3A_145 = arith.andi %ne3A_144, %ne3A_139 : i1
    %add3A_146 = arith.addi %rem3A_137, %select_n3A_136 : i32
    %select_n3A_147 = arith.select %and3A_145, %add3A_146, %rem3A_137 : i32
    %jit3A_148 = arith.constant 4096 : i32
    %div3A_149 = arith.divsi %select_n3A_147, %jit3A_148 : i32
    %sign3A_150 = arith.constant 0 : i32
    %sign3A_151 = arith.cmpi sgt, %select_n3A_147, %sign3A_150 : i32
    %sign3A_152 = arith.extui %sign3A_151 : i1 to i32
    %sign3A_153 = arith.constant 0 : i32
    %sign3A_154 = arith.cmpi slt, %select_n3A_147, %sign3A_153 : i32
    %sign3A_155 = arith.extui %sign3A_154 : i1 to i32
    %sign3A_156 = arith.subi %sign3A_152, %sign3A_155 : i32
    %sign3A_157 = arith.constant 0 : i32
    %sign3A_158 = arith.cmpi sgt, %jit3A_148, %sign3A_157 : i32
    %sign3A_159 = arith.extui %sign3A_158 : i1 to i32
    %sign3A_160 = arith.constant 0 : i32
    %sign3A_161 = arith.cmpi slt, %jit3A_148, %sign3A_160 : i32
    %sign3A_162 = arith.extui %sign3A_161 : i1 to i32
    %sign3A_163 = arith.subi %sign3A_159, %sign3A_162 : i32
    %ne3A_164 = arith.cmpi ne, %sign3A_156, %sign3A_163 : i32
    %rem3A_165 = arith.remsi %select_n3A_147, %jit3A_148 : i32
    %ne3A_166 = arith.constant 0 : i32
    %ne3A_167 = arith.cmpi ne, %rem3A_165, %ne3A_166 : i32
    %and3A_168 = arith.andi %ne3A_164, %ne3A_167 : i1
    %sub3A_169 = arith.constant 1 : i32
    %sub3A_170 = arith.subi %div3A_149, %sub3A_169 : i32
    %select_n3A_171 = arith.select %and3A_168, %sub3A_170, %div3A_149 : i32
    %mul3A_172 = arith.constant 4096 : i32
    %mul3A_173 = arith.muli %select_n3A_131, %mul3A_172 : i32
    %add3A_174 = arith.addi %mul3A_173, %select_n3A_147 : i32
    %mul3A_175 = arith.constant 4096 : i32
    %mul3A_176 = arith.muli %select_n3A_171, %mul3A_175 : i32
    %sub3A_177 = arith.subi %add3A_174, %mul3A_176 : i32
    %mul3A_178 = arith.constant 32 : i32
    %mul3A_179 = arith.muli %select_n3A_171, %mul3A_178 : i32
    %dma_wait3A_180 = arith.constant 1 : i32
    %dma_wait3A_181 = arith.constant 0 : i32
    %dma_wait3A_182 = arith.constant 0 : i32
    %dma_wait3A_183 = tpu.memref_slice %arg6[%dma_wait3A_180, %dma_wait3A_181, %dma_wait3A_182] : memref<2x256x32xi32, #tpu.memory_space<vmem>> -> memref<1x256x32xi32, #tpu.memory_space<vmem>>
    %dma_wait3A_184 = tpu.memref_squeeze %dma_wait3A_183 : memref<1x256x32xi32, #tpu.memory_space<vmem>> -> memref<256x32xi32, #tpu.memory_space<vmem>>
    %dma_wait3A_185 = tpu.memref_slice %arg4[%sub3A_177, %mul3A_179] : memref<40960x128xi32, #tpu.memory_space<hbm>> -> memref<256x32xi32, #tpu.memory_space<hbm>>
    %dma_wait3A_186 = tpu.memref_slice %arg4[%sub3A_177, %mul3A_179] : memref<40960x128xi32, #tpu.memory_space<hbm>> -> memref<256x32xi32, #tpu.memory_space<hbm>>
    %dma_wait3A_187 = arith.constant 0 : i32
    %dma_wait3A_188 = arith.constant 0 : i32
    %dma_wait3A_189 = tpu.memref_slice %arg6[%dma_wait3A_180, %dma_wait3A_187, %dma_wait3A_188] : memref<2x256x32xi32, #tpu.memory_space<vmem>> -> memref<1x256x32xi32, #tpu.memory_space<vmem>>
    %dma_wait3A_190 = tpu.memref_squeeze %dma_wait3A_189 : memref<1x256x32xi32, #tpu.memory_space<vmem>> -> memref<256x32xi32, #tpu.memory_space<vmem>>
    tpu.wait_dma2 semaphore(%arg10 : memref<!tpu.dma_semaphore, #tpu.memory_space<semaphore_mem>>) src(%dma_wait3A_190 : memref<256x32xi32, #tpu.memory_space<vmem>>) dst(%dma_wait3A_186 : memref<256x32xi32, #tpu.memory_space<hbm>>)
    return
  }
}

module attributes {stable_mosaic.version = 14 : i64} {
  func.func @_softmax_t_block(%arg0: i32, %arg1: memref<64x4096xf32, #tpu.memory_space<vmem>>, %arg2: memref<1024x128xi32, #tpu.memory_space<vmem>>) attributes {dimension_semantics = [#tpu.dimension_semantics<arbitrary>], iteration_bounds = array<i64: 25>, scalar_prefetch = 0 : i64, scratch_operands = 0 : i64, tpu.core_type = #tpu.core_type<tc>, window_params = [{transform_indices = @transform_0, window_bounds = array<i64: 64, 4096>}, {transform_indices = @transform_1, window_bounds = array<i64: 1024, 128>}]} {
    %get3A = arith.constant 0 : index
    %get3A_0 = arith.constant 0 : index
    %get3A_1 = vector.load %arg1[%get3A, %get3A_0] : memref<64x4096xf32, #tpu.memory_space<vmem>>, vector<64x4096xf32>
    %slice3A = vector.extract_strided_slice %get3A_1 {offsets = [0, 0], sizes = [16, 4096], strides = [1, 1]} : vector<64x4096xf32> to vector<16x4096xf32>
    %reduce_max3A = arith.constant dense<0xFF800000> : vector<4096xf32>
    %reduce_max3A_2 = vector.multi_reduction <maximumf>, %slice3A, %reduce_max3A [0] : vector<16x4096xf32> to vector<4096xf32>
    %broadcast_in_dim3A = vector.shape_cast %reduce_max3A_2 : vector<4096xf32> to vector<1x4096xf32>
    %sub3A = vector.broadcast %broadcast_in_dim3A : vector<1x4096xf32> to vector<16x4096xf32>
    %sub3A_3 = arith.subf %slice3A, %sub3A : vector<16x4096xf32>
    %exp3A = math.exp %sub3A_3 : vector<16x4096xf32>
    %reduce_sum3A = arith.constant dense<0.000000e+00> : vector<4096xf32>
    %reduce_sum3A_4 = vector.multi_reduction <add>, %exp3A, %reduce_sum3A [0] : vector<16x4096xf32> to vector<4096xf32>
    %broadcast_in_dim3A_5 = vector.shape_cast %reduce_sum3A_4 : vector<4096xf32> to vector<1x4096xf32>
    %div3A = vector.broadcast %broadcast_in_dim3A_5 : vector<1x4096xf32> to vector<16x4096xf32>
    %div3A_6 = arith.divf %exp3A, %div3A : vector<16x4096xf32>
    %slice3A_7 = vector.extract_strided_slice %get3A_1 {offsets = [16, 0], sizes = [16, 4096], strides = [1, 1]} : vector<64x4096xf32> to vector<16x4096xf32>
    %reduce_max3A_8 = arith.constant dense<0xFF800000> : vector<4096xf32>
    %reduce_max3A_9 = vector.multi_reduction <maximumf>, %slice3A_7, %reduce_max3A_8 [0] : vector<16x4096xf32> to vector<4096xf32>
    %broadcast_in_dim3A_10 = vector.shape_cast %reduce_max3A_9 : vector<4096xf32> to vector<1x4096xf32>
    %sub3A_11 = vector.broadcast %broadcast_in_dim3A_10 : vector<1x4096xf32> to vector<16x4096xf32>
    %sub3A_12 = arith.subf %slice3A_7, %sub3A_11 : vector<16x4096xf32>
    %exp3A_13 = math.exp %sub3A_12 : vector<16x4096xf32>
    %reduce_sum3A_14 = arith.constant dense<0.000000e+00> : vector<4096xf32>
    %reduce_sum3A_15 = vector.multi_reduction <add>, %exp3A_13, %reduce_sum3A_14 [0] : vector<16x4096xf32> to vector<4096xf32>
    %broadcast_in_dim3A_16 = vector.shape_cast %reduce_sum3A_15 : vector<4096xf32> to vector<1x4096xf32>
    %div3A_17 = vector.broadcast %broadcast_in_dim3A_16 : vector<1x4096xf32> to vector<16x4096xf32>
    %div3A_18 = arith.divf %exp3A_13, %div3A_17 : vector<16x4096xf32>
    %slice3A_19 = vector.extract_strided_slice %get3A_1 {offsets = [32, 0], sizes = [16, 4096], strides = [1, 1]} : vector<64x4096xf32> to vector<16x4096xf32>
    %reduce_max3A_20 = arith.constant dense<0xFF800000> : vector<4096xf32>
    %reduce_max3A_21 = vector.multi_reduction <maximumf>, %slice3A_19, %reduce_max3A_20 [0] : vector<16x4096xf32> to vector<4096xf32>
    %broadcast_in_dim3A_22 = vector.shape_cast %reduce_max3A_21 : vector<4096xf32> to vector<1x4096xf32>
    %sub3A_23 = vector.broadcast %broadcast_in_dim3A_22 : vector<1x4096xf32> to vector<16x4096xf32>
    %sub3A_24 = arith.subf %slice3A_19, %sub3A_23 : vector<16x4096xf32>
    %exp3A_25 = math.exp %sub3A_24 : vector<16x4096xf32>
    %reduce_sum3A_26 = arith.constant dense<0.000000e+00> : vector<4096xf32>
    %reduce_sum3A_27 = vector.multi_reduction <add>, %exp3A_25, %reduce_sum3A_26 [0] : vector<16x4096xf32> to vector<4096xf32>
    %broadcast_in_dim3A_28 = vector.shape_cast %reduce_sum3A_27 : vector<4096xf32> to vector<1x4096xf32>
    %div3A_29 = vector.broadcast %broadcast_in_dim3A_28 : vector<1x4096xf32> to vector<16x4096xf32>
    %div3A_30 = arith.divf %exp3A_25, %div3A_29 : vector<16x4096xf32>
    %slice3A_31 = vector.extract_strided_slice %get3A_1 {offsets = [48, 0], sizes = [16, 4096], strides = [1, 1]} : vector<64x4096xf32> to vector<16x4096xf32>
    %reduce_max3A_32 = arith.constant dense<0xFF800000> : vector<4096xf32>
    %reduce_max3A_33 = vector.multi_reduction <maximumf>, %slice3A_31, %reduce_max3A_32 [0] : vector<16x4096xf32> to vector<4096xf32>
    %broadcast_in_dim3A_34 = vector.shape_cast %reduce_max3A_33 : vector<4096xf32> to vector<1x4096xf32>
    %sub3A_35 = vector.broadcast %broadcast_in_dim3A_34 : vector<1x4096xf32> to vector<16x4096xf32>
    %sub3A_36 = arith.subf %slice3A_31, %sub3A_35 : vector<16x4096xf32>
    %exp3A_37 = math.exp %sub3A_36 : vector<16x4096xf32>
    %reduce_sum3A_38 = arith.constant dense<0.000000e+00> : vector<4096xf32>
    %reduce_sum3A_39 = vector.multi_reduction <add>, %exp3A_37, %reduce_sum3A_38 [0] : vector<16x4096xf32> to vector<4096xf32>
    %broadcast_in_dim3A_40 = vector.shape_cast %reduce_sum3A_39 : vector<4096xf32> to vector<1x4096xf32>
    %div3A_41 = vector.broadcast %broadcast_in_dim3A_40 : vector<1x4096xf32> to vector<16x4096xf32>
    %div3A_42 = arith.divf %exp3A_37, %div3A_41 : vector<16x4096xf32>
    %concatenate3A = tpu.concatenate %div3A_6, %div3A_18 in 0 : vector<16x4096xf32>, vector<16x4096xf32> -> vector<32x4096xf32>
    %concatenate3A_43 = tpu.concatenate %div3A_30, %div3A_42 in 0 : vector<16x4096xf32>, vector<16x4096xf32> -> vector<32x4096xf32>
    %convert_element_type3A = arith.truncf %concatenate3A : vector<32x4096xf32> to vector<32x4096xbf16>
    %bitcast_convert_type3A = tpu.bitcast %convert_element_type3A : vector<32x4096xbf16> -> vector<32x4096xi16>
    %convert_element_type3A_44 = arith.extui %bitcast_convert_type3A : vector<32x4096xi16> to vector<32x4096xi32>
    %convert_element_type3A_45 = arith.truncf %concatenate3A_43 : vector<32x4096xf32> to vector<32x4096xbf16>
    %bitcast_convert_type3A_46 = tpu.bitcast %convert_element_type3A_45 : vector<32x4096xbf16> -> vector<32x4096xi16>
    %convert_element_type3A_47 = arith.extui %bitcast_convert_type3A_46 : vector<32x4096xi16> to vector<32x4096xi32>
    %shift_left3A = arith.constant 16 : i32
    %shift_left3A_48 = vector.broadcast %shift_left3A : i32 to vector<32x4096xi32>
    %shift_left3A_49 = arith.shli %convert_element_type3A_47, %shift_left3A_48 : vector<32x4096xi32>
    %or3A = arith.ori %convert_element_type3A_44, %shift_left3A_49 : vector<32x4096xi32>
    %transpose3A = tpu.transpose %or3A, [1, 0] : vector<32x4096xi32> -> vector<4096x32xi32>
    %reshape3A = vector.shape_cast %transpose3A : vector<4096x32xi32> to vector<1024x4x32xi32>
    %slice3A_50 = vector.extract_strided_slice %reshape3A {offsets = [0, 0, 0], sizes = [1024, 1, 32], strides = [1, 1, 1]} : vector<1024x4x32xi32> to vector<1024x1x32xi32>
    %squeeze3A = vector.shape_cast %slice3A_50 : vector<1024x1x32xi32> to vector<1024x32xi32>
    %slice3A_51 = vector.extract_strided_slice %reshape3A {offsets = [0, 1, 0], sizes = [1024, 1, 32], strides = [1, 1, 1]} : vector<1024x4x32xi32> to vector<1024x1x32xi32>
    %squeeze3A_52 = vector.shape_cast %slice3A_51 : vector<1024x1x32xi32> to vector<1024x32xi32>
    %slice3A_53 = vector.extract_strided_slice %reshape3A {offsets = [0, 2, 0], sizes = [1024, 1, 32], strides = [1, 1, 1]} : vector<1024x4x32xi32> to vector<1024x1x32xi32>
    %squeeze3A_54 = vector.shape_cast %slice3A_53 : vector<1024x1x32xi32> to vector<1024x32xi32>
    %slice3A_55 = vector.extract_strided_slice %reshape3A {offsets = [0, 3, 0], sizes = [1024, 1, 32], strides = [1, 1, 1]} : vector<1024x4x32xi32> to vector<1024x1x32xi32>
    %squeeze3A_56 = vector.shape_cast %slice3A_55 : vector<1024x1x32xi32> to vector<1024x32xi32>
    %concatenate3A_57 = tpu.concatenate %squeeze3A, %squeeze3A_52, %squeeze3A_54, %squeeze3A_56 in 1 : vector<1024x32xi32>, vector<1024x32xi32>, vector<1024x32xi32>, vector<1024x32xi32> -> vector<1024x128xi32>
    %swap3A = arith.constant 0 : index
    %swap3A_58 = arith.constant 0 : index
    %swap3A_59 = vector.load %arg2[%swap3A, %swap3A_58] : memref<1024x128xi32, #tpu.memory_space<vmem>>, vector<1024x128xi32>
    tpu.vector_store %arg2[%swap3A, %swap3A_58], %concatenate3A_57 {strides = array<i32>} : memref<1024x128xi32, #tpu.memory_space<vmem>>, vector<1024x128xi32>,
    return
  }
  func.func @transform_0(%arg0: i32) -> (i32, i32) {
    %c0_i32 = arith.constant 0 : i32
    %c0_i32_0 = arith.constant 0 : i32
    return %c0_i32, %arg0 : i32, i32
  }
  func.func @transform_1(%arg0: i32) -> (i32, i32) {
    %c0_i32 = arith.constant 0 : i32
    %c0_i32_0 = arith.constant 0 : i32
    return %arg0, %c0_i32 : i32, i32
  }
}

module attributes {stable_mosaic.version = 14 : i64} {
  func.func @_transpose_block(%arg0: i32, %arg1: memref<4096x128xi32, #tpu.memory_space<vmem>>, %arg2: memref<1x64x16384xf32, #tpu.memory_space<vmem>>) attributes {dimension_semantics = [#tpu.dimension_semantics<arbitrary>], iteration_bounds = array<i64: 10>, scalar_prefetch = 0 : i64, scratch_operands = 0 : i64, tpu.core_type = #tpu.core_type<tc>, window_params = [{transform_indices = @transform_0, window_bounds = array<i64: 4096, 128>}, {transform_indices = @transform_1, window_bounds = array<i64: 1, 64, 16384>}]} {
    %get3A = arith.constant 0 : index
    %get3A_0 = arith.constant 0 : index
    %get3A_1 = vector.load %arg1[%get3A, %get3A_0] : memref<4096x128xi32, #tpu.memory_space<vmem>>, vector<4096x128xi32>
    %transpose3A = tpu.transpose %get3A_1, [1, 0] : vector<4096x128xi32> -> vector<128x4096xi32>
    %slice3A = vector.extract_strided_slice %transpose3A {offsets = [0, 0], sizes = [32, 4096], strides = [1, 1]} : vector<128x4096xi32> to vector<32x4096xi32>
    %and3A = arith.constant 65535 : i32
    %and3A_2 = vector.broadcast %and3A : i32 to vector<32x4096xi32>
    %and3A_3 = arith.andi %slice3A, %and3A_2 : vector<32x4096xi32>
    %convert_element_type3A = arith.trunci %and3A_3 : vector<32x4096xi32> to vector<32x4096xi16>
    %bitcast_convert_type3A = tpu.bitcast %convert_element_type3A : vector<32x4096xi16> -> vector<32x4096xbf16>
    %convert_element_type3A_4 = arith.extf %bitcast_convert_type3A : vector<32x4096xbf16> to vector<32x4096xf32>
    %shift_right_logical3A = arith.constant 16 : i32
    %shift_right_logical3A_5 = vector.broadcast %shift_right_logical3A : i32 to vector<32x4096xi32>
    %shift_right_logical3A_6 = arith.shrui %slice3A, %shift_right_logical3A_5 : vector<32x4096xi32>
    %convert_element_type3A_7 = arith.trunci %shift_right_logical3A_6 : vector<32x4096xi32> to vector<32x4096xi16>
    %bitcast_convert_type3A_8 = tpu.bitcast %convert_element_type3A_7 : vector<32x4096xi16> -> vector<32x4096xbf16>
    %convert_element_type3A_9 = arith.extf %bitcast_convert_type3A_8 : vector<32x4096xbf16> to vector<32x4096xf32>
    %concatenate3A = tpu.concatenate %convert_element_type3A_4, %convert_element_type3A_9 in 0 : vector<32x4096xf32>, vector<32x4096xf32> -> vector<64x4096xf32>
    %slice3A_10 = vector.extract_strided_slice %transpose3A {offsets = [32, 0], sizes = [32, 4096], strides = [1, 1]} : vector<128x4096xi32> to vector<32x4096xi32>
    %and3A_11 = arith.constant 65535 : i32
    %and3A_12 = vector.broadcast %and3A_11 : i32 to vector<32x4096xi32>
    %and3A_13 = arith.andi %slice3A_10, %and3A_12 : vector<32x4096xi32>
    %convert_element_type3A_14 = arith.trunci %and3A_13 : vector<32x4096xi32> to vector<32x4096xi16>
    %bitcast_convert_type3A_15 = tpu.bitcast %convert_element_type3A_14 : vector<32x4096xi16> -> vector<32x4096xbf16>
    %convert_element_type3A_16 = arith.extf %bitcast_convert_type3A_15 : vector<32x4096xbf16> to vector<32x4096xf32>
    %shift_right_logical3A_17 = arith.constant 16 : i32
    %shift_right_logical3A_18 = vector.broadcast %shift_right_logical3A_17 : i32 to vector<32x4096xi32>
    %shift_right_logical3A_19 = arith.shrui %slice3A_10, %shift_right_logical3A_18 : vector<32x4096xi32>
    %convert_element_type3A_20 = arith.trunci %shift_right_logical3A_19 : vector<32x4096xi32> to vector<32x4096xi16>
    %bitcast_convert_type3A_21 = tpu.bitcast %convert_element_type3A_20 : vector<32x4096xi16> -> vector<32x4096xbf16>
    %convert_element_type3A_22 = arith.extf %bitcast_convert_type3A_21 : vector<32x4096xbf16> to vector<32x4096xf32>
    %concatenate3A_23 = tpu.concatenate %convert_element_type3A_16, %convert_element_type3A_22 in 0 : vector<32x4096xf32>, vector<32x4096xf32> -> vector<64x4096xf32>
    %slice3A_24 = vector.extract_strided_slice %transpose3A {offsets = [64, 0], sizes = [32, 4096], strides = [1, 1]} : vector<128x4096xi32> to vector<32x4096xi32>
    %and3A_25 = arith.constant 65535 : i32
    %and3A_26 = vector.broadcast %and3A_25 : i32 to vector<32x4096xi32>
    %and3A_27 = arith.andi %slice3A_24, %and3A_26 : vector<32x4096xi32>
    %convert_element_type3A_28 = arith.trunci %and3A_27 : vector<32x4096xi32> to vector<32x4096xi16>
    %bitcast_convert_type3A_29 = tpu.bitcast %convert_element_type3A_28 : vector<32x4096xi16> -> vector<32x4096xbf16>
    %convert_element_type3A_30 = arith.extf %bitcast_convert_type3A_29 : vector<32x4096xbf16> to vector<32x4096xf32>
    %shift_right_logical3A_31 = arith.constant 16 : i32
    %shift_right_logical3A_32 = vector.broadcast %shift_right_logical3A_31 : i32 to vector<32x4096xi32>
    %shift_right_logical3A_33 = arith.shrui %slice3A_24, %shift_right_logical3A_32 : vector<32x4096xi32>
    %convert_element_type3A_34 = arith.trunci %shift_right_logical3A_33 : vector<32x4096xi32> to vector<32x4096xi16>
    %bitcast_convert_type3A_35 = tpu.bitcast %convert_element_type3A_34 : vector<32x4096xi16> -> vector<32x4096xbf16>
    %convert_element_type3A_36 = arith.extf %bitcast_convert_type3A_35 : vector<32x4096xbf16> to vector<32x4096xf32>
    %concatenate3A_37 = tpu.concatenate %convert_element_type3A_30, %convert_element_type3A_36 in 0 : vector<32x4096xf32>, vector<32x4096xf32> -> vector<64x4096xf32>
    %slice3A_38 = vector.extract_strided_slice %transpose3A {offsets = [96, 0], sizes = [32, 4096], strides = [1, 1]} : vector<128x4096xi32> to vector<32x4096xi32>
    %and3A_39 = arith.constant 65535 : i32
    %and3A_40 = vector.broadcast %and3A_39 : i32 to vector<32x4096xi32>
    %and3A_41 = arith.andi %slice3A_38, %and3A_40 : vector<32x4096xi32>
    %convert_element_type3A_42 = arith.trunci %and3A_41 : vector<32x4096xi32> to vector<32x4096xi16>
    %bitcast_convert_type3A_43 = tpu.bitcast %convert_element_type3A_42 : vector<32x4096xi16> -> vector<32x4096xbf16>
    %convert_element_type3A_44 = arith.extf %bitcast_convert_type3A_43 : vector<32x4096xbf16> to vector<32x4096xf32>
    %shift_right_logical3A_45 = arith.constant 16 : i32
    %shift_right_logical3A_46 = vector.broadcast %shift_right_logical3A_45 : i32 to vector<32x4096xi32>
    %shift_right_logical3A_47 = arith.shrui %slice3A_38, %shift_right_logical3A_46 : vector<32x4096xi32>
    %convert_element_type3A_48 = arith.trunci %shift_right_logical3A_47 : vector<32x4096xi32> to vector<32x4096xi16>
    %bitcast_convert_type3A_49 = tpu.bitcast %convert_element_type3A_48 : vector<32x4096xi16> -> vector<32x4096xbf16>
    %convert_element_type3A_50 = arith.extf %bitcast_convert_type3A_49 : vector<32x4096xbf16> to vector<32x4096xf32>
    %concatenate3A_51 = tpu.concatenate %convert_element_type3A_44, %convert_element_type3A_50 in 0 : vector<32x4096xf32>, vector<32x4096xf32> -> vector<64x4096xf32>
    %concatenate3A_52 = tpu.concatenate %concatenate3A, %concatenate3A_23, %concatenate3A_37, %concatenate3A_51 in 1 : vector<64x4096xf32>, vector<64x4096xf32>, vector<64x4096xf32>, vector<64x4096xf32> -> vector<64x16384xf32>
    %broadcast_in_dim3A = vector.shape_cast %concatenate3A_52 : vector<64x16384xf32> to vector<1x64x16384xf32>
    %swap3A = arith.constant 0 : index
    %swap3A_53 = arith.constant 0 : index
    %swap3A_54 = arith.constant 0 : index
    %swap3A_55 = vector.load %arg2[%swap3A, %swap3A_53, %swap3A_54] : memref<1x64x16384xf32, #tpu.memory_space<vmem>>, vector<1x64x16384xf32>
    tpu.vector_store %arg2[%swap3A, %swap3A_53, %swap3A_54], %broadcast_in_dim3A {strides = array<i32>} : memref<1x64x16384xf32, #tpu.memory_space<vmem>>, vector<1x64x16384xf32>,
    return
  }
  func.func @transform_0(%arg0: i32) -> (i32, i32) {
    %c0_i32 = arith.constant 0 : i32
    %c0_i32_0 = arith.constant 0 : i32
    return %arg0, %c0_i32 : i32, i32
  }
  func.func @transform_1(%arg0: i32) -> (i32, i32, i32) {
    %add3A = arith.constant 0 : i32
    %add3A_0 = arith.addi %arg0, %add3A : i32
    %c0_i32 = arith.constant 0 : i32
    %c0_i32_1 = arith.constant 0 : i32
    %c0_i32_2 = arith.constant 0 : i32
    return %add3A_0, %c0_i32, %c0_i32_1 : i32, i32, i32
  }
}

module attributes {stable_mosaic.version = 14 : i64} {
  func.func @_transpose_block_acc(%arg0: i32, %arg1: memref<4096x128xi32, #tpu.memory_space<vmem>>, %arg2: memref<50x64x16384xf32, #tpu.memory_space<any>>, %arg3: memref<1x64x16384xf32, #tpu.memory_space<vmem>>) attributes {dimension_semantics = [#tpu.dimension_semantics<arbitrary>], iteration_bounds = array<i64: 10>, scalar_prefetch = 0 : i64, scratch_operands = 0 : i64, tpu.core_type = #tpu.core_type<tc>, window_params = [{transform_indices = @transform_0, window_bounds = array<i64: 4096, 128>}, {}, {transform_indices = @transform_2, window_bounds = array<i64: 1, 64, 16384>}]} {
    %get3A = arith.constant 0 : index
    %get3A_0 = arith.constant 0 : index
    %get3A_1 = vector.load %arg1[%get3A, %get3A_0] : memref<4096x128xi32, #tpu.memory_space<vmem>>, vector<4096x128xi32>
    %transpose3A = tpu.transpose %get3A_1, [1, 0] : vector<4096x128xi32> -> vector<128x4096xi32>
    %slice3A = vector.extract_strided_slice %transpose3A {offsets = [0, 0], sizes = [32, 4096], strides = [1, 1]} : vector<128x4096xi32> to vector<32x4096xi32>
    %and3A = arith.constant 65535 : i32
    %and3A_2 = vector.broadcast %and3A : i32 to vector<32x4096xi32>
    %and3A_3 = arith.andi %slice3A, %and3A_2 : vector<32x4096xi32>
    %convert_element_type3A = arith.trunci %and3A_3 : vector<32x4096xi32> to vector<32x4096xi16>
    %bitcast_convert_type3A = tpu.bitcast %convert_element_type3A : vector<32x4096xi16> -> vector<32x4096xbf16>
    %convert_element_type3A_4 = arith.extf %bitcast_convert_type3A : vector<32x4096xbf16> to vector<32x4096xf32>
    %shift_right_logical3A = arith.constant 16 : i32
    %shift_right_logical3A_5 = vector.broadcast %shift_right_logical3A : i32 to vector<32x4096xi32>
    %shift_right_logical3A_6 = arith.shrui %slice3A, %shift_right_logical3A_5 : vector<32x4096xi32>
    %convert_element_type3A_7 = arith.trunci %shift_right_logical3A_6 : vector<32x4096xi32> to vector<32x4096xi16>
    %bitcast_convert_type3A_8 = tpu.bitcast %convert_element_type3A_7 : vector<32x4096xi16> -> vector<32x4096xbf16>
    %convert_element_type3A_9 = arith.extf %bitcast_convert_type3A_8 : vector<32x4096xbf16> to vector<32x4096xf32>
    %concatenate3A = tpu.concatenate %convert_element_type3A_4, %convert_element_type3A_9 in 0 : vector<32x4096xf32>, vector<32x4096xf32> -> vector<64x4096xf32>
    %slice3A_10 = vector.extract_strided_slice %transpose3A {offsets = [32, 0], sizes = [32, 4096], strides = [1, 1]} : vector<128x4096xi32> to vector<32x4096xi32>
    %and3A_11 = arith.constant 65535 : i32
    %and3A_12 = vector.broadcast %and3A_11 : i32 to vector<32x4096xi32>
    %and3A_13 = arith.andi %slice3A_10, %and3A_12 : vector<32x4096xi32>
    %convert_element_type3A_14 = arith.trunci %and3A_13 : vector<32x4096xi32> to vector<32x4096xi16>
    %bitcast_convert_type3A_15 = tpu.bitcast %convert_element_type3A_14 : vector<32x4096xi16> -> vector<32x4096xbf16>
    %convert_element_type3A_16 = arith.extf %bitcast_convert_type3A_15 : vector<32x4096xbf16> to vector<32x4096xf32>
    %shift_right_logical3A_17 = arith.constant 16 : i32
    %shift_right_logical3A_18 = vector.broadcast %shift_right_logical3A_17 : i32 to vector<32x4096xi32>
    %shift_right_logical3A_19 = arith.shrui %slice3A_10, %shift_right_logical3A_18 : vector<32x4096xi32>
    %convert_element_type3A_20 = arith.trunci %shift_right_logical3A_19 : vector<32x4096xi32> to vector<32x4096xi16>
    %bitcast_convert_type3A_21 = tpu.bitcast %convert_element_type3A_20 : vector<32x4096xi16> -> vector<32x4096xbf16>
    %convert_element_type3A_22 = arith.extf %bitcast_convert_type3A_21 : vector<32x4096xbf16> to vector<32x4096xf32>
    %concatenate3A_23 = tpu.concatenate %convert_element_type3A_16, %convert_element_type3A_22 in 0 : vector<32x4096xf32>, vector<32x4096xf32> -> vector<64x4096xf32>
    %slice3A_24 = vector.extract_strided_slice %transpose3A {offsets = [64, 0], sizes = [32, 4096], strides = [1, 1]} : vector<128x4096xi32> to vector<32x4096xi32>
    %and3A_25 = arith.constant 65535 : i32
    %and3A_26 = vector.broadcast %and3A_25 : i32 to vector<32x4096xi32>
    %and3A_27 = arith.andi %slice3A_24, %and3A_26 : vector<32x4096xi32>
    %convert_element_type3A_28 = arith.trunci %and3A_27 : vector<32x4096xi32> to vector<32x4096xi16>
    %bitcast_convert_type3A_29 = tpu.bitcast %convert_element_type3A_28 : vector<32x4096xi16> -> vector<32x4096xbf16>
    %convert_element_type3A_30 = arith.extf %bitcast_convert_type3A_29 : vector<32x4096xbf16> to vector<32x4096xf32>
    %shift_right_logical3A_31 = arith.constant 16 : i32
    %shift_right_logical3A_32 = vector.broadcast %shift_right_logical3A_31 : i32 to vector<32x4096xi32>
    %shift_right_logical3A_33 = arith.shrui %slice3A_24, %shift_right_logical3A_32 : vector<32x4096xi32>
    %convert_element_type3A_34 = arith.trunci %shift_right_logical3A_33 : vector<32x4096xi32> to vector<32x4096xi16>
    %bitcast_convert_type3A_35 = tpu.bitcast %convert_element_type3A_34 : vector<32x4096xi16> -> vector<32x4096xbf16>
    %convert_element_type3A_36 = arith.extf %bitcast_convert_type3A_35 : vector<32x4096xbf16> to vector<32x4096xf32>
    %concatenate3A_37 = tpu.concatenate %convert_element_type3A_30, %convert_element_type3A_36 in 0 : vector<32x4096xf32>, vector<32x4096xf32> -> vector<64x4096xf32>
    %slice3A_38 = vector.extract_strided_slice %transpose3A {offsets = [96, 0], sizes = [32, 4096], strides = [1, 1]} : vector<128x4096xi32> to vector<32x4096xi32>
    %and3A_39 = arith.constant 65535 : i32
    %and3A_40 = vector.broadcast %and3A_39 : i32 to vector<32x4096xi32>
    %and3A_41 = arith.andi %slice3A_38, %and3A_40 : vector<32x4096xi32>
    %convert_element_type3A_42 = arith.trunci %and3A_41 : vector<32x4096xi32> to vector<32x4096xi16>
    %bitcast_convert_type3A_43 = tpu.bitcast %convert_element_type3A_42 : vector<32x4096xi16> -> vector<32x4096xbf16>
    %convert_element_type3A_44 = arith.extf %bitcast_convert_type3A_43 : vector<32x4096xbf16> to vector<32x4096xf32>
    %shift_right_logical3A_45 = arith.constant 16 : i32
    %shift_right_logical3A_46 = vector.broadcast %shift_right_logical3A_45 : i32 to vector<32x4096xi32>
    %shift_right_logical3A_47 = arith.shrui %slice3A_38, %shift_right_logical3A_46 : vector<32x4096xi32>
    %convert_element_type3A_48 = arith.trunci %shift_right_logical3A_47 : vector<32x4096xi32> to vector<32x4096xi16>
    %bitcast_convert_type3A_49 = tpu.bitcast %convert_element_type3A_48 : vector<32x4096xi16> -> vector<32x4096xbf16>
    %convert_element_type3A_50 = arith.extf %bitcast_convert_type3A_49 : vector<32x4096xbf16> to vector<32x4096xf32>
    %concatenate3A_51 = tpu.concatenate %convert_element_type3A_44, %convert_element_type3A_50 in 0 : vector<32x4096xf32>, vector<32x4096xf32> -> vector<64x4096xf32>
    %concatenate3A_52 = tpu.concatenate %concatenate3A, %concatenate3A_23, %concatenate3A_37, %concatenate3A_51 in 1 : vector<64x4096xf32>, vector<64x4096xf32>, vector<64x4096xf32>, vector<64x4096xf32> -> vector<64x16384xf32>
    %broadcast_in_dim3A = vector.shape_cast %concatenate3A_52 : vector<64x16384xf32> to vector<1x64x16384xf32>
    %swap3A = arith.constant 0 : index
    %swap3A_53 = arith.constant 0 : index
    %swap3A_54 = arith.constant 0 : index
    %swap3A_55 = vector.load %arg3[%swap3A, %swap3A_53, %swap3A_54] : memref<1x64x16384xf32, #tpu.memory_space<vmem>>, vector<1x64x16384xf32>
    tpu.vector_store %arg3[%swap3A, %swap3A_53, %swap3A_54], %broadcast_in_dim3A {strides = array<i32>} : memref<1x64x16384xf32, #tpu.memory_space<vmem>>, vector<1x64x16384xf32>,
    return
  }
  func.func @transform_0(%arg0: i32) -> (i32, i32) {
    %c0_i32 = arith.constant 0 : i32
    %c0_i32_0 = arith.constant 0 : i32
    return %arg0, %c0_i32 : i32, i32
  }
  func.func @transform_2(%arg0: i32) -> (i32, i32, i32) {
    %add3A = arith.constant 10 : i32
    %add3A_0 = arith.addi %arg0, %add3A : i32
    %c0_i32 = arith.constant 0 : i32
    %c0_i32_1 = arith.constant 0 : i32
    %c0_i32_2 = arith.constant 0 : i32
    return %add3A_0, %c0_i32, %c0_i32_1 : i32, i32, i32
  }
}

module attributes {stable_mosaic.version = 14 : i64} {
  func.func @_transpose_block_acc(%arg0: i32, %arg1: memref<4096x128xi32, #tpu.memory_space<vmem>>, %arg2: memref<50x64x16384xf32, #tpu.memory_space<any>>, %arg3: memref<1x64x16384xf32, #tpu.memory_space<vmem>>) attributes {dimension_semantics = [#tpu.dimension_semantics<arbitrary>], iteration_bounds = array<i64: 10>, scalar_prefetch = 0 : i64, scratch_operands = 0 : i64, tpu.core_type = #tpu.core_type<tc>, window_params = [{transform_indices = @transform_0, window_bounds = array<i64: 4096, 128>}, {}, {transform_indices = @transform_2, window_bounds = array<i64: 1, 64, 16384>}]} {
    %get3A = arith.constant 0 : index
    %get3A_0 = arith.constant 0 : index
    %get3A_1 = vector.load %arg1[%get3A, %get3A_0] : memref<4096x128xi32, #tpu.memory_space<vmem>>, vector<4096x128xi32>
    %transpose3A = tpu.transpose %get3A_1, [1, 0] : vector<4096x128xi32> -> vector<128x4096xi32>
    %slice3A = vector.extract_strided_slice %transpose3A {offsets = [0, 0], sizes = [32, 4096], strides = [1, 1]} : vector<128x4096xi32> to vector<32x4096xi32>
    %and3A = arith.constant 65535 : i32
    %and3A_2 = vector.broadcast %and3A : i32 to vector<32x4096xi32>
    %and3A_3 = arith.andi %slice3A, %and3A_2 : vector<32x4096xi32>
    %convert_element_type3A = arith.trunci %and3A_3 : vector<32x4096xi32> to vector<32x4096xi16>
    %bitcast_convert_type3A = tpu.bitcast %convert_element_type3A : vector<32x4096xi16> -> vector<32x4096xbf16>
    %convert_element_type3A_4 = arith.extf %bitcast_convert_type3A : vector<32x4096xbf16> to vector<32x4096xf32>
    %shift_right_logical3A = arith.constant 16 : i32
    %shift_right_logical3A_5 = vector.broadcast %shift_right_logical3A : i32 to vector<32x4096xi32>
    %shift_right_logical3A_6 = arith.shrui %slice3A, %shift_right_logical3A_5 : vector<32x4096xi32>
    %convert_element_type3A_7 = arith.trunci %shift_right_logical3A_6 : vector<32x4096xi32> to vector<32x4096xi16>
    %bitcast_convert_type3A_8 = tpu.bitcast %convert_element_type3A_7 : vector<32x4096xi16> -> vector<32x4096xbf16>
    %convert_element_type3A_9 = arith.extf %bitcast_convert_type3A_8 : vector<32x4096xbf16> to vector<32x4096xf32>
    %concatenate3A = tpu.concatenate %convert_element_type3A_4, %convert_element_type3A_9 in 0 : vector<32x4096xf32>, vector<32x4096xf32> -> vector<64x4096xf32>
    %slice3A_10 = vector.extract_strided_slice %transpose3A {offsets = [32, 0], sizes = [32, 4096], strides = [1, 1]} : vector<128x4096xi32> to vector<32x4096xi32>
    %and3A_11 = arith.constant 65535 : i32
    %and3A_12 = vector.broadcast %and3A_11 : i32 to vector<32x4096xi32>
    %and3A_13 = arith.andi %slice3A_10, %and3A_12 : vector<32x4096xi32>
    %convert_element_type3A_14 = arith.trunci %and3A_13 : vector<32x4096xi32> to vector<32x4096xi16>
    %bitcast_convert_type3A_15 = tpu.bitcast %convert_element_type3A_14 : vector<32x4096xi16> -> vector<32x4096xbf16>
    %convert_element_type3A_16 = arith.extf %bitcast_convert_type3A_15 : vector<32x4096xbf16> to vector<32x4096xf32>
    %shift_right_logical3A_17 = arith.constant 16 : i32
    %shift_right_logical3A_18 = vector.broadcast %shift_right_logical3A_17 : i32 to vector<32x4096xi32>
    %shift_right_logical3A_19 = arith.shrui %slice3A_10, %shift_right_logical3A_18 : vector<32x4096xi32>
    %convert_element_type3A_20 = arith.trunci %shift_right_logical3A_19 : vector<32x4096xi32> to vector<32x4096xi16>
    %bitcast_convert_type3A_21 = tpu.bitcast %convert_element_type3A_20 : vector<32x4096xi16> -> vector<32x4096xbf16>
    %convert_element_type3A_22 = arith.extf %bitcast_convert_type3A_21 : vector<32x4096xbf16> to vector<32x4096xf32>
    %concatenate3A_23 = tpu.concatenate %convert_element_type3A_16, %convert_element_type3A_22 in 0 : vector<32x4096xf32>, vector<32x4096xf32> -> vector<64x4096xf32>
    %slice3A_24 = vector.extract_strided_slice %transpose3A {offsets = [64, 0], sizes = [32, 4096], strides = [1, 1]} : vector<128x4096xi32> to vector<32x4096xi32>
    %and3A_25 = arith.constant 65535 : i32
    %and3A_26 = vector.broadcast %and3A_25 : i32 to vector<32x4096xi32>
    %and3A_27 = arith.andi %slice3A_24, %and3A_26 : vector<32x4096xi32>
    %convert_element_type3A_28 = arith.trunci %and3A_27 : vector<32x4096xi32> to vector<32x4096xi16>
    %bitcast_convert_type3A_29 = tpu.bitcast %convert_element_type3A_28 : vector<32x4096xi16> -> vector<32x4096xbf16>
    %convert_element_type3A_30 = arith.extf %bitcast_convert_type3A_29 : vector<32x4096xbf16> to vector<32x4096xf32>
    %shift_right_logical3A_31 = arith.constant 16 : i32
    %shift_right_logical3A_32 = vector.broadcast %shift_right_logical3A_31 : i32 to vector<32x4096xi32>
    %shift_right_logical3A_33 = arith.shrui %slice3A_24, %shift_right_logical3A_32 : vector<32x4096xi32>
    %convert_element_type3A_34 = arith.trunci %shift_right_logical3A_33 : vector<32x4096xi32> to vector<32x4096xi16>
    %bitcast_convert_type3A_35 = tpu.bitcast %convert_element_type3A_34 : vector<32x4096xi16> -> vector<32x4096xbf16>
    %convert_element_type3A_36 = arith.extf %bitcast_convert_type3A_35 : vector<32x4096xbf16> to vector<32x4096xf32>
    %concatenate3A_37 = tpu.concatenate %convert_element_type3A_30, %convert_element_type3A_36 in 0 : vector<32x4096xf32>, vector<32x4096xf32> -> vector<64x4096xf32>
    %slice3A_38 = vector.extract_strided_slice %transpose3A {offsets = [96, 0], sizes = [32, 4096], strides = [1, 1]} : vector<128x4096xi32> to vector<32x4096xi32>
    %and3A_39 = arith.constant 65535 : i32
    %and3A_40 = vector.broadcast %and3A_39 : i32 to vector<32x4096xi32>
    %and3A_41 = arith.andi %slice3A_38, %and3A_40 : vector<32x4096xi32>
    %convert_element_type3A_42 = arith.trunci %and3A_41 : vector<32x4096xi32> to vector<32x4096xi16>
    %bitcast_convert_type3A_43 = tpu.bitcast %convert_element_type3A_42 : vector<32x4096xi16> -> vector<32x4096xbf16>
    %convert_element_type3A_44 = arith.extf %bitcast_convert_type3A_43 : vector<32x4096xbf16> to vector<32x4096xf32>
    %shift_right_logical3A_45 = arith.constant 16 : i32
    %shift_right_logical3A_46 = vector.broadcast %shift_right_logical3A_45 : i32 to vector<32x4096xi32>
    %shift_right_logical3A_47 = arith.shrui %slice3A_38, %shift_right_logical3A_46 : vector<32x4096xi32>
    %convert_element_type3A_48 = arith.trunci %shift_right_logical3A_47 : vector<32x4096xi32> to vector<32x4096xi16>
    %bitcast_convert_type3A_49 = tpu.bitcast %convert_element_type3A_48 : vector<32x4096xi16> -> vector<32x4096xbf16>
    %convert_element_type3A_50 = arith.extf %bitcast_convert_type3A_49 : vector<32x4096xbf16> to vector<32x4096xf32>
    %concatenate3A_51 = tpu.concatenate %convert_element_type3A_44, %convert_element_type3A_50 in 0 : vector<32x4096xf32>, vector<32x4096xf32> -> vector<64x4096xf32>
    %concatenate3A_52 = tpu.concatenate %concatenate3A, %concatenate3A_23, %concatenate3A_37, %concatenate3A_51 in 1 : vector<64x4096xf32>, vector<64x4096xf32>, vector<64x4096xf32>, vector<64x4096xf32> -> vector<64x16384xf32>
    %broadcast_in_dim3A = vector.shape_cast %concatenate3A_52 : vector<64x16384xf32> to vector<1x64x16384xf32>
    %swap3A = arith.constant 0 : index
    %swap3A_53 = arith.constant 0 : index
    %swap3A_54 = arith.constant 0 : index
    %swap3A_55 = vector.load %arg3[%swap3A, %swap3A_53, %swap3A_54] : memref<1x64x16384xf32, #tpu.memory_space<vmem>>, vector<1x64x16384xf32>
    tpu.vector_store %arg3[%swap3A, %swap3A_53, %swap3A_54], %broadcast_in_dim3A {strides = array<i32>} : memref<1x64x16384xf32, #tpu.memory_space<vmem>>, vector<1x64x16384xf32>,
    return
  }
  func.func @transform_0(%arg0: i32) -> (i32, i32) {
    %c0_i32 = arith.constant 0 : i32
    %c0_i32_0 = arith.constant 0 : i32
    return %arg0, %c0_i32 : i32, i32
  }
  func.func @transform_2(%arg0: i32) -> (i32, i32, i32) {
    %add3A = arith.constant 20 : i32
    %add3A_0 = arith.addi %arg0, %add3A : i32
    %c0_i32 = arith.constant 0 : i32
    %c0_i32_1 = arith.constant 0 : i32
    %c0_i32_2 = arith.constant 0 : i32
    return %add3A_0, %c0_i32, %c0_i32_1 : i32, i32, i32
  }
}

module attributes {stable_mosaic.version = 14 : i64} {
  func.func @_transpose_block_acc(%arg0: i32, %arg1: memref<4096x128xi32, #tpu.memory_space<vmem>>, %arg2: memref<50x64x16384xf32, #tpu.memory_space<any>>, %arg3: memref<1x64x16384xf32, #tpu.memory_space<vmem>>) attributes {dimension_semantics = [#tpu.dimension_semantics<arbitrary>], iteration_bounds = array<i64: 10>, scalar_prefetch = 0 : i64, scratch_operands = 0 : i64, tpu.core_type = #tpu.core_type<tc>, window_params = [{transform_indices = @transform_0, window_bounds = array<i64: 4096, 128>}, {}, {transform_indices = @transform_2, window_bounds = array<i64: 1, 64, 16384>}]} {
    %get3A = arith.constant 0 : index
    %get3A_0 = arith.constant 0 : index
    %get3A_1 = vector.load %arg1[%get3A, %get3A_0] : memref<4096x128xi32, #tpu.memory_space<vmem>>, vector<4096x128xi32>
    %transpose3A = tpu.transpose %get3A_1, [1, 0] : vector<4096x128xi32> -> vector<128x4096xi32>
    %slice3A = vector.extract_strided_slice %transpose3A {offsets = [0, 0], sizes = [32, 4096], strides = [1, 1]} : vector<128x4096xi32> to vector<32x4096xi32>
    %and3A = arith.constant 65535 : i32
    %and3A_2 = vector.broadcast %and3A : i32 to vector<32x4096xi32>
    %and3A_3 = arith.andi %slice3A, %and3A_2 : vector<32x4096xi32>
    %convert_element_type3A = arith.trunci %and3A_3 : vector<32x4096xi32> to vector<32x4096xi16>
    %bitcast_convert_type3A = tpu.bitcast %convert_element_type3A : vector<32x4096xi16> -> vector<32x4096xbf16>
    %convert_element_type3A_4 = arith.extf %bitcast_convert_type3A : vector<32x4096xbf16> to vector<32x4096xf32>
    %shift_right_logical3A = arith.constant 16 : i32
    %shift_right_logical3A_5 = vector.broadcast %shift_right_logical3A : i32 to vector<32x4096xi32>
    %shift_right_logical3A_6 = arith.shrui %slice3A, %shift_right_logical3A_5 : vector<32x4096xi32>
    %convert_element_type3A_7 = arith.trunci %shift_right_logical3A_6 : vector<32x4096xi32> to vector<32x4096xi16>
    %bitcast_convert_type3A_8 = tpu.bitcast %convert_element_type3A_7 : vector<32x4096xi16> -> vector<32x4096xbf16>
    %convert_element_type3A_9 = arith.extf %bitcast_convert_type3A_8 : vector<32x4096xbf16> to vector<32x4096xf32>
    %concatenate3A = tpu.concatenate %convert_element_type3A_4, %convert_element_type3A_9 in 0 : vector<32x4096xf32>, vector<32x4096xf32> -> vector<64x4096xf32>
    %slice3A_10 = vector.extract_strided_slice %transpose3A {offsets = [32, 0], sizes = [32, 4096], strides = [1, 1]} : vector<128x4096xi32> to vector<32x4096xi32>
    %and3A_11 = arith.constant 65535 : i32
    %and3A_12 = vector.broadcast %and3A_11 : i32 to vector<32x4096xi32>
    %and3A_13 = arith.andi %slice3A_10, %and3A_12 : vector<32x4096xi32>
    %convert_element_type3A_14 = arith.trunci %and3A_13 : vector<32x4096xi32> to vector<32x4096xi16>
    %bitcast_convert_type3A_15 = tpu.bitcast %convert_element_type3A_14 : vector<32x4096xi16> -> vector<32x4096xbf16>
    %convert_element_type3A_16 = arith.extf %bitcast_convert_type3A_15 : vector<32x4096xbf16> to vector<32x4096xf32>
    %shift_right_logical3A_17 = arith.constant 16 : i32
    %shift_right_logical3A_18 = vector.broadcast %shift_right_logical3A_17 : i32 to vector<32x4096xi32>
    %shift_right_logical3A_19 = arith.shrui %slice3A_10, %shift_right_logical3A_18 : vector<32x4096xi32>
    %convert_element_type3A_20 = arith.trunci %shift_right_logical3A_19 : vector<32x4096xi32> to vector<32x4096xi16>
    %bitcast_convert_type3A_21 = tpu.bitcast %convert_element_type3A_20 : vector<32x4096xi16> -> vector<32x4096xbf16>
    %convert_element_type3A_22 = arith.extf %bitcast_convert_type3A_21 : vector<32x4096xbf16> to vector<32x4096xf32>
    %concatenate3A_23 = tpu.concatenate %convert_element_type3A_16, %convert_element_type3A_22 in 0 : vector<32x4096xf32>, vector<32x4096xf32> -> vector<64x4096xf32>
    %slice3A_24 = vector.extract_strided_slice %transpose3A {offsets = [64, 0], sizes = [32, 4096], strides = [1, 1]} : vector<128x4096xi32> to vector<32x4096xi32>
    %and3A_25 = arith.constant 65535 : i32
    %and3A_26 = vector.broadcast %and3A_25 : i32 to vector<32x4096xi32>
    %and3A_27 = arith.andi %slice3A_24, %and3A_26 : vector<32x4096xi32>
    %convert_element_type3A_28 = arith.trunci %and3A_27 : vector<32x4096xi32> to vector<32x4096xi16>
    %bitcast_convert_type3A_29 = tpu.bitcast %convert_element_type3A_28 : vector<32x4096xi16> -> vector<32x4096xbf16>
    %convert_element_type3A_30 = arith.extf %bitcast_convert_type3A_29 : vector<32x4096xbf16> to vector<32x4096xf32>
    %shift_right_logical3A_31 = arith.constant 16 : i32
    %shift_right_logical3A_32 = vector.broadcast %shift_right_logical3A_31 : i32 to vector<32x4096xi32>
    %shift_right_logical3A_33 = arith.shrui %slice3A_24, %shift_right_logical3A_32 : vector<32x4096xi32>
    %convert_element_type3A_34 = arith.trunci %shift_right_logical3A_33 : vector<32x4096xi32> to vector<32x4096xi16>
    %bitcast_convert_type3A_35 = tpu.bitcast %convert_element_type3A_34 : vector<32x4096xi16> -> vector<32x4096xbf16>
    %convert_element_type3A_36 = arith.extf %bitcast_convert_type3A_35 : vector<32x4096xbf16> to vector<32x4096xf32>
    %concatenate3A_37 = tpu.concatenate %convert_element_type3A_30, %convert_element_type3A_36 in 0 : vector<32x4096xf32>, vector<32x4096xf32> -> vector<64x4096xf32>
    %slice3A_38 = vector.extract_strided_slice %transpose3A {offsets = [96, 0], sizes = [32, 4096], strides = [1, 1]} : vector<128x4096xi32> to vector<32x4096xi32>
    %and3A_39 = arith.constant 65535 : i32
    %and3A_40 = vector.broadcast %and3A_39 : i32 to vector<32x4096xi32>
    %and3A_41 = arith.andi %slice3A_38, %and3A_40 : vector<32x4096xi32>
    %convert_element_type3A_42 = arith.trunci %and3A_41 : vector<32x4096xi32> to vector<32x4096xi16>
    %bitcast_convert_type3A_43 = tpu.bitcast %convert_element_type3A_42 : vector<32x4096xi16> -> vector<32x4096xbf16>
    %convert_element_type3A_44 = arith.extf %bitcast_convert_type3A_43 : vector<32x4096xbf16> to vector<32x4096xf32>
    %shift_right_logical3A_45 = arith.constant 16 : i32
    %shift_right_logical3A_46 = vector.broadcast %shift_right_logical3A_45 : i32 to vector<32x4096xi32>
    %shift_right_logical3A_47 = arith.shrui %slice3A_38, %shift_right_logical3A_46 : vector<32x4096xi32>
    %convert_element_type3A_48 = arith.trunci %shift_right_logical3A_47 : vector<32x4096xi32> to vector<32x4096xi16>
    %bitcast_convert_type3A_49 = tpu.bitcast %convert_element_type3A_48 : vector<32x4096xi16> -> vector<32x4096xbf16>
    %convert_element_type3A_50 = arith.extf %bitcast_convert_type3A_49 : vector<32x4096xbf16> to vector<32x4096xf32>
    %concatenate3A_51 = tpu.concatenate %convert_element_type3A_44, %convert_element_type3A_50 in 0 : vector<32x4096xf32>, vector<32x4096xf32> -> vector<64x4096xf32>
    %concatenate3A_52 = tpu.concatenate %concatenate3A, %concatenate3A_23, %concatenate3A_37, %concatenate3A_51 in 1 : vector<64x4096xf32>, vector<64x4096xf32>, vector<64x4096xf32>, vector<64x4096xf32> -> vector<64x16384xf32>
    %broadcast_in_dim3A = vector.shape_cast %concatenate3A_52 : vector<64x16384xf32> to vector<1x64x16384xf32>
    %swap3A = arith.constant 0 : index
    %swap3A_53 = arith.constant 0 : index
    %swap3A_54 = arith.constant 0 : index
    %swap3A_55 = vector.load %arg3[%swap3A, %swap3A_53, %swap3A_54] : memref<1x64x16384xf32, #tpu.memory_space<vmem>>, vector<1x64x16384xf32>
    tpu.vector_store %arg3[%swap3A, %swap3A_53, %swap3A_54], %broadcast_in_dim3A {strides = array<i32>} : memref<1x64x16384xf32, #tpu.memory_space<vmem>>, vector<1x64x16384xf32>,
    return
  }
  func.func @transform_0(%arg0: i32) -> (i32, i32) {
    %c0_i32 = arith.constant 0 : i32
    %c0_i32_0 = arith.constant 0 : i32
    return %arg0, %c0_i32 : i32, i32
  }
  func.func @transform_2(%arg0: i32) -> (i32, i32, i32) {
    %add3A = arith.constant 30 : i32
    %add3A_0 = arith.addi %arg0, %add3A : i32
    %c0_i32 = arith.constant 0 : i32
    %c0_i32_1 = arith.constant 0 : i32
    %c0_i32_2 = arith.constant 0 : i32
    return %add3A_0, %c0_i32, %c0_i32_1 : i32, i32, i32
  }
}

module attributes {stable_mosaic.version = 14 : i64} {
  func.func @_transpose_block_acc(%arg0: i32, %arg1: memref<4096x128xi32, #tpu.memory_space<vmem>>, %arg2: memref<50x64x16384xf32, #tpu.memory_space<any>>, %arg3: memref<1x64x16384xf32, #tpu.memory_space<vmem>>) attributes {dimension_semantics = [#tpu.dimension_semantics<arbitrary>], iteration_bounds = array<i64: 10>, scalar_prefetch = 0 : i64, scratch_operands = 0 : i64, tpu.core_type = #tpu.core_type<tc>, window_params = [{transform_indices = @transform_0, window_bounds = array<i64: 4096, 128>}, {}, {transform_indices = @transform_2, window_bounds = array<i64: 1, 64, 16384>}]} {
    %get3A = arith.constant 0 : index
    %get3A_0 = arith.constant 0 : index
    %get3A_1 = vector.load %arg1[%get3A, %get3A_0] : memref<4096x128xi32, #tpu.memory_space<vmem>>, vector<4096x128xi32>
    %transpose3A = tpu.transpose %get3A_1, [1, 0] : vector<4096x128xi32> -> vector<128x4096xi32>
    %slice3A = vector.extract_strided_slice %transpose3A {offsets = [0, 0], sizes = [32, 4096], strides = [1, 1]} : vector<128x4096xi32> to vector<32x4096xi32>
    %and3A = arith.constant 65535 : i32
    %and3A_2 = vector.broadcast %and3A : i32 to vector<32x4096xi32>
    %and3A_3 = arith.andi %slice3A, %and3A_2 : vector<32x4096xi32>
    %convert_element_type3A = arith.trunci %and3A_3 : vector<32x4096xi32> to vector<32x4096xi16>
    %bitcast_convert_type3A = tpu.bitcast %convert_element_type3A : vector<32x4096xi16> -> vector<32x4096xbf16>
    %convert_element_type3A_4 = arith.extf %bitcast_convert_type3A : vector<32x4096xbf16> to vector<32x4096xf32>
    %shift_right_logical3A = arith.constant 16 : i32
    %shift_right_logical3A_5 = vector.broadcast %shift_right_logical3A : i32 to vector<32x4096xi32>
    %shift_right_logical3A_6 = arith.shrui %slice3A, %shift_right_logical3A_5 : vector<32x4096xi32>
    %convert_element_type3A_7 = arith.trunci %shift_right_logical3A_6 : vector<32x4096xi32> to vector<32x4096xi16>
    %bitcast_convert_type3A_8 = tpu.bitcast %convert_element_type3A_7 : vector<32x4096xi16> -> vector<32x4096xbf16>
    %convert_element_type3A_9 = arith.extf %bitcast_convert_type3A_8 : vector<32x4096xbf16> to vector<32x4096xf32>
    %concatenate3A = tpu.concatenate %convert_element_type3A_4, %convert_element_type3A_9 in 0 : vector<32x4096xf32>, vector<32x4096xf32> -> vector<64x4096xf32>
    %slice3A_10 = vector.extract_strided_slice %transpose3A {offsets = [32, 0], sizes = [32, 4096], strides = [1, 1]} : vector<128x4096xi32> to vector<32x4096xi32>
    %and3A_11 = arith.constant 65535 : i32
    %and3A_12 = vector.broadcast %and3A_11 : i32 to vector<32x4096xi32>
    %and3A_13 = arith.andi %slice3A_10, %and3A_12 : vector<32x4096xi32>
    %convert_element_type3A_14 = arith.trunci %and3A_13 : vector<32x4096xi32> to vector<32x4096xi16>
    %bitcast_convert_type3A_15 = tpu.bitcast %convert_element_type3A_14 : vector<32x4096xi16> -> vector<32x4096xbf16>
    %convert_element_type3A_16 = arith.extf %bitcast_convert_type3A_15 : vector<32x4096xbf16> to vector<32x4096xf32>
    %shift_right_logical3A_17 = arith.constant 16 : i32
    %shift_right_logical3A_18 = vector.broadcast %shift_right_logical3A_17 : i32 to vector<32x4096xi32>
    %shift_right_logical3A_19 = arith.shrui %slice3A_10, %shift_right_logical3A_18 : vector<32x4096xi32>
    %convert_element_type3A_20 = arith.trunci %shift_right_logical3A_19 : vector<32x4096xi32> to vector<32x4096xi16>
    %bitcast_convert_type3A_21 = tpu.bitcast %convert_element_type3A_20 : vector<32x4096xi16> -> vector<32x4096xbf16>
    %convert_element_type3A_22 = arith.extf %bitcast_convert_type3A_21 : vector<32x4096xbf16> to vector<32x4096xf32>
    %concatenate3A_23 = tpu.concatenate %convert_element_type3A_16, %convert_element_type3A_22 in 0 : vector<32x4096xf32>, vector<32x4096xf32> -> vector<64x4096xf32>
    %slice3A_24 = vector.extract_strided_slice %transpose3A {offsets = [64, 0], sizes = [32, 4096], strides = [1, 1]} : vector<128x4096xi32> to vector<32x4096xi32>
    %and3A_25 = arith.constant 65535 : i32
    %and3A_26 = vector.broadcast %and3A_25 : i32 to vector<32x4096xi32>
    %and3A_27 = arith.andi %slice3A_24, %and3A_26 : vector<32x4096xi32>
    %convert_element_type3A_28 = arith.trunci %and3A_27 : vector<32x4096xi32> to vector<32x4096xi16>
    %bitcast_convert_type3A_29 = tpu.bitcast %convert_element_type3A_28 : vector<32x4096xi16> -> vector<32x4096xbf16>
    %convert_element_type3A_30 = arith.extf %bitcast_convert_type3A_29 : vector<32x4096xbf16> to vector<32x4096xf32>
    %shift_right_logical3A_31 = arith.constant 16 : i32
    %shift_right_logical3A_32 = vector.broadcast %shift_right_logical3A_31 : i32 to vector<32x4096xi32>
    %shift_right_logical3A_33 = arith.shrui %slice3A_24, %shift_right_logical3A_32 : vector<32x4096xi32>
    %convert_element_type3A_34 = arith.trunci %shift_right_logical3A_33 : vector<32x4096xi32> to vector<32x4096xi16>
    %bitcast_convert_type3A_35 = tpu.bitcast %convert_element_type3A_34 : vector<32x4096xi16> -> vector<32x4096xbf16>
    %convert_element_type3A_36 = arith.extf %bitcast_convert_type3A_35 : vector<32x4096xbf16> to vector<32x4096xf32>
    %concatenate3A_37 = tpu.concatenate %convert_element_type3A_30, %convert_element_type3A_36 in 0 : vector<32x4096xf32>, vector<32x4096xf32> -> vector<64x4096xf32>
    %slice3A_38 = vector.extract_strided_slice %transpose3A {offsets = [96, 0], sizes = [32, 4096], strides = [1, 1]} : vector<128x4096xi32> to vector<32x4096xi32>
    %and3A_39 = arith.constant 65535 : i32
    %and3A_40 = vector.broadcast %and3A_39 : i32 to vector<32x4096xi32>
    %and3A_41 = arith.andi %slice3A_38, %and3A_40 : vector<32x4096xi32>
    %convert_element_type3A_42 = arith.trunci %and3A_41 : vector<32x4096xi32> to vector<32x4096xi16>
    %bitcast_convert_type3A_43 = tpu.bitcast %convert_element_type3A_42 : vector<32x4096xi16> -> vector<32x4096xbf16>
    %convert_element_type3A_44 = arith.extf %bitcast_convert_type3A_43 : vector<32x4096xbf16> to vector<32x4096xf32>
    %shift_right_logical3A_45 = arith.constant 16 : i32
    %shift_right_logical3A_46 = vector.broadcast %shift_right_logical3A_45 : i32 to vector<32x4096xi32>
    %shift_right_logical3A_47 = arith.shrui %slice3A_38, %shift_right_logical3A_46 : vector<32x4096xi32>
    %convert_element_type3A_48 = arith.trunci %shift_right_logical3A_47 : vector<32x4096xi32> to vector<32x4096xi16>
    %bitcast_convert_type3A_49 = tpu.bitcast %convert_element_type3A_48 : vector<32x4096xi16> -> vector<32x4096xbf16>
    %convert_element_type3A_50 = arith.extf %bitcast_convert_type3A_49 : vector<32x4096xbf16> to vector<32x4096xf32>
    %concatenate3A_51 = tpu.concatenate %convert_element_type3A_44, %convert_element_type3A_50 in 0 : vector<32x4096xf32>, vector<32x4096xf32> -> vector<64x4096xf32>
    %concatenate3A_52 = tpu.concatenate %concatenate3A, %concatenate3A_23, %concatenate3A_37, %concatenate3A_51 in 1 : vector<64x4096xf32>, vector<64x4096xf32>, vector<64x4096xf32>, vector<64x4096xf32> -> vector<64x16384xf32>
    %broadcast_in_dim3A = vector.shape_cast %concatenate3A_52 : vector<64x16384xf32> to vector<1x64x16384xf32>
    %swap3A = arith.constant 0 : index
    %swap3A_53 = arith.constant 0 : index
    %swap3A_54 = arith.constant 0 : index
    %swap3A_55 = vector.load %arg3[%swap3A, %swap3A_53, %swap3A_54] : memref<1x64x16384xf32, #tpu.memory_space<vmem>>, vector<1x64x16384xf32>
    tpu.vector_store %arg3[%swap3A, %swap3A_53, %swap3A_54], %broadcast_in_dim3A {strides = array<i32>} : memref<1x64x16384xf32, #tpu.memory_space<vmem>>, vector<1x64x16384xf32>,
    return
  }
  func.func @transform_0(%arg0: i32) -> (i32, i32) {
    %c0_i32 = arith.constant 0 : i32
    %c0_i32_0 = arith.constant 0 : i32
    return %arg0, %c0_i32 : i32, i32
  }
  func.func @transform_2(%arg0: i32) -> (i32, i32, i32) {
    %add3A = arith.constant 40 : i32
    %add3A_0 = arith.addi %arg0, %add3A : i32
    %c0_i32 = arith.constant 0 : i32
    %c0_i32_1 = arith.constant 0 : i32
    %c0_i32_2 = arith.constant 0 : i32
    return %add3A_0, %c0_i32, %c0_i32_1 : i32, i32, i32
  }
}

</mosaic_0001>

<sc_bundles>
// kernel: kernel.13.cloned.1.call-start
scs
__scs_entry_jumppad:
0x0: {  	(pc) =	sbr.rel $0x88, $3  }
0x1: {  	(tag) =	ssettag $0x0;
	lr =	simm.s32 $0x1  }
0x2: {  	[smem:$0x3F9F] =	sst lr;
	_ =	strace $0xD0000000  }
0x3: {  	_ = 	snop  }
0x4: {  	_ = 	snop  }
0x5: {  	_ = 	snop  }
0x6: {  	_ = 	snop  }
0x7: {  	_ = 	snop  }
__scs_overlays_trampoline_lowered:
0x8: {  	[smem:$0x3FAE] =	sst s0  }
0x9: {  	[smem:$0x3FAF] =	sst s1  }
0xa: {  	[smem:$0x3FB0] =	sst s2  }
0xb: {  	[smem:$0x3FB1] =	sst s3  }
0xc: {  	[smem:$0x3FB2] =	sst s4  }
0xd: {  	[smem:$0x3FB3] =	sst s5  }
0xe: {  	[smem:$0x3FB4] =	sst s6  }
0xf: {  	[smem:$0x3FB5] =	sst s7  }
0x10: {  	[smem:$0x3FB6] =	sst s8  }
0x11: {  	[smem:$0x3FB7] =	sst s9;
	s0 =	simm.s32 @!p0 $0x0  }
0x12: {  	s1 =	sld [smem:$0x3F9D];
	s0 =	simm.s32 @p0 $0x1  }
0x13: {  	[smem:$0x3FB8] =	sst s0;
	s0 =	simm.s32 @!p1 $0x0  }
0x14: {  	s2 =	sld [smem:$0x3F9C];
	s0 =	simm.s32 @p1 $0x1  }
0x15: {  	[smem:$0x3FB9] =	sst s0;
	s0 =	simm.s32 @!p2 $0x0  }
0x16: {  	s3 =	sld [smem:$0x3FDB];
	s0 =	simm.s32 @p2 $0x1  }
0x17: {  	s4 =	simm.s32 $0x1BF5;
	[smem:$0x3FBB] =	sst s0  }
0x18: {  	s0 =	sld [smem:$0x3F9E];
	_ =	swait.ge [sflag:s4], $0x0  }
0x19: {  	s7 =	sld [smem:$0x3F9F]  }
0x1a: {  	s8 =	sadd.s32 $0xFFFFE003, lr  }
0x1b: {  	s9 =	sadd.s32 $0xFFFFFEF7, lr;
	s5 =	simm.s32 $0xFFFFFFFF;
	p2 =	slt.u32 s8, $0xFFFFF086  }
0x1c: {  	p1 =	slt.u32 s9, $0xF7A;
	s5 =	simm.s32 @!p2 $0x0  }
0x1d: {  	s5 =	simm.s32 @p1 $0x1;
	p0 =	seq.s32 s7, s2  }
0x1e: {  	s7 =	smul.u32 @!p0 $0xF7A, s2;
	p2 =	seq.s32 @!p0 s5, $0x0  }
0x1f: {  	s9 =	smul.u32 $0xF7A, s1;
	s8 =	simm.s32 @!p0 $0x1BF5;
	p2 =	por !p2, p0  }
0x20: {  	[sflag:s8] =	ssyncset.s32 @!p0 $0xFFFFF086;
	s6 =	sadd.s32 @!p0 s3, s7;
	s7 =	simm.s32 @!p0 $0x108  }
0x21: {  	s3 =	sadd.s32 s3, s9;
	s6 =	sadd.s32 @!p0 $0x88, s6;
	s7 =	simm.s32 @p2 $0x1082  }
0x22: {  	[simem:s7], [sflag:s8] =	dma.local @!p0 [hbm:s6], $0xF7A  }
0x23: {  	s9 =	sor.u32 $0xD0000000, s2;
	s6 =	simm.s32 $0x108;
	_ =	swait.ge @!p0 [sflag:s8], $0x0  }
0x24: {  	s3 =	sadd.s32 $0x88, s3;
	s6 =	simm.s32 @!p1 $0x1082;
	[sflag:s4] =	ssyncset.s32 $0xFFFFF086  }
0x25: {  	[simem:s6], [sflag:s4] =	dma.local [hbm:s3], $0xF7A  }
0x26: {  	[smem:$0x3F9F] =	sst s1;
	(tag) =	ssettag s2;
	_ =	strace s9  }
0x27: {  	s1 =	sld [smem:$0x3FAF]  }
0x28: {  	s2 =	sld [smem:$0x3FB0]  }
0x29: {  	s4 =	sld [smem:$0x3FB2]  }
0x2a: {  	p0 =	seq.s32 s5, $0x0;
	s5 =	sld [smem:$0x3FB3]  }
0x2b: {  	s6 =	sld [smem:$0x3FB4]  }
0x2c: {  	s7 =	sld [smem:$0x3FB5]  }
0x2d: {  	s3 =	simm.s32 $0x108;
	s8 =	sld [smem:$0x3FB6]  }
0x2e: {  	s3 =	simm.s32 @!p0 $0x1082;
	s9 =	sld [smem:$0x3FB7]  }
0x2f: {  	lr =	sadd.s32 s0, s3;
	s0 =	sld [smem:$0x3FAE]  }
0x30: {  	s3 =	sld [smem:$0x3FB1]  }
0x31: {  	[smem:$0x3FBA] =	sst s10  }
0x32: {  	s10 =	sld [smem:$0x3FB8];
	_ =	sdelay $0x3  }
0x33: {  	p0 =	seq.s32 s10, $0x1;
	s10 =	sld [smem:$0x3FBA];
	_ =	sdelay $0x3  }
0x34: {  	[smem:$0x3FBA] =	sst s10  }
0x35: {  	s10 =	sld [smem:$0x3FB9];
	_ =	sdelay $0x3  }
0x36: {  	p1 =	seq.s32 s10, $0x1;
	s10 =	sld [smem:$0x3FBA];
	_ =	sdelay $0x3  }
0x37: {  	[smem:$0x3FBA] =	sst s10  }
0x38: {  	s10 =	sld [smem:$0x3FBB]  }
0x39: {  	_ = 	snop;
	(pc) =	sbr.ind lr, $3  }
0x3a: {  	_ = 	snop  }
0x3b: {  	_ = 	snop  }
0x3c: {  	p2 =	seq.s32 s10, $0x1;
	s10 =	sld [smem:$0x3FBA]  }
0x3d: {  	_ =	shalt  }
0x3e: {  	_ =	shalt  }
0x3f: {  	_ =	shalt  }
0x40: {  	_ =	shalt  }
0x41: {  	_ =	shalt  }
0x42: {  	_ =	shalt  }
0x43: {  	_ =	shalt  }
0x44: {  	_ =	shalt  }
0x45: {  	_ =	shalt  }
0x46: {  	_ =	shalt  }
0x47: {  	_ =	shalt  }
0x48: {  	_ =	shalt  }
0x49: {  	_ =	shalt  }
0x4a: {  	_ =	shalt  }
0x4b: {  	_ =	shalt  }
0x4c: {  	_ =	shalt  }
0x4d: {  	_ =	shalt  }
0x4e: {  	_ =	shalt  }
0x4f: {  	_ =	shalt  }
0x50: {  	_ =	shalt  }
0x51: {  	_ =	shalt  }
0x52: {  	_ =	shalt  }
0x53: {  	_ =	shalt  }
0x54: {  	_ =	shalt  }
0x55: {  	_ =	shalt  }
0x56: {  	_ =	shalt  }
0x57: {  	_ =	shalt  }
0x58: {  	_ =	shalt  }
0x59: {  	_ =	shalt  }
0x5a: {  	_ =	shalt  }
0x5b: {  	_ =	shalt  }
0x5c: {  	_ =	shalt  }
0x5d: {  	_ =	shalt  }
0x5e: {  	_ =	shalt  }
0x5f: {  	_ =	shalt  }
0x60: {  	_ =	shalt  }
0x61: {  	_ =	shalt  }
0x62: {  	_ =	shalt  }
0x63: {  	_ =	shalt  }
0x64: {  	_ =	shalt  }
0x65: {  	_ =	shalt  }
0x66: {  	_ =	shalt  }
0x67: {  	_ =	shalt  }
0x68: {  	_ =	shalt  }
0x69: {  	_ =	shalt  }
0x6a: {  	_ =	shalt  }
0x6b: {  	_ =	shalt  }
0x6c: {  	_ =	shalt  }
0x6d: {  	_ =	shalt  }
0x6e: {  	_ =	shalt  }
0x6f: {  	_ =	shalt  }
0x70: {  	_ =	shalt  }
0x71: {  	_ =	shalt  }
0x72: {  	_ =	shalt  }
0x73: {  	_ =	shalt  }
0x74: {  	_ =	shalt  }
0x75: {  	_ =	shalt  }
0x76: {  	_ =	shalt  }
0x77: {  	_ =	shalt  }
0x78: {  	_ =	shalt  }
0x79: {  	_ =	shalt  }
0x7a: {  	_ =	shalt  }
0x7b: {  	_ =	shalt  }
0x7c: {  	_ =	shalt  }
0x7d: {  	_ =	shalt  }
0x7e: {  	_ =	shalt  }
0x7f: {  	_ =	shalt  }
0x80: {  	_ =	shalt  }
0x81: {  	_ =	shalt  }
0x82: {  	_ =	shalt  }
0x83: {  	_ =	shalt  }
0x84: {  	_ =	shalt  }
0x85: {  	_ =	shalt  }
0x86: {  	_ =	shalt  }
0x87: {  	_ =	shalt  }
.Lfunc_end0:
.L_simem_size_0:
called_computation_lowered:
.L_overlay_start_0:
0x88: {  	s2 =	sld [smem:$0x3FD9]  }
0x89: {  	s3 =	sld [smem:$0x3FFE];
	_ =	sdelay $0x1  }
0x8a: {  	s1 =	srdreg.scid  }
0x8b: {  	s0 =	sand.u32 $0x1, s1  }
0x8c: {  	s17 =	sshll.u32 s0, $0xA;
	s2 =	sadd.s32 s3, s2  }
0x8d: {  	s2 =	sadd.s32 s2, s17  }
0x8e: {  	[smem:$0x3FC6] =	sst s2  }
0x8f: {  	_ = 	snop  }
0x90: {  	s2 =	sld [smem:$0x3FD0];
	(tm) =	ssettm $0x1  }
0x91: {  	s18 =	sld [smem:$0x3FFB];
	_ =	sdelay $0x3  }
0x92: {  	_ =	strace s18  }
0x93: {  	s3 =	sld [smem:$0x3FFC];
	_ =	sdelay $0x3  }
0x94: {  	_ =	strace s3  }
0x95: {  	s3 =	sld [smem:$0x3FFD];
	_ =	sdelay $0x3  }
0x96: {  	_ =	strace s3  }
0x97: {  	_ =	strace $0x8FFFFFFF  }
0x98: {  	s19 =	sld [smem:$0x3FDB];
	_ =	sdelay $0x1  }
0x99: {  	s4 =	simm.s32 $_scs_section_size  }
0x9a: {  	s5 =	simm.s32 $_size__tile_overlayer_lowered;
	s6 =	simm.s32 $_tile_overlayer_lowered  }
0x9b: {  	s22 =	simm.s32 $0x1BFF;
	s21 =	sshll.u32 s6, $0x1;
	s3 =	sadd.s32 s4, s19  }
0x9c: {  	s7 =	simm.s32 $0x0;
	s20 =	sshll.u32 s5, $0x1;
	s5 =	sadd.s32 s21, s3  }
0x9d: {  	[timem:s7], [sflag:s22] =	dma.local [hbm:s5], s20  }
0x9e: {  	_ =	swait.ge [sflag:s22], s20  }
0x9f: {  	s4 =	ssub.s32 $0x0, s20;
	[sflag:s22] =	ssyncset.done $0x0  }
0xa0: {  	[sflag:s22] =	ssyncadd.s32 s4;
	_ =	sdelay $0x1  }
0xa1: {  	s23 =	simm.s32 $0x1B8B  }
0xa2: {  	_ =	swait.ge [sflag:s23], $0x1  }
0xa3: {  	[sflag:s23] =	ssyncset.done $0x0  }
0xa4: {  	s25 =	simm.s32 $0x1B8E;
	s24 =	sld [smem:$0x3FFE];
	[sflag:s23] =	ssyncadd.s32 $0xFFFFFFFF  }
0xa5: {  	s26 =	simm.s32 $execute0_lowered;
	[smem:$0x3FD2] =	sst s25  }
0xa6: {  	s5 =	sshll.u32 s26, $0x1;
	_ =	strace $0x80000046;
	[dreg:$0x1] =	wrdreg $0xFFFFFFFF  }
0xa7: {  	s28 =	simm.s32 $_size_execute0_lowered;
	s3 =	sadd.s32 s3, s5;
	[dreg:$0x0] =	wrdreg $0x0  }
0xa8: {  	s5 =	sshll.u32 s28, $0x1;
	[dreg:$0x2] =	wrdreg s3  }
0xa9: {  	[dreg:$0x3] =	wrdreg s5  }
0xaa: {  	[dreg:$0x4] =	wrdreg $0xC0  }
0xab: {  	_ =	task [dreg:s7], $0x5FFFF  }
0xac: {  	[dreg:$0x1] =	wrdreg $0xFFFFFFFF  }
0xad: {  	[dreg:$0x0] =	wrdreg $0x60  }
0xae: {  	[dreg:$0x2] =	wrdreg s24  }
0xaf: {  	[dreg:$0x3] =	wrdreg s2  }
0xb0: {  	[dreg:$0x4] =	wrdreg $0x9  }
0xb1: {  	_ =	task.clear_ibuf [dreg:s7], $0x5FFFF;
	_ =	strace $0x90000046  }
0xb2: {  	s29 =	simm.s32 $0x9;
	_ =	strace $0x80000048  }
0xb3: {  	_ =	swait.ge [sflag:s29], $0x1  }
0xb4: {  	[sflag:s29] =	ssyncadd.s32 $0xFFFFFFFF  }
0xb5: {  	_ =	strace $0x90000048  }
0xb6: {  	_ =	sfence  }
0xb7: {  	s30 =	sld [smem:$0x0];
	_ =	sdelay $0x2  }
0xb8: {  	s31 =	sshll.u32 s1, $0xD;
	s1 =	sshrl.u32 s1, $0x2  }
0xb9: {  	s3 =	sand.u32 $0x4000, s31;
	s1 =	sadd.s32 s1, s30  }
0xba: {  	s0 =	sor.u32 s3, s0;
	s1 =	sshll.u32 s1, $0x11  }
0xbb: {  	s0 =	sor.u32 s1, s0  }
0xbc: {  	s0 =	sadd.s32 $0x8F2B, s0  }
0xbd: {  	[sflag:s0] =	ssyncadd.remote.s32 $0x1  }
0xbe: {  	_ =	sfence.sel $0xFFFF  }
0xbf: {  	[dreg:$0x0] =	wrdreg $0xFFFFFFFF;
	(pc) =	sbr.abs _section_cstart, $3  }
0xc0: {  	[dreg:$0x1] =	wrdreg $0xFFFFFFFF  }
0xc1: {  	_ =	task.clear_ibuf [dreg:s7], $0x2FFFF;
	_ =	strace $0x9FFFFFFF  }
0xc2: {  	(tm) =	ssettm $0x7FFFFFFF  }
0xc3: {  	_ =	shalt  }
tec
execute0_lowered:
.L_overlay_start_1:
0x0: {  	(tag) =	ssettag $0x1  }
0x1: {  	s0 =	rddreg [dreg:$0x0]  }
0x2: {  	s1 =	srdreg.scid;
	s9 =	stileid.u32  }
0x3: {  	s2 =	rddreg [dreg:$0x1];
	s4 =	simm.s32 $0x0;
	s15 =	simm.s32 $0x100  }
0x4: {  	s16 =	simm.s32 $0x1400;
	s1 =	sand.u32 $0x1, s1;
	s3 =	sshll.u32 s9, $0x1  }
0x5: {  	s17 =	simm.s32 $0x3400;
	s28 =	smul.u32 $0x2800, s9;
	s3 =	sor.u32 s1, s3  }
0x6: {  	[smem:$0x7FF] =	sst s4;
	s4 =	sadd.s32 $0x2400, s0;
	s3 =	smul.u32 $0x1400, s3  }
0x7: {  	_ =	strace $0x80000047;
	s6 =	ssub.s32 $0x2, s1;
	s1 =	smul.u32 $0x1400, s1  }
0x8: {  	s18 =	sshrl.u32 s6, $0x1;
	s5 =	sshrl.u32 s3, $0x3;
	s7 =	sadd.s32 $0x1200, s3  }
0x9: {  	s3 =	sadd.s32 $0x1300, s3;
	s0 =	sadd.s32 s5, s0;
	s8 =	sshrl.u32 s7, $0x2  }
0xa: {  	s5 =	ssub.s32 s6, s18;
	s20 =	sand.u32 $0xE00, s7;
	s22 =	sshrl.u32 s7, $0x7  }
0xb: {  	s23 =	sshrl.u32 s3, $0x2;
	s26 =	sand.u32 $0xF00, s3;
	s3 =	sshrl.u32 s3, $0x7  }
0xc: {  	s7 =	sadd.s32 s1, s28;
	s18 =	simm.s32 $0x1;
	s19 =	sand.u32 $0x1F000, s8  }
0xd: {  	s0 =	sadd.s32 $0x64000, s0;
	s24 =	sand.u32 $0x60, s22;
	s25 =	sand.u32 $0x1F000, s23  }
0xe: {  	s3 =	sand.u32 $0x60, s3;
	s5 =	smax.u32 s5, $0x1;
	s31 =	sor.u32 $0x100, s7  }
0xf: {  	s12 =	sshrl.u32 s7, $0x7;
	s13 =	sshrl.u32 s7, $0x2;
	s22 =	simm.s32 $0x2  }
0x10: {  	s23 =	simm.s32 $0x4;
	[dreg:$0x3] =	wrdreg s0;
	s21 =	sor.u32 s19, s20  }
0x11: {  	s6 =	sor.u32 s25, s26;
	[dreg:$0x4] =	wrdreg s5;
	s0 =	sshll.u32 s21, $0x7  }
0x12: {  	s10 =	sshrl.u32 s31, $0x2;
	s29 =	sshll.u32 s6, $0x7;
	s0 =	sor.u32 s24, s0  }
0x13: {  	s11 =	sshrl.u32 s31, $0x7;
	s3 =	sor.u32 s3, s29;
	s0 =	sshrl.u32 s0, $0x3  }
0x14: {  	s19 =	simm.s32 $0x20;
	s3 =	sshrl.u32 s3, $0x3;
	s0 =	sadd.s32 s2, s0  }
0x15: {  	s20 =	simm.s32 $0x80;
	s30 =	sadd.s32 s2, s3;
	[dreg:$0x5] =	wrdreg s0  }
0x16: {  	s21 =	simm.s32 $0x3;
	s24 =	simm.s32 $0x0;
	[dreg:$0x6] =	wrdreg s30  }
.LBB2_1:
0x17: {  	s0 =	simm.s32 $0x0;
	s1 =	rddreg [dreg:$0x3];
	s3 =	simm.s32 $0x5  }
0x18: {  	[tilespmem:s0], [sflag:$0x5] =	stream.linear.gather [hbm4b:s1+s0], $0x1400, $0x38;
	[tilespmem:$0x5400] =	vst v63  }
0x19: {  	s5 =	sadd.s32 $0x0, s7;
	_ =	swait.ge [sflag:s3], $0x1400  }
0x1a: {  	s25 =	simm.s32 $0x300;
	s8 =	sand.u32 $0x1FFF000, s13;
	[sflag:s3] =	ssyncset.done $0x0  }
0x1b: {  	s31 =	sadd.s32 $0x4, s11;
	s9 =	sand.u32 $0x60, s12;
	[sflag:s3] =	ssyncadd.s32 $0xFFFFEC00  }
0x1c: {  	[tilespmem:s16], [sflag:$0x1] =	stream.indirect.gather [hbm4b:s4+s15], $0x20, s0, s15, $0xb8;
	[tilespmem:$0x5400] =	vst v63  }
0x1d: {  	s26 =	sadd.s32 $0x200, s7;
	s29 =	sadd.s32 $0x4, s12;
	s0 =	sand.u32 $0xE00, s5  }
0x1e: {  	s6 =	sadd.s32 $0x100, s5;
	s14 =	sadd.s32 $0x100, s26;
	s0 =	sor.u32 s8, s0  }
0x1f: {  	[tilespmem:s17], [sflag:$0x2] =	stream.indirect.gather [hbm4b:s4+s15], $0x20, s15, s15, $0xb8;
	[tilespmem:$0x5400] =	vst v63  }
0x20: {  	s28 =	sand.u32 $0x60, s31;
	s31 =	sadd.s32 $0x4, s31;
	s0 =	sshll.u32 s0, $0x7  }
0x21: {  	s1 =	sand.u32 $0xF00, s6;
	_ =	swait.ge [sflag:s18], $0x2000;
	s0 =	sor.u32 s9, s0  }
0x22: {  	s6 =	sadd.s32 $0x80, s10;
	[sflag:s18] =	ssyncset.done $0x0;
	s0 =	sshrl.u32 s0, $0x3  }
0x23: {  	s3 =	sand.u32 $0x1FFF000, s10;
	[sflag:s18] =	ssyncadd.s32 $0xFFFFE000;
	s0 =	sadd.s32 s2, s0  }
0x24: {  	[hbm4b:s0+s19] =	stream.strided.scatter [tilespmem:s16], [sflag:$0x3], $0x2000, s20, s19, $0x38;
	[tilespmem:$0x5400] =	vst v63  }
0x25: {  	s1 =	sor.u32 s3, s1;
	s5 =	sand.u32 $0x60, s11;
	_ =	swait.ge [sflag:s21], $0x2000  }
0x26: {  	s3 =	sand.u32 $0xF00, s14;
	s1 =	sshll.u32 s1, $0x7;
	[sflag:s21] =	ssyncset.done $0x0  }
0x27: {  	s1 =	sor.u32 s5, s1;
	s9 =	simm.s32 $0x200;
	[sflag:s21] =	ssyncadd.s32 $0xFFFFE000  }
0x28: {  	[tilespmem:s16], [sflag:$0x1] =	stream.indirect.gather [hbm4b:s4+s15], $0x20, s9, s15, $0xb8;
	[tilespmem:$0x5400] =	vst v63  }
0x29: {  	s8 =	sand.u32 $0x1FFF000, s6;
	s1 =	sshrl.u32 s1, $0x3;
	_ =	swait.ge [sflag:s22], $0x2000  }
0x2a: {  	s14 =	sadd.s32 s2, s1;
	s1 =	sadd.s32 $0x80, s13;
	[sflag:s22] =	ssyncset.done $0x0  }
0x2b: {  	s5 =	sand.u32 $0x1FFF000, s1;
	s0 =	sor.u32 s8, s3;
	[sflag:s22] =	ssyncadd.s32 $0xFFFFE000  }
0x2c: {  	[hbm4b:s14+s19] =	stream.strided.scatter [tilespmem:s17], [sflag:$0x4], $0x2000, s20, s19, $0x38;
	[tilespmem:$0x5400] =	vst v63  }
0x2d: {  	s3 =	simm.s32 $0x400;
	s0 =	sshll.u32 s0, $0x7;
	_ =	swait.ge [sflag:s23], $0x2000  }
0x2e: {  	s0 =	sor.u32 s28, s0;
	s28 =	simm.s32 $0x500;
	[sflag:s23] =	ssyncset.done $0x0  }
0x2f: {  	s30 =	sshrl.u32 s0, $0x3;
	s0 =	sadd.s32 $0x80, s6;
	[sflag:s23] =	ssyncadd.s32 $0xFFFFE000  }
.LBB2_2:
0x30: {  	[tilespmem:s17], [sflag:$0x2] =	stream.indirect.gather [hbm4b:s4+s15], $0x20, s25, s15, $0xb8;
	[tilespmem:$0x5400] =	vst v63  }
0x31: {  	s25 =	smov.u32 s3  }
0x32: {  	s6 =	smov.u32 s30;
	s25 =	smov.u32 s28  }
0x33: {  	s30 =	sand.u32 $0x1FFF000, s0;
	s8 =	sand.u32 $0xE00, s26;
	s26 =	sadd.s32 s3, s7  }
0x34: {  	s14 =	sand.u32 $0x60, s31;
	s9 =	sadd.s32 $0x100, s26;
	s5 =	sor.u32 s5, s8  }
0x35: {  	s8 =	sand.u32 $0xF00, s9;
	s5 =	sshll.u32 s5, $0x7;
	s9 =	sand.u32 $0x60, s29  }
0x36: {  	s8 =	sor.u32 s30, s8;
	s5 =	sor.u32 s9, s5;
	_ =	swait.ge [sflag:s18], $0x2000  }
0x37: {  	s8 =	sshll.u32 s8, $0x7;
	s5 =	sshrl.u32 s5, $0x3;
	[sflag:s18] =	ssyncset.done $0x0  }
0x38: {  	s8 =	sor.u32 s14, s8;
	s5 =	sadd.s32 s2, s5;
	[sflag:s18] =	ssyncadd.s32 $0xFFFFE000  }
0x39: {  	[hbm4b:s5+s19] =	stream.strided.scatter [tilespmem:s16], [sflag:$0x3], $0x2000, s20, s19, $0x38;
	[tilespmem:$0x5400] =	vst v63  }
0x3a: {  	s30 =	sshrl.u32 s8, $0x3;
	s8 =	sadd.s32 $0x200, s3;
	_ =	swait.ge [sflag:s21], $0x2000  }
0x3b: {  	p0 =	sne.s32 s3, $0x1000;
	[sflag:s21] =	ssyncset.done $0x0  }
0x3c: {  	s3 =	sadd.s32 $0xFFFFFF00, s28;
	[sflag:s21] =	ssyncadd.s32 $0xFFFFE000  }
0x3d: {  	[tilespmem:s16], [sflag:$0x1] =	stream.indirect.gather [hbm4b:s4+s15], $0x20, s3, s15, $0xb8;
	[tilespmem:$0x5400] =	vst v63  }
0x3e: {  	_ =	swait.ge [sflag:s22], $0x2000  }
0x3f: {  	s31 =	sadd.s32 $0x4, s31;
	[sflag:s22] =	ssyncset.done $0x0  }
.Ltmp0:
0x40: {  	s3 =	sadd.s32 s2, s6;
	[sflag:s22] =	ssyncadd.s32 $0xFFFFE000;
	(pc) =	sbr.rel @p0 .LBB2_2-.Ltmp0, $4  }
0x41: {  	[hbm4b:s3+s19] =	stream.strided.scatter [tilespmem:s17], [sflag:$0x4], $0x2000, s20, s19, $0x38;
	[tilespmem:$0x5400] =	vst v63  }
0x42: {  	s29 =	sadd.s32 $0x4, s29;
	s28 =	sadd.s32 $0x200, s28;
	_ =	swait.ge [sflag:s23], $0x2000  }
0x43: {  	s1 =	sadd.s32 $0x80, s1;
	s0 =	sadd.s32 $0x80, s0;
	[sflag:s23] =	ssyncset.done $0x0  }
0x44: {  	s5 =	sand.u32 $0x1FFF000, s1;
	s3 =	smov.u32 s8;
	[sflag:s23] =	ssyncadd.s32 $0xFFFFE000  }
0x45: {  	[tilespmem:s17], [sflag:$0x2] =	stream.indirect.gather [hbm4b:s4+s15], $0x20, s25, s15, $0xb8;
	[tilespmem:$0x5400] =	vst v63  }
0x46: {  	s0 =	sand.u32 $0xE00, s26  }
0x47: {  	s0 =	sor.u32 s5, s0  }
0x48: {  	s1 =	sand.u32 $0x60, s29;
	s0 =	sshll.u32 s0, $0x7  }
0x49: {  	_ =	swait.ge [sflag:s18], $0x2000;
	s0 =	sor.u32 s1, s0  }
0x4a: {  	[sflag:s18] =	ssyncset.done $0x0;
	s0 =	sshrl.u32 s0, $0x3  }
0x4b: {  	[sflag:s18] =	ssyncadd.s32 $0xFFFFE000;
	s0 =	sadd.s32 s2, s0  }
0x4c: {  	[hbm4b:s0+s19] =	stream.strided.scatter [tilespmem:s16], [sflag:$0x3], $0x2000, s20, s19, $0x38;
	[tilespmem:$0x5400] =	vst v63  }
0x4d: {  	_ =	swait.ge [sflag:s21], $0x2000  }
0x4e: {  	[sflag:s21] =	ssyncset.done $0x0  }
0x4f: {  	s25 =	sadd.s32 $0xFFFFFF00, s28;
	[sflag:s21] =	ssyncadd.s32 $0xFFFFE000  }
0x50: {  	[tilespmem:s16], [sflag:$0x1] =	stream.indirect.gather [hbm4b:s4+s15], $0x20, s25, s15, $0xb8;
	[tilespmem:$0x5400] =	vst v63  }
0x51: {  	_ =	swait.ge [sflag:s22], $0x2000  }
0x52: {  	[sflag:s22] =	ssyncset.done $0x0  }
0x53: {  	s26 =	sadd.s32 s2, s30;
	[sflag:s22] =	ssyncadd.s32 $0xFFFFE000  }
0x54: {  	[hbm4b:s26+s19] =	stream.strided.scatter [tilespmem:s17], [sflag:$0x4], $0x2000, s20, s19, $0x38;
	[tilespmem:$0x5400] =	vst v63  }
0x55: {  	_ =	swait.ge [sflag:s23], $0x2000  }
0x56: {  	[sflag:s23] =	ssyncset.done $0x0  }
0x57: {  	[sflag:s23] =	ssyncadd.s32 $0xFFFFE000  }
0x58: {  	[tilespmem:s17], [sflag:$0x2] =	stream.indirect.gather [hbm4b:s4+s15], $0x20, s28, s15, $0xb8;
	[tilespmem:$0x5400] =	vst v63  }
0x59: {  	_ =	swait.ge [sflag:s18], $0x2000  }
0x5a: {  	[sflag:s18] =	ssyncset.done $0x0  }
0x5b: {  	s29 =	rddreg [dreg:$0x5];
	[sflag:s18] =	ssyncadd.s32 $0xFFFFE000  }
0x5c: {  	[hbm4b:s29+s19] =	stream.strided.scatter [tilespmem:s16], [sflag:$0x3], $0x2000, s20, s19, $0x38;
	[tilespmem:$0x5400] =	vst v63  }
0x5d: {  	_ =	swait.ge [sflag:s22], $0x2000  }
0x5e: {  	[sflag:s22] =	ssyncset.done $0x0  }
0x5f: {  	s30 =	rddreg [dreg:$0x6];
	[sflag:s22] =	ssyncadd.s32 $0xFFFFE000  }
0x60: {  	[hbm4b:s30+s19] =	stream.strided.scatter [tilespmem:s17], [sflag:$0x4], $0x2000, s20, s19, $0x38;
	[tilespmem:$0x5400] =	vst v63  }
0x61: {  	_ =	swait.ge [sflag:s21], $0x2000  }
0x62: {  	[sflag:s21] =	ssyncset.done $0x0  }
0x63: {  	[sflag:s21] =	ssyncadd.s32 $0xFFFFE000  }
0x64: {  	_ =	swait.ge [sflag:s23], $0x2000  }
0x65: {  	s24 =	sadd.s32 $0x1, s24;
	s31 =	rddreg [dreg:$0x4]  }
0x66: {  	p0 =	sne.s32 s24, s31  }
.Ltmp1:
0x67: {  	_ = 	snop;
	(pc) =	sbr.rel @p0 .LBB2_1-.Ltmp1, $3  }
0x68: {  	_ =	sdelay $0x1  }
0x69: {  	[sflag:s23] =	ssyncset.done $0x0  }
0x6a: {  	[sflag:s23] =	ssyncadd.s32 $0xFFFFE000  }
0x6b: {  	_ =	sfence.sel $0x180000  }
0x6c: {  	[bflag:$0x0] =	sbarrier.arrive $0xFFFF  }
0x6d: {  	_ =	strace $0x90000047  }
0x6e: {  	s0 =	stileid.u32;
	[bflag:$0x2] =	sbarrier.arrive $0xFFFF  }
0x6f: {  	p0 =	sne.s32 s0, $0x0;
	s0 =	rddreg [dreg:$0x2]  }
0x70: {  	s0 =	sadd.s32 @!p0 $0x100000, s0  }
0x71: {  	[sflag:s0] =	ssyncadd.tile.s32 @!p0 $0x1;
	_ =	shalt  }
.Lfunc_end2:
_tile_overlayer_lowered:
.L_overlay_start_2:
0x72: {  	(tag) =	ssettag $0x2  }
0x73: {  	s0 =	rddreg [dreg:$0x0];
	s2 =	stileid.u32  }
0x74: {  	s1 =	rddreg [dreg:$0x1];
	p0 =	sne.s32 s2, $0x0  }
0x75: {  	s3 =	rddreg [dreg:$0x2];
	[bflag:$0x3] =	sbarrier.arrive $0xFFFF;
	s2 =	simm.s32 @!p0 $0x1C05  }
0x76: {  	[timem:s3], [sflag:s2] =	dma.local @!p0 [hbm:s0], s1  }
0x77: {  	s0 =	simm.s32 @!p0 $0x5  }
0x78: {  	_ =	swait.ge @!p0 [sflag:s0], s1  }
0x79: {  	s1 =	ssub.s32 @!p0 $0x0, s1;
	[sflag:s0] =	ssyncset.done @!p0 $0x0  }
0x7a: {  	[sflag:s0] =	ssyncadd.s32 @!p0 s1  }
0x7b: {  	[bflag:$0x3] =	sbarrier.arrive $0xFFFF  }
0x7c: {  	_ =	shalt  }

// kernel: kernel.16.cloned.1.call-start
scs
__scs_entry_jumppad:
0x0: {  	(pc) =	sbr.rel $0x88, $3  }
0x1: {  	(tag) =	ssettag $0x0;
	lr =	simm.s32 $0x1  }
0x2: {  	[smem:$0x3F9F] =	sst lr;
	_ =	strace $0xD0000000  }
0x3: {  	_ = 	snop  }
0x4: {  	_ = 	snop  }
0x5: {  	_ = 	snop  }
0x6: {  	_ = 	snop  }
0x7: {  	_ = 	snop  }
__scs_overlays_trampoline_lowered:
0x8: {  	[smem:$0x3FAE] =	sst s0  }
0x9: {  	[smem:$0x3FAF] =	sst s1  }
0xa: {  	[smem:$0x3FB0] =	sst s2  }
0xb: {  	[smem:$0x3FB1] =	sst s3  }
0xc: {  	[smem:$0x3FB2] =	sst s4  }
0xd: {  	[smem:$0x3FB3] =	sst s5  }
0xe: {  	[smem:$0x3FB4] =	sst s6  }
0xf: {  	[smem:$0x3FB5] =	sst s7  }
0x10: {  	[smem:$0x3FB6] =	sst s8  }
0x11: {  	[smem:$0x3FB7] =	sst s9;
	s0 =	simm.s32 @!p0 $0x0  }
0x12: {  	s1 =	sld [smem:$0x3F9D];
	s0 =	simm.s32 @p0 $0x1  }
0x13: {  	[smem:$0x3FB8] =	sst s0;
	s0 =	simm.s32 @!p1 $0x0  }
0x14: {  	s2 =	sld [smem:$0x3F9C];
	s0 =	simm.s32 @p1 $0x1  }
0x15: {  	[smem:$0x3FB9] =	sst s0;
	s0 =	simm.s32 @!p2 $0x0  }
0x16: {  	s3 =	sld [smem:$0x3FDB];
	s0 =	simm.s32 @p2 $0x1  }
0x17: {  	s4 =	simm.s32 $0x1BF5;
	[smem:$0x3FBB] =	sst s0  }
0x18: {  	s0 =	sld [smem:$0x3F9E];
	_ =	swait.ge [sflag:s4], $0x0  }
0x19: {  	s7 =	sld [smem:$0x3F9F]  }
0x1a: {  	s8 =	sadd.s32 $0xFFFFE003, lr  }
0x1b: {  	s9 =	sadd.s32 $0xFFFFFEF7, lr;
	s5 =	simm.s32 $0xFFFFFFFF;
	p2 =	slt.u32 s8, $0xFFFFF086  }
0x1c: {  	p1 =	slt.u32 s9, $0xF7A;
	s5 =	simm.s32 @!p2 $0x0  }
0x1d: {  	s5 =	simm.s32 @p1 $0x1;
	p0 =	seq.s32 s7, s2  }
0x1e: {  	s7 =	smul.u32 @!p0 $0xF7A, s2;
	p2 =	seq.s32 @!p0 s5, $0x0  }
0x1f: {  	s9 =	smul.u32 $0xF7A, s1;
	s8 =	simm.s32 @!p0 $0x1BF5;
	p2 =	por !p2, p0  }
0x20: {  	[sflag:s8] =	ssyncset.s32 @!p0 $0xFFFFF086;
	s6 =	sadd.s32 @!p0 s3, s7;
	s7 =	simm.s32 @!p0 $0x108  }
0x21: {  	s3 =	sadd.s32 s3, s9;
	s6 =	sadd.s32 @!p0 $0x88, s6;
	s7 =	simm.s32 @p2 $0x1082  }
0x22: {  	[simem:s7], [sflag:s8] =	dma.local @!p0 [hbm:s6], $0xF7A  }
0x23: {  	s9 =	sor.u32 $0xD0000000, s2;
	s6 =	simm.s32 $0x108;
	_ =	swait.ge @!p0 [sflag:s8], $0x0  }
0x24: {  	s3 =	sadd.s32 $0x88, s3;
	s6 =	simm.s32 @!p1 $0x1082;
	[sflag:s4] =	ssyncset.s32 $0xFFFFF086  }
0x25: {  	[simem:s6], [sflag:s4] =	dma.local [hbm:s3], $0xF7A  }
0x26: {  	[smem:$0x3F9F] =	sst s1;
	(tag) =	ssettag s2;
	_ =	strace s9  }
0x27: {  	s1 =	sld [smem:$0x3FAF]  }
0x28: {  	s2 =	sld [smem:$0x3FB0]  }
0x29: {  	s4 =	sld [smem:$0x3FB2]  }
0x2a: {  	p0 =	seq.s32 s5, $0x0;
	s5 =	sld [smem:$0x3FB3]  }
0x2b: {  	s6 =	sld [smem:$0x3FB4]  }
0x2c: {  	s7 =	sld [smem:$0x3FB5]  }
0x2d: {  	s3 =	simm.s32 $0x108;
	s8 =	sld [smem:$0x3FB6]  }
0x2e: {  	s3 =	simm.s32 @!p0 $0x1082;
	s9 =	sld [smem:$0x3FB7]  }
0x2f: {  	lr =	sadd.s32 s0, s3;
	s0 =	sld [smem:$0x3FAE]  }
0x30: {  	s3 =	sld [smem:$0x3FB1]  }
0x31: {  	[smem:$0x3FBA] =	sst s10  }
0x32: {  	s10 =	sld [smem:$0x3FB8];
	_ =	sdelay $0x3  }
0x33: {  	p0 =	seq.s32 s10, $0x1;
	s10 =	sld [smem:$0x3FBA];
	_ =	sdelay $0x3  }
0x34: {  	[smem:$0x3FBA] =	sst s10  }
0x35: {  	s10 =	sld [smem:$0x3FB9];
	_ =	sdelay $0x3  }
0x36: {  	p1 =	seq.s32 s10, $0x1;
	s10 =	sld [smem:$0x3FBA];
	_ =	sdelay $0x3  }
0x37: {  	[smem:$0x3FBA] =	sst s10  }
0x38: {  	s10 =	sld [smem:$0x3FBB]  }
0x39: {  	_ = 	snop;
	(pc) =	sbr.ind lr, $3  }
0x3a: {  	_ = 	snop  }
0x3b: {  	_ = 	snop  }
0x3c: {  	p2 =	seq.s32 s10, $0x1;
	s10 =	sld [smem:$0x3FBA]  }
0x3d: {  	_ =	shalt  }
0x3e: {  	_ =	shalt  }
0x3f: {  	_ =	shalt  }
0x40: {  	_ =	shalt  }
0x41: {  	_ =	shalt  }
0x42: {  	_ =	shalt  }
0x43: {  	_ =	shalt  }
0x44: {  	_ =	shalt  }
0x45: {  	_ =	shalt  }
0x46: {  	_ =	shalt  }
0x47: {  	_ =	shalt  }
0x48: {  	_ =	shalt  }
0x49: {  	_ =	shalt  }
0x4a: {  	_ =	shalt  }
0x4b: {  	_ =	shalt  }
0x4c: {  	_ =	shalt  }
0x4d: {  	_ =	shalt  }
0x4e: {  	_ =	shalt  }
0x4f: {  	_ =	shalt  }
0x50: {  	_ =	shalt  }
0x51: {  	_ =	shalt  }
0x52: {  	_ =	shalt  }
0x53: {  	_ =	shalt  }
0x54: {  	_ =	shalt  }
0x55: {  	_ =	shalt  }
0x56: {  	_ =	shalt  }
0x57: {  	_ =	shalt  }
0x58: {  	_ =	shalt  }
0x59: {  	_ =	shalt  }
0x5a: {  	_ =	shalt  }
0x5b: {  	_ =	shalt  }
0x5c: {  	_ =	shalt  }
0x5d: {  	_ =	shalt  }
0x5e: {  	_ =	shalt  }
0x5f: {  	_ =	shalt  }
0x60: {  	_ =	shalt  }
0x61: {  	_ =	shalt  }
0x62: {  	_ =	shalt  }
0x63: {  	_ =	shalt  }
0x64: {  	_ =	shalt  }
0x65: {  	_ =	shalt  }
0x66: {  	_ =	shalt  }
0x67: {  	_ =	shalt  }
0x68: {  	_ =	shalt  }
0x69: {  	_ =	shalt  }
0x6a: {  	_ =	shalt  }
0x6b: {  	_ =	shalt  }
0x6c: {  	_ =	shalt  }
0x6d: {  	_ =	shalt  }
0x6e: {  	_ =	shalt  }
0x6f: {  	_ =	shalt  }
0x70: {  	_ =	shalt  }
0x71: {  	_ =	shalt  }
0x72: {  	_ =	shalt  }
0x73: {  	_ =	shalt  }
0x74: {  	_ =	shalt  }
0x75: {  	_ =	shalt  }
0x76: {  	_ =	shalt  }
0x77: {  	_ =	shalt  }
0x78: {  	_ =	shalt  }
0x79: {  	_ =	shalt  }
0x7a: {  	_ =	shalt  }
0x7b: {  	_ =	shalt  }
0x7c: {  	_ =	shalt  }
0x7d: {  	_ =	shalt  }
0x7e: {  	_ =	shalt  }
0x7f: {  	_ =	shalt  }
0x80: {  	_ =	shalt  }
0x81: {  	_ =	shalt  }
0x82: {  	_ =	shalt  }
0x83: {  	_ =	shalt  }
0x84: {  	_ =	shalt  }
0x85: {  	_ =	shalt  }
0x86: {  	_ =	shalt  }
0x87: {  	_ =	shalt  }
.Lfunc_end0:
.L_simem_size_0:
called_computation.1_lowered:
.L_overlay_start_0:
0x88: {  	s2 =	sld [smem:$0x3FD9]  }
0x89: {  	s3 =	sld [smem:$0x3FFE];
	_ =	sdelay $0x1  }
0x8a: {  	s1 =	srdreg.scid  }
0x8b: {  	s0 =	sand.u32 $0x1, s1  }
0x8c: {  	s17 =	sshll.u32 s0, $0xA;
	s2 =	sadd.s32 s3, s2  }
0x8d: {  	s2 =	sadd.s32 s2, s17  }
0x8e: {  	[smem:$0x3FC6] =	sst s2  }
0x8f: {  	_ = 	snop  }
0x90: {  	(tm) =	ssettm $0x1  }
0x91: {  	s18 =	sld [smem:$0x3FFB];
	_ =	sdelay $0x3  }
0x92: {  	_ =	strace s18  }
0x93: {  	s2 =	sld [smem:$0x3FFC];
	_ =	sdelay $0x3  }
0x94: {  	_ =	strace s2  }
0x95: {  	s2 =	sld [smem:$0x3FFD];
	_ =	sdelay $0x3  }
0x96: {  	_ =	strace s2  }
0x97: {  	_ =	strace $0x8FFFFFFF  }
0x98: {  	s19 =	sld [smem:$0x3FDB];
	_ =	sdelay $0x1  }
0x99: {  	s20 =	simm.s32 $_scs_section_size  }
0x9a: {  	s4 =	simm.s32 $_size__tile_overlayer_lowered;
	s5 =	simm.s32 $_tile_overlayer_lowered  }
0x9b: {  	s6 =	simm.s32 $0x1BFF;
	s21 =	sshll.u32 s5, $0x1;
	s3 =	sadd.s32 s20, s19  }
0x9c: {  	s22 =	simm.s32 $0x0;
	s4 =	sshll.u32 s4, $0x1;
	s5 =	sadd.s32 s21, s3  }
0x9d: {  	[timem:s22], [sflag:s6] =	dma.local [hbm:s5], s4  }
0x9e: {  	_ =	swait.ge [sflag:s6], s4  }
0x9f: {  	s4 =	ssub.s32 $0x0, s4;
	[sflag:s6] =	ssyncset.done $0x0  }
0xa0: {  	[sflag:s6] =	ssyncadd.s32 s4;
	_ =	sdelay $0x1  }
0xa1: {  	s23 =	simm.s32 $0x1B8B  }
0xa2: {  	_ =	swait.ge [sflag:s23], $0x1  }
0xa3: {  	[sflag:s23] =	ssyncset.done $0x0  }
0xa4: {  	[sflag:s23] =	ssyncadd.s32 $0xFFFFFFFF  }
0xa5: {  	s4 =	sld [smem:$0x0]  }
0xa6: {  	s5 =	sand.u32 $0xFFFFFFFE, s1  }
0xa7: {  	p0 =	sne.s32 s1, s5  }
0xa8: {  	s5 =	sshll.u32 @p0 s5, $0xE  }
0xa9: {  	s5 =	sadd.s32 @p0 $0x11B8D, s5;
	s6 =	sshll.u32 @p0 s4, $0x11  }
0xaa: {  	s5 =	sor.u32 @p0 s6, s5  }
0xab: {  	[sflag:s5] =	ssyncadd.remote.s32 @p0 $0x1;
	_ =	sdelay $0x1  }
0xac: {  	s5 =	simm.s32 @p0 $0x1B8D  }
0xad: {  	_ =	swait.eq @p0 [sflag:s5], $0x1  }
0xae: {  	[sflag:s5] =	ssyncadd.s32 @p0 $0xFFFFFFFF  }
0xaf: {  	s6 =	sshll.u32 @!p0 s1, $0xE  }
0xb0: {  	s6 =	sor.u32 @!p0 $0x4000, s6;
	s5 =	simm.s32 @!p0 $0x1B8D  }
0xb1: {  	s4 =	sshll.u32 @!p0 s4, $0x11;
	s6 =	sadd.s32 @!p0 $0x11B8D, s6;
	_ =	swait.eq @!p0 [sflag:s5], $0x1  }
0xb2: {  	s4 =	sor.u32 @!p0 s4, s6;
	[sflag:s5] =	ssyncadd.s32 @!p0 $0xFFFFFFFF  }
0xb3: {  	s25 =	simm.s32 $0x1B8E;
	s24 =	sld [smem:$0x3FFE];
	[sflag:s4] =	ssyncadd.remote.s32 @!p0 $0x1  }
0xb4: {  	s26 =	simm.s32 $execute0_lowered;
	[smem:$0x3FD2] =	sst s25  }
0xb5: {  	s5 =	sshll.u32 s26, $0x1;
	_ =	strace $0x80000049;
	[dreg:$0x1] =	wrdreg $0xFFFFFFFF  }
0xb6: {  	s28 =	simm.s32 $_size_execute0_lowered;
	s3 =	sadd.s32 s3, s5;
	[dreg:$0x0] =	wrdreg $0x0  }
0xb7: {  	s5 =	sshll.u32 s28, $0x1;
	[dreg:$0x2] =	wrdreg s3  }
0xb8: {  	[dreg:$0x3] =	wrdreg s5  }
0xb9: {  	[dreg:$0x4] =	wrdreg $0xC0  }
0xba: {  	_ =	task [dreg:s22], $0x5FFFF  }
0xbb: {  	[dreg:$0x1] =	wrdreg $0xFFFFFFFF  }
0xbc: {  	[dreg:$0x0] =	wrdreg $0x60  }
0xbd: {  	[dreg:$0x2] =	wrdreg s24  }
0xbe: {  	[dreg:$0x3] =	wrdreg $0xA  }
0xbf: {  	_ =	task.clear_ibuf [dreg:s22], $0x4FFFF;
	_ =	strace $0x90000049  }
0xc0: {  	s29 =	simm.s32 $0xA;
	_ =	strace $0x8000004B  }
0xc1: {  	_ =	swait.ge [sflag:s29], $0x1  }
0xc2: {  	[sflag:s29] =	ssyncadd.s32 $0xFFFFFFFF  }
0xc3: {  	_ =	strace $0x9000004B  }
0xc4: {  	_ =	sfence  }
0xc5: {  	s30 =	sld [smem:$0x0];
	_ =	sdelay $0x2  }
0xc6: {  	s31 =	sshll.u32 s1, $0xD;
	s1 =	sshrl.u32 s1, $0x2  }
0xc7: {  	s4 =	sand.u32 $0x4000, s31;
	s1 =	sadd.s32 s1, s30  }
0xc8: {  	s0 =	sor.u32 s4, s0;
	s1 =	sshll.u32 s1, $0x11  }
0xc9: {  	s0 =	sor.u32 s1, s0  }
0xca: {  	s0 =	sadd.s32 $0x8F2B, s0  }
0xcb: {  	[sflag:s0] =	ssyncadd.remote.s32 $0x1  }
0xcc: {  	_ =	sfence.sel $0xFFFF  }
0xcd: {  	[dreg:$0x0] =	wrdreg $0xFFFFFFFF;
	(pc) =	sbr.abs _section_cstart, $3  }
0xce: {  	[dreg:$0x1] =	wrdreg $0xFFFFFFFF  }
0xcf: {  	_ =	task.clear_ibuf [dreg:s22], $0x2FFFF;
	_ =	strace $0x9FFFFFFF  }
0xd0: {  	(tm) =	ssettm $0x7FFFFFFF  }
0xd1: {  	_ =	shalt  }
tec
execute0_lowered:
.L_overlay_start_1:
0x0: {  	(tag) =	ssettag $0x1  }
0x1: {  	s0 =	srdreg.scid  }
0x2: {  	s9 =	stileid.u32;
	s2 =	rddreg [dreg:$0x0]  }
0x3: {  	s3 =	simm.s32 $0x0;
	s0 =	sand.u32 $0x1, s0;
	s1 =	sshll.u32 s9, $0x1  }
0x4: {  	s15 =	simm.s32 $0x100;
	s25 =	smul.u32 $0x2800, s9;
	s1 =	sor.u32 s0, s1  }
0x5: {  	[smem:$0x7FF] =	sst s3;
	s3 =	sadd.s32 $0x2400, s2;
	s1 =	smul.u32 $0x1400, s1  }
0x6: {  	_ =	strace $0x8000004A;
	s6 =	ssub.s32 $0x2, s0;
	s0 =	smul.u32 $0x1400, s0  }
0x7: {  	s16 =	sshrl.u32 s6, $0x1;
	s4 =	sshrl.u32 s1, $0x3;
	s7 =	sadd.s32 $0x1200, s1  }
0x8: {  	s1 =	sadd.s32 $0x1300, s1;
	s5 =	sadd.s32 s4, s2;
	s4 =	sadd.s32 $0x6E000, s2  }
0x9: {  	s8 =	sshrl.u32 s7, $0x2;
	s2 =	ssub.s32 s6, s16;
	s18 =	sand.u32 $0xE00, s7  }
0xa: {  	s20 =	sshrl.u32 s7, $0x7;
	s21 =	sshrl.u32 s1, $0x2;
	s24 =	sand.u32 $0xF00, s1  }
0xb: {  	s1 =	sshrl.u32 s1, $0x7;
	s7 =	sadd.s32 s0, s25;
	s16 =	simm.s32 $0x1400  }
0xc: {  	s17 =	sand.u32 $0x1F000, s8;
	s5 =	sadd.s32 $0x69000, s5;
	s22 =	sand.u32 $0x60, s20  }
0xd: {  	s23 =	sand.u32 $0x1F000, s21;
	s1 =	sand.u32 $0x60, s1;
	s2 =	smax.u32 s2, $0x1  }
0xe: {  	s31 =	sor.u32 $0x100, s7;
	s12 =	sshrl.u32 s7, $0x7;
	s13 =	sshrl.u32 s7, $0x2  }
0xf: {  	s20 =	simm.s32 $0x80;
	s21 =	simm.s32 $0x3;
	[dreg:$0x2] =	wrdreg s5  }
0x10: {  	s19 =	sor.u32 s17, s18;
	s6 =	sor.u32 s23, s24;
	[dreg:$0x3] =	wrdreg s2  }
0x11: {  	s10 =	sshrl.u32 s31, $0x2;
	s11 =	sshrl.u32 s31, $0x7;
	s5 =	sshll.u32 s19, $0x7  }
0x12: {  	s17 =	simm.s32 $0x3400;
	s26 =	sshll.u32 s6, $0x7;
	s28 =	sor.u32 s22, s5  }
0x13: {  	s18 =	simm.s32 $0x1;
	s1 =	sor.u32 s1, s26;
	s2 =	sshrl.u32 s28, $0x3  }
0x14: {  	s23 =	simm.s32 $0x4;
	s1 =	sshrl.u32 s1, $0x3;
	s29 =	sadd.s32 s4, s2  }
0x15: {  	s24 =	simm.s32 $0x0;
	s30 =	sadd.s32 s4, s1;
	[dreg:$0x4] =	wrdreg s29  }
0x16: {  	s19 =	simm.s32 $0x20;
	s22 =	simm.s32 $0x2;
	[dreg:$0x5] =	wrdreg s30  }
.LBB2_1:
0x17: {  	s0 =	simm.s32 $0x0;
	s1 =	rddreg [dreg:$0x2];
	s2 =	simm.s32 $0x5  }
0x18: {  	[tilespmem:s0], [sflag:$0x5] =	stream.linear.gather [hbm4b:s1+s0], $0x1400, $0x38;
	[tilespmem:$0x5400] =	vst v63  }
0x19: {  	s5 =	sadd.s32 $0x0, s7;
	_ =	swait.ge [sflag:s2], $0x1400  }
0x1a: {  	s25 =	simm.s32 $0x300;
	s8 =	sand.u32 $0x1FFF000, s13;
	[sflag:s2] =	ssyncset.done $0x0  }
0x1b: {  	s31 =	sadd.s32 $0x4, s11;
	s9 =	sand.u32 $0x60, s12;
	[sflag:s2] =	ssyncadd.s32 $0xFFFFEC00  }
0x1c: {  	[tilespmem:s16], [sflag:$0x1] =	stream.indirect.gather [hbm4b:s3+s15], $0x20, s0, s15, $0xb8;
	[tilespmem:$0x5400] =	vst v63  }
0x1d: {  	s26 =	sadd.s32 $0x200, s7;
	s29 =	sadd.s32 $0x4, s12;
	s0 =	sand.u32 $0xE00, s5  }
0x1e: {  	s6 =	sadd.s32 $0x100, s5;
	s14 =	sadd.s32 $0x100, s26;
	s0 =	sor.u32 s8, s0  }
0x1f: {  	[tilespmem:s17], [sflag:$0x2] =	stream.indirect.gather [hbm4b:s3+s15], $0x20, s15, s15, $0xb8;
	[tilespmem:$0x5400] =	vst v63  }
0x20: {  	s28 =	sand.u32 $0x60, s31;
	s31 =	sadd.s32 $0x4, s31;
	s0 =	sshll.u32 s0, $0x7  }
0x21: {  	s1 =	sand.u32 $0xF00, s6;
	_ =	swait.ge [sflag:s18], $0x2000;
	s0 =	sor.u32 s9, s0  }
0x22: {  	s6 =	sadd.s32 $0x80, s10;
	[sflag:s18] =	ssyncset.done $0x0;
	s0 =	sshrl.u32 s0, $0x3  }
0x23: {  	s2 =	sand.u32 $0x1FFF000, s10;
	[sflag:s18] =	ssyncadd.s32 $0xFFFFE000;
	s0 =	sadd.s32 s4, s0  }
0x24: {  	[hbm4b:s0+s19] =	stream.strided.scatter [tilespmem:s16], [sflag:$0x3], $0x2000, s20, s19, $0x38;
	[tilespmem:$0x5400] =	vst v63  }
0x25: {  	s1 =	sor.u32 s2, s1;
	s5 =	sand.u32 $0x60, s11;
	_ =	swait.ge [sflag:s21], $0x2000  }
0x26: {  	s2 =	sand.u32 $0xF00, s14;
	s1 =	sshll.u32 s1, $0x7;
	[sflag:s21] =	ssyncset.done $0x0  }
0x27: {  	s1 =	sor.u32 s5, s1;
	s9 =	simm.s32 $0x200;
	[sflag:s21] =	ssyncadd.s32 $0xFFFFE000  }
0x28: {  	[tilespmem:s16], [sflag:$0x1] =	stream.indirect.gather [hbm4b:s3+s15], $0x20, s9, s15, $0xb8;
	[tilespmem:$0x5400] =	vst v63  }
0x29: {  	s8 =	sand.u32 $0x1FFF000, s6;
	s1 =	sshrl.u32 s1, $0x3;
	_ =	swait.ge [sflag:s22], $0x2000  }
0x2a: {  	s14 =	sadd.s32 s4, s1;
	s1 =	sadd.s32 $0x80, s13;
	[sflag:s22] =	ssyncset.done $0x0  }
0x2b: {  	s5 =	sand.u32 $0x1FFF000, s1;
	s0 =	sor.u32 s8, s2;
	[sflag:s22] =	ssyncadd.s32 $0xFFFFE000  }
0x2c: {  	[hbm4b:s14+s19] =	stream.strided.scatter [tilespmem:s17], [sflag:$0x4], $0x2000, s20, s19, $0x38;
	[tilespmem:$0x5400] =	vst v63  }
0x2d: {  	s2 =	simm.s32 $0x400;
	s0 =	sshll.u32 s0, $0x7;
	_ =	swait.ge [sflag:s23], $0x2000  }
0x2e: {  	s0 =	sor.u32 s28, s0;
	s28 =	simm.s32 $0x500;
	[sflag:s23] =	ssyncset.done $0x0  }
0x2f: {  	s30 =	sshrl.u32 s0, $0x3;
	s0 =	sadd.s32 $0x80, s6;
	[sflag:s23] =	ssyncadd.s32 $0xFFFFE000  }
.LBB2_2:
0x30: {  	[tilespmem:s17], [sflag:$0x2] =	stream.indirect.gather [hbm4b:s3+s15], $0x20, s25, s15, $0xb8;
	[tilespmem:$0x5400] =	vst v63  }
0x31: {  	s25 =	smov.u32 s2  }
0x32: {  	s6 =	smov.u32 s30;
	s25 =	smov.u32 s28  }
0x33: {  	s30 =	sand.u32 $0x1FFF000, s0;
	s8 =	sand.u32 $0xE00, s26;
	s26 =	sadd.s32 s2, s7  }
0x34: {  	s14 =	sand.u32 $0x60, s31;
	s9 =	sadd.s32 $0x100, s26;
	s5 =	sor.u32 s5, s8  }
0x35: {  	s8 =	sand.u32 $0xF00, s9;
	s5 =	sshll.u32 s5, $0x7;
	s9 =	sand.u32 $0x60, s29  }
0x36: {  	s8 =	sor.u32 s30, s8;
	s5 =	sor.u32 s9, s5;
	_ =	swait.ge [sflag:s18], $0x2000  }
0x37: {  	s8 =	sshll.u32 s8, $0x7;
	s5 =	sshrl.u32 s5, $0x3;
	[sflag:s18] =	ssyncset.done $0x0  }
0x38: {  	s8 =	sor.u32 s14, s8;
	s5 =	sadd.s32 s4, s5;
	[sflag:s18] =	ssyncadd.s32 $0xFFFFE000  }
0x39: {  	[hbm4b:s5+s19] =	stream.strided.scatter [tilespmem:s16], [sflag:$0x3], $0x2000, s20, s19, $0x38;
	[tilespmem:$0x5400] =	vst v63  }
0x3a: {  	s30 =	sshrl.u32 s8, $0x3;
	s8 =	sadd.s32 $0x200, s2;
	_ =	swait.ge [sflag:s21], $0x2000  }
0x3b: {  	p0 =	sne.s32 s2, $0x1000;
	[sflag:s21] =	ssyncset.done $0x0  }
0x3c: {  	s2 =	sadd.s32 $0xFFFFFF00, s28;
	[sflag:s21] =	ssyncadd.s32 $0xFFFFE000  }
0x3d: {  	[tilespmem:s16], [sflag:$0x1] =	stream.indirect.gather [hbm4b:s3+s15], $0x20, s2, s15, $0xb8;
	[tilespmem:$0x5400] =	vst v63  }
0x3e: {  	_ =	swait.ge [sflag:s22], $0x2000  }
0x3f: {  	s31 =	sadd.s32 $0x4, s31;
	[sflag:s22] =	ssyncset.done $0x0  }
.Ltmp0:
0x40: {  	s2 =	sadd.s32 s4, s6;
	[sflag:s22] =	ssyncadd.s32 $0xFFFFE000;
	(pc) =	sbr.rel @p0 .LBB2_2-.Ltmp0, $4  }
0x41: {  	[hbm4b:s2+s19] =	stream.strided.scatter [tilespmem:s17], [sflag:$0x4], $0x2000, s20, s19, $0x38;
	[tilespmem:$0x5400] =	vst v63  }
0x42: {  	s29 =	sadd.s32 $0x4, s29;
	s28 =	sadd.s32 $0x200, s28;
	_ =	swait.ge [sflag:s23], $0x2000  }
0x43: {  	s1 =	sadd.s32 $0x80, s1;
	s0 =	sadd.s32 $0x80, s0;
	[sflag:s23] =	ssyncset.done $0x0  }
0x44: {  	s5 =	sand.u32 $0x1FFF000, s1;
	s2 =	smov.u32 s8;
	[sflag:s23] =	ssyncadd.s32 $0xFFFFE000  }
0x45: {  	[tilespmem:s17], [sflag:$0x2] =	stream.indirect.gather [hbm4b:s3+s15], $0x20, s25, s15, $0xb8;
	[tilespmem:$0x5400] =	vst v63  }
0x46: {  	s0 =	sand.u32 $0xE00, s26  }
0x47: {  	s0 =	sor.u32 s5, s0  }
0x48: {  	s1 =	sand.u32 $0x60, s29;
	s0 =	sshll.u32 s0, $0x7  }
0x49: {  	_ =	swait.ge [sflag:s18], $0x2000;
	s0 =	sor.u32 s1, s0  }
0x4a: {  	[sflag:s18] =	ssyncset.done $0x0;
	s0 =	sshrl.u32 s0, $0x3  }
0x4b: {  	[sflag:s18] =	ssyncadd.s32 $0xFFFFE000;
	s0 =	sadd.s32 s4, s0  }
0x4c: {  	[hbm4b:s0+s19] =	stream.strided.scatter [tilespmem:s16], [sflag:$0x3], $0x2000, s20, s19, $0x38;
	[tilespmem:$0x5400] =	vst v63  }
0x4d: {  	_ =	swait.ge [sflag:s21], $0x2000  }
0x4e: {  	[sflag:s21] =	ssyncset.done $0x0  }
0x4f: {  	s25 =	sadd.s32 $0xFFFFFF00, s28;
	[sflag:s21] =	ssyncadd.s32 $0xFFFFE000  }
0x50: {  	[tilespmem:s16], [sflag:$0x1] =	stream.indirect.gather [hbm4b:s3+s15], $0x20, s25, s15, $0xb8;
	[tilespmem:$0x5400] =	vst v63  }
0x51: {  	_ =	swait.ge [sflag:s22], $0x2000  }
0x52: {  	[sflag:s22] =	ssyncset.done $0x0  }
0x53: {  	s26 =	sadd.s32 s4, s30;
	[sflag:s22] =	ssyncadd.s32 $0xFFFFE000  }
0x54: {  	[hbm4b:s26+s19] =	stream.strided.scatter [tilespmem:s17], [sflag:$0x4], $0x2000, s20, s19, $0x38;
	[tilespmem:$0x5400] =	vst v63  }
0x55: {  	_ =	swait.ge [sflag:s23], $0x2000  }
0x56: {  	[sflag:s23] =	ssyncset.done $0x0  }
0x57: {  	[sflag:s23] =	ssyncadd.s32 $0xFFFFE000  }
0x58: {  	[tilespmem:s17], [sflag:$0x2] =	stream.indirect.gather [hbm4b:s3+s15], $0x20, s28, s15, $0xb8;
	[tilespmem:$0x5400] =	vst v63  }
0x59: {  	_ =	swait.ge [sflag:s18], $0x2000  }
0x5a: {  	[sflag:s18] =	ssyncset.done $0x0  }
0x5b: {  	s29 =	rddreg [dreg:$0x4];
	[sflag:s18] =	ssyncadd.s32 $0xFFFFE000  }
0x5c: {  	[hbm4b:s29+s19] =	stream.strided.scatter [tilespmem:s16], [sflag:$0x3], $0x2000, s20, s19, $0x38;
	[tilespmem:$0x5400] =	vst v63  }
0x5d: {  	_ =	swait.ge [sflag:s22], $0x2000  }
0x5e: {  	[sflag:s22] =	ssyncset.done $0x0  }
0x5f: {  	s30 =	rddreg [dreg:$0x5];
	[sflag:s22] =	ssyncadd.s32 $0xFFFFE000  }
0x60: {  	[hbm4b:s30+s19] =	stream.strided.scatter [tilespmem:s17], [sflag:$0x4], $0x2000, s20, s19, $0x38;
	[tilespmem:$0x5400] =	vst v63  }
0x61: {  	_ =	swait.ge [sflag:s21], $0x2000  }
0x62: {  	[sflag:s21] =	ssyncset.done $0x0  }
0x63: {  	[sflag:s21] =	ssyncadd.s32 $0xFFFFE000  }
0x64: {  	_ =	swait.ge [sflag:s23], $0x2000  }
0x65: {  	s24 =	sadd.s32 $0x1, s24;
	s31 =	rddreg [dreg:$0x3]  }
0x66: {  	p0 =	sne.s32 s24, s31  }
.Ltmp1:
0x67: {  	_ = 	snop;
	(pc) =	sbr.rel @p0 .LBB2_1-.Ltmp1, $3  }
0x68: {  	_ =	sdelay $0x1  }
0x69: {  	[sflag:s23] =	ssyncset.done $0x0  }
0x6a: {  	[sflag:s23] =	ssyncadd.s32 $0xFFFFE000  }
0x6b: {  	_ =	sfence.sel $0x180000  }
0x6c: {  	[bflag:$0x0] =	sbarrier.arrive $0xFFFF  }
0x6d: {  	_ =	strace $0x9000004A  }
0x6e: {  	s0 =	stileid.u32;
	[bflag:$0x2] =	sbarrier.arrive $0xFFFF  }
0x6f: {  	p0 =	sne.s32 s0, $0x0;
	s0 =	rddreg [dreg:$0x1]  }
0x70: {  	s0 =	sadd.s32 @!p0 $0x100000, s0  }
0x71: {  	[sflag:s0] =	ssyncadd.tile.s32 @!p0 $0x1;
	_ =	shalt  }
.Lfunc_end2:
_tile_overlayer_lowered:
.L_overlay_start_2:
0x72: {  	(tag) =	ssettag $0x2  }
0x73: {  	s0 =	rddreg [dreg:$0x0];
	s2 =	stileid.u32  }
0x74: {  	s1 =	rddreg [dreg:$0x1];
	p0 =	sne.s32 s2, $0x0  }
0x75: {  	s3 =	rddreg [dreg:$0x2];
	[bflag:$0x3] =	sbarrier.arrive $0xFFFF;
	s2 =	simm.s32 @!p0 $0x1C05  }
0x76: {  	[timem:s3], [sflag:s2] =	dma.local @!p0 [hbm:s0], s1  }
0x77: {  	s0 =	simm.s32 @!p0 $0x5  }
0x78: {  	_ =	swait.ge @!p0 [sflag:s0], s1  }
0x79: {  	s1 =	ssub.s32 @!p0 $0x0, s1;
	[sflag:s0] =	ssyncset.done @!p0 $0x0  }
0x7a: {  	[sflag:s0] =	ssyncadd.s32 @!p0 s1  }
0x7b: {  	[bflag:$0x3] =	sbarrier.arrive $0xFFFF  }
0x7c: {  	_ =	shalt  }

// kernel: kernel.19.cloned.1.call-start
scs
__scs_entry_jumppad:
0x0: {  	(pc) =	sbr.rel $0x88, $3  }
0x1: {  	(tag) =	ssettag $0x0;
	lr =	simm.s32 $0x1  }
0x2: {  	[smem:$0x3F9F] =	sst lr;
	_ =	strace $0xD0000000  }
0x3: {  	_ = 	snop  }
0x4: {  	_ = 	snop  }
0x5: {  	_ = 	snop  }
0x6: {  	_ = 	snop  }
0x7: {  	_ = 	snop  }
__scs_overlays_trampoline_lowered:
0x8: {  	[smem:$0x3FAE] =	sst s0  }
0x9: {  	[smem:$0x3FAF] =	sst s1  }
0xa: {  	[smem:$0x3FB0] =	sst s2  }
0xb: {  	[smem:$0x3FB1] =	sst s3  }
0xc: {  	[smem:$0x3FB2] =	sst s4  }
0xd: {  	[smem:$0x3FB3] =	sst s5  }
0xe: {  	[smem:$0x3FB4] =	sst s6  }
0xf: {  	[smem:$0x3FB5] =	sst s7  }
0x10: {  	[smem:$0x3FB6] =	sst s8  }
0x11: {  	[smem:$0x3FB7] =	sst s9;
	s0 =	simm.s32 @!p0 $0x0  }
0x12: {  	s1 =	sld [smem:$0x3F9D];
	s0 =	simm.s32 @p0 $0x1  }
0x13: {  	[smem:$0x3FB8] =	sst s0;
	s0 =	simm.s32 @!p1 $0x0  }
0x14: {  	s2 =	sld [smem:$0x3F9C];
	s0 =	simm.s32 @p1 $0x1  }
0x15: {  	[smem:$0x3FB9] =	sst s0;
	s0 =	simm.s32 @!p2 $0x0  }
0x16: {  	s3 =	sld [smem:$0x3FDB];
	s0 =	simm.s32 @p2 $0x1  }
0x17: {  	s4 =	simm.s32 $0x1BF5;
	[smem:$0x3FBB] =	sst s0  }
0x18: {  	s0 =	sld [smem:$0x3F9E];
	_ =	swait.ge [sflag:s4], $0x0  }
0x19: {  	s7 =	sld [smem:$0x3F9F]  }
0x1a: {  	s8 =	sadd.s32 $0xFFFFE003, lr  }
0x1b: {  	s9 =	sadd.s32 $0xFFFFFEF7, lr;
	s5 =	simm.s32 $0xFFFFFFFF;
	p2 =	slt.u32 s8, $0xFFFFF086  }
0x1c: {  	p1 =	slt.u32 s9, $0xF7A;
	s5 =	simm.s32 @!p2 $0x0  }
0x1d: {  	s5 =	simm.s32 @p1 $0x1;
	p0 =	seq.s32 s7, s2  }
0x1e: {  	s7 =	smul.u32 @!p0 $0xF7A, s2;
	p2 =	seq.s32 @!p0 s5, $0x0  }
0x1f: {  	s9 =	smul.u32 $0xF7A, s1;
	s8 =	simm.s32 @!p0 $0x1BF5;
	p2 =	por !p2, p0  }
0x20: {  	[sflag:s8] =	ssyncset.s32 @!p0 $0xFFFFF086;
	s6 =	sadd.s32 @!p0 s3, s7;
	s7 =	simm.s32 @!p0 $0x108  }
0x21: {  	s3 =	sadd.s32 s3, s9;
	s6 =	sadd.s32 @!p0 $0x88, s6;
	s7 =	simm.s32 @p2 $0x1082  }
0x22: {  	[simem:s7], [sflag:s8] =	dma.local @!p0 [hbm:s6], $0xF7A  }
0x23: {  	s9 =	sor.u32 $0xD0000000, s2;
	s6 =	simm.s32 $0x108;
	_ =	swait.ge @!p0 [sflag:s8], $0x0  }
0x24: {  	s3 =	sadd.s32 $0x88, s3;
	s6 =	simm.s32 @!p1 $0x1082;
	[sflag:s4] =	ssyncset.s32 $0xFFFFF086  }
0x25: {  	[simem:s6], [sflag:s4] =	dma.local [hbm:s3], $0xF7A  }
0x26: {  	[smem:$0x3F9F] =	sst s1;
	(tag) =	ssettag s2;
	_ =	strace s9  }
0x27: {  	s1 =	sld [smem:$0x3FAF]  }
0x28: {  	s2 =	sld [smem:$0x3FB0]  }
0x29: {  	s4 =	sld [smem:$0x3FB2]  }
0x2a: {  	p0 =	seq.s32 s5, $0x0;
	s5 =	sld [smem:$0x3FB3]  }
0x2b: {  	s6 =	sld [smem:$0x3FB4]  }
0x2c: {  	s7 =	sld [smem:$0x3FB5]  }
0x2d: {  	s3 =	simm.s32 $0x108;
	s8 =	sld [smem:$0x3FB6]  }
0x2e: {  	s3 =	simm.s32 @!p0 $0x1082;
	s9 =	sld [smem:$0x3FB7]  }
0x2f: {  	lr =	sadd.s32 s0, s3;
	s0 =	sld [smem:$0x3FAE]  }
0x30: {  	s3 =	sld [smem:$0x3FB1]  }
0x31: {  	[smem:$0x3FBA] =	sst s10  }
0x32: {  	s10 =	sld [smem:$0x3FB8];
	_ =	sdelay $0x3  }
0x33: {  	p0 =	seq.s32 s10, $0x1;
	s10 =	sld [smem:$0x3FBA];
	_ =	sdelay $0x3  }
0x34: {  	[smem:$0x3FBA] =	sst s10  }
0x35: {  	s10 =	sld [smem:$0x3FB9];
	_ =	sdelay $0x3  }
0x36: {  	p1 =	seq.s32 s10, $0x1;
	s10 =	sld [smem:$0x3FBA];
	_ =	sdelay $0x3  }
0x37: {  	[smem:$0x3FBA] =	sst s10  }
0x38: {  	s10 =	sld [smem:$0x3FBB]  }
0x39: {  	_ = 	snop;
	(pc) =	sbr.ind lr, $3  }
0x3a: {  	_ = 	snop  }
0x3b: {  	_ = 	snop  }
0x3c: {  	p2 =	seq.s32 s10, $0x1;
	s10 =	sld [smem:$0x3FBA]  }
0x3d: {  	_ =	shalt  }
0x3e: {  	_ =	shalt  }
0x3f: {  	_ =	shalt  }
0x40: {  	_ =	shalt  }
0x41: {  	_ =	shalt  }
0x42: {  	_ =	shalt  }
0x43: {  	_ =	shalt  }
0x44: {  	_ =	shalt  }
0x45: {  	_ =	shalt  }
0x46: {  	_ =	shalt  }
0x47: {  	_ =	shalt  }
0x48: {  	_ =	shalt  }
0x49: {  	_ =	shalt  }
0x4a: {  	_ =	shalt  }
0x4b: {  	_ =	shalt  }
0x4c: {  	_ =	shalt  }
0x4d: {  	_ =	shalt  }
0x4e: {  	_ =	shalt  }
0x4f: {  	_ =	shalt  }
0x50: {  	_ =	shalt  }
0x51: {  	_ =	shalt  }
0x52: {  	_ =	shalt  }
0x53: {  	_ =	shalt  }
0x54: {  	_ =	shalt  }
0x55: {  	_ =	shalt  }
0x56: {  	_ =	shalt  }
0x57: {  	_ =	shalt  }
0x58: {  	_ =	shalt  }
0x59: {  	_ =	shalt  }
0x5a: {  	_ =	shalt  }
0x5b: {  	_ =	shalt  }
0x5c: {  	_ =	shalt  }
0x5d: {  	_ =	shalt  }
0x5e: {  	_ =	shalt  }
0x5f: {  	_ =	shalt  }
0x60: {  	_ =	shalt  }
0x61: {  	_ =	shalt  }
0x62: {  	_ =	shalt  }
0x63: {  	_ =	shalt  }
0x64: {  	_ =	shalt  }
0x65: {  	_ =	shalt  }
0x66: {  	_ =	shalt  }
0x67: {  	_ =	shalt  }
0x68: {  	_ =	shalt  }
0x69: {  	_ =	shalt  }
0x6a: {  	_ =	shalt  }
0x6b: {  	_ =	shalt  }
0x6c: {  	_ =	shalt  }
0x6d: {  	_ =	shalt  }
0x6e: {  	_ =	shalt  }
0x6f: {  	_ =	shalt  }
0x70: {  	_ =	shalt  }
0x71: {  	_ =	shalt  }
0x72: {  	_ =	shalt  }
0x73: {  	_ =	shalt  }
0x74: {  	_ =	shalt  }
0x75: {  	_ =	shalt  }
0x76: {  	_ =	shalt  }
0x77: {  	_ =	shalt  }
0x78: {  	_ =	shalt  }
0x79: {  	_ =	shalt  }
0x7a: {  	_ =	shalt  }
0x7b: {  	_ =	shalt  }
0x7c: {  	_ =	shalt  }
0x7d: {  	_ =	shalt  }
0x7e: {  	_ =	shalt  }
0x7f: {  	_ =	shalt  }
0x80: {  	_ =	shalt  }
0x81: {  	_ =	shalt  }
0x82: {  	_ =	shalt  }
0x83: {  	_ =	shalt  }
0x84: {  	_ =	shalt  }
0x85: {  	_ =	shalt  }
0x86: {  	_ =	shalt  }
0x87: {  	_ =	shalt  }
.Lfunc_end0:
.L_simem_size_0:
called_computation.2_lowered:
.L_overlay_start_0:
0x88: {  	s2 =	sld [smem:$0x3FD9]  }
0x89: {  	s3 =	sld [smem:$0x3FFE];
	_ =	sdelay $0x1  }
0x8a: {  	s1 =	srdreg.scid  }
0x8b: {  	s0 =	sand.u32 $0x1, s1  }
0x8c: {  	s17 =	sshll.u32 s0, $0xA;
	s2 =	sadd.s32 s3, s2  }
0x8d: {  	s2 =	sadd.s32 s2, s17  }
0x8e: {  	[smem:$0x3FC6] =	sst s2  }
0x8f: {  	_ = 	snop  }
0x90: {  	(tm) =	ssettm $0x1  }
0x91: {  	s18 =	sld [smem:$0x3FFB];
	_ =	sdelay $0x3  }
0x92: {  	_ =	strace s18  }
0x93: {  	s2 =	sld [smem:$0x3FFC];
	_ =	sdelay $0x3  }
0x94: {  	_ =	strace s2  }
0x95: {  	s2 =	sld [smem:$0x3FFD];
	_ =	sdelay $0x3  }
0x96: {  	_ =	strace s2  }
0x97: {  	_ =	strace $0x8FFFFFFF  }
0x98: {  	s19 =	sld [smem:$0x3FDB];
	_ =	sdelay $0x1  }
0x99: {  	s20 =	simm.s32 $_scs_section_size  }
0x9a: {  	s4 =	simm.s32 $_size__tile_overlayer_lowered;
	s5 =	simm.s32 $_tile_overlayer_lowered  }
0x9b: {  	s6 =	simm.s32 $0x1BFF;
	s21 =	sshll.u32 s5, $0x1;
	s3 =	sadd.s32 s20, s19  }
0x9c: {  	s22 =	simm.s32 $0x0;
	s4 =	sshll.u32 s4, $0x1;
	s5 =	sadd.s32 s21, s3  }
0x9d: {  	[timem:s22], [sflag:s6] =	dma.local [hbm:s5], s4  }
0x9e: {  	_ =	swait.ge [sflag:s6], s4  }
0x9f: {  	s4 =	ssub.s32 $0x0, s4;
	[sflag:s6] =	ssyncset.done $0x0  }
0xa0: {  	[sflag:s6] =	ssyncadd.s32 s4;
	_ =	sdelay $0x1  }
0xa1: {  	s23 =	simm.s32 $0x1B8B  }
0xa2: {  	_ =	swait.ge [sflag:s23], $0x1  }
0xa3: {  	[sflag:s23] =	ssyncset.done $0x0  }
0xa4: {  	[sflag:s23] =	ssyncadd.s32 $0xFFFFFFFF  }
0xa5: {  	s4 =	sld [smem:$0x0]  }
0xa6: {  	s5 =	sand.u32 $0xFFFFFFFE, s1  }
0xa7: {  	p0 =	sne.s32 s1, s5  }
0xa8: {  	s5 =	sshll.u32 @p0 s5, $0xE  }
0xa9: {  	s5 =	sadd.s32 @p0 $0x11B8D, s5;
	s6 =	sshll.u32 @p0 s4, $0x11  }
0xaa: {  	s5 =	sor.u32 @p0 s6, s5  }
0xab: {  	[sflag:s5] =	ssyncadd.remote.s32 @p0 $0x1;
	_ =	sdelay $0x1  }
0xac: {  	s5 =	simm.s32 @p0 $0x1B8D  }
0xad: {  	_ =	swait.eq @p0 [sflag:s5], $0x1  }
0xae: {  	[sflag:s5] =	ssyncadd.s32 @p0 $0xFFFFFFFF  }
0xaf: {  	s6 =	sshll.u32 @!p0 s1, $0xE  }
0xb0: {  	s6 =	sor.u32 @!p0 $0x4000, s6;
	s5 =	simm.s32 @!p0 $0x1B8D  }
0xb1: {  	s4 =	sshll.u32 @!p0 s4, $0x11;
	s6 =	sadd.s32 @!p0 $0x11B8D, s6;
	_ =	swait.eq @!p0 [sflag:s5], $0x1  }
0xb2: {  	s4 =	sor.u32 @!p0 s4, s6;
	[sflag:s5] =	ssyncadd.s32 @!p0 $0xFFFFFFFF  }
0xb3: {  	s25 =	simm.s32 $0x1B8E;
	s24 =	sld [smem:$0x3FFE];
	[sflag:s4] =	ssyncadd.remote.s32 @!p0 $0x1  }
0xb4: {  	s26 =	simm.s32 $execute0_lowered;
	[smem:$0x3FD2] =	sst s25  }
0xb5: {  	s5 =	sshll.u32 s26, $0x1;
	_ =	strace $0x8000004C;
	[dreg:$0x1] =	wrdreg $0xFFFFFFFF  }
0xb6: {  	s28 =	simm.s32 $_size_execute0_lowered;
	s3 =	sadd.s32 s3, s5;
	[dreg:$0x0] =	wrdreg $0x0  }
0xb7: {  	s5 =	sshll.u32 s28, $0x1;
	[dreg:$0x2] =	wrdreg s3  }
0xb8: {  	[dreg:$0x3] =	wrdreg s5  }
0xb9: {  	[dreg:$0x4] =	wrdreg $0xC0  }
0xba: {  	_ =	task [dreg:s22], $0x5FFFF  }
0xbb: {  	[dreg:$0x1] =	wrdreg $0xFFFFFFFF  }
0xbc: {  	[dreg:$0x0] =	wrdreg $0x60  }
0xbd: {  	[dreg:$0x2] =	wrdreg s24  }
0xbe: {  	[dreg:$0x3] =	wrdreg $0xB  }
0xbf: {  	_ =	task.clear_ibuf [dreg:s22], $0x4FFFF;
	_ =	strace $0x9000004C  }
0xc0: {  	s29 =	simm.s32 $0xB;
	_ =	strace $0x8000004E  }
0xc1: {  	_ =	swait.ge [sflag:s29], $0x1  }
0xc2: {  	[sflag:s29] =	ssyncadd.s32 $0xFFFFFFFF  }
0xc3: {  	_ =	strace $0x9000004E  }
0xc4: {  	_ =	sfence  }
0xc5: {  	s30 =	sld [smem:$0x0];
	_ =	sdelay $0x2  }
0xc6: {  	s31 =	sshll.u32 s1, $0xD;
	s1 =	sshrl.u32 s1, $0x2  }
0xc7: {  	s4 =	sand.u32 $0x4000, s31;
	s1 =	sadd.s32 s1, s30  }
0xc8: {  	s0 =	sor.u32 s4, s0;
	s1 =	sshll.u32 s1, $0x11  }
0xc9: {  	s0 =	sor.u32 s1, s0  }
0xca: {  	s0 =	sadd.s32 $0x8F2B, s0  }
0xcb: {  	[sflag:s0] =	ssyncadd.remote.s32 $0x1  }
0xcc: {  	_ =	sfence.sel $0xFFFF  }
0xcd: {  	[dreg:$0x0] =	wrdreg $0xFFFFFFFF;
	(pc) =	sbr.abs _section_cstart, $3  }
0xce: {  	[dreg:$0x1] =	wrdreg $0xFFFFFFFF  }
0xcf: {  	_ =	task.clear_ibuf [dreg:s22], $0x2FFFF;
	_ =	strace $0x9FFFFFFF  }
0xd0: {  	(tm) =	ssettm $0x7FFFFFFF  }
0xd1: {  	_ =	shalt  }
tec
execute0_lowered:
.L_overlay_start_1:
0x0: {  	(tag) =	ssettag $0x1  }
0x1: {  	s0 =	srdreg.scid  }
0x2: {  	s9 =	stileid.u32;
	s2 =	rddreg [dreg:$0x0]  }
0x3: {  	s3 =	simm.s32 $0x0;
	s0 =	sand.u32 $0x1, s0;
	s1 =	sshll.u32 s9, $0x1  }
0x4: {  	s15 =	simm.s32 $0x100;
	s25 =	smul.u32 $0x2800, s9;
	s1 =	sor.u32 s0, s1  }
0x5: {  	[smem:$0x7FF] =	sst s3;
	s3 =	sadd.s32 $0x2400, s2;
	s1 =	smul.u32 $0x1400, s1  }
0x6: {  	_ =	strace $0x8000004D;
	s6 =	ssub.s32 $0x2, s0;
	s0 =	smul.u32 $0x1400, s0  }
0x7: {  	s16 =	sshrl.u32 s6, $0x1;
	s4 =	sshrl.u32 s1, $0x3;
	s7 =	sadd.s32 $0x1200, s1  }
0x8: {  	s1 =	sadd.s32 $0x1300, s1;
	s5 =	sadd.s32 s4, s2;
	s4 =	sadd.s32 $0x113000, s2  }
0x9: {  	s8 =	sshrl.u32 s7, $0x2;
	s2 =	ssub.s32 s6, s16;
	s18 =	sand.u32 $0xE00, s7  }
0xa: {  	s20 =	sshrl.u32 s7, $0x7;
	s21 =	sshrl.u32 s1, $0x2;
	s24 =	sand.u32 $0xF00, s1  }
0xb: {  	s1 =	sshrl.u32 s1, $0x7;
	s7 =	sadd.s32 s0, s25;
	s16 =	simm.s32 $0x1400  }
0xc: {  	s17 =	sand.u32 $0x1F000, s8;
	s5 =	sadd.s32 $0x10E000, s5;
	s22 =	sand.u32 $0x60, s20  }
0xd: {  	s23 =	sand.u32 $0x1F000, s21;
	s1 =	sand.u32 $0x60, s1;
	s2 =	smax.u32 s2, $0x1  }
0xe: {  	s31 =	sor.u32 $0x100, s7;
	s12 =	sshrl.u32 s7, $0x7;
	s13 =	sshrl.u32 s7, $0x2  }
0xf: {  	s20 =	simm.s32 $0x80;
	s21 =	simm.s32 $0x3;
	[dreg:$0x2] =	wrdreg s5  }
0x10: {  	s19 =	sor.u32 s17, s18;
	s6 =	sor.u32 s23, s24;
	[dreg:$0x3] =	wrdreg s2  }
0x11: {  	s10 =	sshrl.u32 s31, $0x2;
	s11 =	sshrl.u32 s31, $0x7;
	s5 =	sshll.u32 s19, $0x7  }
0x12: {  	s17 =	simm.s32 $0x3400;
	s26 =	sshll.u32 s6, $0x7;
	s28 =	sor.u32 s22, s5  }
0x13: {  	s18 =	simm.s32 $0x1;
	s1 =	sor.u32 s1, s26;
	s2 =	sshrl.u32 s28, $0x3  }
0x14: {  	s23 =	simm.s32 $0x4;
	s1 =	sshrl.u32 s1, $0x3;
	s29 =	sadd.s32 s4, s2  }
0x15: {  	s24 =	simm.s32 $0x0;
	s30 =	sadd.s32 s4, s1;
	[dreg:$0x4] =	wrdreg s29  }
0x16: {  	s19 =	simm.s32 $0x20;
	s22 =	simm.s32 $0x2;
	[dreg:$0x5] =	wrdreg s30  }
.LBB2_1:
0x17: {  	s0 =	simm.s32 $0x0;
	s1 =	rddreg [dreg:$0x2];
	s2 =	simm.s32 $0x5  }
0x18: {  	[tilespmem:s0], [sflag:$0x5] =	stream.linear.gather [hbm4b:s1+s0], $0x1400, $0x38;
	[tilespmem:$0x5400] =	vst v63  }
0x19: {  	s5 =	sadd.s32 $0x0, s7;
	_ =	swait.ge [sflag:s2], $0x1400  }
0x1a: {  	s25 =	simm.s32 $0x300;
	s8 =	sand.u32 $0x1FFF000, s13;
	[sflag:s2] =	ssyncset.done $0x0  }
0x1b: {  	s31 =	sadd.s32 $0x4, s11;
	s9 =	sand.u32 $0x60, s12;
	[sflag:s2] =	ssyncadd.s32 $0xFFFFEC00  }
0x1c: {  	[tilespmem:s16], [sflag:$0x1] =	stream.indirect.gather [hbm4b:s3+s15], $0x20, s0, s15, $0xb8;
	[tilespmem:$0x5400] =	vst v63  }
0x1d: {  	s26 =	sadd.s32 $0x200, s7;
	s29 =	sadd.s32 $0x4, s12;
	s0 =	sand.u32 $0xE00, s5  }
0x1e: {  	s6 =	sadd.s32 $0x100, s5;
	s14 =	sadd.s32 $0x100, s26;
	s0 =	sor.u32 s8, s0  }
0x1f: {  	[tilespmem:s17], [sflag:$0x2] =	stream.indirect.gather [hbm4b:s3+s15], $0x20, s15, s15, $0xb8;
	[tilespmem:$0x5400] =	vst v63  }
0x20: {  	s28 =	sand.u32 $0x60, s31;
	s31 =	sadd.s32 $0x4, s31;
	s0 =	sshll.u32 s0, $0x7  }
0x21: {  	s1 =	sand.u32 $0xF00, s6;
	_ =	swait.ge [sflag:s18], $0x2000;
	s0 =	sor.u32 s9, s0  }
0x22: {  	s6 =	sadd.s32 $0x80, s10;
	[sflag:s18] =	ssyncset.done $0x0;
	s0 =	sshrl.u32 s0, $0x3  }
0x23: {  	s2 =	sand.u32 $0x1FFF000, s10;
	[sflag:s18] =	ssyncadd.s32 $0xFFFFE000;
	s0 =	sadd.s32 s4, s0  }
0x24: {  	[hbm4b:s0+s19] =	stream.strided.scatter [tilespmem:s16], [sflag:$0x3], $0x2000, s20, s19, $0x38;
	[tilespmem:$0x5400] =	vst v63  }
0x25: {  	s1 =	sor.u32 s2, s1;
	s5 =	sand.u32 $0x60, s11;
	_ =	swait.ge [sflag:s21], $0x2000  }
0x26: {  	s2 =	sand.u32 $0xF00, s14;
	s1 =	sshll.u32 s1, $0x7;
	[sflag:s21] =	ssyncset.done $0x0  }
0x27: {  	s1 =	sor.u32 s5, s1;
	s9 =	simm.s32 $0x200;
	[sflag:s21] =	ssyncadd.s32 $0xFFFFE000  }
0x28: {  	[tilespmem:s16], [sflag:$0x1] =	stream.indirect.gather [hbm4b:s3+s15], $0x20, s9, s15, $0xb8;
	[tilespmem:$0x5400] =	vst v63  }
0x29: {  	s8 =	sand.u32 $0x1FFF000, s6;
	s1 =	sshrl.u32 s1, $0x3;
	_ =	swait.ge [sflag:s22], $0x2000  }
0x2a: {  	s14 =	sadd.s32 s4, s1;
	s1 =	sadd.s32 $0x80, s13;
	[sflag:s22] =	ssyncset.done $0x0  }
0x2b: {  	s5 =	sand.u32 $0x1FFF000, s1;
	s0 =	sor.u32 s8, s2;
	[sflag:s22] =	ssyncadd.s32 $0xFFFFE000  }
0x2c: {  	[hbm4b:s14+s19] =	stream.strided.scatter [tilespmem:s17], [sflag:$0x4], $0x2000, s20, s19, $0x38;
	[tilespmem:$0x5400] =	vst v63  }
0x2d: {  	s2 =	simm.s32 $0x400;
	s0 =	sshll.u32 s0, $0x7;
	_ =	swait.ge [sflag:s23], $0x2000  }
0x2e: {  	s0 =	sor.u32 s28, s0;
	s28 =	simm.s32 $0x500;
	[sflag:s23] =	ssyncset.done $0x0  }
0x2f: {  	s30 =	sshrl.u32 s0, $0x3;
	s0 =	sadd.s32 $0x80, s6;
	[sflag:s23] =	ssyncadd.s32 $0xFFFFE000  }
.LBB2_2:
0x30: {  	[tilespmem:s17], [sflag:$0x2] =	stream.indirect.gather [hbm4b:s3+s15], $0x20, s25, s15, $0xb8;
	[tilespmem:$0x5400] =	vst v63  }
0x31: {  	s25 =	smov.u32 s2  }
0x32: {  	s6 =	smov.u32 s30;
	s25 =	smov.u32 s28  }
0x33: {  	s30 =	sand.u32 $0x1FFF000, s0;
	s8 =	sand.u32 $0xE00, s26;
	s26 =	sadd.s32 s2, s7  }
0x34: {  	s14 =	sand.u32 $0x60, s31;
	s9 =	sadd.s32 $0x100, s26;
	s5 =	sor.u32 s5, s8  }
0x35: {  	s8 =	sand.u32 $0xF00, s9;
	s5 =	sshll.u32 s5, $0x7;
	s9 =	sand.u32 $0x60, s29  }
0x36: {  	s8 =	sor.u32 s30, s8;
	s5 =	sor.u32 s9, s5;
	_ =	swait.ge [sflag:s18], $0x2000  }
0x37: {  	s8 =	sshll.u32 s8, $0x7;
	s5 =	sshrl.u32 s5, $0x3;
	[sflag:s18] =	ssyncset.done $0x0  }
0x38: {  	s8 =	sor.u32 s14, s8;
	s5 =	sadd.s32 s4, s5;
	[sflag:s18] =	ssyncadd.s32 $0xFFFFE000  }
0x39: {  	[hbm4b:s5+s19] =	stream.strided.scatter [tilespmem:s16], [sflag:$0x3], $0x2000, s20, s19, $0x38;
	[tilespmem:$0x5400] =	vst v63  }
0x3a: {  	s30 =	sshrl.u32 s8, $0x3;
	s8 =	sadd.s32 $0x200, s2;
	_ =	swait.ge [sflag:s21], $0x2000  }
0x3b: {  	p0 =	sne.s32 s2, $0x1000;
	[sflag:s21] =	ssyncset.done $0x0  }
0x3c: {  	s2 =	sadd.s32 $0xFFFFFF00, s28;
	[sflag:s21] =	ssyncadd.s32 $0xFFFFE000  }
0x3d: {  	[tilespmem:s16], [sflag:$0x1] =	stream.indirect.gather [hbm4b:s3+s15], $0x20, s2, s15, $0xb8;
	[tilespmem:$0x5400] =	vst v63  }
0x3e: {  	_ =	swait.ge [sflag:s22], $0x2000  }
0x3f: {  	s31 =	sadd.s32 $0x4, s31;
	[sflag:s22] =	ssyncset.done $0x0  }
.Ltmp0:
0x40: {  	s2 =	sadd.s32 s4, s6;
	[sflag:s22] =	ssyncadd.s32 $0xFFFFE000;
	(pc) =	sbr.rel @p0 .LBB2_2-.Ltmp0, $4  }
0x41: {  	[hbm4b:s2+s19] =	stream.strided.scatter [tilespmem:s17], [sflag:$0x4], $0x2000, s20, s19, $0x38;
	[tilespmem:$0x5400] =	vst v63  }
0x42: {  	s29 =	sadd.s32 $0x4, s29;
	s28 =	sadd.s32 $0x200, s28;
	_ =	swait.ge [sflag:s23], $0x2000  }
0x43: {  	s1 =	sadd.s32 $0x80, s1;
	s0 =	sadd.s32 $0x80, s0;
	[sflag:s23] =	ssyncset.done $0x0  }
0x44: {  	s5 =	sand.u32 $0x1FFF000, s1;
	s2 =	smov.u32 s8;
	[sflag:s23] =	ssyncadd.s32 $0xFFFFE000  }
0x45: {  	[tilespmem:s17], [sflag:$0x2] =	stream.indirect.gather [hbm4b:s3+s15], $0x20, s25, s15, $0xb8;
	[tilespmem:$0x5400] =	vst v63  }
0x46: {  	s0 =	sand.u32 $0xE00, s26  }
0x47: {  	s0 =	sor.u32 s5, s0  }
0x48: {  	s1 =	sand.u32 $0x60, s29;
	s0 =	sshll.u32 s0, $0x7  }
0x49: {  	_ =	swait.ge [sflag:s18], $0x2000;
	s0 =	sor.u32 s1, s0  }
0x4a: {  	[sflag:s18] =	ssyncset.done $0x0;
	s0 =	sshrl.u32 s0, $0x3  }
0x4b: {  	[sflag:s18] =	ssyncadd.s32 $0xFFFFE000;
	s0 =	sadd.s32 s4, s0  }
0x4c: {  	[hbm4b:s0+s19] =	stream.strided.scatter [tilespmem:s16], [sflag:$0x3], $0x2000, s20, s19, $0x38;
	[tilespmem:$0x5400] =	vst v63  }
0x4d: {  	_ =	swait.ge [sflag:s21], $0x2000  }
0x4e: {  	[sflag:s21] =	ssyncset.done $0x0  }
0x4f: {  	s25 =	sadd.s32 $0xFFFFFF00, s28;
	[sflag:s21] =	ssyncadd.s32 $0xFFFFE000  }
0x50: {  	[tilespmem:s16], [sflag:$0x1] =	stream.indirect.gather [hbm4b:s3+s15], $0x20, s25, s15, $0xb8;
	[tilespmem:$0x5400] =	vst v63  }
0x51: {  	_ =	swait.ge [sflag:s22], $0x2000  }
0x52: {  	[sflag:s22] =	ssyncset.done $0x0  }
0x53: {  	s26 =	sadd.s32 s4, s30;
	[sflag:s22] =	ssyncadd.s32 $0xFFFFE000  }
0x54: {  	[hbm4b:s26+s19] =	stream.strided.scatter [tilespmem:s17], [sflag:$0x4], $0x2000, s20, s19, $0x38;
	[tilespmem:$0x5400] =	vst v63  }
0x55: {  	_ =	swait.ge [sflag:s23], $0x2000  }
0x56: {  	[sflag:s23] =	ssyncset.done $0x0  }
0x57: {  	[sflag:s23] =	ssyncadd.s32 $0xFFFFE000  }
0x58: {  	[tilespmem:s17], [sflag:$0x2] =	stream.indirect.gather [hbm4b:s3+s15], $0x20, s28, s15, $0xb8;
	[tilespmem:$0x5400] =	vst v63  }
0x59: {  	_ =	swait.ge [sflag:s18], $0x2000  }
0x5a: {  	[sflag:s18] =	ssyncset.done $0x0  }
0x5b: {  	s29 =	rddreg [dreg:$0x4];
	[sflag:s18] =	ssyncadd.s32 $0xFFFFE000  }
0x5c: {  	[hbm4b:s29+s19] =	stream.strided.scatter [tilespmem:s16], [sflag:$0x3], $0x2000, s20, s19, $0x38;
	[tilespmem:$0x5400] =	vst v63  }
0x5d: {  	_ =	swait.ge [sflag:s22], $0x2000  }
0x5e: {  	[sflag:s22] =	ssyncset.done $0x0  }
0x5f: {  	s30 =	rddreg [dreg:$0x5];
	[sflag:s22] =	ssyncadd.s32 $0xFFFFE000  }
0x60: {  	[hbm4b:s30+s19] =	stream.strided.scatter [tilespmem:s17], [sflag:$0x4], $0x2000, s20, s19, $0x38;
	[tilespmem:$0x5400] =	vst v63  }
0x61: {  	_ =	swait.ge [sflag:s21], $0x2000  }
0x62: {  	[sflag:s21] =	ssyncset.done $0x0  }
0x63: {  	[sflag:s21] =	ssyncadd.s32 $0xFFFFE000  }
0x64: {  	_ =	swait.ge [sflag:s23], $0x2000  }
0x65: {  	s24 =	sadd.s32 $0x1, s24;
	s31 =	rddreg [dreg:$0x3]  }
0x66: {  	p0 =	sne.s32 s24, s31  }
.Ltmp1:
0x67: {  	_ = 	snop;
	(pc) =	sbr.rel @p0 .LBB2_1-.Ltmp1, $3  }
0x68: {  	_ =	sdelay $0x1  }
0x69: {  	[sflag:s23] =	ssyncset.done $0x0  }
0x6a: {  	[sflag:s23] =	ssyncadd.s32 $0xFFFFE000  }
0x6b: {  	_ =	sfence.sel $0x180000  }
0x6c: {  	[bflag:$0x0] =	sbarrier.arrive $0xFFFF  }
0x6d: {  	_ =	strace $0x9000004D  }
0x6e: {  	s0 =	stileid.u32;
	[bflag:$0x2] =	sbarrier.arrive $0xFFFF  }
0x6f: {  	p0 =	sne.s32 s0, $0x0;
	s0 =	rddreg [dreg:$0x1]  }
0x70: {  	s0 =	sadd.s32 @!p0 $0x100000, s0  }
0x71: {  	[sflag:s0] =	ssyncadd.tile.s32 @!p0 $0x1;
	_ =	shalt  }
.Lfunc_end2:
_tile_overlayer_lowered:
.L_overlay_start_2:
0x72: {  	(tag) =	ssettag $0x2  }
0x73: {  	s0 =	rddreg [dreg:$0x0];
	s2 =	stileid.u32  }
0x74: {  	s1 =	rddreg [dreg:$0x1];
	p0 =	sne.s32 s2, $0x0  }
0x75: {  	s3 =	rddreg [dreg:$0x2];
	[bflag:$0x3] =	sbarrier.arrive $0xFFFF;
	s2 =	simm.s32 @!p0 $0x1C05  }
0x76: {  	[timem:s3], [sflag:s2] =	dma.local @!p0 [hbm:s0], s1  }
0x77: {  	s0 =	simm.s32 @!p0 $0x5  }
0x78: {  	_ =	swait.ge @!p0 [sflag:s0], s1  }
0x79: {  	s1 =	ssub.s32 @!p0 $0x0, s1;
	[sflag:s0] =	ssyncset.done @!p0 $0x0  }
0x7a: {  	[sflag:s0] =	ssyncadd.s32 @!p0 s1  }
0x7b: {  	[bflag:$0x3] =	sbarrier.arrive $0xFFFF  }
0x7c: {  	_ =	shalt  }

// kernel: kernel.22.cloned.1.call-start
scs
__scs_entry_jumppad:
0x0: {  	(pc) =	sbr.rel $0x88, $3  }
0x1: {  	(tag) =	ssettag $0x0;
	lr =	simm.s32 $0x1  }
0x2: {  	[smem:$0x3F9F] =	sst lr;
	_ =	strace $0xD0000000  }
0x3: {  	_ = 	snop  }
0x4: {  	_ = 	snop  }
0x5: {  	_ = 	snop  }
0x6: {  	_ = 	snop  }
0x7: {  	_ = 	snop  }
__scs_overlays_trampoline_lowered:
0x8: {  	[smem:$0x3FAE] =	sst s0  }
0x9: {  	[smem:$0x3FAF] =	sst s1  }
0xa: {  	[smem:$0x3FB0] =	sst s2  }
0xb: {  	[smem:$0x3FB1] =	sst s3  }
0xc: {  	[smem:$0x3FB2] =	sst s4  }
0xd: {  	[smem:$0x3FB3] =	sst s5  }
0xe: {  	[smem:$0x3FB4] =	sst s6  }
0xf: {  	[smem:$0x3FB5] =	sst s7  }
0x10: {  	[smem:$0x3FB6] =	sst s8  }
0x11: {  	[smem:$0x3FB7] =	sst s9;
	s0 =	simm.s32 @!p0 $0x0  }
0x12: {  	s1 =	sld [smem:$0x3F9D];
	s0 =	simm.s32 @p0 $0x1  }
0x13: {  	[smem:$0x3FB8] =	sst s0;
	s0 =	simm.s32 @!p1 $0x0  }
0x14: {  	s2 =	sld [smem:$0x3F9C];
	s0 =	simm.s32 @p1 $0x1  }
0x15: {  	[smem:$0x3FB9] =	sst s0;
	s0 =	simm.s32 @!p2 $0x0  }
0x16: {  	s3 =	sld [smem:$0x3FDB];
	s0 =	simm.s32 @p2 $0x1  }
0x17: {  	s4 =	simm.s32 $0x1BF5;
	[smem:$0x3FBB] =	sst s0  }
0x18: {  	s0 =	sld [smem:$0x3F9E];
	_ =	swait.ge [sflag:s4], $0x0  }
0x19: {  	s7 =	sld [smem:$0x3F9F]  }
0x1a: {  	s8 =	sadd.s32 $0xFFFFE003, lr  }
0x1b: {  	s9 =	sadd.s32 $0xFFFFFEF7, lr;
	s5 =	simm.s32 $0xFFFFFFFF;
	p2 =	slt.u32 s8, $0xFFFFF086  }
0x1c: {  	p1 =	slt.u32 s9, $0xF7A;
	s5 =	simm.s32 @!p2 $0x0  }
0x1d: {  	s5 =	simm.s32 @p1 $0x1;
	p0 =	seq.s32 s7, s2  }
0x1e: {  	s7 =	smul.u32 @!p0 $0xF7A, s2;
	p2 =	seq.s32 @!p0 s5, $0x0  }
0x1f: {  	s9 =	smul.u32 $0xF7A, s1;
	s8 =	simm.s32 @!p0 $0x1BF5;
	p2 =	por !p2, p0  }
0x20: {  	[sflag:s8] =	ssyncset.s32 @!p0 $0xFFFFF086;
	s6 =	sadd.s32 @!p0 s3, s7;
	s7 =	simm.s32 @!p0 $0x108  }
0x21: {  	s3 =	sadd.s32 s3, s9;
	s6 =	sadd.s32 @!p0 $0x88, s6;
	s7 =	simm.s32 @p2 $0x1082  }
0x22: {  	[simem:s7], [sflag:s8] =	dma.local @!p0 [hbm:s6], $0xF7A  }
0x23: {  	s9 =	sor.u32 $0xD0000000, s2;
	s6 =	simm.s32 $0x108;
	_ =	swait.ge @!p0 [sflag:s8], $0x0  }
0x24: {  	s3 =	sadd.s32 $0x88, s3;
	s6 =	simm.s32 @!p1 $0x1082;
	[sflag:s4] =	ssyncset.s32 $0xFFFFF086  }
0x25: {  	[simem:s6], [sflag:s4] =	dma.local [hbm:s3], $0xF7A  }
0x26: {  	[smem:$0x3F9F] =	sst s1;
	(tag) =	ssettag s2;
	_ =	strace s9  }
0x27: {  	s1 =	sld [smem:$0x3FAF]  }
0x28: {  	s2 =	sld [smem:$0x3FB0]  }
0x29: {  	s4 =	sld [smem:$0x3FB2]  }
0x2a: {  	p0 =	seq.s32 s5, $0x0;
	s5 =	sld [smem:$0x3FB3]  }
0x2b: {  	s6 =	sld [smem:$0x3FB4]  }
0x2c: {  	s7 =	sld [smem:$0x3FB5]  }
0x2d: {  	s3 =	simm.s32 $0x108;
	s8 =	sld [smem:$0x3FB6]  }
0x2e: {  	s3 =	simm.s32 @!p0 $0x1082;
	s9 =	sld [smem:$0x3FB7]  }
0x2f: {  	lr =	sadd.s32 s0, s3;
	s0 =	sld [smem:$0x3FAE]  }
0x30: {  	s3 =	sld [smem:$0x3FB1]  }
0x31: {  	[smem:$0x3FBA] =	sst s10  }
0x32: {  	s10 =	sld [smem:$0x3FB8];
	_ =	sdelay $0x3  }
0x33: {  	p0 =	seq.s32 s10, $0x1;
	s10 =	sld [smem:$0x3FBA];
	_ =	sdelay $0x3  }
0x34: {  	[smem:$0x3FBA] =	sst s10  }
0x35: {  	s10 =	sld [smem:$0x3FB9];
	_ =	sdelay $0x3  }
0x36: {  	p1 =	seq.s32 s10, $0x1;
	s10 =	sld [smem:$0x3FBA];
	_ =	sdelay $0x3  }
0x37: {  	[smem:$0x3FBA] =	sst s10  }
0x38: {  	s10 =	sld [smem:$0x3FBB]  }
0x39: {  	_ = 	snop;
	(pc) =	sbr.ind lr, $3  }
0x3a: {  	_ = 	snop  }
0x3b: {  	_ = 	snop  }
0x3c: {  	p2 =	seq.s32 s10, $0x1;
	s10 =	sld [smem:$0x3FBA]  }
0x3d: {  	_ =	shalt  }
0x3e: {  	_ =	shalt  }
0x3f: {  	_ =	shalt  }
0x40: {  	_ =	shalt  }
0x41: {  	_ =	shalt  }
0x42: {  	_ =	shalt  }
0x43: {  	_ =	shalt  }
0x44: {  	_ =	shalt  }
0x45: {  	_ =	shalt  }
0x46: {  	_ =	shalt  }
0x47: {  	_ =	shalt  }
0x48: {  	_ =	shalt  }
0x49: {  	_ =	shalt  }
0x4a: {  	_ =	shalt  }
0x4b: {  	_ =	shalt  }
0x4c: {  	_ =	shalt  }
0x4d: {  	_ =	shalt  }
0x4e: {  	_ =	shalt  }
0x4f: {  	_ =	shalt  }
0x50: {  	_ =	shalt  }
0x51: {  	_ =	shalt  }
0x52: {  	_ =	shalt  }
0x53: {  	_ =	shalt  }
0x54: {  	_ =	shalt  }
0x55: {  	_ =	shalt  }
0x56: {  	_ =	shalt  }
0x57: {  	_ =	shalt  }
0x58: {  	_ =	shalt  }
0x59: {  	_ =	shalt  }
0x5a: {  	_ =	shalt  }
0x5b: {  	_ =	shalt  }
0x5c: {  	_ =	shalt  }
0x5d: {  	_ =	shalt  }
0x5e: {  	_ =	shalt  }
0x5f: {  	_ =	shalt  }
0x60: {  	_ =	shalt  }
0x61: {  	_ =	shalt  }
0x62: {  	_ =	shalt  }
0x63: {  	_ =	shalt  }
0x64: {  	_ =	shalt  }
0x65: {  	_ =	shalt  }
0x66: {  	_ =	shalt  }
0x67: {  	_ =	shalt  }
0x68: {  	_ =	shalt  }
0x69: {  	_ =	shalt  }
0x6a: {  	_ =	shalt  }
0x6b: {  	_ =	shalt  }
0x6c: {  	_ =	shalt  }
0x6d: {  	_ =	shalt  }
0x6e: {  	_ =	shalt  }
0x6f: {  	_ =	shalt  }
0x70: {  	_ =	shalt  }
0x71: {  	_ =	shalt  }
0x72: {  	_ =	shalt  }
0x73: {  	_ =	shalt  }
0x74: {  	_ =	shalt  }
0x75: {  	_ =	shalt  }
0x76: {  	_ =	shalt  }
0x77: {  	_ =	shalt  }
0x78: {  	_ =	shalt  }
0x79: {  	_ =	shalt  }
0x7a: {  	_ =	shalt  }
0x7b: {  	_ =	shalt  }
0x7c: {  	_ =	shalt  }
0x7d: {  	_ =	shalt  }
0x7e: {  	_ =	shalt  }
0x7f: {  	_ =	shalt  }
0x80: {  	_ =	shalt  }
0x81: {  	_ =	shalt  }
0x82: {  	_ =	shalt  }
0x83: {  	_ =	shalt  }
0x84: {  	_ =	shalt  }
0x85: {  	_ =	shalt  }
0x86: {  	_ =	shalt  }
0x87: {  	_ =	shalt  }
.Lfunc_end0:
.L_simem_size_0:
called_computation.3_lowered:
.L_overlay_start_0:
0x88: {  	s2 =	sld [smem:$0x3FD9]  }
0x89: {  	s3 =	sld [smem:$0x3FFE];
	_ =	sdelay $0x1  }
0x8a: {  	s1 =	srdreg.scid  }
0x8b: {  	s0 =	sand.u32 $0x1, s1  }
0x8c: {  	s17 =	sshll.u32 s0, $0xA;
	s2 =	sadd.s32 s3, s2  }
0x8d: {  	s2 =	sadd.s32 s2, s17  }
0x8e: {  	[smem:$0x3FC6] =	sst s2  }
0x8f: {  	_ = 	snop  }
0x90: {  	(tm) =	ssettm $0x1  }
0x91: {  	s18 =	sld [smem:$0x3FFB];
	_ =	sdelay $0x3  }
0x92: {  	_ =	strace s18  }
0x93: {  	s2 =	sld [smem:$0x3FFC];
	_ =	sdelay $0x3  }
0x94: {  	_ =	strace s2  }
0x95: {  	s2 =	sld [smem:$0x3FFD];
	_ =	sdelay $0x3  }
0x96: {  	_ =	strace s2  }
0x97: {  	_ =	strace $0x8FFFFFFF  }
0x98: {  	s19 =	sld [smem:$0x3FDB];
	_ =	sdelay $0x1  }
0x99: {  	s20 =	simm.s32 $_scs_section_size  }
0x9a: {  	s4 =	simm.s32 $_size__tile_overlayer_lowered;
	s5 =	simm.s32 $_tile_overlayer_lowered  }
0x9b: {  	s6 =	simm.s32 $0x1BFF;
	s21 =	sshll.u32 s5, $0x1;
	s3 =	sadd.s32 s20, s19  }
0x9c: {  	s22 =	simm.s32 $0x0;
	s4 =	sshll.u32 s4, $0x1;
	s5 =	sadd.s32 s21, s3  }
0x9d: {  	[timem:s22], [sflag:s6] =	dma.local [hbm:s5], s4  }
0x9e: {  	_ =	swait.ge [sflag:s6], s4  }
0x9f: {  	s4 =	ssub.s32 $0x0, s4;
	[sflag:s6] =	ssyncset.done $0x0  }
0xa0: {  	[sflag:s6] =	ssyncadd.s32 s4;
	_ =	sdelay $0x1  }
0xa1: {  	s23 =	simm.s32 $0x1B8B  }
0xa2: {  	_ =	swait.ge [sflag:s23], $0x1  }
0xa3: {  	[sflag:s23] =	ssyncset.done $0x0  }
0xa4: {  	[sflag:s23] =	ssyncadd.s32 $0xFFFFFFFF  }
0xa5: {  	s4 =	sld [smem:$0x0]  }
0xa6: {  	s5 =	sand.u32 $0xFFFFFFFE, s1  }
0xa7: {  	p0 =	sne.s32 s1, s5  }
0xa8: {  	s5 =	sshll.u32 @p0 s5, $0xE  }
0xa9: {  	s5 =	sadd.s32 @p0 $0x11B8D, s5;
	s6 =	sshll.u32 @p0 s4, $0x11  }
0xaa: {  	s5 =	sor.u32 @p0 s6, s5  }
0xab: {  	[sflag:s5] =	ssyncadd.remote.s32 @p0 $0x1;
	_ =	sdelay $0x1  }
0xac: {  	s5 =	simm.s32 @p0 $0x1B8D  }
0xad: {  	_ =	swait.eq @p0 [sflag:s5], $0x1  }
0xae: {  	[sflag:s5] =	ssyncadd.s32 @p0 $0xFFFFFFFF  }
0xaf: {  	s6 =	sshll.u32 @!p0 s1, $0xE  }
0xb0: {  	s6 =	sor.u32 @!p0 $0x4000, s6;
	s5 =	simm.s32 @!p0 $0x1B8D  }
0xb1: {  	s4 =	sshll.u32 @!p0 s4, $0x11;
	s6 =	sadd.s32 @!p0 $0x11B8D, s6;
	_ =	swait.eq @!p0 [sflag:s5], $0x1  }
0xb2: {  	s4 =	sor.u32 @!p0 s4, s6;
	[sflag:s5] =	ssyncadd.s32 @!p0 $0xFFFFFFFF  }
0xb3: {  	s25 =	simm.s32 $0x1B8E;
	s24 =	sld [smem:$0x3FFE];
	[sflag:s4] =	ssyncadd.remote.s32 @!p0 $0x1  }
0xb4: {  	s26 =	simm.s32 $execute0_lowered;
	[smem:$0x3FD2] =	sst s25  }
0xb5: {  	s5 =	sshll.u32 s26, $0x1;
	_ =	strace $0x8000004F;
	[dreg:$0x1] =	wrdreg $0xFFFFFFFF  }
0xb6: {  	s28 =	simm.s32 $_size_execute0_lowered;
	s3 =	sadd.s32 s3, s5;
	[dreg:$0x0] =	wrdreg $0x0  }
0xb7: {  	s5 =	sshll.u32 s28, $0x1;
	[dreg:$0x2] =	wrdreg s3  }
0xb8: {  	[dreg:$0x3] =	wrdreg s5  }
0xb9: {  	[dreg:$0x4] =	wrdreg $0xC0  }
0xba: {  	_ =	task [dreg:s22], $0x5FFFF  }
0xbb: {  	[dreg:$0x1] =	wrdreg $0xFFFFFFFF  }
0xbc: {  	[dreg:$0x0] =	wrdreg $0x60  }
0xbd: {  	[dreg:$0x2] =	wrdreg s24  }
0xbe: {  	[dreg:$0x3] =	wrdreg $0xC  }
0xbf: {  	_ =	task.clear_ibuf [dreg:s22], $0x4FFFF;
	_ =	strace $0x9000004F  }
0xc0: {  	s29 =	simm.s32 $0xC;
	_ =	strace $0x80000051  }
0xc1: {  	_ =	swait.ge [sflag:s29], $0x1  }
0xc2: {  	[sflag:s29] =	ssyncadd.s32 $0xFFFFFFFF  }
0xc3: {  	_ =	strace $0x90000051  }
0xc4: {  	_ =	sfence  }
0xc5: {  	s30 =	sld [smem:$0x0];
	_ =	sdelay $0x2  }
0xc6: {  	s31 =	sshll.u32 s1, $0xD;
	s1 =	sshrl.u32 s1, $0x2  }
0xc7: {  	s4 =	sand.u32 $0x4000, s31;
	s1 =	sadd.s32 s1, s30  }
0xc8: {  	s0 =	sor.u32 s4, s0;
	s1 =	sshll.u32 s1, $0x11  }
0xc9: {  	s0 =	sor.u32 s1, s0  }
0xca: {  	s0 =	sadd.s32 $0x8F2B, s0  }
0xcb: {  	[sflag:s0] =	ssyncadd.remote.s32 $0x1  }
0xcc: {  	_ =	sfence.sel $0xFFFF  }
0xcd: {  	[dreg:$0x0] =	wrdreg $0xFFFFFFFF;
	(pc) =	sbr.abs _section_cstart, $3  }
0xce: {  	[dreg:$0x1] =	wrdreg $0xFFFFFFFF  }
0xcf: {  	_ =	task.clear_ibuf [dreg:s22], $0x2FFFF;
	_ =	strace $0x9FFFFFFF  }
0xd0: {  	(tm) =	ssettm $0x7FFFFFFF  }
0xd1: {  	_ =	shalt  }
tec
execute0_lowered:
.L_overlay_start_1:
0x0: {  	(tag) =	ssettag $0x1  }
0x1: {  	s0 =	srdreg.scid  }
0x2: {  	s9 =	stileid.u32;
	s2 =	rddreg [dreg:$0x0]  }
0x3: {  	s3 =	simm.s32 $0x0;
	s0 =	sand.u32 $0x1, s0;
	s1 =	sshll.u32 s9, $0x1  }
0x4: {  	s15 =	simm.s32 $0x100;
	s25 =	smul.u32 $0x2800, s9;
	s1 =	sor.u32 s0, s1  }
0x5: {  	[smem:$0x7FF] =	sst s3;
	s3 =	sadd.s32 $0x2400, s2;
	s1 =	smul.u32 $0x1400, s1  }
0x6: {  	_ =	strace $0x80000050;
	s6 =	ssub.s32 $0x2, s0;
	s0 =	smul.u32 $0x1400, s0  }
0x7: {  	s16 =	sshrl.u32 s6, $0x1;
	s4 =	sshrl.u32 s1, $0x3;
	s7 =	sadd.s32 $0x1200, s1  }
0x8: {  	s1 =	sadd.s32 $0x1300, s1;
	s5 =	sadd.s32 s4, s2;
	s4 =	sadd.s32 $0x1B8000, s2  }
0x9: {  	s8 =	sshrl.u32 s7, $0x2;
	s2 =	ssub.s32 s6, s16;
	s18 =	sand.u32 $0xE00, s7  }
0xa: {  	s20 =	sshrl.u32 s7, $0x7;
	s21 =	sshrl.u32 s1, $0x2;
	s24 =	sand.u32 $0xF00, s1  }
0xb: {  	s1 =	sshrl.u32 s1, $0x7;
	s7 =	sadd.s32 s0, s25;
	s16 =	simm.s32 $0x1400  }
0xc: {  	s17 =	sand.u32 $0x1F000, s8;
	s5 =	sadd.s32 $0x1B3000, s5;
	s22 =	sand.u32 $0x60, s20  }
0xd: {  	s23 =	sand.u32 $0x1F000, s21;
	s1 =	sand.u32 $0x60, s1;
	s2 =	smax.u32 s2, $0x1  }
0xe: {  	s31 =	sor.u32 $0x100, s7;
	s12 =	sshrl.u32 s7, $0x7;
	s13 =	sshrl.u32 s7, $0x2  }
0xf: {  	s20 =	simm.s32 $0x80;
	s21 =	simm.s32 $0x3;
	[dreg:$0x2] =	wrdreg s5  }
0x10: {  	s19 =	sor.u32 s17, s18;
	s6 =	sor.u32 s23, s24;
	[dreg:$0x3] =	wrdreg s2  }
0x11: {  	s10 =	sshrl.u32 s31, $0x2;
	s11 =	sshrl.u32 s31, $0x7;
	s5 =	sshll.u32 s19, $0x7  }
0x12: {  	s17 =	simm.s32 $0x3400;
	s26 =	sshll.u32 s6, $0x7;
	s28 =	sor.u32 s22, s5  }
0x13: {  	s18 =	simm.s32 $0x1;
	s1 =	sor.u32 s1, s26;
	s2 =	sshrl.u32 s28, $0x3  }
0x14: {  	s23 =	simm.s32 $0x4;
	s1 =	sshrl.u32 s1, $0x3;
	s29 =	sadd.s32 s4, s2  }
0x15: {  	s24 =	simm.s32 $0x0;
	s30 =	sadd.s32 s4, s1;
	[dreg:$0x4] =	wrdreg s29  }
0x16: {  	s19 =	simm.s32 $0x20;
	s22 =	simm.s32 $0x2;
	[dreg:$0x5] =	wrdreg s30  }
.LBB2_1:
0x17: {  	s0 =	simm.s32 $0x0;
	s1 =	rddreg [dreg:$0x2];
	s2 =	simm.s32 $0x5  }
0x18: {  	[tilespmem:s0], [sflag:$0x5] =	stream.linear.gather [hbm4b:s1+s0], $0x1400, $0x38;
	[tilespmem:$0x5400] =	vst v63  }
0x19: {  	s5 =	sadd.s32 $0x0, s7;
	_ =	swait.ge [sflag:s2], $0x1400  }
0x1a: {  	s25 =	simm.s32 $0x300;
	s8 =	sand.u32 $0x1FFF000, s13;
	[sflag:s2] =	ssyncset.done $0x0  }
0x1b: {  	s31 =	sadd.s32 $0x4, s11;
	s9 =	sand.u32 $0x60, s12;
	[sflag:s2] =	ssyncadd.s32 $0xFFFFEC00  }
0x1c: {  	[tilespmem:s16], [sflag:$0x1] =	stream.indirect.gather [hbm4b:s3+s15], $0x20, s0, s15, $0xb8;
	[tilespmem:$0x5400] =	vst v63  }
0x1d: {  	s26 =	sadd.s32 $0x200, s7;
	s29 =	sadd.s32 $0x4, s12;
	s0 =	sand.u32 $0xE00, s5  }
0x1e: {  	s6 =	sadd.s32 $0x100, s5;
	s14 =	sadd.s32 $0x100, s26;
	s0 =	sor.u32 s8, s0  }
0x1f: {  	[tilespmem:s17], [sflag:$0x2] =	stream.indirect.gather [hbm4b:s3+s15], $0x20, s15, s15, $0xb8;
	[tilespmem:$0x5400] =	vst v63  }
0x20: {  	s28 =	sand.u32 $0x60, s31;
	s31 =	sadd.s32 $0x4, s31;
	s0 =	sshll.u32 s0, $0x7  }
0x21: {  	s1 =	sand.u32 $0xF00, s6;
	_ =	swait.ge [sflag:s18], $0x2000;
	s0 =	sor.u32 s9, s0  }
0x22: {  	s6 =	sadd.s32 $0x80, s10;
	[sflag:s18] =	ssyncset.done $0x0;
	s0 =	sshrl.u32 s0, $0x3  }
0x23: {  	s2 =	sand.u32 $0x1FFF000, s10;
	[sflag:s18] =	ssyncadd.s32 $0xFFFFE000;
	s0 =	sadd.s32 s4, s0  }
0x24: {  	[hbm4b:s0+s19] =	stream.strided.scatter [tilespmem:s16], [sflag:$0x3], $0x2000, s20, s19, $0x38;
	[tilespmem:$0x5400] =	vst v63  }
0x25: {  	s1 =	sor.u32 s2, s1;
	s5 =	sand.u32 $0x60, s11;
	_ =	swait.ge [sflag:s21], $0x2000  }
0x26: {  	s2 =	sand.u32 $0xF00, s14;
	s1 =	sshll.u32 s1, $0x7;
	[sflag:s21] =	ssyncset.done $0x0  }
0x27: {  	s1 =	sor.u32 s5, s1;
	s9 =	simm.s32 $0x200;
	[sflag:s21] =	ssyncadd.s32 $0xFFFFE000  }
0x28: {  	[tilespmem:s16], [sflag:$0x1] =	stream.indirect.gather [hbm4b:s3+s15], $0x20, s9, s15, $0xb8;
	[tilespmem:$0x5400] =	vst v63  }
0x29: {  	s8 =	sand.u32 $0x1FFF000, s6;
	s1 =	sshrl.u32 s1, $0x3;
	_ =	swait.ge [sflag:s22], $0x2000  }
0x2a: {  	s14 =	sadd.s32 s4, s1;
	s1 =	sadd.s32 $0x80, s13;
	[sflag:s22] =	ssyncset.done $0x0  }
0x2b: {  	s5 =	sand.u32 $0x1FFF000, s1;
	s0 =	sor.u32 s8, s2;
	[sflag:s22] =	ssyncadd.s32 $0xFFFFE000  }
0x2c: {  	[hbm4b:s14+s19] =	stream.strided.scatter [tilespmem:s17], [sflag:$0x4], $0x2000, s20, s19, $0x38;
	[tilespmem:$0x5400] =	vst v63  }
0x2d: {  	s2 =	simm.s32 $0x400;
	s0 =	sshll.u32 s0, $0x7;
	_ =	swait.ge [sflag:s23], $0x2000  }
0x2e: {  	s0 =	sor.u32 s28, s0;
	s28 =	simm.s32 $0x500;
	[sflag:s23] =	ssyncset.done $0x0  }
0x2f: {  	s30 =	sshrl.u32 s0, $0x3;
	s0 =	sadd.s32 $0x80, s6;
	[sflag:s23] =	ssyncadd.s32 $0xFFFFE000  }
.LBB2_2:
0x30: {  	[tilespmem:s17], [sflag:$0x2] =	stream.indirect.gather [hbm4b:s3+s15], $0x20, s25, s15, $0xb8;
	[tilespmem:$0x5400] =	vst v63  }
0x31: {  	s25 =	smov.u32 s2  }
0x32: {  	s6 =	smov.u32 s30;
	s25 =	smov.u32 s28  }
0x33: {  	s30 =	sand.u32 $0x1FFF000, s0;
	s8 =	sand.u32 $0xE00, s26;
	s26 =	sadd.s32 s2, s7  }
0x34: {  	s14 =	sand.u32 $0x60, s31;
	s9 =	sadd.s32 $0x100, s26;
	s5 =	sor.u32 s5, s8  }
0x35: {  	s8 =	sand.u32 $0xF00, s9;
	s5 =	sshll.u32 s5, $0x7;
	s9 =	sand.u32 $0x60, s29  }
0x36: {  	s8 =	sor.u32 s30, s8;
	s5 =	sor.u32 s9, s5;
	_ =	swait.ge [sflag:s18], $0x2000  }
0x37: {  	s8 =	sshll.u32 s8, $0x7;
	s5 =	sshrl.u32 s5, $0x3;
	[sflag:s18] =	ssyncset.done $0x0  }
0x38: {  	s8 =	sor.u32 s14, s8;
	s5 =	sadd.s32 s4, s5;
	[sflag:s18] =	ssyncadd.s32 $0xFFFFE000  }
0x39: {  	[hbm4b:s5+s19] =	stream.strided.scatter [tilespmem:s16], [sflag:$0x3], $0x2000, s20, s19, $0x38;
	[tilespmem:$0x5400] =	vst v63  }
0x3a: {  	s30 =	sshrl.u32 s8, $0x3;
	s8 =	sadd.s32 $0x200, s2;
	_ =	swait.ge [sflag:s21], $0x2000  }
0x3b: {  	p0 =	sne.s32 s2, $0x1000;
	[sflag:s21] =	ssyncset.done $0x0  }
0x3c: {  	s2 =	sadd.s32 $0xFFFFFF00, s28;
	[sflag:s21] =	ssyncadd.s32 $0xFFFFE000  }
0x3d: {  	[tilespmem:s16], [sflag:$0x1] =	stream.indirect.gather [hbm4b:s3+s15], $0x20, s2, s15, $0xb8;
	[tilespmem:$0x5400] =	vst v63  }
0x3e: {  	_ =	swait.ge [sflag:s22], $0x2000  }
0x3f: {  	s31 =	sadd.s32 $0x4, s31;
	[sflag:s22] =	ssyncset.done $0x0  }
.Ltmp0:
0x40: {  	s2 =	sadd.s32 s4, s6;
	[sflag:s22] =	ssyncadd.s32 $0xFFFFE000;
	(pc) =	sbr.rel @p0 .LBB2_2-.Ltmp0, $4  }
0x41: {  	[hbm4b:s2+s19] =	stream.strided.scatter [tilespmem:s17], [sflag:$0x4], $0x2000, s20, s19, $0x38;
	[tilespmem:$0x5400] =	vst v63  }
0x42: {  	s29 =	sadd.s32 $0x4, s29;
	s28 =	sadd.s32 $0x200, s28;
	_ =	swait.ge [sflag:s23], $0x2000  }
0x43: {  	s1 =	sadd.s32 $0x80, s1;
	s0 =	sadd.s32 $0x80, s0;
	[sflag:s23] =	ssyncset.done $0x0  }
0x44: {  	s5 =	sand.u32 $0x1FFF000, s1;
	s2 =	smov.u32 s8;
	[sflag:s23] =	ssyncadd.s32 $0xFFFFE000  }
0x45: {  	[tilespmem:s17], [sflag:$0x2] =	stream.indirect.gather [hbm4b:s3+s15], $0x20, s25, s15, $0xb8;
	[tilespmem:$0x5400] =	vst v63  }
0x46: {  	s0 =	sand.u32 $0xE00, s26  }
0x47: {  	s0 =	sor.u32 s5, s0  }
0x48: {  	s1 =	sand.u32 $0x60, s29;
	s0 =	sshll.u32 s0, $0x7  }
0x49: {  	_ =	swait.ge [sflag:s18], $0x2000;
	s0 =	sor.u32 s1, s0  }
0x4a: {  	[sflag:s18] =	ssyncset.done $0x0;
	s0 =	sshrl.u32 s0, $0x3  }
0x4b: {  	[sflag:s18] =	ssyncadd.s32 $0xFFFFE000;
	s0 =	sadd.s32 s4, s0  }
0x4c: {  	[hbm4b:s0+s19] =	stream.strided.scatter [tilespmem:s16], [sflag:$0x3], $0x2000, s20, s19, $0x38;
	[tilespmem:$0x5400] =	vst v63  }
0x4d: {  	_ =	swait.ge [sflag:s21], $0x2000  }
0x4e: {  	[sflag:s21] =	ssyncset.done $0x0  }
0x4f: {  	s25 =	sadd.s32 $0xFFFFFF00, s28;
	[sflag:s21] =	ssyncadd.s32 $0xFFFFE000  }
0x50: {  	[tilespmem:s16], [sflag:$0x1] =	stream.indirect.gather [hbm4b:s3+s15], $0x20, s25, s15, $0xb8;
	[tilespmem:$0x5400] =	vst v63  }
0x51: {  	_ =	swait.ge [sflag:s22], $0x2000  }
0x52: {  	[sflag:s22] =	ssyncset.done $0x0  }
0x53: {  	s26 =	sadd.s32 s4, s30;
	[sflag:s22] =	ssyncadd.s32 $0xFFFFE000  }
0x54: {  	[hbm4b:s26+s19] =	stream.strided.scatter [tilespmem:s17], [sflag:$0x4], $0x2000, s20, s19, $0x38;
	[tilespmem:$0x5400] =	vst v63  }
0x55: {  	_ =	swait.ge [sflag:s23], $0x2000  }
0x56: {  	[sflag:s23] =	ssyncset.done $0x0  }
0x57: {  	[sflag:s23] =	ssyncadd.s32 $0xFFFFE000  }
0x58: {  	[tilespmem:s17], [sflag:$0x2] =	stream.indirect.gather [hbm4b:s3+s15], $0x20, s28, s15, $0xb8;
	[tilespmem:$0x5400] =	vst v63  }
0x59: {  	_ =	swait.ge [sflag:s18], $0x2000  }
0x5a: {  	[sflag:s18] =	ssyncset.done $0x0  }
0x5b: {  	s29 =	rddreg [dreg:$0x4];
	[sflag:s18] =	ssyncadd.s32 $0xFFFFE000  }
0x5c: {  	[hbm4b:s29+s19] =	stream.strided.scatter [tilespmem:s16], [sflag:$0x3], $0x2000, s20, s19, $0x38;
	[tilespmem:$0x5400] =	vst v63  }
0x5d: {  	_ =	swait.ge [sflag:s22], $0x2000  }
0x5e: {  	[sflag:s22] =	ssyncset.done $0x0  }
0x5f: {  	s30 =	rddreg [dreg:$0x5];
	[sflag:s22] =	ssyncadd.s32 $0xFFFFE000  }
0x60: {  	[hbm4b:s30+s19] =	stream.strided.scatter [tilespmem:s17], [sflag:$0x4], $0x2000, s20, s19, $0x38;
	[tilespmem:$0x5400] =	vst v63  }
0x61: {  	_ =	swait.ge [sflag:s21], $0x2000  }
0x62: {  	[sflag:s21] =	ssyncset.done $0x0  }
0x63: {  	[sflag:s21] =	ssyncadd.s32 $0xFFFFE000  }
0x64: {  	_ =	swait.ge [sflag:s23], $0x2000  }
0x65: {  	s24 =	sadd.s32 $0x1, s24;
	s31 =	rddreg [dreg:$0x3]  }
0x66: {  	p0 =	sne.s32 s24, s31  }
.Ltmp1:
0x67: {  	_ = 	snop;
	(pc) =	sbr.rel @p0 .LBB2_1-.Ltmp1, $3  }
0x68: {  	_ =	sdelay $0x1  }
0x69: {  	[sflag:s23] =	ssyncset.done $0x0  }
0x6a: {  	[sflag:s23] =	ssyncadd.s32 $0xFFFFE000  }
0x6b: {  	_ =	sfence.sel $0x180000  }
0x6c: {  	[bflag:$0x0] =	sbarrier.arrive $0xFFFF  }
0x6d: {  	_ =	strace $0x90000050  }
0x6e: {  	s0 =	stileid.u32;
	[bflag:$0x2] =	sbarrier.arrive $0xFFFF  }
0x6f: {  	p0 =	sne.s32 s0, $0x0;
	s0 =	rddreg [dreg:$0x1]  }
0x70: {  	s0 =	sadd.s32 @!p0 $0x100000, s0  }
0x71: {  	[sflag:s0] =	ssyncadd.tile.s32 @!p0 $0x1;
	_ =	shalt  }
.Lfunc_end2:
_tile_overlayer_lowered:
.L_overlay_start_2:
0x72: {  	(tag) =	ssettag $0x2  }
0x73: {  	s0 =	rddreg [dreg:$0x0];
	s2 =	stileid.u32  }
0x74: {  	s1 =	rddreg [dreg:$0x1];
	p0 =	sne.s32 s2, $0x0  }
0x75: {  	s3 =	rddreg [dreg:$0x2];
	[bflag:$0x3] =	sbarrier.arrive $0xFFFF;
	s2 =	simm.s32 @!p0 $0x1C05  }
0x76: {  	[timem:s3], [sflag:s2] =	dma.local @!p0 [hbm:s0], s1  }
0x77: {  	s0 =	simm.s32 @!p0 $0x5  }
0x78: {  	_ =	swait.ge @!p0 [sflag:s0], s1  }
0x79: {  	s1 =	ssub.s32 @!p0 $0x0, s1;
	[sflag:s0] =	ssyncset.done @!p0 $0x0  }
0x7a: {  	[sflag:s0] =	ssyncadd.s32 @!p0 s1  }
0x7b: {  	[bflag:$0x3] =	sbarrier.arrive $0xFFFF  }
0x7c: {  	_ =	shalt  }

// kernel: kernel.25.cloned.1.call-start
scs
__scs_entry_jumppad:
0x0: {  	(pc) =	sbr.rel $0x88, $3  }
0x1: {  	(tag) =	ssettag $0x0;
	lr =	simm.s32 $0x1  }
0x2: {  	[smem:$0x3F9F] =	sst lr;
	_ =	strace $0xD0000000  }
0x3: {  	_ = 	snop  }
0x4: {  	_ = 	snop  }
0x5: {  	_ = 	snop  }
0x6: {  	_ = 	snop  }
0x7: {  	_ = 	snop  }
__scs_overlays_trampoline_lowered:
0x8: {  	[smem:$0x3FAE] =	sst s0  }
0x9: {  	[smem:$0x3FAF] =	sst s1  }
0xa: {  	[smem:$0x3FB0] =	sst s2  }
0xb: {  	[smem:$0x3FB1] =	sst s3  }
0xc: {  	[smem:$0x3FB2] =	sst s4  }
0xd: {  	[smem:$0x3FB3] =	sst s5  }
0xe: {  	[smem:$0x3FB4] =	sst s6  }
0xf: {  	[smem:$0x3FB5] =	sst s7  }
0x10: {  	[smem:$0x3FB6] =	sst s8  }
0x11: {  	[smem:$0x3FB7] =	sst s9;
	s0 =	simm.s32 @!p0 $0x0  }
0x12: {  	s1 =	sld [smem:$0x3F9D];
	s0 =	simm.s32 @p0 $0x1  }
0x13: {  	[smem:$0x3FB8] =	sst s0;
	s0 =	simm.s32 @!p1 $0x0  }
0x14: {  	s2 =	sld [smem:$0x3F9C];
	s0 =	simm.s32 @p1 $0x1  }
0x15: {  	[smem:$0x3FB9] =	sst s0;
	s0 =	simm.s32 @!p2 $0x0  }
0x16: {  	s3 =	sld [smem:$0x3FDB];
	s0 =	simm.s32 @p2 $0x1  }
0x17: {  	s4 =	simm.s32 $0x1BF5;
	[smem:$0x3FBB] =	sst s0  }
0x18: {  	s0 =	sld [smem:$0x3F9E];
	_ =	swait.ge [sflag:s4], $0x0  }
0x19: {  	s7 =	sld [smem:$0x3F9F]  }
0x1a: {  	s8 =	sadd.s32 $0xFFFFE003, lr  }
0x1b: {  	s9 =	sadd.s32 $0xFFFFFEF7, lr;
	s5 =	simm.s32 $0xFFFFFFFF;
	p2 =	slt.u32 s8, $0xFFFFF086  }
0x1c: {  	p1 =	slt.u32 s9, $0xF7A;
	s5 =	simm.s32 @!p2 $0x0  }
0x1d: {  	s5 =	simm.s32 @p1 $0x1;
	p0 =	seq.s32 s7, s2  }
0x1e: {  	s7 =	smul.u32 @!p0 $0xF7A, s2;
	p2 =	seq.s32 @!p0 s5, $0x0  }
0x1f: {  	s9 =	smul.u32 $0xF7A, s1;
	s8 =	simm.s32 @!p0 $0x1BF5;
	p2 =	por !p2, p0  }
0x20: {  	[sflag:s8] =	ssyncset.s32 @!p0 $0xFFFFF086;
	s6 =	sadd.s32 @!p0 s3, s7;
	s7 =	simm.s32 @!p0 $0x108  }
0x21: {  	s3 =	sadd.s32 s3, s9;
	s6 =	sadd.s32 @!p0 $0x88, s6;
	s7 =	simm.s32 @p2 $0x1082  }
0x22: {  	[simem:s7], [sflag:s8] =	dma.local @!p0 [hbm:s6], $0xF7A  }
0x23: {  	s9 =	sor.u32 $0xD0000000, s2;
	s6 =	simm.s32 $0x108;
	_ =	swait.ge @!p0 [sflag:s8], $0x0  }
0x24: {  	s3 =	sadd.s32 $0x88, s3;
	s6 =	simm.s32 @!p1 $0x1082;
	[sflag:s4] =	ssyncset.s32 $0xFFFFF086  }
0x25: {  	[simem:s6], [sflag:s4] =	dma.local [hbm:s3], $0xF7A  }
0x26: {  	[smem:$0x3F9F] =	sst s1;
	(tag) =	ssettag s2;
	_ =	strace s9  }
0x27: {  	s1 =	sld [smem:$0x3FAF]  }
0x28: {  	s2 =	sld [smem:$0x3FB0]  }
0x29: {  	s4 =	sld [smem:$0x3FB2]  }
0x2a: {  	p0 =	seq.s32 s5, $0x0;
	s5 =	sld [smem:$0x3FB3]  }
0x2b: {  	s6 =	sld [smem:$0x3FB4]  }
0x2c: {  	s7 =	sld [smem:$0x3FB5]  }
0x2d: {  	s3 =	simm.s32 $0x108;
	s8 =	sld [smem:$0x3FB6]  }
0x2e: {  	s3 =	simm.s32 @!p0 $0x1082;
	s9 =	sld [smem:$0x3FB7]  }
0x2f: {  	lr =	sadd.s32 s0, s3;
	s0 =	sld [smem:$0x3FAE]  }
0x30: {  	s3 =	sld [smem:$0x3FB1]  }
0x31: {  	[smem:$0x3FBA] =	sst s10  }
0x32: {  	s10 =	sld [smem:$0x3FB8];
	_ =	sdelay $0x3  }
0x33: {  	p0 =	seq.s32 s10, $0x1;
	s10 =	sld [smem:$0x3FBA];
	_ =	sdelay $0x3  }
0x34: {  	[smem:$0x3FBA] =	sst s10  }
0x35: {  	s10 =	sld [smem:$0x3FB9];
	_ =	sdelay $0x3  }
0x36: {  	p1 =	seq.s32 s10, $0x1;
	s10 =	sld [smem:$0x3FBA];
	_ =	sdelay $0x3  }
0x37: {  	[smem:$0x3FBA] =	sst s10  }
0x38: {  	s10 =	sld [smem:$0x3FBB]  }
0x39: {  	_ = 	snop;
	(pc) =	sbr.ind lr, $3  }
0x3a: {  	_ = 	snop  }
0x3b: {  	_ = 	snop  }
0x3c: {  	p2 =	seq.s32 s10, $0x1;
	s10 =	sld [smem:$0x3FBA]  }
0x3d: {  	_ =	shalt  }
0x3e: {  	_ =	shalt  }
0x3f: {  	_ =	shalt  }
0x40: {  	_ =	shalt  }
0x41: {  	_ =	shalt  }
0x42: {  	_ =	shalt  }
0x43: {  	_ =	shalt  }
0x44: {  	_ =	shalt  }
0x45: {  	_ =	shalt  }
0x46: {  	_ =	shalt  }
0x47: {  	_ =	shalt  }
0x48: {  	_ =	shalt  }
0x49: {  	_ =	shalt  }
0x4a: {  	_ =	shalt  }
0x4b: {  	_ =	shalt  }
0x4c: {  	_ =	shalt  }
0x4d: {  	_ =	shalt  }
0x4e: {  	_ =	shalt  }
0x4f: {  	_ =	shalt  }
0x50: {  	_ =	shalt  }
0x51: {  	_ =	shalt  }
0x52: {  	_ =	shalt  }
0x53: {  	_ =	shalt  }
0x54: {  	_ =	shalt  }
0x55: {  	_ =	shalt  }
0x56: {  	_ =	shalt  }
0x57: {  	_ =	shalt  }
0x58: {  	_ =	shalt  }
0x59: {  	_ =	shalt  }
0x5a: {  	_ =	shalt  }
0x5b: {  	_ =	shalt  }
0x5c: {  	_ =	shalt  }
0x5d: {  	_ =	shalt  }
0x5e: {  	_ =	shalt  }
0x5f: {  	_ =	shalt  }
0x60: {  	_ =	shalt  }
0x61: {  	_ =	shalt  }
0x62: {  	_ =	shalt  }
0x63: {  	_ =	shalt  }
0x64: {  	_ =	shalt  }
0x65: {  	_ =	shalt  }
0x66: {  	_ =	shalt  }
0x67: {  	_ =	shalt  }
0x68: {  	_ =	shalt  }
0x69: {  	_ =	shalt  }
0x6a: {  	_ =	shalt  }
0x6b: {  	_ =	shalt  }
0x6c: {  	_ =	shalt  }
0x6d: {  	_ =	shalt  }
0x6e: {  	_ =	shalt  }
0x6f: {  	_ =	shalt  }
0x70: {  	_ =	shalt  }
0x71: {  	_ =	shalt  }
0x72: {  	_ =	shalt  }
0x73: {  	_ =	shalt  }
0x74: {  	_ =	shalt  }
0x75: {  	_ =	shalt  }
0x76: {  	_ =	shalt  }
0x77: {  	_ =	shalt  }
0x78: {  	_ =	shalt  }
0x79: {  	_ =	shalt  }
0x7a: {  	_ =	shalt  }
0x7b: {  	_ =	shalt  }
0x7c: {  	_ =	shalt  }
0x7d: {  	_ =	shalt  }
0x7e: {  	_ =	shalt  }
0x7f: {  	_ =	shalt  }
0x80: {  	_ =	shalt  }
0x81: {  	_ =	shalt  }
0x82: {  	_ =	shalt  }
0x83: {  	_ =	shalt  }
0x84: {  	_ =	shalt  }
0x85: {  	_ =	shalt  }
0x86: {  	_ =	shalt  }
0x87: {  	_ =	shalt  }
.Lfunc_end0:
.L_simem_size_0:
called_computation.4_lowered:
.L_overlay_start_0:
0x88: {  	s2 =	sld [smem:$0x3FD9]  }
0x89: {  	s3 =	sld [smem:$0x3FFE];
	_ =	sdelay $0x1  }
0x8a: {  	s1 =	srdreg.scid  }
0x8b: {  	s0 =	sand.u32 $0x1, s1  }
0x8c: {  	s17 =	sshll.u32 s0, $0xA;
	s2 =	sadd.s32 s3, s2  }
0x8d: {  	s2 =	sadd.s32 s2, s17  }
0x8e: {  	[smem:$0x3FC6] =	sst s2  }
0x8f: {  	_ = 	snop  }
0x90: {  	(tm) =	ssettm $0x1  }
0x91: {  	s18 =	sld [smem:$0x3FFB];
	_ =	sdelay $0x3  }
0x92: {  	_ =	strace s18  }
0x93: {  	s2 =	sld [smem:$0x3FFC];
	_ =	sdelay $0x3  }
0x94: {  	_ =	strace s2  }
0x95: {  	s2 =	sld [smem:$0x3FFD];
	_ =	sdelay $0x3  }
0x96: {  	_ =	strace s2  }
0x97: {  	_ =	strace $0x8FFFFFFF  }
0x98: {  	s19 =	sld [smem:$0x3FDB];
	_ =	sdelay $0x1  }
0x99: {  	s20 =	simm.s32 $_scs_section_size  }
0x9a: {  	s4 =	simm.s32 $_size__tile_overlayer_lowered;
	s5 =	simm.s32 $_tile_overlayer_lowered  }
0x9b: {  	s6 =	simm.s32 $0x1BFF;
	s21 =	sshll.u32 s5, $0x1;
	s3 =	sadd.s32 s20, s19  }
0x9c: {  	s22 =	simm.s32 $0x0;
	s4 =	sshll.u32 s4, $0x1;
	s5 =	sadd.s32 s21, s3  }
0x9d: {  	[timem:s22], [sflag:s6] =	dma.local [hbm:s5], s4  }
0x9e: {  	_ =	swait.ge [sflag:s6], s4  }
0x9f: {  	s4 =	ssub.s32 $0x0, s4;
	[sflag:s6] =	ssyncset.done $0x0  }
0xa0: {  	[sflag:s6] =	ssyncadd.s32 s4;
	_ =	sdelay $0x1  }
0xa1: {  	s23 =	simm.s32 $0x1B8B  }
0xa2: {  	_ =	swait.ge [sflag:s23], $0x1  }
0xa3: {  	[sflag:s23] =	ssyncset.done $0x0  }
0xa4: {  	[sflag:s23] =	ssyncadd.s32 $0xFFFFFFFF  }
0xa5: {  	s4 =	sld [smem:$0x0]  }
0xa6: {  	s5 =	sand.u32 $0xFFFFFFFE, s1  }
0xa7: {  	p0 =	sne.s32 s1, s5  }
0xa8: {  	s5 =	sshll.u32 @p0 s5, $0xE  }
0xa9: {  	s5 =	sadd.s32 @p0 $0x11B8D, s5;
	s6 =	sshll.u32 @p0 s4, $0x11  }
0xaa: {  	s5 =	sor.u32 @p0 s6, s5  }
0xab: {  	[sflag:s5] =	ssyncadd.remote.s32 @p0 $0x1;
	_ =	sdelay $0x1  }
0xac: {  	s5 =	simm.s32 @p0 $0x1B8D  }
0xad: {  	_ =	swait.eq @p0 [sflag:s5], $0x1  }
0xae: {  	[sflag:s5] =	ssyncadd.s32 @p0 $0xFFFFFFFF  }
0xaf: {  	s6 =	sshll.u32 @!p0 s1, $0xE  }
0xb0: {  	s6 =	sor.u32 @!p0 $0x4000, s6;
	s5 =	simm.s32 @!p0 $0x1B8D  }
0xb1: {  	s4 =	sshll.u32 @!p0 s4, $0x11;
	s6 =	sadd.s32 @!p0 $0x11B8D, s6;
	_ =	swait.eq @!p0 [sflag:s5], $0x1  }
0xb2: {  	s4 =	sor.u32 @!p0 s4, s6;
	[sflag:s5] =	ssyncadd.s32 @!p0 $0xFFFFFFFF  }
0xb3: {  	s25 =	simm.s32 $0x1B8E;
	s24 =	sld [smem:$0x3FFE];
	[sflag:s4] =	ssyncadd.remote.s32 @!p0 $0x1  }
0xb4: {  	s26 =	simm.s32 $execute0_lowered;
	[smem:$0x3FD2] =	sst s25  }
0xb5: {  	s5 =	sshll.u32 s26, $0x1;
	_ =	strace $0x80000052;
	[dreg:$0x1] =	wrdreg $0xFFFFFFFF  }
0xb6: {  	s28 =	simm.s32 $_size_execute0_lowered;
	s3 =	sadd.s32 s3, s5;
	[dreg:$0x0] =	wrdreg $0x0  }
0xb7: {  	s5 =	sshll.u32 s28, $0x1;
	[dreg:$0x2] =	wrdreg s3  }
0xb8: {  	[dreg:$0x3] =	wrdreg s5  }
0xb9: {  	[dreg:$0x4] =	wrdreg $0xC0  }
0xba: {  	_ =	task [dreg:s22], $0x5FFFF  }
0xbb: {  	[dreg:$0x1] =	wrdreg $0xFFFFFFFF  }
0xbc: {  	[dreg:$0x0] =	wrdreg $0x60  }
0xbd: {  	[dreg:$0x2] =	wrdreg s24  }
0xbe: {  	[dreg:$0x3] =	wrdreg $0xD  }
0xbf: {  	_ =	task.clear_ibuf [dreg:s22], $0x4FFFF;
	_ =	strace $0x90000052  }
0xc0: {  	s29 =	simm.s32 $0xD;
	_ =	strace $0x80000054  }
0xc1: {  	_ =	swait.ge [sflag:s29], $0x1  }
0xc2: {  	[sflag:s29] =	ssyncadd.s32 $0xFFFFFFFF  }
0xc3: {  	_ =	strace $0x90000054  }
0xc4: {  	_ =	sfence  }
0xc5: {  	s30 =	sld [smem:$0x0];
	_ =	sdelay $0x2  }
0xc6: {  	s31 =	sshll.u32 s1, $0xD;
	s1 =	sshrl.u32 s1, $0x2  }
0xc7: {  	s4 =	sand.u32 $0x4000, s31;
	s1 =	sadd.s32 s1, s30  }
0xc8: {  	s0 =	sor.u32 s4, s0;
	s1 =	sshll.u32 s1, $0x11  }
0xc9: {  	s0 =	sor.u32 s1, s0  }
0xca: {  	s0 =	sadd.s32 $0x8F2B, s0  }
0xcb: {  	[sflag:s0] =	ssyncadd.remote.s32 $0x1  }
0xcc: {  	_ =	sfence.sel $0xFFFF  }
0xcd: {  	[dreg:$0x0] =	wrdreg $0xFFFFFFFF;
	(pc) =	sbr.abs _section_cstart, $3  }
0xce: {  	[dreg:$0x1] =	wrdreg $0xFFFFFFFF  }
0xcf: {  	_ =	task.clear_ibuf [dreg:s22], $0x2FFFF;
	_ =	strace $0x9FFFFFFF  }
0xd0: {  	(tm) =	ssettm $0x7FFFFFFF  }
0xd1: {  	_ =	shalt  }
tec
execute0_lowered:
.L_overlay_start_1:
0x0: {  	(tag) =	ssettag $0x1  }
0x1: {  	s0 =	srdreg.scid  }
0x2: {  	s9 =	stileid.u32;
	s2 =	rddreg [dreg:$0x0]  }
0x3: {  	s3 =	simm.s32 $0x0;
	s0 =	sand.u32 $0x1, s0;
	s1 =	sshll.u32 s9, $0x1  }
0x4: {  	s15 =	simm.s32 $0x100;
	s25 =	smul.u32 $0x2800, s9;
	s1 =	sor.u32 s0, s1  }
0x5: {  	[smem:$0x7FF] =	sst s3;
	s3 =	sadd.s32 $0x2400, s2;
	s1 =	smul.u32 $0x1400, s1  }
0x6: {  	_ =	strace $0x80000053;
	s6 =	ssub.s32 $0x2, s0;
	s0 =	smul.u32 $0x1400, s0  }
0x7: {  	s16 =	sshrl.u32 s6, $0x1;
	s4 =	sshrl.u32 s1, $0x3;
	s7 =	sadd.s32 $0x1200, s1  }
0x8: {  	s1 =	sadd.s32 $0x1300, s1;
	s5 =	sadd.s32 s4, s2;
	s4 =	sadd.s32 $0x25D000, s2  }
0x9: {  	s8 =	sshrl.u32 s7, $0x2;
	s2 =	ssub.s32 s6, s16;
	s18 =	sand.u32 $0xE00, s7  }
0xa: {  	s20 =	sshrl.u32 s7, $0x7;
	s21 =	sshrl.u32 s1, $0x2;
	s24 =	sand.u32 $0xF00, s1  }
0xb: {  	s1 =	sshrl.u32 s1, $0x7;
	s7 =	sadd.s32 s0, s25;
	s16 =	simm.s32 $0x1400  }
0xc: {  	s17 =	sand.u32 $0x1F000, s8;
	s5 =	sadd.s32 $0x258000, s5;
	s22 =	sand.u32 $0x60, s20  }
0xd: {  	s23 =	sand.u32 $0x1F000, s21;
	s1 =	sand.u32 $0x60, s1;
	s2 =	smax.u32 s2, $0x1  }
0xe: {  	s31 =	sor.u32 $0x100, s7;
	s12 =	sshrl.u32 s7, $0x7;
	s13 =	sshrl.u32 s7, $0x2  }
0xf: {  	s20 =	simm.s32 $0x80;
	s21 =	simm.s32 $0x3;
	[dreg:$0x2] =	wrdreg s5  }
0x10: {  	s19 =	sor.u32 s17, s18;
	s6 =	sor.u32 s23, s24;
	[dreg:$0x3] =	wrdreg s2  }
0x11: {  	s10 =	sshrl.u32 s31, $0x2;
	s11 =	sshrl.u32 s31, $0x7;
	s5 =	sshll.u32 s19, $0x7  }
0x12: {  	s17 =	simm.s32 $0x3400;
	s26 =	sshll.u32 s6, $0x7;
	s28 =	sor.u32 s22, s5  }
0x13: {  	s18 =	simm.s32 $0x1;
	s1 =	sor.u32 s1, s26;
	s2 =	sshrl.u32 s28, $0x3  }
0x14: {  	s23 =	simm.s32 $0x4;
	s1 =	sshrl.u32 s1, $0x3;
	s29 =	sadd.s32 s4, s2  }
0x15: {  	s24 =	simm.s32 $0x0;
	s30 =	sadd.s32 s4, s1;
	[dreg:$0x4] =	wrdreg s29  }
0x16: {  	s19 =	simm.s32 $0x20;
	s22 =	simm.s32 $0x2;
	[dreg:$0x5] =	wrdreg s30  }
.LBB2_1:
0x17: {  	s0 =	simm.s32 $0x0;
	s1 =	rddreg [dreg:$0x2];
	s2 =	simm.s32 $0x5  }
0x18: {  	[tilespmem:s0], [sflag:$0x5] =	stream.linear.gather [hbm4b:s1+s0], $0x1400, $0x38;
	[tilespmem:$0x5400] =	vst v63  }
0x19: {  	s5 =	sadd.s32 $0x0, s7;
	_ =	swait.ge [sflag:s2], $0x1400  }
0x1a: {  	s25 =	simm.s32 $0x300;
	s8 =	sand.u32 $0x1FFF000, s13;
	[sflag:s2] =	ssyncset.done $0x0  }
0x1b: {  	s31 =	sadd.s32 $0x4, s11;
	s9 =	sand.u32 $0x60, s12;
	[sflag:s2] =	ssyncadd.s32 $0xFFFFEC00  }
0x1c: {  	[tilespmem:s16], [sflag:$0x1] =	stream.indirect.gather [hbm4b:s3+s15], $0x20, s0, s15, $0xb8;
	[tilespmem:$0x5400] =	vst v63  }
0x1d: {  	s26 =	sadd.s32 $0x200, s7;
	s29 =	sadd.s32 $0x4, s12;
	s0 =	sand.u32 $0xE00, s5  }
0x1e: {  	s6 =	sadd.s32 $0x100, s5;
	s14 =	sadd.s32 $0x100, s26;
	s0 =	sor.u32 s8, s0  }
0x1f: {  	[tilespmem:s17], [sflag:$0x2] =	stream.indirect.gather [hbm4b:s3+s15], $0x20, s15, s15, $0xb8;
	[tilespmem:$0x5400] =	vst v63  }
0x20: {  	s28 =	sand.u32 $0x60, s31;
	s31 =	sadd.s32 $0x4, s31;
	s0 =	sshll.u32 s0, $0x7  }
0x21: {  	s1 =	sand.u32 $0xF00, s6;
	_ =	swait.ge [sflag:s18], $0x2000;
	s0 =	sor.u32 s9, s0  }
0x22: {  	s6 =	sadd.s32 $0x80, s10;
	[sflag:s18] =	ssyncset.done $0x0;
	s0 =	sshrl.u32 s0, $0x3  }
0x23: {  	s2 =	sand.u32 $0x1FFF000, s10;
	[sflag:s18] =	ssyncadd.s32 $0xFFFFE000;
	s0 =	sadd.s32 s4, s0  }
0x24: {  	[hbm4b:s0+s19] =	stream.strided.scatter [tilespmem:s16], [sflag:$0x3], $0x2000, s20, s19, $0x38;
	[tilespmem:$0x5400] =	vst v63  }
0x25: {  	s1 =	sor.u32 s2, s1;
	s5 =	sand.u32 $0x60, s11;
	_ =	swait.ge [sflag:s21], $0x2000  }
0x26: {  	s2 =	sand.u32 $0xF00, s14;
	s1 =	sshll.u32 s1, $0x7;
	[sflag:s21] =	ssyncset.done $0x0  }
0x27: {  	s1 =	sor.u32 s5, s1;
	s9 =	simm.s32 $0x200;
	[sflag:s21] =	ssyncadd.s32 $0xFFFFE000  }
0x28: {  	[tilespmem:s16], [sflag:$0x1] =	stream.indirect.gather [hbm4b:s3+s15], $0x20, s9, s15, $0xb8;
	[tilespmem:$0x5400] =	vst v63  }
0x29: {  	s8 =	sand.u32 $0x1FFF000, s6;
	s1 =	sshrl.u32 s1, $0x3;
	_ =	swait.ge [sflag:s22], $0x2000  }
0x2a: {  	s14 =	sadd.s32 s4, s1;
	s1 =	sadd.s32 $0x80, s13;
	[sflag:s22] =	ssyncset.done $0x0  }
0x2b: {  	s5 =	sand.u32 $0x1FFF000, s1;
	s0 =	sor.u32 s8, s2;
	[sflag:s22] =	ssyncadd.s32 $0xFFFFE000  }
0x2c: {  	[hbm4b:s14+s19] =	stream.strided.scatter [tilespmem:s17], [sflag:$0x4], $0x2000, s20, s19, $0x38;
	[tilespmem:$0x5400] =	vst v63  }
0x2d: {  	s2 =	simm.s32 $0x400;
	s0 =	sshll.u32 s0, $0x7;
	_ =	swait.ge [sflag:s23], $0x2000  }
0x2e: {  	s0 =	sor.u32 s28, s0;
	s28 =	simm.s32 $0x500;
	[sflag:s23] =	ssyncset.done $0x0  }
0x2f: {  	s30 =	sshrl.u32 s0, $0x3;
	s0 =	sadd.s32 $0x80, s6;
	[sflag:s23] =	ssyncadd.s32 $0xFFFFE000  }
.LBB2_2:
0x30: {  	[tilespmem:s17], [sflag:$0x2] =	stream.indirect.gather [hbm4b:s3+s15], $0x20, s25, s15, $0xb8;
	[tilespmem:$0x5400] =	vst v63  }
0x31: {  	s25 =	smov.u32 s2  }
0x32: {  	s6 =	smov.u32 s30;
	s25 =	smov.u32 s28  }
0x33: {  	s30 =	sand.u32 $0x1FFF000, s0;
	s8 =	sand.u32 $0xE00, s26;
	s26 =	sadd.s32 s2, s7  }
0x34: {  	s14 =	sand.u32 $0x60, s31;
	s9 =	sadd.s32 $0x100, s26;
	s5 =	sor.u32 s5, s8  }
0x35: {  	s8 =	sand.u32 $0xF00, s9;
	s5 =	sshll.u32 s5, $0x7;
	s9 =	sand.u32 $0x60, s29  }
0x36: {  	s8 =	sor.u32 s30, s8;
	s5 =	sor.u32 s9, s5;
	_ =	swait.ge [sflag:s18], $0x2000  }
0x37: {  	s8 =	sshll.u32 s8, $0x7;
	s5 =	sshrl.u32 s5, $0x3;
	[sflag:s18] =	ssyncset.done $0x0  }
0x38: {  	s8 =	sor.u32 s14, s8;
	s5 =	sadd.s32 s4, s5;
	[sflag:s18] =	ssyncadd.s32 $0xFFFFE000  }
0x39: {  	[hbm4b:s5+s19] =	stream.strided.scatter [tilespmem:s16], [sflag:$0x3], $0x2000, s20, s19, $0x38;
	[tilespmem:$0x5400] =	vst v63  }
0x3a: {  	s30 =	sshrl.u32 s8, $0x3;
	s8 =	sadd.s32 $0x200, s2;
	_ =	swait.ge [sflag:s21], $0x2000  }
0x3b: {  	p0 =	sne.s32 s2, $0x1000;
	[sflag:s21] =	ssyncset.done $0x0  }
0x3c: {  	s2 =	sadd.s32 $0xFFFFFF00, s28;
	[sflag:s21] =	ssyncadd.s32 $0xFFFFE000  }
0x3d: {  	[tilespmem:s16], [sflag:$0x1] =	stream.indirect.gather [hbm4b:s3+s15], $0x20, s2, s15, $0xb8;
	[tilespmem:$0x5400] =	vst v63  }
0x3e: {  	_ =	swait.ge [sflag:s22], $0x2000  }
0x3f: {  	s31 =	sadd.s32 $0x4, s31;
	[sflag:s22] =	ssyncset.done $0x0  }
.Ltmp0:
0x40: {  	s2 =	sadd.s32 s4, s6;
	[sflag:s22] =	ssyncadd.s32 $0xFFFFE000;
	(pc) =	sbr.rel @p0 .LBB2_2-.Ltmp0, $4  }
0x41: {  	[hbm4b:s2+s19] =	stream.strided.scatter [tilespmem:s17], [sflag:$0x4], $0x2000, s20, s19, $0x38;
	[tilespmem:$0x5400] =	vst v63  }
0x42: {  	s29 =	sadd.s32 $0x4, s29;
	s28 =	sadd.s32 $0x200, s28;
	_ =	swait.ge [sflag:s23], $0x2000  }
0x43: {  	s1 =	sadd.s32 $0x80, s1;
	s0 =	sadd.s32 $0x80, s0;
	[sflag:s23] =	ssyncset.done $0x0  }
0x44: {  	s5 =	sand.u32 $0x1FFF000, s1;
	s2 =	smov.u32 s8;
	[sflag:s23] =	ssyncadd.s32 $0xFFFFE000  }
0x45: {  	[tilespmem:s17], [sflag:$0x2] =	stream.indirect.gather [hbm4b:s3+s15], $0x20, s25, s15, $0xb8;
	[tilespmem:$0x5400] =	vst v63  }
0x46: {  	s0 =	sand.u32 $0xE00, s26  }
0x47: {  	s0 =	sor.u32 s5, s0  }
0x48: {  	s1 =	sand.u32 $0x60, s29;
	s0 =	sshll.u32 s0, $0x7  }
0x49: {  	_ =	swait.ge [sflag:s18], $0x2000;
	s0 =	sor.u32 s1, s0  }
0x4a: {  	[sflag:s18] =	ssyncset.done $0x0;
	s0 =	sshrl.u32 s0, $0x3  }
0x4b: {  	[sflag:s18] =	ssyncadd.s32 $0xFFFFE000;
	s0 =	sadd.s32 s4, s0  }
0x4c: {  	[hbm4b:s0+s19] =	stream.strided.scatter [tilespmem:s16], [sflag:$0x3], $0x2000, s20, s19, $0x38;
	[tilespmem:$0x5400] =	vst v63  }
0x4d: {  	_ =	swait.ge [sflag:s21], $0x2000  }
0x4e: {  	[sflag:s21] =	ssyncset.done $0x0  }
0x4f: {  	s25 =	sadd.s32 $0xFFFFFF00, s28;
	[sflag:s21] =	ssyncadd.s32 $0xFFFFE000  }
0x50: {  	[tilespmem:s16], [sflag:$0x1] =	stream.indirect.gather [hbm4b:s3+s15], $0x20, s25, s15, $0xb8;
	[tilespmem:$0x5400] =	vst v63  }
0x51: {  	_ =	swait.ge [sflag:s22], $0x2000  }
0x52: {  	[sflag:s22] =	ssyncset.done $0x0  }
0x53: {  	s26 =	sadd.s32 s4, s30;
	[sflag:s22] =	ssyncadd.s32 $0xFFFFE000  }
0x54: {  	[hbm4b:s26+s19] =	stream.strided.scatter [tilespmem:s17], [sflag:$0x4], $0x2000, s20, s19, $0x38;
	[tilespmem:$0x5400] =	vst v63  }
0x55: {  	_ =	swait.ge [sflag:s23], $0x2000  }
0x56: {  	[sflag:s23] =	ssyncset.done $0x0  }
0x57: {  	[sflag:s23] =	ssyncadd.s32 $0xFFFFE000  }
0x58: {  	[tilespmem:s17], [sflag:$0x2] =	stream.indirect.gather [hbm4b:s3+s15], $0x20, s28, s15, $0xb8;
	[tilespmem:$0x5400] =	vst v63  }
0x59: {  	_ =	swait.ge [sflag:s18], $0x2000  }
0x5a: {  	[sflag:s18] =	ssyncset.done $0x0  }
0x5b: {  	s29 =	rddreg [dreg:$0x4];
	[sflag:s18] =	ssyncadd.s32 $0xFFFFE000  }
0x5c: {  	[hbm4b:s29+s19] =	stream.strided.scatter [tilespmem:s16], [sflag:$0x3], $0x2000, s20, s19, $0x38;
	[tilespmem:$0x5400] =	vst v63  }
0x5d: {  	_ =	swait.ge [sflag:s22], $0x2000  }
0x5e: {  	[sflag:s22] =	ssyncset.done $0x0  }
0x5f: {  	s30 =	rddreg [dreg:$0x5];
	[sflag:s22] =	ssyncadd.s32 $0xFFFFE000  }
0x60: {  	[hbm4b:s30+s19] =	stream.strided.scatter [tilespmem:s17], [sflag:$0x4], $0x2000, s20, s19, $0x38;
	[tilespmem:$0x5400] =	vst v63  }
0x61: {  	_ =	swait.ge [sflag:s21], $0x2000  }
0x62: {  	[sflag:s21] =	ssyncset.done $0x0  }
0x63: {  	[sflag:s21] =	ssyncadd.s32 $0xFFFFE000  }
0x64: {  	_ =	swait.ge [sflag:s23], $0x2000  }
0x65: {  	s24 =	sadd.s32 $0x1, s24;
	s31 =	rddreg [dreg:$0x3]  }
0x66: {  	p0 =	sne.s32 s24, s31  }
.Ltmp1:
0x67: {  	_ = 	snop;
	(pc) =	sbr.rel @p0 .LBB2_1-.Ltmp1, $3  }
0x68: {  	_ =	sdelay $0x1  }
0x69: {  	[sflag:s23] =	ssyncset.done $0x0  }
0x6a: {  	[sflag:s23] =	ssyncadd.s32 $0xFFFFE000  }
0x6b: {  	_ =	sfence.sel $0x180000  }
0x6c: {  	[bflag:$0x0] =	sbarrier.arrive $0xFFFF  }
0x6d: {  	_ =	strace $0x90000053  }
0x6e: {  	s0 =	stileid.u32;
	[bflag:$0x2] =	sbarrier.arrive $0xFFFF  }
0x6f: {  	p0 =	sne.s32 s0, $0x0;
	s0 =	rddreg [dreg:$0x1]  }
0x70: {  	s0 =	sadd.s32 @!p0 $0x100000, s0  }
0x71: {  	[sflag:s0] =	ssyncadd.tile.s32 @!p0 $0x1;
	_ =	shalt  }
.Lfunc_end2:
_tile_overlayer_lowered:
.L_overlay_start_2:
0x72: {  	(tag) =	ssettag $0x2  }
0x73: {  	s0 =	rddreg [dreg:$0x0];
	s2 =	stileid.u32  }
0x74: {  	s1 =	rddreg [dreg:$0x1];
	p0 =	sne.s32 s2, $0x0  }
0x75: {  	s3 =	rddreg [dreg:$0x2];
	[bflag:$0x3] =	sbarrier.arrive $0xFFFF;
	s2 =	simm.s32 @!p0 $0x1C05  }
0x76: {  	[timem:s3], [sflag:s2] =	dma.local @!p0 [hbm:s0], s1  }
0x77: {  	s0 =	simm.s32 @!p0 $0x5  }
0x78: {  	_ =	swait.ge @!p0 [sflag:s0], s1  }
0x79: {  	s1 =	ssub.s32 @!p0 $0x0, s1;
	[sflag:s0] =	ssyncset.done @!p0 $0x0  }
0x7a: {  	[sflag:s0] =	ssyncadd.s32 @!p0 s1  }
0x7b: {  	[bflag:$0x3] =	sbarrier.arrive $0xFFFF  }
0x7c: {  	_ =	shalt  }

</sc_bundles>
